<compile_context>
chip_gen: v7x
topology: tpu7x:2x2x1
jax: 0.10.2.dev20260603
libtpu: 0.0.44.dev20260713+nightly
codegen_flags: <defaults>
</compile_context>

<pallas_src>
import functools

import jax
import jax.numpy as jnp
import numpy as np
from jax import lax
from jax.experimental import pallas as pl
from jax.experimental.pallas import tpu as pltpu
from jax.experimental.pallas import tpu_sc as plsc

T = 8192
D = 512
NS = 16384
W = 10
H = 150
DD = 20
HP = 160
SA = HP + 16

NC = 2
NSUB = 16
NW = NC * NSUB
SPW = NS // NW
CH = 16
NCH = SPW // CH

_BINS = (1, 2, 3, 4, 8, 16, 32, 64)

_PERM = np.array(
    sum(([j2 * 32 + 2 * k for k in range(16)]
         + [j2 * 32 + 2 * k + 1 for k in range(16)]
         for j2 in range(HP // 32)), []),
    dtype=np.int32)



def _mlp_logits(x, wa1, ba1, wa2, ba2, wa3, ba3):
    h = jnp.maximum(jnp.dot(x, wa1, preferred_element_type=jnp.float32) + ba1, 0.0)
    h = jnp.maximum(jnp.dot(h, wa2, preferred_element_type=jnp.float32) + ba2, 0.0)
    return jnp.dot(h, wa3, preferred_element_type=jnp.float32) + ba3


def _stage_a_body(x_ref, xn_ref, e_ref, wa1_ref, ba1_ref, wa2_ref, ba2_ref,
                  wa3_ref, ba3_ref, w1a_ref, w1b_ref, w1c_ref,
                  s1a_ref, s2_ref, qp_ref):
    x = x_ref[...]
    e = e_ref[...]
    lg = _mlp_logits(x, wa1_ref[...], ba1_ref[...], wa2_ref[...], ba2_ref[...],
                     wa3_ref[...], ba3_ref[...])
    lgn = _mlp_logits(xn_ref[0:16, :], wa1_ref[...], ba1_ref[...], wa2_ref[...],
                      ba2_ref[...], wa3_ref[...], ba3_ref[...])
    blk = lg.shape[0]
    lgx = jnp.concatenate([lg, lgn], axis=0)
    cols = [lax.slice(lgx, (w, 0), (w + blk, 1)) for w in range(W)]
    cols += [jnp.zeros_like(lg)] * (16 - W)
    alw = jnp.concatenate(cols, axis=1)
    s1 = jnp.dot(x, w1a_ref[...], preferred_element_type=jnp.float32)
    s1a_ref[...] = jnp.concatenate([s1, alw], axis=1)
    s2_ref[...] = jnp.dot(x, w1b_ref[...], preferred_element_type=jnp.float32)
    qp_ref[...] = jnp.dot(e, w1c_ref[...],
                          preferred_element_type=jnp.float32).astype(jnp.bfloat16)


def _stage_a(states, embeds, Wa1, ba1, Wa2, ba2, Wa3, ba3, w1a, w1b, w1c):
    blk = 1024
    grid = T // blk
    last = grid - 1
    full = lambda shape: pl.BlockSpec(shape, lambda i: (0, 0))
    return pl.pallas_call(
        _stage_a_body,
        grid=(grid,),
        in_specs=[
            pl.BlockSpec((blk, D), lambda i: (i, 0)),
            pl.BlockSpec((blk, D), lambda i: (jnp.minimum(i + 1, last), 0)),
            pl.BlockSpec((blk, D), lambda i: (i, 0)),
            full((D, H)), pl.BlockSpec((H,), lambda i: (0,)),
            full((H, H)), pl.BlockSpec((H,), lambda i: (0,)),
            full((H, 1)), pl.BlockSpec((1,), lambda i: (0,)),
            full((D, HP)), full((D, HP)), full((D, HP)),
        ],
        out_specs=[
            pl.BlockSpec((blk, SA), lambda i: (i, 0)),
            pl.BlockSpec((blk, HP), lambda i: (i, 0)),
            pl.BlockSpec((blk, HP), lambda i: (i, 0)),
        ],
        out_shape=[
            jax.ShapeDtypeStruct((T, SA), jnp.float32),
            jax.ShapeDtypeStruct((T, HP), jnp.float32),
            jax.ShapeDtypeStruct((T, HP), jnp.bfloat16),
        ],
    )(states, states, embeds, Wa1, ba1, Wa2, ba2, Wa3, ba3, w1a, w1b, w1c)



def _iota16():
    return lax.iota(jnp.int32, 16)


def _sc_body(qp_hbm, s1a_hbm, s2_hbm, starts_hbm, widths_hbm, out_hbm,
             starts_v, widths_v,
             idx_a0, idx_b0, sidx0, eidx0, win0, s1r0, s2r0, outb0,
             idx_a1, idx_b1, sidx1, eidx1, win1, s1r1, s2r1, outb1,
             a_sc, sem0, sem1, semw0, semw1):
    wid = lax.axis_index("s") * NC + lax.axis_index("c")
    base = wid * SPW
    pltpu.sync_copy(starts_hbm.at[pl.ds(base, SPW)], starts_v)
    pltpu.sync_copy(widths_hbm.at[pl.ds(base, SPW)], widths_v)

    lanes = _iota16()
    zero16 = lanes * 0
    div_tabs = []
    mod_tabs = []
    for j in range(W):
        flat = lanes + (j * 16)
        dv = lax.shift_right_logical(flat * 205, 11)
        div_tabs.append(dv)
        mod_tabs.append(flat - dv * W)

    bufs = ((idx_a0, idx_b0, sidx0, eidx0, win0, s1r0, s2r0, outb0, sem0, semw0),
            (idx_a1, idx_b1, sidx1, eidx1, win1, s1r1, s2r1, outb1, sem1, semw1))

    def build_idx(c, b):
        idx_a, idx_b, sidx, eidx = bufs[b][0:4]
        off = pl.multiple_of(c * CH, CH)
        offv = jnp.broadcast_to(off, (16,))
        s16 = starts_v[pl.ds(off, CH)]
        w16 = widths_v[pl.ds(off, CH)]
        for j in range(W):
            srcd = plsc.load_gather(starts_v, [offv + div_tabs[j]])
            rowj = srcd + mod_tabs[j]
            if j < 5:
                idx_a[pl.ds(j * 16, 16)] = rowj
            else:
                idx_b[pl.ds((j - 5) * 16, 16)] = rowj
        sidx[...] = s16
        eidx[...] = s16 + w16

    def fire(b):
        idx_a, idx_b, sidx, eidx, win, s1r, s2r = bufs[b][0:7]
        sem = bufs[b][8]
        pltpu.async_copy(qp_hbm.at[idx_a], win.at[pl.ds(0, 80)], sem)
        pltpu.async_copy(qp_hbm.at[idx_b], win.at[pl.ds(80, 80)], sem)
        pltpu.async_copy(s1a_hbm.at[sidx], s1r, sem)
        pltpu.async_copy(s2_hbm.at[eidx], s2r, sem)

    def drain(b):
        idx_a, idx_b, sidx, eidx, win, s1r, s2r = bufs[b][0:7]
        sem = bufs[b][8]
        pltpu.make_async_copy(qp_hbm.at[idx_a], win.at[pl.ds(0, 80)], sem).wait()
        pltpu.make_async_copy(qp_hbm.at[idx_b], win.at[pl.ds(80, 80)], sem).wait()
        pltpu.make_async_copy(s1a_hbm.at[sidx], s1r, sem).wait()
        pltpu.make_async_copy(s2_hbm.at[eidx], s2r, sem).wait()

    def compute(c, b):
        win, s1r, s2r, outb = bufs[b][4:8]
        off = pl.multiple_of(c * CH, CH)
        w16 = widths_v[pl.ds(off, CH)]

        neg = jnp.full((16,), -1e30, dtype=jnp.float32)
        ls, valids = [], []
        m = neg
        for w in range(W):
            lw = plsc.load_gather(s1r, [lanes, zero16 + (HP + w)])
            valid = w16 >= w
            m = jnp.maximum(m, jnp.where(valid, lw, neg))
            ls.append(lw)
            valids.append(valid)
        es = []
        ssum = jnp.zeros((16,), dtype=jnp.float32)
        for w in range(W):
            ew = jnp.where(valids[w], jnp.exp(ls[w] - m), 0.0)
            es.append(ew)
            ssum = ssum + ew
        inv = 1.0 / ssum
        for w in range(W):
            a_sc[w, :] = es[w] * inv

        def span_body(i, carry2):
            ivec = zero16 + i
            aws = [plsc.load_gather(a_sc, [zero16 + w, ivec]) for w in range(W)]
            for j2 in range(HP // 32):
                acc0 = (s1r[i, pl.ds(j2 * 32, 16)]
                        + s2r[i, pl.ds(j2 * 32, 16)])
                acc1 = (s1r[i, pl.ds(j2 * 32 + 16, 16)]
                        + s2r[i, pl.ds(j2 * 32 + 16, 16)])
                for w in range(W):
                    v = win[i * W + w, pl.ds(j2 * 32, 32)]
                    lo, hi = plsc.unpack(v, format=plsc.PackFormat.INTERLEAVED)
                    acc0 = acc0 + lo * aws[w]
                    acc1 = acc1 + hi * aws[w]
                outb[i, pl.ds(j2 * 32, 16)] = acc0
                outb[i, pl.ds(j2 * 32 + 16, 16)] = acc1
            return carry2
        lax.fori_loop(0, CH, span_body, 0, unroll=2)

    def fire_write(c, b):
        outb, _, semw = bufs[b][7:10]
        pltpu.async_copy(outb, out_hbm.at[pl.ds(base + c * CH, CH)], semw)

    def drain_write(b):
        outb, _, semw = bufs[b][7:10]
        pltpu.make_async_copy(outb, out_hbm.at[pl.ds(base, CH)], semw).wait()

    build_idx(0, 0)
    fire(0)

    def pipe_body(k, carry):
        c0 = k * 2
        c1 = c0 + 1
        build_idx(c1, 1)
        fire(1)
        drain(0)

        @pl.when(k > 0)
        def _():
            drain_write(0)
        compute(c0, 0)
        fire_write(c0, 0)

        @pl.when(k < (NCH // 2 - 1))
        def _():
            build_idx(c0 + 2, 0)
            fire(0)
        drain(1)

        @pl.when(k > 0)
        def _():
            drain_write(1)
        compute(c1, 1)
        fire_write(c1, 1)
        return carry

    lax.fori_loop(0, NCH // 2, pipe_body, 0, unroll=False)
    drain_write(0)
    drain_write(1)


def _stage_b(qp, s1a, s2, starts, widths):
    mesh = plsc.VectorSubcoreMesh(core_axis_name="c", subcore_axis_name="s")
    f = pl.kernel(
        _sc_body,
        out_type=jax.ShapeDtypeStruct((NS, HP), jnp.float32),
        mesh=mesh,
        compiler_params=pltpu.CompilerParams(needs_layout_passes=False,
                                             use_tc_tiling_on_sc=False),
        scratch_types=(
            [pltpu.VMEM((SPW,), jnp.int32)] * 2
            + [
                pltpu.VMEM((80,), jnp.int32),
                pltpu.VMEM((80,), jnp.int32),
                pltpu.VMEM((16,), jnp.int32),
                pltpu.VMEM((16,), jnp.int32),
                pltpu.VMEM((160, HP), jnp.bfloat16),
                pltpu.VMEM((16, SA), jnp.float32),
                pltpu.VMEM((16, HP), jnp.float32),
                pltpu.VMEM((16, HP), jnp.float32),
            ] * 2
            + [
                pltpu.VMEM((W, 16), jnp.float32),
                pltpu.SemaphoreType.DMA,
                pltpu.SemaphoreType.DMA,
                pltpu.SemaphoreType.DMA,
                pltpu.SemaphoreType.DMA,
            ]
        ),
    )
    return f(qp, s1a, s2, starts, widths)



def _stage_c_body(h1_ref, wd_ref, wt_ref, w1d_ref, bs1_ref, ws2_ref, bs2_ref,
                  ws3_ref, bs3_ref, out_ref):
    widths = wd_ref[...]
    lens = widths + 1
    bin_idx = jnp.zeros(lens.shape, dtype=jnp.int32)
    for b in _BINS:
        bin_idx = bin_idx + (lens >= b).astype(jnp.int32)
    onehot = (bin_idx[:, None] ==
              lax.broadcasted_iota(jnp.int32, (lens.shape[0], 9), 1)
              ).astype(jnp.float32)
    wrows = jnp.dot(wt_ref[...], w1d_ref[...], preferred_element_type=jnp.float32)
    u = h1_ref[...] + jnp.dot(onehot, wrows, preferred_element_type=jnp.float32) + bs1_ref[...]
    h1 = jnp.maximum(u, 0.0)
    h2 = jnp.maximum(jnp.dot(h1, ws2_ref[...], preferred_element_type=jnp.float32)
                     + bs2_ref[...], 0.0)
    res = jnp.dot(h2, ws3_ref[...], preferred_element_type=jnp.float32) + bs3_ref[...]
    out_ref[...] = res[:, 0]


def _stage_c(h1pre, widths, width_table, w1d_pp, bs1_pp, ws2_pp, bs2, Ws3, bs3):
    blk = 1024
    grid = NS // blk
    full = lambda shape: pl.BlockSpec(shape, lambda i: (0, 0))
    return pl.pallas_call(
        _stage_c_body,
        grid=(grid,),
        in_specs=[
            pl.BlockSpec((blk, HP), lambda i: (i, 0)),
            pl.BlockSpec((blk,), lambda i: (i,)),
            full((9, DD)), full((DD, HP)),
            pl.BlockSpec((HP,), lambda i: (0,)),
            full((HP, H)), pl.BlockSpec((H,), lambda i: (0,)),
            full((H, 1)), pl.BlockSpec((1,), lambda i: (0,)),
        ],
        out_specs=pl.BlockSpec((blk,), lambda i: (i,)),
        out_shape=jax.ShapeDtypeStruct((NS,), jnp.float32),
    )(h1pre, widths, width_table, w1d_pp, bs1_pp, ws2_pp, bs2, Ws3, bs3)



def kernel(states, embeds, span_starts, span_widths,
           Wa1, ba1, Wa2, ba2, Wa3, ba3,
           width_table,
           Ws1, bs1, Ws2, bs2, Ws3, bs3):
    pad = ((0, 0), (0, HP - H))
    perm = jnp.asarray(_PERM)
    w1a = jnp.pad(Ws1[:D], pad)[:, perm]
    w1b = jnp.pad(Ws1[D:2 * D], pad)[:, perm]
    w1c = jnp.pad(Ws1[2 * D:3 * D], pad)
    w1d_pp = jnp.pad(Ws1[3 * D:], pad)[:, perm]
    bs1_pp = jnp.pad(bs1, ((0, HP - H),))[perm]
    ws2_pp = jnp.pad(Ws2, ((0, HP - H), (0, 0)))[perm, :]

    s1a, s2, qp = _stage_a(states, embeds, Wa1, ba1, Wa2, ba2, Wa3, ba3,
                           w1a, w1b, w1c)
    starts = span_starts.astype(jnp.int32)
    widths = span_widths.astype(jnp.int32)
    h1pre = _stage_b(qp, s1a, s2, starts, widths)
    return _stage_c(h1pre, widths, width_table, w1d_pp, bs1_pp, ws2_pp,
                    bs2, Ws3, bs3)

# --- scband reference (transcript-rebuilt; emitter-appended) ---
"""Pipeline reference for scband-mention-score-910533066864 (READ-ONLY COPY).

The authoritative reference and input builder live on the scoring server;
editing this copy changes nothing except your own understanding.
"""

import jax, jax.numpy as jnp
import numpy as np

T = 8192
D = 512
NS = 16384
W = 10
H = 150
DD = 20
GI = 2 * D + D + DD  # 1556
BINS = jnp.array([1, 2, 3, 4, 8, 16, 32, 64])


def setup_inputs(seed: int = 0) -> dict:
    key = jax.random.key(seed)
    ks = jax.random.split(key, 20)
    states = jax.random.normal(ks[0], (T, D), dtype=jnp.float32)
    embeds = jax.random.normal(ks[1], (T, D), dtype=jnp.float32)
    span_starts = jax.random.randint(ks[2], (NS,), 0, T - W)
    span_widths = jax.random.randint(ks[3], (NS,), 0, W)
    # attention Score MLP: D -> H -> H -> 1
    Wa1 = jax.random.normal(ks[4], (D, H), dtype=jnp.float32) * 0.02
    ba1 = jnp.zeros((H,), dtype=jnp.float32)
    Wa2 = jax.random.normal(ks[5], (H, H), dtype=jnp.float32) * 0.02
    ba2 = jnp.zeros((H,), dtype=jnp.float32)
    Wa3 = jax.random.normal(ks[6], (H, 1), dtype=jnp.float32) * 0.02
    ba3 = jnp.zeros((1,), dtype=jnp.float32)
    # Distance embedding table: len(bins)+1 = 9 rows
    width_table = jax.random.normal(ks[7], (9, DD), dtype=jnp.float32) * 0.02
    # mention Score MLP: GI -> H -> H -> 1
    Ws1 = jax.random.normal(ks[8], (GI, H), dtype=jnp.float32) * 0.02
    bs1 = jnp.zeros((H,), dtype=jnp.float32)
    Ws2 = jax.random.normal(ks[9], (H, H), dtype=jnp.float32) * 0.02
    bs2 = jnp.zeros((H,), dtype=jnp.float32)
    Ws3 = jax.random.normal(ks[10], (H, 1), dtype=jnp.float32) * 0.02
    bs3 = jnp.zeros((1,), dtype=jnp.float32)
    return {
        "states": states, "embeds": embeds,
        "span_starts": span_starts, "span_widths": span_widths,
        "Wa1": Wa1, "ba1": ba1, "Wa2": Wa2, "ba2": ba2, "Wa3": Wa3, "ba3": ba3,
        "width_table": width_table,
        "Ws1": Ws1, "bs1": bs1, "Ws2": Ws2, "bs2": bs2, "Ws3": Ws3, "bs3": bs3,
    }


def _mlp(x, W1, b1, W2, b2, W3, b3):
    h = jax.nn.relu(x @ W1 + b1)
    h = jax.nn.relu(h @ W2 + b2)
    return h @ W3 + b3


def reference(states, embeds, span_starts, span_widths,
              Wa1, ba1, Wa2, ba2, Wa3, ba3,
              width_table,
              Ws1, bs1, Ws2, bs2, Ws3, bs3):
    # attention score per token (Score module on states)
    attn_logits = _mlp(states, Wa1, ba1, Wa2, ba2, Wa3, ba3)[:, 0]  # [T]
    # Distance.stoi: bin span lengths, then embedding lookup
    span_lens = span_widths + 1
    bin_idx = jnp.sum(span_lens[:, None] >= BINS[None, :], axis=1)
    width_emb = jnp.take(width_table, bin_idx, axis=0)  # [NS, DD]
    # ragged span windows via gather + mask
    offsets = jnp.arange(W)
    idx = span_starts[:, None] + offsets[None, :]          # [NS, W]
    mask = offsets[None, :] <= span_widths[:, None]        # [NS, W]
    span_attn = jnp.take(attn_logits, idx, axis=0)         # [NS, W]
    span_attn = jnp.where(mask, span_attn, -1e30)
    a = jax.nn.softmax(span_attn, axis=1)                  # [NS, W]
    span_embeds = jnp.take(embeds, idx, axis=0)            # [NS, W, D]
    attn_sum = jnp.sum(a[:, :, None] * span_embeds, axis=1)  # [NS, D]
    ends = span_starts + span_widths
    g = jnp.concatenate([
        jnp.take(states, span_starts, axis=0),
        jnp.take(states, ends, axis=0),
        attn_sum,
        width_emb,
    ], axis=1)                                             # [NS, GI]
    mention_scores = _mlp(g, Ws1, bs1, Ws2, bs2, Ws3, bs3)[:, 0]  # [NS]
    return mention_scores

if __name__ == "__main__":
    import jax
    _d = setup_inputs()
    print(jax.jit(kernel)(*tuple(_d.values())))

</pallas_src>

<mosaic_0001>
#map = affine_map<(d0, d1) -> (0, 0)>
#map1 = affine_map<(d0, d1) -> (0)>
module attributes {stable_mosaic.version = 14 : i64} {
  func.func @_sc_body(%arg0: i32, %arg1: i32, %arg2: memref<8192x160xbf16, #tpu.memory_space<hbm>>, %arg3: memref<8192x176xf32, #tpu.memory_space<hbm>>, %arg4: memref<8192x160xf32, #tpu.memory_space<hbm>>, %arg5: memref<16384xi32, #tpu.memory_space<hbm>>, %arg6: memref<16384xi32, #tpu.memory_space<hbm>>, %arg7: memref<16384x160xf32, #tpu.memory_space<hbm>>, %arg8: memref<512xi32, #tpu.memory_space<vmem>>, %arg9: memref<512xi32, #tpu.memory_space<vmem>>, %arg10: memref<80xi32, #tpu.memory_space<vmem>>, %arg11: memref<80xi32, #tpu.memory_space<vmem>>, %arg12: memref<16xi32, #tpu.memory_space<vmem>>, %arg13: memref<16xi32, #tpu.memory_space<vmem>>, %arg14: memref<160x160xbf16, #tpu.memory_space<vmem>>, %arg15: memref<16x176xf32, #tpu.memory_space<vmem>>, %arg16: memref<16x160xf32, #tpu.memory_space<vmem>>, %arg17: memref<16x160xf32, #tpu.memory_space<vmem>>, %arg18: memref<80xi32, #tpu.memory_space<vmem>>, %arg19: memref<80xi32, #tpu.memory_space<vmem>>, %arg20: memref<16xi32, #tpu.memory_space<vmem>>, %arg21: memref<16xi32, #tpu.memory_space<vmem>>, %arg22: memref<160x160xbf16, #tpu.memory_space<vmem>>, %arg23: memref<16x176xf32, #tpu.memory_space<vmem>>, %arg24: memref<16x160xf32, #tpu.memory_space<vmem>>, %arg25: memref<16x160xf32, #tpu.memory_space<vmem>>, %arg26: memref<10x16xf32, #tpu.memory_space<vmem>>, %arg27: memref<!tpu.dma_semaphore, #tpu.memory_space<semaphore_mem>>, %arg28: memref<!tpu.dma_semaphore, #tpu.memory_space<semaphore_mem>>, %arg29: memref<!tpu.dma_semaphore, #tpu.memory_space<semaphore_mem>>, %arg30: memref<!tpu.dma_semaphore, #tpu.memory_space<semaphore_mem>>) attributes {dimension_semantics = [#tpu.dimension_semantics<core_parallel>, #tpu.dimension_semantics<subcore_parallel>], iteration_bounds = array<i64: 2, 16>, scalar_prefetch = 0 : i64, scratch_operands = 23 : i64, tpu.core_type = #tpu.core_type<sc_vector_subcore>, window_params = [{transform_indices = #map}, {transform_indices = #map}, {transform_indices = #map}, {transform_indices = #map1}, {transform_indices = #map1}, {transform_indices = #map}]} {
    %mul3A = arith.constant 2 : i32
    %mul3A_0 = arith.muli %arg1, %mul3A : i32
    %add3A = arith.addi %mul3A_0, %arg0 : i32
    %mul3A_1 = arith.constant 512 : i32
    %mul3A_2 = arith.muli %add3A, %mul3A_1 : i32
    "tpu.region"() ({
      %run_scoped3A = tpu.sem_alloc : memref<!tpu.dma_semaphore, #tpu.memory_space<semaphore_mem>>
      %dma_start3A_220 = tpu.memref_slice %arg5[%mul3A_2] : memref<16384xi32, #tpu.memory_space<hbm>> -> memref<512xi32, #tpu.memory_space<hbm>>
      %dma_start3A_221 = tpu.memref_slice %arg5[%mul3A_2] : memref<16384xi32, #tpu.memory_space<hbm>> -> memref<512xi32, #tpu.memory_space<hbm>>
      tpu.enqueue_dma source(%dma_start3A_221 : memref<512xi32, #tpu.memory_space<hbm>>) target(%arg8 : memref<512xi32, #tpu.memory_space<vmem>>) target_semaphore(%run_scoped3A : memref<!tpu.dma_semaphore, #tpu.memory_space<semaphore_mem>>)
      %dma_wait3A_222 = tpu.memref_slice %arg5[%mul3A_2] : memref<16384xi32, #tpu.memory_space<hbm>> -> memref<512xi32, #tpu.memory_space<hbm>>
      %dma_wait3A_223 = tpu.memref_slice %arg5[%mul3A_2] : memref<16384xi32, #tpu.memory_space<hbm>> -> memref<512xi32, #tpu.memory_space<hbm>>
      tpu.wait_dma2 semaphore(%run_scoped3A : memref<!tpu.dma_semaphore, #tpu.memory_space<semaphore_mem>>) src(%dma_wait3A_223 : memref<512xi32, #tpu.memory_space<hbm>>) dst(%arg8 : memref<512xi32, #tpu.memory_space<vmem>>)
      tpu.yield
    }) : () -> ()
    "tpu.region"() ({
      %run_scoped3A = tpu.sem_alloc : memref<!tpu.dma_semaphore, #tpu.memory_space<semaphore_mem>>
      %dma_start3A_220 = tpu.memref_slice %arg6[%mul3A_2] : memref<16384xi32, #tpu.memory_space<hbm>> -> memref<512xi32, #tpu.memory_space<hbm>>
      %dma_start3A_221 = tpu.memref_slice %arg6[%mul3A_2] : memref<16384xi32, #tpu.memory_space<hbm>> -> memref<512xi32, #tpu.memory_space<hbm>>
      tpu.enqueue_dma source(%dma_start3A_221 : memref<512xi32, #tpu.memory_space<hbm>>) target(%arg9 : memref<512xi32, #tpu.memory_space<vmem>>) target_semaphore(%run_scoped3A : memref<!tpu.dma_semaphore, #tpu.memory_space<semaphore_mem>>)
      %dma_wait3A_222 = tpu.memref_slice %arg6[%mul3A_2] : memref<16384xi32, #tpu.memory_space<hbm>> -> memref<512xi32, #tpu.memory_space<hbm>>
      %dma_wait3A_223 = tpu.memref_slice %arg6[%mul3A_2] : memref<16384xi32, #tpu.memory_space<hbm>> -> memref<512xi32, #tpu.memory_space<hbm>>
      tpu.wait_dma2 semaphore(%run_scoped3A : memref<!tpu.dma_semaphore, #tpu.memory_space<semaphore_mem>>) src(%dma_wait3A_223 : memref<512xi32, #tpu.memory_space<hbm>>) dst(%arg9 : memref<512xi32, #tpu.memory_space<vmem>>)
      tpu.yield
    }) : () -> ()
    %iota3A = tpu.iota {dimensions = array<i32: 0>} : vector<16xi32>
    %mul3A_3 = arith.constant 0 : i32
    %mul3A_4 = vector.broadcast %mul3A_3 : i32 to vector<16xi32>
    %mul3A_5 = arith.muli %iota3A, %mul3A_4 : vector<16xi32>
    %add3A_6 = arith.constant 0 : i32
    %add3A_7 = vector.broadcast %add3A_6 : i32 to vector<16xi32>
    %add3A_8 = arith.addi %iota3A, %add3A_7 : vector<16xi32>
    %mul3A_9 = arith.constant 205 : i32
    %mul3A_10 = vector.broadcast %mul3A_9 : i32 to vector<16xi32>
    %mul3A_11 = arith.muli %add3A_8, %mul3A_10 : vector<16xi32>
    %shift_right_logical3A = arith.constant 11 : i32
    %shift_right_logical3A_12 = vector.broadcast %shift_right_logical3A : i32 to vector<16xi32>
    %shift_right_logical3A_13 = arith.shrui %mul3A_11, %shift_right_logical3A_12 : vector<16xi32>
    %mul3A_14 = arith.constant 10 : i32
    %mul3A_15 = vector.broadcast %mul3A_14 : i32 to vector<16xi32>
    %mul3A_16 = arith.muli %shift_right_logical3A_13, %mul3A_15 : vector<16xi32>
    %sub3A = arith.subi %add3A_8, %mul3A_16 : vector<16xi32>
    %add3A_17 = arith.constant 16 : i32
    %add3A_18 = vector.broadcast %add3A_17 : i32 to vector<16xi32>
    %add3A_19 = arith.addi %iota3A, %add3A_18 : vector<16xi32>
    %mul3A_20 = arith.constant 205 : i32
    %mul3A_21 = vector.broadcast %mul3A_20 : i32 to vector<16xi32>
    %mul3A_22 = arith.muli %add3A_19, %mul3A_21 : vector<16xi32>
    %shift_right_logical3A_23 = arith.constant 11 : i32
    %shift_right_logical3A_24 = vector.broadcast %shift_right_logical3A_23 : i32 to vector<16xi32>
    %shift_right_logical3A_25 = arith.shrui %mul3A_22, %shift_right_logical3A_24 : vector<16xi32>
    %mul3A_26 = arith.constant 10 : i32
    %mul3A_27 = vector.broadcast %mul3A_26 : i32 to vector<16xi32>
    %mul3A_28 = arith.muli %shift_right_logical3A_25, %mul3A_27 : vector<16xi32>
    %sub3A_29 = arith.subi %add3A_19, %mul3A_28 : vector<16xi32>
    %add3A_30 = arith.constant 32 : i32
    %add3A_31 = vector.broadcast %add3A_30 : i32 to vector<16xi32>
    %add3A_32 = arith.addi %iota3A, %add3A_31 : vector<16xi32>
    %mul3A_33 = arith.constant 205 : i32
    %mul3A_34 = vector.broadcast %mul3A_33 : i32 to vector<16xi32>
    %mul3A_35 = arith.muli %add3A_32, %mul3A_34 : vector<16xi32>
    %shift_right_logical3A_36 = arith.constant 11 : i32
    %shift_right_logical3A_37 = vector.broadcast %shift_right_logical3A_36 : i32 to vector<16xi32>
    %shift_right_logical3A_38 = arith.shrui %mul3A_35, %shift_right_logical3A_37 : vector<16xi32>
    %mul3A_39 = arith.constant 10 : i32
    %mul3A_40 = vector.broadcast %mul3A_39 : i32 to vector<16xi32>
    %mul3A_41 = arith.muli %shift_right_logical3A_38, %mul3A_40 : vector<16xi32>
    %sub3A_42 = arith.subi %add3A_32, %mul3A_41 : vector<16xi32>
    %add3A_43 = arith.constant 48 : i32
    %add3A_44 = vector.broadcast %add3A_43 : i32 to vector<16xi32>
    %add3A_45 = arith.addi %iota3A, %add3A_44 : vector<16xi32>
    %mul3A_46 = arith.constant 205 : i32
    %mul3A_47 = vector.broadcast %mul3A_46 : i32 to vector<16xi32>
    %mul3A_48 = arith.muli %add3A_45, %mul3A_47 : vector<16xi32>
    %shift_right_logical3A_49 = arith.constant 11 : i32
    %shift_right_logical3A_50 = vector.broadcast %shift_right_logical3A_49 : i32 to vector<16xi32>
    %shift_right_logical3A_51 = arith.shrui %mul3A_48, %shift_right_logical3A_50 : vector<16xi32>
    %mul3A_52 = arith.constant 10 : i32
    %mul3A_53 = vector.broadcast %mul3A_52 : i32 to vector<16xi32>
    %mul3A_54 = arith.muli %shift_right_logical3A_51, %mul3A_53 : vector<16xi32>
    %sub3A_55 = arith.subi %add3A_45, %mul3A_54 : vector<16xi32>
    %add3A_56 = arith.constant 64 : i32
    %add3A_57 = vector.broadcast %add3A_56 : i32 to vector<16xi32>
    %add3A_58 = arith.addi %iota3A, %add3A_57 : vector<16xi32>
    %mul3A_59 = arith.constant 205 : i32
    %mul3A_60 = vector.broadcast %mul3A_59 : i32 to vector<16xi32>
    %mul3A_61 = arith.muli %add3A_58, %mul3A_60 : vector<16xi32>
    %shift_right_logical3A_62 = arith.constant 11 : i32
    %shift_right_logical3A_63 = vector.broadcast %shift_right_logical3A_62 : i32 to vector<16xi32>
    %shift_right_logical3A_64 = arith.shrui %mul3A_61, %shift_right_logical3A_63 : vector<16xi32>
    %mul3A_65 = arith.constant 10 : i32
    %mul3A_66 = vector.broadcast %mul3A_65 : i32 to vector<16xi32>
    %mul3A_67 = arith.muli %shift_right_logical3A_64, %mul3A_66 : vector<16xi32>
    %sub3A_68 = arith.subi %add3A_58, %mul3A_67 : vector<16xi32>
    %add3A_69 = arith.constant 80 : i32
    %add3A_70 = vector.broadcast %add3A_69 : i32 to vector<16xi32>
    %add3A_71 = arith.addi %iota3A, %add3A_70 : vector<16xi32>
    %mul3A_72 = arith.constant 205 : i32
    %mul3A_73 = vector.broadcast %mul3A_72 : i32 to vector<16xi32>
    %mul3A_74 = arith.muli %add3A_71, %mul3A_73 : vector<16xi32>
    %shift_right_logical3A_75 = arith.constant 11 : i32
    %shift_right_logical3A_76 = vector.broadcast %shift_right_logical3A_75 : i32 to vector<16xi32>
    %shift_right_logical3A_77 = arith.shrui %mul3A_74, %shift_right_logical3A_76 : vector<16xi32>
    %mul3A_78 = arith.constant 10 : i32
    %mul3A_79 = vector.broadcast %mul3A_78 : i32 to vector<16xi32>
    %mul3A_80 = arith.muli %shift_right_logical3A_77, %mul3A_79 : vector<16xi32>
    %sub3A_81 = arith.subi %add3A_71, %mul3A_80 : vector<16xi32>
    %add3A_82 = arith.constant 96 : i32
    %add3A_83 = vector.broadcast %add3A_82 : i32 to vector<16xi32>
    %add3A_84 = arith.addi %iota3A, %add3A_83 : vector<16xi32>
    %mul3A_85 = arith.constant 205 : i32
    %mul3A_86 = vector.broadcast %mul3A_85 : i32 to vector<16xi32>
    %mul3A_87 = arith.muli %add3A_84, %mul3A_86 : vector<16xi32>
    %shift_right_logical3A_88 = arith.constant 11 : i32
    %shift_right_logical3A_89 = vector.broadcast %shift_right_logical3A_88 : i32 to vector<16xi32>
    %shift_right_logical3A_90 = arith.shrui %mul3A_87, %shift_right_logical3A_89 : vector<16xi32>
    %mul3A_91 = arith.constant 10 : i32
    %mul3A_92 = vector.broadcast %mul3A_91 : i32 to vector<16xi32>
    %mul3A_93 = arith.muli %shift_right_logical3A_90, %mul3A_92 : vector<16xi32>
    %sub3A_94 = arith.subi %add3A_84, %mul3A_93 : vector<16xi32>
    %add3A_95 = arith.constant 112 : i32
    %add3A_96 = vector.broadcast %add3A_95 : i32 to vector<16xi32>
    %add3A_97 = arith.addi %iota3A, %add3A_96 : vector<16xi32>
    %mul3A_98 = arith.constant 205 : i32
    %mul3A_99 = vector.broadcast %mul3A_98 : i32 to vector<16xi32>
    %mul3A_100 = arith.muli %add3A_97, %mul3A_99 : vector<16xi32>
    %shift_right_logical3A_101 = arith.constant 11 : i32
    %shift_right_logical3A_102 = vector.broadcast %shift_right_logical3A_101 : i32 to vector<16xi32>
    %shift_right_logical3A_103 = arith.shrui %mul3A_100, %shift_right_logical3A_102 : vector<16xi32>
    %mul3A_104 = arith.constant 10 : i32
    %mul3A_105 = vector.broadcast %mul3A_104 : i32 to vector<16xi32>
    %mul3A_106 = arith.muli %shift_right_logical3A_103, %mul3A_105 : vector<16xi32>
    %sub3A_107 = arith.subi %add3A_97, %mul3A_106 : vector<16xi32>
    %add3A_108 = arith.constant 128 : i32
    %add3A_109 = vector.broadcast %add3A_108 : i32 to vector<16xi32>
    %add3A_110 = arith.addi %iota3A, %add3A_109 : vector<16xi32>
    %mul3A_111 = arith.constant 205 : i32
    %mul3A_112 = vector.broadcast %mul3A_111 : i32 to vector<16xi32>
    %mul3A_113 = arith.muli %add3A_110, %mul3A_112 : vector<16xi32>
    %shift_right_logical3A_114 = arith.constant 11 : i32
    %shift_right_logical3A_115 = vector.broadcast %shift_right_logical3A_114 : i32 to vector<16xi32>
    %shift_right_logical3A_116 = arith.shrui %mul3A_113, %shift_right_logical3A_115 : vector<16xi32>
    %mul3A_117 = arith.constant 10 : i32
    %mul3A_118 = vector.broadcast %mul3A_117 : i32 to vector<16xi32>
    %mul3A_119 = arith.muli %shift_right_logical3A_116, %mul3A_118 : vector<16xi32>
    %sub3A_120 = arith.subi %add3A_110, %mul3A_119 : vector<16xi32>
    %add3A_121 = arith.constant 144 : i32
    %add3A_122 = vector.broadcast %add3A_121 : i32 to vector<16xi32>
    %add3A_123 = arith.addi %iota3A, %add3A_122 : vector<16xi32>
    %mul3A_124 = arith.constant 205 : i32
    %mul3A_125 = vector.broadcast %mul3A_124 : i32 to vector<16xi32>
    %mul3A_126 = arith.muli %add3A_123, %mul3A_125 : vector<16xi32>
    %shift_right_logical3A_127 = arith.constant 11 : i32
    %shift_right_logical3A_128 = vector.broadcast %shift_right_logical3A_127 : i32 to vector<16xi32>
    %shift_right_logical3A_129 = arith.shrui %mul3A_126, %shift_right_logical3A_128 : vector<16xi32>
    %mul3A_130 = arith.constant 10 : i32
    %mul3A_131 = vector.broadcast %mul3A_130 : i32 to vector<16xi32>
    %mul3A_132 = arith.muli %shift_right_logical3A_129, %mul3A_131 : vector<16xi32>
    %sub3A_133 = arith.subi %add3A_123, %mul3A_132 : vector<16xi32>
    %multiple_of3A = arith.constant 0 : i32
    %multiple_of3A_134 = tpu.assume_multiple %multiple_of3A, 16 : i32
    %broadcast_in_dim3A = vector.broadcast %multiple_of3A_134 : i32 to vector<16xi32>
    %get3A = arith.index_cast %multiple_of3A_134 : i32 to index
    %get3A_135 = tpu.vector_load %arg8[%get3A] {strides = array<i32>} : memref<512xi32, #tpu.memory_space<vmem>>, vector<16xi32>,
    %get3A_136 = arith.index_cast %multiple_of3A_134 : i32 to index
    %get3A_137 = tpu.vector_load %arg9[%get3A_136] {strides = array<i32>} : memref<512xi32, #tpu.memory_space<vmem>>, vector<16xi32>,
    %add3A_138 = arith.addi %broadcast_in_dim3A, %shift_right_logical3A_13 : vector<16xi32>
    %gather3A = tpu.vector_load_idx %arg8[%add3A_138] : memref<512xi32, #tpu.memory_space<vmem>>[vector<16xi32>], vector<16xi32>,
    %add3A_139 = arith.addi %gather3A, %sub3A : vector<16xi32>
    %swap3A = arith.constant 0 : index
    %swap3A_140 = tpu.vector_load %arg10[%swap3A] {strides = array<i32>} : memref<80xi32, #tpu.memory_space<vmem>>, vector<16xi32>,
    tpu.vector_store %arg10[%swap3A], %add3A_139 {strides = array<i32>} : memref<80xi32, #tpu.memory_space<vmem>>, vector<16xi32>,
    %add3A_141 = arith.addi %broadcast_in_dim3A, %shift_right_logical3A_25 : vector<16xi32>
    %gather3A_142 = tpu.vector_load_idx %arg8[%add3A_141] : memref<512xi32, #tpu.memory_space<vmem>>[vector<16xi32>], vector<16xi32>,
    %add3A_143 = arith.addi %gather3A_142, %sub3A_29 : vector<16xi32>
    %swap3A_144 = arith.constant 16 : index
    %swap3A_145 = tpu.vector_load %arg10[%swap3A_144] {strides = array<i32>} : memref<80xi32, #tpu.memory_space<vmem>>, vector<16xi32>,
    tpu.vector_store %arg10[%swap3A_144], %add3A_143 {strides = array<i32>} : memref<80xi32, #tpu.memory_space<vmem>>, vector<16xi32>,
    %add3A_146 = arith.addi %broadcast_in_dim3A, %shift_right_logical3A_38 : vector<16xi32>
    %gather3A_147 = tpu.vector_load_idx %arg8[%add3A_146] : memref<512xi32, #tpu.memory_space<vmem>>[vector<16xi32>], vector<16xi32>,
    %add3A_148 = arith.addi %gather3A_147, %sub3A_42 : vector<16xi32>
    %swap3A_149 = arith.constant 32 : index
    %swap3A_150 = tpu.vector_load %arg10[%swap3A_149] {strides = array<i32>} : memref<80xi32, #tpu.memory_space<vmem>>, vector<16xi32>,
    tpu.vector_store %arg10[%swap3A_149], %add3A_148 {strides = array<i32>} : memref<80xi32, #tpu.memory_space<vmem>>, vector<16xi32>,
    %add3A_151 = arith.addi %broadcast_in_dim3A, %shift_right_logical3A_51 : vector<16xi32>
    %gather3A_152 = tpu.vector_load_idx %arg8[%add3A_151] : memref<512xi32, #tpu.memory_space<vmem>>[vector<16xi32>], vector<16xi32>,
    %add3A_153 = arith.addi %gather3A_152, %sub3A_55 : vector<16xi32>
    %swap3A_154 = arith.constant 48 : index
    %swap3A_155 = tpu.vector_load %arg10[%swap3A_154] {strides = array<i32>} : memref<80xi32, #tpu.memory_space<vmem>>, vector<16xi32>,
    tpu.vector_store %arg10[%swap3A_154], %add3A_153 {strides = array<i32>} : memref<80xi32, #tpu.memory_space<vmem>>, vector<16xi32>,
    %add3A_156 = arith.addi %broadcast_in_dim3A, %shift_right_logical3A_64 : vector<16xi32>
    %gather3A_157 = tpu.vector_load_idx %arg8[%add3A_156] : memref<512xi32, #tpu.memory_space<vmem>>[vector<16xi32>], vector<16xi32>,
    %add3A_158 = arith.addi %gather3A_157, %sub3A_68 : vector<16xi32>
    %swap3A_159 = arith.constant 64 : index
    %swap3A_160 = tpu.vector_load %arg10[%swap3A_159] {strides = array<i32>} : memref<80xi32, #tpu.memory_space<vmem>>, vector<16xi32>,
    tpu.vector_store %arg10[%swap3A_159], %add3A_158 {strides = array<i32>} : memref<80xi32, #tpu.memory_space<vmem>>, vector<16xi32>,
    %add3A_161 = arith.addi %broadcast_in_dim3A, %shift_right_logical3A_77 : vector<16xi32>
    %gather3A_162 = tpu.vector_load_idx %arg8[%add3A_161] : memref<512xi32, #tpu.memory_space<vmem>>[vector<16xi32>], vector<16xi32>,
    %add3A_163 = arith.addi %gather3A_162, %sub3A_81 : vector<16xi32>
    %swap3A_164 = arith.constant 0 : index
    %swap3A_165 = tpu.vector_load %arg11[%swap3A_164] {strides = array<i32>} : memref<80xi32, #tpu.memory_space<vmem>>, vector<16xi32>,
    tpu.vector_store %arg11[%swap3A_164], %add3A_163 {strides = array<i32>} : memref<80xi32, #tpu.memory_space<vmem>>, vector<16xi32>,
    %add3A_166 = arith.addi %broadcast_in_dim3A, %shift_right_logical3A_90 : vector<16xi32>
    %gather3A_167 = tpu.vector_load_idx %arg8[%add3A_166] : memref<512xi32, #tpu.memory_space<vmem>>[vector<16xi32>], vector<16xi32>,
    %add3A_168 = arith.addi %gather3A_167, %sub3A_94 : vector<16xi32>
    %swap3A_169 = arith.constant 16 : index
    %swap3A_170 = tpu.vector_load %arg11[%swap3A_169] {strides = array<i32>} : memref<80xi32, #tpu.memory_space<vmem>>, vector<16xi32>,
    tpu.vector_store %arg11[%swap3A_169], %add3A_168 {strides = array<i32>} : memref<80xi32, #tpu.memory_space<vmem>>, vector<16xi32>,
    %add3A_171 = arith.addi %broadcast_in_dim3A, %shift_right_logical3A_103 : vector<16xi32>
    %gather3A_172 = tpu.vector_load_idx %arg8[%add3A_171] : memref<512xi32, #tpu.memory_space<vmem>>[vector<16xi32>], vector<16xi32>,
    %add3A_173 = arith.addi %gather3A_172, %sub3A_107 : vector<16xi32>
    %swap3A_174 = arith.constant 32 : index
    %swap3A_175 = tpu.vector_load %arg11[%swap3A_174] {strides = array<i32>} : memref<80xi32, #tpu.memory_space<vmem>>, vector<16xi32>,
    tpu.vector_store %arg11[%swap3A_174], %add3A_173 {strides = array<i32>} : memref<80xi32, #tpu.memory_space<vmem>>, vector<16xi32>,
    %add3A_176 = arith.addi %broadcast_in_dim3A, %shift_right_logical3A_116 : vector<16xi32>
    %gather3A_177 = tpu.vector_load_idx %arg8[%add3A_176] : memref<512xi32, #tpu.memory_space<vmem>>[vector<16xi32>], vector<16xi32>,
    %add3A_178 = arith.addi %gather3A_177, %sub3A_120 : vector<16xi32>
    %swap3A_179 = arith.constant 48 : index
    %swap3A_180 = tpu.vector_load %arg11[%swap3A_179] {strides = array<i32>} : memref<80xi32, #tpu.memory_space<vmem>>, vector<16xi32>,
    tpu.vector_store %arg11[%swap3A_179], %add3A_178 {strides = array<i32>} : memref<80xi32, #tpu.memory_space<vmem>>, vector<16xi32>,
    %add3A_181 = arith.addi %broadcast_in_dim3A, %shift_right_logical3A_129 : vector<16xi32>
    %gather3A_182 = tpu.vector_load_idx %arg8[%add3A_181] : memref<512xi32, #tpu.memory_space<vmem>>[vector<16xi32>], vector<16xi32>,
    %add3A_183 = arith.addi %gather3A_182, %sub3A_133 : vector<16xi32>
    %swap3A_184 = arith.constant 64 : index
    %swap3A_185 = tpu.vector_load %arg11[%swap3A_184] {strides = array<i32>} : memref<80xi32, #tpu.memory_space<vmem>>, vector<16xi32>,
    tpu.vector_store %arg11[%swap3A_184], %add3A_183 {strides = array<i32>} : memref<80xi32, #tpu.memory_space<vmem>>, vector<16xi32>,
    %swap3A_186 = arith.constant 0 : index
    %swap3A_187 = tpu.vector_load %arg12[%swap3A_186] {strides = array<i32>} : memref<16xi32, #tpu.memory_space<vmem>>, vector<16xi32>,
    tpu.vector_store %arg12[%swap3A_186], %get3A_135 {strides = array<i32>} : memref<16xi32, #tpu.memory_space<vmem>>, vector<16xi32>,
    %add3A_188 = arith.addi %get3A_135, %get3A_137 : vector<16xi32>
    %swap3A_189 = arith.constant 0 : index
    %swap3A_190 = tpu.vector_load %arg13[%swap3A_189] {strides = array<i32>} : memref<16xi32, #tpu.memory_space<vmem>>, vector<16xi32>,
    tpu.vector_store %arg13[%swap3A_189], %add3A_188 {strides = array<i32>} : memref<16xi32, #tpu.memory_space<vmem>>, vector<16xi32>,
    %dma_start3A = arith.constant 0 : i32
    %dma_start3A_191 = arith.constant 0 : i32
    %dma_start3A_192 = tpu.memref_slice %arg14[%dma_start3A, %dma_start3A_191] : memref<160x160xbf16, #tpu.memory_space<vmem>> -> memref<80x160xbf16, #tpu.memory_space<vmem>>
    %dma_start3A_193 = arith.constant 0 : i32
    %dma_start3A_194 = arith.constant 0 : i32
    %dma_start3A_195 = tpu.memref_slice %arg2[%dma_start3A_193, %dma_start3A_194] : memref<8192x160xbf16, #tpu.memory_space<hbm>> -> memref<8192x160xbf16, #tpu.memory_space<hbm>>
    tpu.enqueue_indirect_dma source(%dma_start3A_195 : memref<8192x160xbf16, #tpu.memory_space<hbm>>) target(%dma_start3A_192 : memref<80x160xbf16, #tpu.memory_space<vmem>>) offsets(%arg10 : memref<80xi32, #tpu.memory_space<vmem>>) semaphore(%arg27 : memref<!tpu.dma_semaphore, #tpu.memory_space<semaphore_mem>>)
    %dma_start3A_196 = arith.constant 80 : i32
    %dma_start3A_197 = arith.constant 0 : i32
    %dma_start3A_198 = tpu.memref_slice %arg14[%dma_start3A_196, %dma_start3A_197] : memref<160x160xbf16, #tpu.memory_space<vmem>> -> memref<80x160xbf16, #tpu.memory_space<vmem>>
    %dma_start3A_199 = arith.constant 0 : i32
    %dma_start3A_200 = arith.constant 0 : i32
    %dma_start3A_201 = tpu.memref_slice %arg2[%dma_start3A_199, %dma_start3A_200] : memref<8192x160xbf16, #tpu.memory_space<hbm>> -> memref<8192x160xbf16, #tpu.memory_space<hbm>>
    tpu.enqueue_indirect_dma source(%dma_start3A_201 : memref<8192x160xbf16, #tpu.memory_space<hbm>>) target(%dma_start3A_198 : memref<80x160xbf16, #tpu.memory_space<vmem>>) offsets(%arg11 : memref<80xi32, #tpu.memory_space<vmem>>) semaphore(%arg27 : memref<!tpu.dma_semaphore, #tpu.memory_space<semaphore_mem>>)
    %dma_start3A_202 = arith.constant 0 : i32
    %dma_start3A_203 = arith.constant 0 : i32
    %dma_start3A_204 = tpu.memref_slice %arg3[%dma_start3A_202, %dma_start3A_203] : memref<8192x176xf32, #tpu.memory_space<hbm>> -> memref<8192x176xf32, #tpu.memory_space<hbm>>
    tpu.enqueue_indirect_dma source(%dma_start3A_204 : memref<8192x176xf32, #tpu.memory_space<hbm>>) target(%arg15 : memref<16x176xf32, #tpu.memory_space<vmem>>) offsets(%arg12 : memref<16xi32, #tpu.memory_space<vmem>>) semaphore(%arg27 : memref<!tpu.dma_semaphore, #tpu.memory_space<semaphore_mem>>)
    %dma_start3A_205 = arith.constant 0 : i32
    %dma_start3A_206 = arith.constant 0 : i32
    %dma_start3A_207 = tpu.memref_slice %arg4[%dma_start3A_205, %dma_start3A_206] : memref<8192x160xf32, #tpu.memory_space<hbm>> -> memref<8192x160xf32, #tpu.memory_space<hbm>>
    tpu.enqueue_indirect_dma source(%dma_start3A_207 : memref<8192x160xf32, #tpu.memory_space<hbm>>) target(%arg16 : memref<16x160xf32, #tpu.memory_space<vmem>>) offsets(%arg13 : memref<16xi32, #tpu.memory_space<vmem>>) semaphore(%arg27 : memref<!tpu.dma_semaphore, #tpu.memory_space<semaphore_mem>>)
    %scan3A = arith.constant 0 : i32
    %scan3A_208 = arith.constant 0 : i32
    %scan3A_209 = arith.constant 16 : i32
    %scan3A_210 = arith.addi %scan3A_208, %scan3A_209 : i32
    %scan3A_211 = arith.constant 1 : i32
    scf.for %scan3A_220 = %scan3A_208 to %scan3A_210 step %scan3A_211  : i32 {
      %mul3A_221 = arith.constant 2 : i32
      %mul3A_222 = arith.muli %scan3A_220, %mul3A_221 : i32
      %add3A_223 = arith.constant 1 : i32
      %add3A_224 = arith.addi %mul3A_222, %add3A_223 : i32
      %mul3A_225 = arith.constant 16 : i32
      %mul3A_226 = arith.muli %add3A_224, %mul3A_225 : i32
      %multiple_of3A_227 = tpu.assume_multiple %mul3A_226, 16 : i32
      %broadcast_in_dim3A_228 = vector.broadcast %multiple_of3A_227 : i32 to vector<16xi32>
      %get3A_229 = arith.index_cast %multiple_of3A_227 : i32 to index
      %get3A_230 = tpu.vector_load %arg8[%get3A_229] {strides = array<i32>} : memref<512xi32, #tpu.memory_space<vmem>>, vector<16xi32>,
      %get3A_231 = arith.index_cast %multiple_of3A_227 : i32 to index
      %get3A_232 = tpu.vector_load %arg9[%get3A_231] {strides = array<i32>} : memref<512xi32, #tpu.memory_space<vmem>>, vector<16xi32>,
      %add3A_233 = arith.addi %broadcast_in_dim3A_228, %shift_right_logical3A_13 : vector<16xi32>
      %gather3A_234 = tpu.vector_load_idx %arg8[%add3A_233] : memref<512xi32, #tpu.memory_space<vmem>>[vector<16xi32>], vector<16xi32>,
      %add3A_235 = arith.addi %gather3A_234, %sub3A : vector<16xi32>
      %swap3A_236 = arith.constant 0 : index
      %swap3A_237 = tpu.vector_load %arg18[%swap3A_236] {strides = array<i32>} : memref<80xi32, #tpu.memory_space<vmem>>, vector<16xi32>,
      tpu.vector_store %arg18[%swap3A_236], %add3A_235 {strides = array<i32>} : memref<80xi32, #tpu.memory_space<vmem>>, vector<16xi32>,
      %add3A_238 = arith.addi %broadcast_in_dim3A_228, %shift_right_logical3A_25 : vector<16xi32>
      %gather3A_239 = tpu.vector_load_idx %arg8[%add3A_238] : memref<512xi32, #tpu.memory_space<vmem>>[vector<16xi32>], vector<16xi32>,
      %add3A_240 = arith.addi %gather3A_239, %sub3A_29 : vector<16xi32>
      %swap3A_241 = arith.constant 16 : index
      %swap3A_242 = tpu.vector_load %arg18[%swap3A_241] {strides = array<i32>} : memref<80xi32, #tpu.memory_space<vmem>>, vector<16xi32>,
      tpu.vector_store %arg18[%swap3A_241], %add3A_240 {strides = array<i32>} : memref<80xi32, #tpu.memory_space<vmem>>, vector<16xi32>,
      %add3A_243 = arith.addi %broadcast_in_dim3A_228, %shift_right_logical3A_38 : vector<16xi32>
      %gather3A_244 = tpu.vector_load_idx %arg8[%add3A_243] : memref<512xi32, #tpu.memory_space<vmem>>[vector<16xi32>], vector<16xi32>,
      %add3A_245 = arith.addi %gather3A_244, %sub3A_42 : vector<16xi32>
      %swap3A_246 = arith.constant 32 : index
      %swap3A_247 = tpu.vector_load %arg18[%swap3A_246] {strides = array<i32>} : memref<80xi32, #tpu.memory_space<vmem>>, vector<16xi32>,
      tpu.vector_store %arg18[%swap3A_246], %add3A_245 {strides = array<i32>} : memref<80xi32, #tpu.memory_space<vmem>>, vector<16xi32>,
      %add3A_248 = arith.addi %broadcast_in_dim3A_228, %shift_right_logical3A_51 : vector<16xi32>
      %gather3A_249 = tpu.vector_load_idx %arg8[%add3A_248] : memref<512xi32, #tpu.memory_space<vmem>>[vector<16xi32>], vector<16xi32>,
      %add3A_250 = arith.addi %gather3A_249, %sub3A_55 : vector<16xi32>
      %swap3A_251 = arith.constant 48 : index
      %swap3A_252 = tpu.vector_load %arg18[%swap3A_251] {strides = array<i32>} : memref<80xi32, #tpu.memory_space<vmem>>, vector<16xi32>,
      tpu.vector_store %arg18[%swap3A_251], %add3A_250 {strides = array<i32>} : memref<80xi32, #tpu.memory_space<vmem>>, vector<16xi32>,
      %add3A_253 = arith.addi %broadcast_in_dim3A_228, %shift_right_logical3A_64 : vector<16xi32>
      %gather3A_254 = tpu.vector_load_idx %arg8[%add3A_253] : memref<512xi32, #tpu.memory_space<vmem>>[vector<16xi32>], vector<16xi32>,
      %add3A_255 = arith.addi %gather3A_254, %sub3A_68 : vector<16xi32>
      %swap3A_256 = arith.constant 64 : index
      %swap3A_257 = tpu.vector_load %arg18[%swap3A_256] {strides = array<i32>} : memref<80xi32, #tpu.memory_space<vmem>>, vector<16xi32>,
      tpu.vector_store %arg18[%swap3A_256], %add3A_255 {strides = array<i32>} : memref<80xi32, #tpu.memory_space<vmem>>, vector<16xi32>,
      %add3A_258 = arith.addi %broadcast_in_dim3A_228, %shift_right_logical3A_77 : vector<16xi32>
      %gather3A_259 = tpu.vector_load_idx %arg8[%add3A_258] : memref<512xi32, #tpu.memory_space<vmem>>[vector<16xi32>], vector<16xi32>,
      %add3A_260 = arith.addi %gather3A_259, %sub3A_81 : vector<16xi32>
      %swap3A_261 = arith.constant 0 : index
      %swap3A_262 = tpu.vector_load %arg19[%swap3A_261] {strides = array<i32>} : memref<80xi32, #tpu.memory_space<vmem>>, vector<16xi32>,
      tpu.vector_store %arg19[%swap3A_261], %add3A_260 {strides = array<i32>} : memref<80xi32, #tpu.memory_space<vmem>>, vector<16xi32>,
      %add3A_263 = arith.addi %broadcast_in_dim3A_228, %shift_right_logical3A_90 : vector<16xi32>
      %gather3A_264 = tpu.vector_load_idx %arg8[%add3A_263] : memref<512xi32, #tpu.memory_space<vmem>>[vector<16xi32>], vector<16xi32>,
      %add3A_265 = arith.addi %gather3A_264, %sub3A_94 : vector<16xi32>
      %swap3A_266 = arith.constant 16 : index
      %swap3A_267 = tpu.vector_load %arg19[%swap3A_266] {strides = array<i32>} : memref<80xi32, #tpu.memory_space<vmem>>, vector<16xi32>,
      tpu.vector_store %arg19[%swap3A_266], %add3A_265 {strides = array<i32>} : memref<80xi32, #tpu.memory_space<vmem>>, vector<16xi32>,
      %add3A_268 = arith.addi %broadcast_in_dim3A_228, %shift_right_logical3A_103 : vector<16xi32>
      %gather3A_269 = tpu.vector_load_idx %arg8[%add3A_268] : memref<512xi32, #tpu.memory_space<vmem>>[vector<16xi32>], vector<16xi32>,
      %add3A_270 = arith.addi %gather3A_269, %sub3A_107 : vector<16xi32>
      %swap3A_271 = arith.constant 32 : index
      %swap3A_272 = tpu.vector_load %arg19[%swap3A_271] {strides = array<i32>} : memref<80xi32, #tpu.memory_space<vmem>>, vector<16xi32>,
      tpu.vector_store %arg19[%swap3A_271], %add3A_270 {strides = array<i32>} : memref<80xi32, #tpu.memory_space<vmem>>, vector<16xi32>,
      %add3A_273 = arith.addi %broadcast_in_dim3A_228, %shift_right_logical3A_116 : vector<16xi32>
      %gather3A_274 = tpu.vector_load_idx %arg8[%add3A_273] : memref<512xi32, #tpu.memory_space<vmem>>[vector<16xi32>], vector<16xi32>,
      %add3A_275 = arith.addi %gather3A_274, %sub3A_120 : vector<16xi32>
      %swap3A_276 = arith.constant 48 : index
      %swap3A_277 = tpu.vector_load %arg19[%swap3A_276] {strides = array<i32>} : memref<80xi32, #tpu.memory_space<vmem>>, vector<16xi32>,
      tpu.vector_store %arg19[%swap3A_276], %add3A_275 {strides = array<i32>} : memref<80xi32, #tpu.memory_space<vmem>>, vector<16xi32>,
      %add3A_278 = arith.addi %broadcast_in_dim3A_228, %shift_right_logical3A_129 : vector<16xi32>
      %gather3A_279 = tpu.vector_load_idx %arg8[%add3A_278] : memref<512xi32, #tpu.memory_space<vmem>>[vector<16xi32>], vector<16xi32>,
      %add3A_280 = arith.addi %gather3A_279, %sub3A_133 : vector<16xi32>
      %swap3A_281 = arith.constant 64 : index
      %swap3A_282 = tpu.vector_load %arg19[%swap3A_281] {strides = array<i32>} : memref<80xi32, #tpu.memory_space<vmem>>, vector<16xi32>,
      tpu.vector_store %arg19[%swap3A_281], %add3A_280 {strides = array<i32>} : memref<80xi32, #tpu.memory_space<vmem>>, vector<16xi32>,
      %swap3A_283 = arith.constant 0 : index
      %swap3A_284 = tpu.vector_load %arg20[%swap3A_283] {strides = array<i32>} : memref<16xi32, #tpu.memory_space<vmem>>, vector<16xi32>,
      tpu.vector_store %arg20[%swap3A_283], %get3A_230 {strides = array<i32>} : memref<16xi32, #tpu.memory_space<vmem>>, vector<16xi32>,
      %add3A_285 = arith.addi %get3A_230, %get3A_232 : vector<16xi32>
      %swap3A_286 = arith.constant 0 : index
      %swap3A_287 = tpu.vector_load %arg21[%swap3A_286] {strides = array<i32>} : memref<16xi32, #tpu.memory_space<vmem>>, vector<16xi32>,
      tpu.vector_store %arg21[%swap3A_286], %add3A_285 {strides = array<i32>} : memref<16xi32, #tpu.memory_space<vmem>>, vector<16xi32>,
      %dma_start3A_288 = arith.constant 0 : i32
      %dma_start3A_289 = arith.constant 0 : i32
      %dma_start3A_290 = tpu.memref_slice %arg22[%dma_start3A_288, %dma_start3A_289] : memref<160x160xbf16, #tpu.memory_space<vmem>> -> memref<80x160xbf16, #tpu.memory_space<vmem>>
      %dma_start3A_291 = arith.constant 0 : i32
      %dma_start3A_292 = arith.constant 0 : i32
      %dma_start3A_293 = tpu.memref_slice %arg2[%dma_start3A_291, %dma_start3A_292] : memref<8192x160xbf16, #tpu.memory_space<hbm>> -> memref<8192x160xbf16, #tpu.memory_space<hbm>>
      tpu.enqueue_indirect_dma source(%dma_start3A_293 : memref<8192x160xbf16, #tpu.memory_space<hbm>>) target(%dma_start3A_290 : memref<80x160xbf16, #tpu.memory_space<vmem>>) offsets(%arg18 : memref<80xi32, #tpu.memory_space<vmem>>) semaphore(%arg28 : memref<!tpu.dma_semaphore, #tpu.memory_space<semaphore_mem>>)
      %dma_start3A_294 = arith.constant 80 : i32
      %dma_start3A_295 = arith.constant 0 : i32
      %dma_start3A_296 = tpu.memref_slice %arg22[%dma_start3A_294, %dma_start3A_295] : memref<160x160xbf16, #tpu.memory_space<vmem>> -> memref<80x160xbf16, #tpu.memory_space<vmem>>
      %dma_start3A_297 = arith.constant 0 : i32
      %dma_start3A_298 = arith.constant 0 : i32
      %dma_start3A_299 = tpu.memref_slice %arg2[%dma_start3A_297, %dma_start3A_298] : memref<8192x160xbf16, #tpu.memory_space<hbm>> -> memref<8192x160xbf16, #tpu.memory_space<hbm>>
      tpu.enqueue_indirect_dma source(%dma_start3A_299 : memref<8192x160xbf16, #tpu.memory_space<hbm>>) target(%dma_start3A_296 : memref<80x160xbf16, #tpu.memory_space<vmem>>) offsets(%arg19 : memref<80xi32, #tpu.memory_space<vmem>>) semaphore(%arg28 : memref<!tpu.dma_semaphore, #tpu.memory_space<semaphore_mem>>)
      %dma_start3A_300 = arith.constant 0 : i32
      %dma_start3A_301 = arith.constant 0 : i32
      %dma_start3A_302 = tpu.memref_slice %arg3[%dma_start3A_300, %dma_start3A_301] : memref<8192x176xf32, #tpu.memory_space<hbm>> -> memref<8192x176xf32, #tpu.memory_space<hbm>>
      tpu.enqueue_indirect_dma source(%dma_start3A_302 : memref<8192x176xf32, #tpu.memory_space<hbm>>) target(%arg23 : memref<16x176xf32, #tpu.memory_space<vmem>>) offsets(%arg20 : memref<16xi32, #tpu.memory_space<vmem>>) semaphore(%arg28 : memref<!tpu.dma_semaphore, #tpu.memory_space<semaphore_mem>>)
      %dma_start3A_303 = arith.constant 0 : i32
      %dma_start3A_304 = arith.constant 0 : i32
      %dma_start3A_305 = tpu.memref_slice %arg4[%dma_start3A_303, %dma_start3A_304] : memref<8192x160xf32, #tpu.memory_space<hbm>> -> memref<8192x160xf32, #tpu.memory_space<hbm>>
      tpu.enqueue_indirect_dma source(%dma_start3A_305 : memref<8192x160xf32, #tpu.memory_space<hbm>>) target(%arg24 : memref<16x160xf32, #tpu.memory_space<vmem>>) offsets(%arg21 : memref<16xi32, #tpu.memory_space<vmem>>) semaphore(%arg28 : memref<!tpu.dma_semaphore, #tpu.memory_space<semaphore_mem>>)
      %dma_wait3A_306 = arith.constant 0 : i32
      %dma_wait3A_307 = arith.constant 0 : i32
      %dma_wait3A_308 = tpu.memref_slice %arg14[%dma_wait3A_306, %dma_wait3A_307] : memref<160x160xbf16, #tpu.memory_space<vmem>> -> memref<80x160xbf16, #tpu.memory_space<vmem>>
      %dma_wait3A_309 = arith.constant 0 : i32
      %dma_wait3A_310 = arith.constant 0 : i32
      %dma_wait3A_311 = tpu.memref_slice %arg2[%dma_wait3A_309, %dma_wait3A_310] : memref<8192x160xbf16, #tpu.memory_space<hbm>> -> memref<8192x160xbf16, #tpu.memory_space<hbm>>
      tpu.wait_indirect_dma semaphore(%arg27 : memref<!tpu.dma_semaphore, #tpu.memory_space<semaphore_mem>>) src(%dma_wait3A_311 : memref<8192x160xbf16, #tpu.memory_space<hbm>>) dst(%dma_wait3A_308 : memref<80x160xbf16, #tpu.memory_space<vmem>>)
      %dma_wait3A_312 = arith.constant 80 : i32
      %dma_wait3A_313 = arith.constant 0 : i32
      %dma_wait3A_314 = tpu.memref_slice %arg14[%dma_wait3A_312, %dma_wait3A_313] : memref<160x160xbf16, #tpu.memory_space<vmem>> -> memref<80x160xbf16, #tpu.memory_space<vmem>>
      %dma_wait3A_315 = arith.constant 0 : i32
      %dma_wait3A_316 = arith.constant 0 : i32
      %dma_wait3A_317 = tpu.memref_slice %arg2[%dma_wait3A_315, %dma_wait3A_316] : memref<8192x160xbf16, #tpu.memory_space<hbm>> -> memref<8192x160xbf16, #tpu.memory_space<hbm>>
      tpu.wait_indirect_dma semaphore(%arg27 : memref<!tpu.dma_semaphore, #tpu.memory_space<semaphore_mem>>) src(%dma_wait3A_317 : memref<8192x160xbf16, #tpu.memory_space<hbm>>) dst(%dma_wait3A_314 : memref<80x160xbf16, #tpu.memory_space<vmem>>)
      %dma_wait3A_318 = arith.constant 0 : i32
      %dma_wait3A_319 = arith.constant 0 : i32
      %dma_wait3A_320 = tpu.memref_slice %arg3[%dma_wait3A_318, %dma_wait3A_319] : memref<8192x176xf32, #tpu.memory_space<hbm>> -> memref<8192x176xf32, #tpu.memory_space<hbm>>
      tpu.wait_indirect_dma semaphore(%arg27 : memref<!tpu.dma_semaphore, #tpu.memory_space<semaphore_mem>>) src(%dma_wait3A_320 : memref<8192x176xf32, #tpu.memory_space<hbm>>) dst(%arg15 : memref<16x176xf32, #tpu.memory_space<vmem>>)
      %dma_wait3A_321 = arith.constant 0 : i32
      %dma_wait3A_322 = arith.constant 0 : i32
      %dma_wait3A_323 = tpu.memref_slice %arg4[%dma_wait3A_321, %dma_wait3A_322] : memref<8192x160xf32, #tpu.memory_space<hbm>> -> memref<8192x160xf32, #tpu.memory_space<hbm>>
      tpu.wait_indirect_dma semaphore(%arg27 : memref<!tpu.dma_semaphore, #tpu.memory_space<semaphore_mem>>) src(%dma_wait3A_323 : memref<8192x160xf32, #tpu.memory_space<hbm>>) dst(%arg16 : memref<16x160xf32, #tpu.memory_space<vmem>>)
      %gt3A = arith.constant 0 : i32
      %gt3A_324 = arith.cmpi sgt, %scan3A_220, %gt3A : i32
      %convert_element_type3A = arith.extui %gt3A_324 : i1 to i32
      %cond3A = arith.constant 0 : i32
      %cond3A_325 = arith.cmpi ne, %convert_element_type3A, %cond3A : i32
      scf.if %cond3A_325 {
        %dma_wait3A_797 = arith.constant 0 : i32
        %dma_wait3A_798 = tpu.memref_slice %arg7[%mul3A_2, %dma_wait3A_797] : memref<16384x160xf32, #tpu.memory_space<hbm>> -> memref<16x160xf32, #tpu.memory_space<hbm>>
        %dma_wait3A_799 = arith.constant 0 : i32
        %dma_wait3A_800 = tpu.memref_slice %arg7[%mul3A_2, %dma_wait3A_799] : memref<16384x160xf32, #tpu.memory_space<hbm>> -> memref<16x160xf32, #tpu.memory_space<hbm>>
        tpu.wait_dma2 semaphore(%arg29 : memref<!tpu.dma_semaphore, #tpu.memory_space<semaphore_mem>>) src(%arg17 : memref<16x160xf32, #tpu.memory_space<vmem>>) dst(%dma_wait3A_800 : memref<16x160xf32, #tpu.memory_space<hbm>>)
      } else {
      }
      %mul3A_326 = arith.constant 16 : i32
      %mul3A_327 = arith.muli %mul3A_222, %mul3A_326 : i32
      %multiple_of3A_328 = tpu.assume_multiple %mul3A_327, 16 : i32
      %get3A_329 = arith.index_cast %multiple_of3A_328 : i32 to index
      %get3A_330 = tpu.vector_load %arg9[%get3A_329] {strides = array<i32>} : memref<512xi32, #tpu.memory_space<vmem>>, vector<16xi32>,
      %broadcast_in_dim3A_331 = arith.constant -1.000000e+30 : f32
      %broadcast_in_dim3A_332 = vector.broadcast %broadcast_in_dim3A_331 : f32 to vector<16xf32>
      %add3A_333 = arith.constant 160 : i32
      %add3A_334 = vector.broadcast %add3A_333 : i32 to vector<16xi32>
      %add3A_335 = arith.addi %mul3A_5, %add3A_334 : vector<16xi32>
      %gather3A_336 = tpu.vector_load_idx %arg15[%iota3A, %add3A_335] : memref<16x176xf32, #tpu.memory_space<vmem>>[vector<16xi32>, vector<16xi32>], vector<16xf32>,
      %ge3A = arith.constant 0 : i32
      %ge3A_337 = vector.broadcast %ge3A : i32 to vector<16xi32>
      %ge3A_338 = arith.cmpi sge, %get3A_330, %ge3A_337 : vector<16xi32>
      %select_n3A = arith.select %ge3A_338, %gather3A_336, %broadcast_in_dim3A_332 : vector<16xi1>, vector<16xf32>
      %max3A = arith.maximumf %broadcast_in_dim3A_332, %select_n3A : vector<16xf32>
      %add3A_339 = arith.constant 161 : i32
      %add3A_340 = vector.broadcast %add3A_339 : i32 to vector<16xi32>
      %add3A_341 = arith.addi %mul3A_5, %add3A_340 : vector<16xi32>
      %gather3A_342 = tpu.vector_load_idx %arg15[%iota3A, %add3A_341] : memref<16x176xf32, #tpu.memory_space<vmem>>[vector<16xi32>, vector<16xi32>], vector<16xf32>,
      %ge3A_343 = arith.constant 1 : i32
      %ge3A_344 = vector.broadcast %ge3A_343 : i32 to vector<16xi32>
      %ge3A_345 = arith.cmpi sge, %get3A_330, %ge3A_344 : vector<16xi32>
      %select_n3A_346 = arith.select %ge3A_345, %gather3A_342, %broadcast_in_dim3A_332 : vector<16xi1>, vector<16xf32>
      %max3A_347 = arith.maximumf %max3A, %select_n3A_346 : vector<16xf32>
      %add3A_348 = arith.constant 162 : i32
      %add3A_349 = vector.broadcast %add3A_348 : i32 to vector<16xi32>
      %add3A_350 = arith.addi %mul3A_5, %add3A_349 : vector<16xi32>
      %gather3A_351 = tpu.vector_load_idx %arg15[%iota3A, %add3A_350] : memref<16x176xf32, #tpu.memory_space<vmem>>[vector<16xi32>, vector<16xi32>], vector<16xf32>,
      %ge3A_352 = arith.constant 2 : i32
      %ge3A_353 = vector.broadcast %ge3A_352 : i32 to vector<16xi32>
      %ge3A_354 = arith.cmpi sge, %get3A_330, %ge3A_353 : vector<16xi32>
      %select_n3A_355 = arith.select %ge3A_354, %gather3A_351, %broadcast_in_dim3A_332 : vector<16xi1>, vector<16xf32>
      %max3A_356 = arith.maximumf %max3A_347, %select_n3A_355 : vector<16xf32>
      %add3A_357 = arith.constant 163 : i32
      %add3A_358 = vector.broadcast %add3A_357 : i32 to vector<16xi32>
      %add3A_359 = arith.addi %mul3A_5, %add3A_358 : vector<16xi32>
      %gather3A_360 = tpu.vector_load_idx %arg15[%iota3A, %add3A_359] : memref<16x176xf32, #tpu.memory_space<vmem>>[vector<16xi32>, vector<16xi32>], vector<16xf32>,
      %ge3A_361 = arith.constant 3 : i32
      %ge3A_362 = vector.broadcast %ge3A_361 : i32 to vector<16xi32>
      %ge3A_363 = arith.cmpi sge, %get3A_330, %ge3A_362 : vector<16xi32>
      %select_n3A_364 = arith.select %ge3A_363, %gather3A_360, %broadcast_in_dim3A_332 : vector<16xi1>, vector<16xf32>
      %max3A_365 = arith.maximumf %max3A_356, %select_n3A_364 : vector<16xf32>
      %add3A_366 = arith.constant 164 : i32
      %add3A_367 = vector.broadcast %add3A_366 : i32 to vector<16xi32>
      %add3A_368 = arith.addi %mul3A_5, %add3A_367 : vector<16xi32>
      %gather3A_369 = tpu.vector_load_idx %arg15[%iota3A, %add3A_368] : memref<16x176xf32, #tpu.memory_space<vmem>>[vector<16xi32>, vector<16xi32>], vector<16xf32>,
      %ge3A_370 = arith.constant 4 : i32
      %ge3A_371 = vector.broadcast %ge3A_370 : i32 to vector<16xi32>
      %ge3A_372 = arith.cmpi sge, %get3A_330, %ge3A_371 : vector<16xi32>
      %select_n3A_373 = arith.select %ge3A_372, %gather3A_369, %broadcast_in_dim3A_332 : vector<16xi1>, vector<16xf32>
      %max3A_374 = arith.maximumf %max3A_365, %select_n3A_373 : vector<16xf32>
      %add3A_375 = arith.constant 165 : i32
      %add3A_376 = vector.broadcast %add3A_375 : i32 to vector<16xi32>
      %add3A_377 = arith.addi %mul3A_5, %add3A_376 : vector<16xi32>
      %gather3A_378 = tpu.vector_load_idx %arg15[%iota3A, %add3A_377] : memref<16x176xf32, #tpu.memory_space<vmem>>[vector<16xi32>, vector<16xi32>], vector<16xf32>,
      %ge3A_379 = arith.constant 5 : i32
      %ge3A_380 = vector.broadcast %ge3A_379 : i32 to vector<16xi32>
      %ge3A_381 = arith.cmpi sge, %get3A_330, %ge3A_380 : vector<16xi32>
      %select_n3A_382 = arith.select %ge3A_381, %gather3A_378, %broadcast_in_dim3A_332 : vector<16xi1>, vector<16xf32>
      %max3A_383 = arith.maximumf %max3A_374, %select_n3A_382 : vector<16xf32>
      %add3A_384 = arith.constant 166 : i32
      %add3A_385 = vector.broadcast %add3A_384 : i32 to vector<16xi32>
      %add3A_386 = arith.addi %mul3A_5, %add3A_385 : vector<16xi32>
      %gather3A_387 = tpu.vector_load_idx %arg15[%iota3A, %add3A_386] : memref<16x176xf32, #tpu.memory_space<vmem>>[vector<16xi32>, vector<16xi32>], vector<16xf32>,
      %ge3A_388 = arith.constant 6 : i32
      %ge3A_389 = vector.broadcast %ge3A_388 : i32 to vector<16xi32>
      %ge3A_390 = arith.cmpi sge, %get3A_330, %ge3A_389 : vector<16xi32>
      %select_n3A_391 = arith.select %ge3A_390, %gather3A_387, %broadcast_in_dim3A_332 : vector<16xi1>, vector<16xf32>
      %max3A_392 = arith.maximumf %max3A_383, %select_n3A_391 : vector<16xf32>
      %add3A_393 = arith.constant 167 : i32
      %add3A_394 = vector.broadcast %add3A_393 : i32 to vector<16xi32>
      %add3A_395 = arith.addi %mul3A_5, %add3A_394 : vector<16xi32>
      %gather3A_396 = tpu.vector_load_idx %arg15[%iota3A, %add3A_395] : memref<16x176xf32, #tpu.memory_space<vmem>>[vector<16xi32>, vector<16xi32>], vector<16xf32>,
      %ge3A_397 = arith.constant 7 : i32
      %ge3A_398 = vector.broadcast %ge3A_397 : i32 to vector<16xi32>
      %ge3A_399 = arith.cmpi sge, %get3A_330, %ge3A_398 : vector<16xi32>
      %select_n3A_400 = arith.select %ge3A_399, %gather3A_396, %broadcast_in_dim3A_332 : vector<16xi1>, vector<16xf32>
      %max3A_401 = arith.maximumf %max3A_392, %select_n3A_400 : vector<16xf32>
      %add3A_402 = arith.constant 168 : i32
      %add3A_403 = vector.broadcast %add3A_402 : i32 to vector<16xi32>
      %add3A_404 = arith.addi %mul3A_5, %add3A_403 : vector<16xi32>
      %gather3A_405 = tpu.vector_load_idx %arg15[%iota3A, %add3A_404] : memref<16x176xf32, #tpu.memory_space<vmem>>[vector<16xi32>, vector<16xi32>], vector<16xf32>,
      %ge3A_406 = arith.constant 8 : i32
      %ge3A_407 = vector.broadcast %ge3A_406 : i32 to vector<16xi32>
      %ge3A_408 = arith.cmpi sge, %get3A_330, %ge3A_407 : vector<16xi32>
      %select_n3A_409 = arith.select %ge3A_408, %gather3A_405, %broadcast_in_dim3A_332 : vector<16xi1>, vector<16xf32>
      %max3A_410 = arith.maximumf %max3A_401, %select_n3A_409 : vector<16xf32>
      %add3A_411 = arith.constant 169 : i32
      %add3A_412 = vector.broadcast %add3A_411 : i32 to vector<16xi32>
      %add3A_413 = arith.addi %mul3A_5, %add3A_412 : vector<16xi32>
      %gather3A_414 = tpu.vector_load_idx %arg15[%iota3A, %add3A_413] : memref<16x176xf32, #tpu.memory_space<vmem>>[vector<16xi32>, vector<16xi32>], vector<16xf32>,
      %ge3A_415 = arith.constant 9 : i32
      %ge3A_416 = vector.broadcast %ge3A_415 : i32 to vector<16xi32>
      %ge3A_417 = arith.cmpi sge, %get3A_330, %ge3A_416 : vector<16xi32>
      %select_n3A_418 = arith.select %ge3A_417, %gather3A_414, %broadcast_in_dim3A_332 : vector<16xi1>, vector<16xf32>
      %max3A_419 = arith.maximumf %max3A_410, %select_n3A_418 : vector<16xf32>
      %broadcast_in_dim3A_420 = arith.constant 0.000000e+00 : f32
      %broadcast_in_dim3A_421 = vector.broadcast %broadcast_in_dim3A_420 : f32 to vector<16xf32>
      %sub3A_422 = arith.subf %gather3A_336, %max3A_419 : vector<16xf32>
      %exp3A = math.exp %sub3A_422 : vector<16xf32>
      %jit3A = arith.constant 0.000000e+00 : f32
      %broadcast_in_dim3A_423 = vector.broadcast %jit3A : f32 to vector<16xf32>
      %select_n3A_424 = arith.select %ge3A_338, %exp3A, %broadcast_in_dim3A_423 : vector<16xi1>, vector<16xf32>
      %add3A_425 = arith.addf %broadcast_in_dim3A_421, %select_n3A_424 : vector<16xf32>
      %sub3A_426 = arith.subf %gather3A_342, %max3A_419 : vector<16xf32>
      %exp3A_427 = math.exp %sub3A_426 : vector<16xf32>
      %jit3A_428 = arith.constant 0.000000e+00 : f32
      %broadcast_in_dim3A_429 = vector.broadcast %jit3A_428 : f32 to vector<16xf32>
      %select_n3A_430 = arith.select %ge3A_345, %exp3A_427, %broadcast_in_dim3A_429 : vector<16xi1>, vector<16xf32>
      %add3A_431 = arith.addf %add3A_425, %select_n3A_430 : vector<16xf32>
      %sub3A_432 = arith.subf %gather3A_351, %max3A_419 : vector<16xf32>
      %exp3A_433 = math.exp %sub3A_432 : vector<16xf32>
      %jit3A_434 = arith.constant 0.000000e+00 : f32
      %broadcast_in_dim3A_435 = vector.broadcast %jit3A_434 : f32 to vector<16xf32>
      %select_n3A_436 = arith.select %ge3A_354, %exp3A_433, %broadcast_in_dim3A_435 : vector<16xi1>, vector<16xf32>
      %add3A_437 = arith.addf %add3A_431, %select_n3A_436 : vector<16xf32>
      %sub3A_438 = arith.subf %gather3A_360, %max3A_419 : vector<16xf32>
      %exp3A_439 = math.exp %sub3A_438 : vector<16xf32>
      %jit3A_440 = arith.constant 0.000000e+00 : f32
      %broadcast_in_dim3A_441 = vector.broadcast %jit3A_440 : f32 to vector<16xf32>
      %select_n3A_442 = arith.select %ge3A_363, %exp3A_439, %broadcast_in_dim3A_441 : vector<16xi1>, vector<16xf32>
      %add3A_443 = arith.addf %add3A_437, %select_n3A_442 : vector<16xf32>
      %sub3A_444 = arith.subf %gather3A_369, %max3A_419 : vector<16xf32>
      %exp3A_445 = math.exp %sub3A_444 : vector<16xf32>
      %jit3A_446 = arith.constant 0.000000e+00 : f32
      %broadcast_in_dim3A_447 = vector.broadcast %jit3A_446 : f32 to vector<16xf32>
      %select_n3A_448 = arith.select %ge3A_372, %exp3A_445, %broadcast_in_dim3A_447 : vector<16xi1>, vector<16xf32>
      %add3A_449 = arith.addf %add3A_443, %select_n3A_448 : vector<16xf32>
      %sub3A_450 = arith.subf %gather3A_378, %max3A_419 : vector<16xf32>
      %exp3A_451 = math.exp %sub3A_450 : vector<16xf32>
      %jit3A_452 = arith.constant 0.000000e+00 : f32
      %broadcast_in_dim3A_453 = vector.broadcast %jit3A_452 : f32 to vector<16xf32>
      %select_n3A_454 = arith.select %ge3A_381, %exp3A_451, %broadcast_in_dim3A_453 : vector<16xi1>, vector<16xf32>
      %add3A_455 = arith.addf %add3A_449, %select_n3A_454 : vector<16xf32>
      %sub3A_456 = arith.subf %gather3A_387, %max3A_419 : vector<16xf32>
      %exp3A_457 = math.exp %sub3A_456 : vector<16xf32>
      %jit3A_458 = arith.constant 0.000000e+00 : f32
      %broadcast_in_dim3A_459 = vector.broadcast %jit3A_458 : f32 to vector<16xf32>
      %select_n3A_460 = arith.select %ge3A_390, %exp3A_457, %broadcast_in_dim3A_459 : vector<16xi1>, vector<16xf32>
      %add3A_461 = arith.addf %add3A_455, %select_n3A_460 : vector<16xf32>
      %sub3A_462 = arith.subf %gather3A_396, %max3A_419 : vector<16xf32>
      %exp3A_463 = math.exp %sub3A_462 : vector<16xf32>
      %jit3A_464 = arith.constant 0.000000e+00 : f32
      %broadcast_in_dim3A_465 = vector.broadcast %jit3A_464 : f32 to vector<16xf32>
      %select_n3A_466 = arith.select %ge3A_399, %exp3A_463, %broadcast_in_dim3A_465 : vector<16xi1>, vector<16xf32>
      %add3A_467 = arith.addf %add3A_461, %select_n3A_466 : vector<16xf32>
      %sub3A_468 = arith.subf %gather3A_405, %max3A_419 : vector<16xf32>
      %exp3A_469 = math.exp %sub3A_468 : vector<16xf32>
      %jit3A_470 = arith.constant 0.000000e+00 : f32
      %broadcast_in_dim3A_471 = vector.broadcast %jit3A_470 : f32 to vector<16xf32>
      %select_n3A_472 = arith.select %ge3A_408, %exp3A_469, %broadcast_in_dim3A_471 : vector<16xi1>, vector<16xf32>
      %add3A_473 = arith.addf %add3A_467, %select_n3A_472 : vector<16xf32>
      %sub3A_474 = arith.subf %gather3A_414, %max3A_419 : vector<16xf32>
      %exp3A_475 = math.exp %sub3A_474 : vector<16xf32>
      %jit3A_476 = arith.constant 0.000000e+00 : f32
      %broadcast_in_dim3A_477 = vector.broadcast %jit3A_476 : f32 to vector<16xf32>
      %select_n3A_478 = arith.select %ge3A_417, %exp3A_475, %broadcast_in_dim3A_477 : vector<16xi1>, vector<16xf32>
      %add3A_479 = arith.addf %add3A_473, %select_n3A_478 : vector<16xf32>
      %div3A = arith.constant 1.000000e+00 : f32
      %div3A_480 = vector.broadcast %div3A : f32 to vector<16xf32>
      %div3A_481 = arith.divf %div3A_480, %add3A_479 : vector<16xf32>
      %mul3A_482 = arith.mulf %select_n3A_424, %div3A_481 : vector<16xf32>
      %swap3A_483 = arith.constant 0 : i32
      %swap3A_484 = arith.index_cast %swap3A_483 : i32 to index
      %swap3A_485 = arith.constant 0 : index
      %swap3A_486 = tpu.vector_load %arg26[%swap3A_484, %swap3A_485] {strides = array<i32>} : memref<10x16xf32, #tpu.memory_space<vmem>>, vector<16xf32>,
      tpu.vector_store %arg26[%swap3A_484, %swap3A_485], %mul3A_482 {strides = array<i32>} : memref<10x16xf32, #tpu.memory_space<vmem>>, vector<16xf32>,
      %mul3A_487 = arith.mulf %select_n3A_430, %div3A_481 : vector<16xf32>
      %swap3A_488 = arith.constant 1 : i32
      %swap3A_489 = arith.index_cast %swap3A_488 : i32 to index
      %swap3A_490 = arith.constant 0 : index
      %swap3A_491 = tpu.vector_load %arg26[%swap3A_489, %swap3A_490] {strides = array<i32>} : memref<10x16xf32, #tpu.memory_space<vmem>>, vector<16xf32>,
      tpu.vector_store %arg26[%swap3A_489, %swap3A_490], %mul3A_487 {strides = array<i32>} : memref<10x16xf32, #tpu.memory_space<vmem>>, vector<16xf32>,
      %mul3A_492 = arith.mulf %select_n3A_436, %div3A_481 : vector<16xf32>
      %swap3A_493 = arith.constant 2 : i32
      %swap3A_494 = arith.index_cast %swap3A_493 : i32 to index
      %swap3A_495 = arith.constant 0 : index
      %swap3A_496 = tpu.vector_load %arg26[%swap3A_494, %swap3A_495] {strides = array<i32>} : memref<10x16xf32, #tpu.memory_space<vmem>>, vector<16xf32>,
      tpu.vector_store %arg26[%swap3A_494, %swap3A_495], %mul3A_492 {strides = array<i32>} : memref<10x16xf32, #tpu.memory_space<vmem>>, vector<16xf32>,
      %mul3A_497 = arith.mulf %select_n3A_442, %div3A_481 : vector<16xf32>
      %swap3A_498 = arith.constant 3 : i32
      %swap3A_499 = arith.index_cast %swap3A_498 : i32 to index
      %swap3A_500 = arith.constant 0 : index
      %swap3A_501 = tpu.vector_load %arg26[%swap3A_499, %swap3A_500] {strides = array<i32>} : memref<10x16xf32, #tpu.memory_space<vmem>>, vector<16xf32>,
      tpu.vector_store %arg26[%swap3A_499, %swap3A_500], %mul3A_497 {strides = array<i32>} : memref<10x16xf32, #tpu.memory_space<vmem>>, vector<16xf32>,
      %mul3A_502 = arith.mulf %select_n3A_448, %div3A_481 : vector<16xf32>
      %swap3A_503 = arith.constant 4 : i32
      %swap3A_504 = arith.index_cast %swap3A_503 : i32 to index
      %swap3A_505 = arith.constant 0 : index
      %swap3A_506 = tpu.vector_load %arg26[%swap3A_504, %swap3A_505] {strides = array<i32>} : memref<10x16xf32, #tpu.memory_space<vmem>>, vector<16xf32>,
      tpu.vector_store %arg26[%swap3A_504, %swap3A_505], %mul3A_502 {strides = array<i32>} : memref<10x16xf32, #tpu.memory_space<vmem>>, vector<16xf32>,
      %mul3A_507 = arith.mulf %select_n3A_454, %div3A_481 : vector<16xf32>
      %swap3A_508 = arith.constant 5 : i32
      %swap3A_509 = arith.index_cast %swap3A_508 : i32 to index
      %swap3A_510 = arith.constant 0 : index
      %swap3A_511 = tpu.vector_load %arg26[%swap3A_509, %swap3A_510] {strides = array<i32>} : memref<10x16xf32, #tpu.memory_space<vmem>>, vector<16xf32>,
      tpu.vector_store %arg26[%swap3A_509, %swap3A_510], %mul3A_507 {strides = array<i32>} : memref<10x16xf32, #tpu.memory_space<vmem>>, vector<16xf32>,
      %mul3A_512 = arith.mulf %select_n3A_460, %div3A_481 : vector<16xf32>
      %swap3A_513 = arith.constant 6 : i32
      %swap3A_514 = arith.index_cast %swap3A_513 : i32 to index
      %swap3A_515 = arith.constant 0 : index
      %swap3A_516 = tpu.vector_load %arg26[%swap3A_514, %swap3A_515] {strides = array<i32>} : memref<10x16xf32, #tpu.memory_space<vmem>>, vector<16xf32>,
      tpu.vector_store %arg26[%swap3A_514, %swap3A_515], %mul3A_512 {strides = array<i32>} : memref<10x16xf32, #tpu.memory_space<vmem>>, vector<16xf32>,
      %mul3A_517 = arith.mulf %select_n3A_466, %div3A_481 : vector<16xf32>
      %swap3A_518 = arith.constant 7 : i32
      %swap3A_519 = arith.index_cast %swap3A_518 : i32 to index
      %swap3A_520 = arith.constant 0 : index
      %swap3A_521 = tpu.vector_load %arg26[%swap3A_519, %swap3A_520] {strides = array<i32>} : memref<10x16xf32, #tpu.memory_space<vmem>>, vector<16xf32>,
      tpu.vector_store %arg26[%swap3A_519, %swap3A_520], %mul3A_517 {strides = array<i32>} : memref<10x16xf32, #tpu.memory_space<vmem>>, vector<16xf32>,
      %mul3A_522 = arith.mulf %select_n3A_472, %div3A_481 : vector<16xf32>
      %swap3A_523 = arith.constant 8 : i32
      %swap3A_524 = arith.index_cast %swap3A_523 : i32 to index
      %swap3A_525 = arith.constant 0 : index
      %swap3A_526 = tpu.vector_load %arg26[%swap3A_524, %swap3A_525] {strides = array<i32>} : memref<10x16xf32, #tpu.memory_space<vmem>>, vector<16xf32>,
      tpu.vector_store %arg26[%swap3A_524, %swap3A_525], %mul3A_522 {strides = array<i32>} : memref<10x16xf32, #tpu.memory_space<vmem>>, vector<16xf32>,
      %mul3A_527 = arith.mulf %select_n3A_478, %div3A_481 : vector<16xf32>
      %swap3A_528 = arith.constant 9 : i32
      %swap3A_529 = arith.index_cast %swap3A_528 : i32 to index
      %swap3A_530 = arith.constant 0 : index
      %swap3A_531 = tpu.vector_load %arg26[%swap3A_529, %swap3A_530] {strides = array<i32>} : memref<10x16xf32, #tpu.memory_space<vmem>>, vector<16xf32>,
      tpu.vector_store %arg26[%swap3A_529, %swap3A_530], %mul3A_527 {strides = array<i32>} : memref<10x16xf32, #tpu.memory_space<vmem>>, vector<16xf32>,
      %scan3A_532 = arith.constant 0 : i32
      %scan3A_533 = arith.constant 0 : i32
      %scan3A_534 = arith.constant 16 : i32
      %scan3A_535 = arith.addi %scan3A_533, %scan3A_534 : i32
      %scan3A_536 = arith.constant 2 : i32
      scf.for %scan3A_797 = %scan3A_533 to %scan3A_535 step %scan3A_536  : i32 {
        %add3A_798 = vector.broadcast %scan3A_797 : i32 to vector<16xi32>
        %add3A_799 = arith.addi %mul3A_5, %add3A_798 : vector<16xi32>
        %add3A_800 = arith.constant 0 : i32
        %add3A_801 = vector.broadcast %add3A_800 : i32 to vector<16xi32>
        %add3A_802 = arith.addi %mul3A_5, %add3A_801 : vector<16xi32>
        %gather3A_803 = tpu.vector_load_idx %arg26[%add3A_802, %add3A_799] : memref<10x16xf32, #tpu.memory_space<vmem>>[vector<16xi32>, vector<16xi32>], vector<16xf32>,
        %add3A_804 = arith.constant 1 : i32
        %add3A_805 = vector.broadcast %add3A_804 : i32 to vector<16xi32>
        %add3A_806 = arith.addi %mul3A_5, %add3A_805 : vector<16xi32>
        %gather3A_807 = tpu.vector_load_idx %arg26[%add3A_806, %add3A_799] : memref<10x16xf32, #tpu.memory_space<vmem>>[vector<16xi32>, vector<16xi32>], vector<16xf32>,
        %add3A_808 = arith.constant 2 : i32
        %add3A_809 = vector.broadcast %add3A_808 : i32 to vector<16xi32>
        %add3A_810 = arith.addi %mul3A_5, %add3A_809 : vector<16xi32>
        %gather3A_811 = tpu.vector_load_idx %arg26[%add3A_810, %add3A_799] : memref<10x16xf32, #tpu.memory_space<vmem>>[vector<16xi32>, vector<16xi32>], vector<16xf32>,
        %add3A_812 = arith.constant 3 : i32
        %add3A_813 = vector.broadcast %add3A_812 : i32 to vector<16xi32>
        %add3A_814 = arith.addi %mul3A_5, %add3A_813 : vector<16xi32>
        %gather3A_815 = tpu.vector_load_idx %arg26[%add3A_814, %add3A_799] : memref<10x16xf32, #tpu.memory_space<vmem>>[vector<16xi32>, vector<16xi32>], vector<16xf32>,
        %add3A_816 = arith.constant 4 : i32
        %add3A_817 = vector.broadcast %add3A_816 : i32 to vector<16xi32>
        %add3A_818 = arith.addi %mul3A_5, %add3A_817 : vector<16xi32>
        %gather3A_819 = tpu.vector_load_idx %arg26[%add3A_818, %add3A_799] : memref<10x16xf32, #tpu.memory_space<vmem>>[vector<16xi32>, vector<16xi32>], vector<16xf32>,
        %add3A_820 = arith.constant 5 : i32
        %add3A_821 = vector.broadcast %add3A_820 : i32 to vector<16xi32>
        %add3A_822 = arith.addi %mul3A_5, %add3A_821 : vector<16xi32>
        %gather3A_823 = tpu.vector_load_idx %arg26[%add3A_822, %add3A_799] : memref<10x16xf32, #tpu.memory_space<vmem>>[vector<16xi32>, vector<16xi32>], vector<16xf32>,
        %add3A_824 = arith.constant 6 : i32
        %add3A_825 = vector.broadcast %add3A_824 : i32 to vector<16xi32>
        %add3A_826 = arith.addi %mul3A_5, %add3A_825 : vector<16xi32>
        %gather3A_827 = tpu.vector_load_idx %arg26[%add3A_826, %add3A_799] : memref<10x16xf32, #tpu.memory_space<vmem>>[vector<16xi32>, vector<16xi32>], vector<16xf32>,
        %add3A_828 = arith.constant 7 : i32
        %add3A_829 = vector.broadcast %add3A_828 : i32 to vector<16xi32>
        %add3A_830 = arith.addi %mul3A_5, %add3A_829 : vector<16xi32>
        %gather3A_831 = tpu.vector_load_idx %arg26[%add3A_830, %add3A_799] : memref<10x16xf32, #tpu.memory_space<vmem>>[vector<16xi32>, vector<16xi32>], vector<16xf32>,
        %add3A_832 = arith.constant 8 : i32
        %add3A_833 = vector.broadcast %add3A_832 : i32 to vector<16xi32>
        %add3A_834 = arith.addi %mul3A_5, %add3A_833 : vector<16xi32>
        %gather3A_835 = tpu.vector_load_idx %arg26[%add3A_834, %add3A_799] : memref<10x16xf32, #tpu.memory_space<vmem>>[vector<16xi32>, vector<16xi32>], vector<16xf32>,
        %add3A_836 = arith.constant 9 : i32
        %add3A_837 = vector.broadcast %add3A_836 : i32 to vector<16xi32>
        %add3A_838 = arith.addi %mul3A_5, %add3A_837 : vector<16xi32>
        %gather3A_839 = tpu.vector_load_idx %arg26[%add3A_838, %add3A_799] : memref<10x16xf32, #tpu.memory_space<vmem>>[vector<16xi32>, vector<16xi32>], vector<16xf32>,
        %get3A_840 = arith.index_cast %scan3A_797 : i32 to index
        %get3A_841 = arith.constant 0 : index
        %get3A_842 = tpu.vector_load %arg15[%get3A_840, %get3A_841] {strides = array<i32>} : memref<16x176xf32, #tpu.memory_space<vmem>>, vector<16xf32>,
        %get3A_843 = arith.index_cast %scan3A_797 : i32 to index
        %get3A_844 = arith.constant 0 : index
        %get3A_845 = tpu.vector_load %arg16[%get3A_843, %get3A_844] {strides = array<i32>} : memref<16x160xf32, #tpu.memory_space<vmem>>, vector<16xf32>,
        %add3A_846 = arith.addf %get3A_842, %get3A_845 : vector<16xf32>
        %get3A_847 = arith.index_cast %scan3A_797 : i32 to index
        %get3A_848 = arith.constant 16 : index
        %get3A_849 = tpu.vector_load %arg15[%get3A_847, %get3A_848] {strides = array<i32>} : memref<16x176xf32, #tpu.memory_space<vmem>>, vector<16xf32>,
        %get3A_850 = arith.index_cast %scan3A_797 : i32 to index
        %get3A_851 = arith.constant 16 : index
        %get3A_852 = tpu.vector_load %arg16[%get3A_850, %get3A_851] {strides = array<i32>} : memref<16x160xf32, #tpu.memory_space<vmem>>, vector<16xf32>,
        %add3A_853 = arith.addf %get3A_849, %get3A_852 : vector<16xf32>
        %mul3A_854 = arith.constant 10 : i32
        %mul3A_855 = arith.muli %scan3A_797, %mul3A_854 : i32
        %add3A_856 = arith.constant 0 : i32
        %add3A_857 = arith.addi %mul3A_855, %add3A_856 : i32
        %get3A_858 = arith.index_cast %add3A_857 : i32 to index
        %get3A_859 = arith.constant 0 : index
        %get3A_860 = tpu.vector_load %arg14[%get3A_858, %get3A_859] {strides = array<i32>} : memref<160x160xbf16, #tpu.memory_space<vmem>>, vector<32xbf16>,
        %unpack3A = tpu.unpack_subelements %get3A_860, 0 {pack_format = #tpu.pack_format<interleaved>} : vector<32xbf16> -> vector<16xf32>
        %unpack3A_861 = tpu.unpack_subelements %get3A_860, 1 {pack_format = #tpu.pack_format<interleaved>} : vector<32xbf16> -> vector<16xf32>
        %mul3A_862 = arith.mulf %unpack3A, %gather3A_803 : vector<16xf32>
        %add3A_863 = arith.addf %add3A_846, %mul3A_862 : vector<16xf32>
        %mul3A_864 = arith.mulf %unpack3A_861, %gather3A_803 : vector<16xf32>
        %add3A_865 = arith.addf %add3A_853, %mul3A_864 : vector<16xf32>
        %mul3A_866 = arith.constant 10 : i32
        %mul3A_867 = arith.muli %scan3A_797, %mul3A_866 : i32
        %add3A_868 = arith.constant 1 : i32
        %add3A_869 = arith.addi %mul3A_867, %add3A_868 : i32
        %get3A_870 = arith.index_cast %add3A_869 : i32 to index
        %get3A_871 = arith.constant 0 : index
        %get3A_872 = tpu.vector_load %arg14[%get3A_870, %get3A_871] {strides = array<i32>} : memref<160x160xbf16, #tpu.memory_space<vmem>>, vector<32xbf16>,
        %unpack3A_873 = tpu.unpack_subelements %get3A_872, 0 {pack_format = #tpu.pack_format<interleaved>} : vector<32xbf16> -> vector<16xf32>
        %unpack3A_874 = tpu.unpack_subelements %get3A_872, 1 {pack_format = #tpu.pack_format<interleaved>} : vector<32xbf16> -> vector<16xf32>
        %mul3A_875 = arith.mulf %unpack3A_873, %gather3A_807 : vector<16xf32>
        %add3A_876 = arith.addf %add3A_863, %mul3A_875 : vector<16xf32>
        %mul3A_877 = arith.mulf %unpack3A_874, %gather3A_807 : vector<16xf32>
        %add3A_878 = arith.addf %add3A_865, %mul3A_877 : vector<16xf32>
        %mul3A_879 = arith.constant 10 : i32
        %mul3A_880 = arith.muli %scan3A_797, %mul3A_879 : i32
        %add3A_881 = arith.constant 2 : i32
        %add3A_882 = arith.addi %mul3A_880, %add3A_881 : i32
        %get3A_883 = arith.index_cast %add3A_882 : i32 to index
        %get3A_884 = arith.constant 0 : index
        %get3A_885 = tpu.vector_load %arg14[%get3A_883, %get3A_884] {strides = array<i32>} : memref<160x160xbf16, #tpu.memory_space<vmem>>, vector<32xbf16>,
        %unpack3A_886 = tpu.unpack_subelements %get3A_885, 0 {pack_format = #tpu.pack_format<interleaved>} : vector<32xbf16> -> vector<16xf32>
        %unpack3A_887 = tpu.unpack_subelements %get3A_885, 1 {pack_format = #tpu.pack_format<interleaved>} : vector<32xbf16> -> vector<16xf32>
        %mul3A_888 = arith.mulf %unpack3A_886, %gather3A_811 : vector<16xf32>
        %add3A_889 = arith.addf %add3A_876, %mul3A_888 : vector<16xf32>
        %mul3A_890 = arith.mulf %unpack3A_887, %gather3A_811 : vector<16xf32>
        %add3A_891 = arith.addf %add3A_878, %mul3A_890 : vector<16xf32>
        %mul3A_892 = arith.constant 10 : i32
        %mul3A_893 = arith.muli %scan3A_797, %mul3A_892 : i32
        %add3A_894 = arith.constant 3 : i32
        %add3A_895 = arith.addi %mul3A_893, %add3A_894 : i32
        %get3A_896 = arith.index_cast %add3A_895 : i32 to index
        %get3A_897 = arith.constant 0 : index
        %get3A_898 = tpu.vector_load %arg14[%get3A_896, %get3A_897] {strides = array<i32>} : memref<160x160xbf16, #tpu.memory_space<vmem>>, vector<32xbf16>,
        %unpack3A_899 = tpu.unpack_subelements %get3A_898, 0 {pack_format = #tpu.pack_format<interleaved>} : vector<32xbf16> -> vector<16xf32>
        %unpack3A_900 = tpu.unpack_subelements %get3A_898, 1 {pack_format = #tpu.pack_format<interleaved>} : vector<32xbf16> -> vector<16xf32>
        %mul3A_901 = arith.mulf %unpack3A_899, %gather3A_815 : vector<16xf32>
        %add3A_902 = arith.addf %add3A_889, %mul3A_901 : vector<16xf32>
        %mul3A_903 = arith.mulf %unpack3A_900, %gather3A_815 : vector<16xf32>
        %add3A_904 = arith.addf %add3A_891, %mul3A_903 : vector<16xf32>
        %mul3A_905 = arith.constant 10 : i32
        %mul3A_906 = arith.muli %scan3A_797, %mul3A_905 : i32
        %add3A_907 = arith.constant 4 : i32
        %add3A_908 = arith.addi %mul3A_906, %add3A_907 : i32
        %get3A_909 = arith.index_cast %add3A_908 : i32 to index
        %get3A_910 = arith.constant 0 : index
        %get3A_911 = tpu.vector_load %arg14[%get3A_909, %get3A_910] {strides = array<i32>} : memref<160x160xbf16, #tpu.memory_space<vmem>>, vector<32xbf16>,
        %unpack3A_912 = tpu.unpack_subelements %get3A_911, 0 {pack_format = #tpu.pack_format<interleaved>} : vector<32xbf16> -> vector<16xf32>
        %unpack3A_913 = tpu.unpack_subelements %get3A_911, 1 {pack_format = #tpu.pack_format<interleaved>} : vector<32xbf16> -> vector<16xf32>
        %mul3A_914 = arith.mulf %unpack3A_912, %gather3A_819 : vector<16xf32>
        %add3A_915 = arith.addf %add3A_902, %mul3A_914 : vector<16xf32>
        %mul3A_916 = arith.mulf %unpack3A_913, %gather3A_819 : vector<16xf32>
        %add3A_917 = arith.addf %add3A_904, %mul3A_916 : vector<16xf32>
        %mul3A_918 = arith.constant 10 : i32
        %mul3A_919 = arith.muli %scan3A_797, %mul3A_918 : i32
        %add3A_920 = arith.constant 5 : i32
        %add3A_921 = arith.addi %mul3A_919, %add3A_920 : i32
        %get3A_922 = arith.index_cast %add3A_921 : i32 to index
        %get3A_923 = arith.constant 0 : index
        %get3A_924 = tpu.vector_load %arg14[%get3A_922, %get3A_923] {strides = array<i32>} : memref<160x160xbf16, #tpu.memory_space<vmem>>, vector<32xbf16>,
        %unpack3A_925 = tpu.unpack_subelements %get3A_924, 0 {pack_format = #tpu.pack_format<interleaved>} : vector<32xbf16> -> vector<16xf32>
        %unpack3A_926 = tpu.unpack_subelements %get3A_924, 1 {pack_format = #tpu.pack_format<interleaved>} : vector<32xbf16> -> vector<16xf32>
        %mul3A_927 = arith.mulf %unpack3A_925, %gather3A_823 : vector<16xf32>
        %add3A_928 = arith.addf %add3A_915, %mul3A_927 : vector<16xf32>
        %mul3A_929 = arith.mulf %unpack3A_926, %gather3A_823 : vector<16xf32>
        %add3A_930 = arith.addf %add3A_917, %mul3A_929 : vector<16xf32>
        %mul3A_931 = arith.constant 10 : i32
        %mul3A_932 = arith.muli %scan3A_797, %mul3A_931 : i32
        %add3A_933 = arith.constant 6 : i32
        %add3A_934 = arith.addi %mul3A_932, %add3A_933 : i32
        %get3A_935 = arith.index_cast %add3A_934 : i32 to index
        %get3A_936 = arith.constant 0 : index
        %get3A_937 = tpu.vector_load %arg14[%get3A_935, %get3A_936] {strides = array<i32>} : memref<160x160xbf16, #tpu.memory_space<vmem>>, vector<32xbf16>,
        %unpack3A_938 = tpu.unpack_subelements %get3A_937, 0 {pack_format = #tpu.pack_format<interleaved>} : vector<32xbf16> -> vector<16xf32>
        %unpack3A_939 = tpu.unpack_subelements %get3A_937, 1 {pack_format = #tpu.pack_format<interleaved>} : vector<32xbf16> -> vector<16xf32>
        %mul3A_940 = arith.mulf %unpack3A_938, %gather3A_827 : vector<16xf32>
        %add3A_941 = arith.addf %add3A_928, %mul3A_940 : vector<16xf32>
        %mul3A_942 = arith.mulf %unpack3A_939, %gather3A_827 : vector<16xf32>
        %add3A_943 = arith.addf %add3A_930, %mul3A_942 : vector<16xf32>
        %mul3A_944 = arith.constant 10 : i32
        %mul3A_945 = arith.muli %scan3A_797, %mul3A_944 : i32
        %add3A_946 = arith.constant 7 : i32
        %add3A_947 = arith.addi %mul3A_945, %add3A_946 : i32
        %get3A_948 = arith.index_cast %add3A_947 : i32 to index
        %get3A_949 = arith.constant 0 : index
        %get3A_950 = tpu.vector_load %arg14[%get3A_948, %get3A_949] {strides = array<i32>} : memref<160x160xbf16, #tpu.memory_space<vmem>>, vector<32xbf16>,
        %unpack3A_951 = tpu.unpack_subelements %get3A_950, 0 {pack_format = #tpu.pack_format<interleaved>} : vector<32xbf16> -> vector<16xf32>
        %unpack3A_952 = tpu.unpack_subelements %get3A_950, 1 {pack_format = #tpu.pack_format<interleaved>} : vector<32xbf16> -> vector<16xf32>
        %mul3A_953 = arith.mulf %unpack3A_951, %gather3A_831 : vector<16xf32>
        %add3A_954 = arith.addf %add3A_941, %mul3A_953 : vector<16xf32>
        %mul3A_955 = arith.mulf %unpack3A_952, %gather3A_831 : vector<16xf32>
        %add3A_956 = arith.addf %add3A_943, %mul3A_955 : vector<16xf32>
        %mul3A_957 = arith.constant 10 : i32
        %mul3A_958 = arith.muli %scan3A_797, %mul3A_957 : i32
        %add3A_959 = arith.constant 8 : i32
        %add3A_960 = arith.addi %mul3A_958, %add3A_959 : i32
        %get3A_961 = arith.index_cast %add3A_960 : i32 to index
        %get3A_962 = arith.constant 0 : index
        %get3A_963 = tpu.vector_load %arg14[%get3A_961, %get3A_962] {strides = array<i32>} : memref<160x160xbf16, #tpu.memory_space<vmem>>, vector<32xbf16>,
        %unpack3A_964 = tpu.unpack_subelements %get3A_963, 0 {pack_format = #tpu.pack_format<interleaved>} : vector<32xbf16> -> vector<16xf32>
        %unpack3A_965 = tpu.unpack_subelements %get3A_963, 1 {pack_format = #tpu.pack_format<interleaved>} : vector<32xbf16> -> vector<16xf32>
        %mul3A_966 = arith.mulf %unpack3A_964, %gather3A_835 : vector<16xf32>
        %add3A_967 = arith.addf %add3A_954, %mul3A_966 : vector<16xf32>
        %mul3A_968 = arith.mulf %unpack3A_965, %gather3A_835 : vector<16xf32>
        %add3A_969 = arith.addf %add3A_956, %mul3A_968 : vector<16xf32>
        %mul3A_970 = arith.constant 10 : i32
        %mul3A_971 = arith.muli %scan3A_797, %mul3A_970 : i32
        %add3A_972 = arith.constant 9 : i32
        %add3A_973 = arith.addi %mul3A_971, %add3A_972 : i32
        %get3A_974 = arith.index_cast %add3A_973 : i32 to index
        %get3A_975 = arith.constant 0 : index
        %get3A_976 = tpu.vector_load %arg14[%get3A_974, %get3A_975] {strides = array<i32>} : memref<160x160xbf16, #tpu.memory_space<vmem>>, vector<32xbf16>,
        %unpack3A_977 = tpu.unpack_subelements %get3A_976, 0 {pack_format = #tpu.pack_format<interleaved>} : vector<32xbf16> -> vector<16xf32>
        %unpack3A_978 = tpu.unpack_subelements %get3A_976, 1 {pack_format = #tpu.pack_format<interleaved>} : vector<32xbf16> -> vector<16xf32>
        %mul3A_979 = arith.mulf %unpack3A_977, %gather3A_839 : vector<16xf32>
        %add3A_980 = arith.addf %add3A_967, %mul3A_979 : vector<16xf32>
        %mul3A_981 = arith.mulf %unpack3A_978, %gather3A_839 : vector<16xf32>
        %add3A_982 = arith.addf %add3A_969, %mul3A_981 : vector<16xf32>
        %swap3A_983 = arith.index_cast %scan3A_797 : i32 to index
        %swap3A_984 = arith.constant 0 : index
        %swap3A_985 = tpu.vector_load %arg17[%swap3A_983, %swap3A_984] {strides = array<i32>} : memref<16x160xf32, #tpu.memory_space<vmem>>, vector<16xf32>,
        tpu.vector_store %arg17[%swap3A_983, %swap3A_984], %add3A_980 {strides = array<i32>} : memref<16x160xf32, #tpu.memory_space<vmem>>, vector<16xf32>,
        %swap3A_986 = arith.index_cast %scan3A_797 : i32 to index
        %swap3A_987 = arith.constant 16 : index
        %swap3A_988 = tpu.vector_load %arg17[%swap3A_986, %swap3A_987] {strides = array<i32>} : memref<16x160xf32, #tpu.memory_space<vmem>>, vector<16xf32>,
        tpu.vector_store %arg17[%swap3A_986, %swap3A_987], %add3A_982 {strides = array<i32>} : memref<16x160xf32, #tpu.memory_space<vmem>>, vector<16xf32>,
        %get3A_989 = arith.index_cast %scan3A_797 : i32 to index
        %get3A_990 = arith.constant 32 : index
        %get3A_991 = tpu.vector_load %arg15[%get3A_989, %get3A_990] {strides = array<i32>} : memref<16x176xf32, #tpu.memory_space<vmem>>, vector<16xf32>,
        %get3A_992 = arith.index_cast %scan3A_797 : i32 to index
        %get3A_993 = arith.constant 32 : index
        %get3A_994 = tpu.vector_load %arg16[%get3A_992, %get3A_993] {strides = array<i32>} : memref<16x160xf32, #tpu.memory_space<vmem>>, vector<16xf32>,
        %add3A_995 = arith.addf %get3A_991, %get3A_994 : vector<16xf32>
        %get3A_996 = arith.index_cast %scan3A_797 : i32 to index
        %get3A_997 = arith.constant 48 : index
        %get3A_998 = tpu.vector_load %arg15[%get3A_996, %get3A_997] {strides = array<i32>} : memref<16x176xf32, #tpu.memory_space<vmem>>, vector<16xf32>,
        %get3A_999 = arith.index_cast %scan3A_797 : i32 to index
        %get3A_1000 = arith.constant 48 : index
        %get3A_1001 = tpu.vector_load %arg16[%get3A_999, %get3A_1000] {strides = array<i32>} : memref<16x160xf32, #tpu.memory_space<vmem>>, vector<16xf32>,
        %add3A_1002 = arith.addf %get3A_998, %get3A_1001 : vector<16xf32>
        %mul3A_1003 = arith.constant 10 : i32
        %mul3A_1004 = arith.muli %scan3A_797, %mul3A_1003 : i32
        %add3A_1005 = arith.constant 0 : i32
        %add3A_1006 = arith.addi %mul3A_1004, %add3A_1005 : i32
        %get3A_1007 = arith.index_cast %add3A_1006 : i32 to index
        %get3A_1008 = arith.constant 32 : index
        %get3A_1009 = tpu.vector_load %arg14[%get3A_1007, %get3A_1008] {strides = array<i32>} : memref<160x160xbf16, #tpu.memory_space<vmem>>, vector<32xbf16>,
        %unpack3A_1010 = tpu.unpack_subelements %get3A_1009, 0 {pack_format = #tpu.pack_format<interleaved>} : vector<32xbf16> -> vector<16xf32>
        %unpack3A_1011 = tpu.unpack_subelements %get3A_1009, 1 {pack_format = #tpu.pack_format<interleaved>} : vector<32xbf16> -> vector<16xf32>
        %mul3A_1012 = arith.mulf %unpack3A_1010, %gather3A_803 : vector<16xf32>
        %add3A_1013 = arith.addf %add3A_995, %mul3A_1012 : vector<16xf32>
        %mul3A_1014 = arith.mulf %unpack3A_1011, %gather3A_803 : vector<16xf32>
        %add3A_1015 = arith.addf %add3A_1002, %mul3A_1014 : vector<16xf32>
        %mul3A_1016 = arith.constant 10 : i32
        %mul3A_1017 = arith.muli %scan3A_797, %mul3A_1016 : i32
        %add3A_1018 = arith.constant 1 : i32
        %add3A_1019 = arith.addi %mul3A_1017, %add3A_1018 : i32
        %get3A_1020 = arith.index_cast %add3A_1019 : i32 to index
        %get3A_1021 = arith.constant 32 : index
        %get3A_1022 = tpu.vector_load %arg14[%get3A_1020, %get3A_1021] {strides = array<i32>} : memref<160x160xbf16, #tpu.memory_space<vmem>>, vector<32xbf16>,
        %unpack3A_1023 = tpu.unpack_subelements %get3A_1022, 0 {pack_format = #tpu.pack_format<interleaved>} : vector<32xbf16> -> vector<16xf32>
        %unpack3A_1024 = tpu.unpack_subelements %get3A_1022, 1 {pack_format = #tpu.pack_format<interleaved>} : vector<32xbf16> -> vector<16xf32>
        %mul3A_1025 = arith.mulf %unpack3A_1023, %gather3A_807 : vector<16xf32>
        %add3A_1026 = arith.addf %add3A_1013, %mul3A_1025 : vector<16xf32>
        %mul3A_1027 = arith.mulf %unpack3A_1024, %gather3A_807 : vector<16xf32>
        %add3A_1028 = arith.addf %add3A_1015, %mul3A_1027 : vector<16xf32>
        %mul3A_1029 = arith.constant 10 : i32
        %mul3A_1030 = arith.muli %scan3A_797, %mul3A_1029 : i32
        %add3A_1031 = arith.constant 2 : i32
        %add3A_1032 = arith.addi %mul3A_1030, %add3A_1031 : i32
        %get3A_1033 = arith.index_cast %add3A_1032 : i32 to index
        %get3A_1034 = arith.constant 32 : index
        %get3A_1035 = tpu.vector_load %arg14[%get3A_1033, %get3A_1034] {strides = array<i32>} : memref<160x160xbf16, #tpu.memory_space<vmem>>, vector<32xbf16>,
        %unpack3A_1036 = tpu.unpack_subelements %get3A_1035, 0 {pack_format = #tpu.pack_format<interleaved>} : vector<32xbf16> -> vector<16xf32>
        %unpack3A_1037 = tpu.unpack_subelements %get3A_1035, 1 {pack_format = #tpu.pack_format<interleaved>} : vector<32xbf16> -> vector<16xf32>
        %mul3A_1038 = arith.mulf %unpack3A_1036, %gather3A_811 : vector<16xf32>
        %add3A_1039 = arith.addf %add3A_1026, %mul3A_1038 : vector<16xf32>
        %mul3A_1040 = arith.mulf %unpack3A_1037, %gather3A_811 : vector<16xf32>
        %add3A_1041 = arith.addf %add3A_1028, %mul3A_1040 : vector<16xf32>
        %mul3A_1042 = arith.constant 10 : i32
        %mul3A_1043 = arith.muli %scan3A_797, %mul3A_1042 : i32
        %add3A_1044 = arith.constant 3 : i32
        %add3A_1045 = arith.addi %mul3A_1043, %add3A_1044 : i32
        %get3A_1046 = arith.index_cast %add3A_1045 : i32 to index
        %get3A_1047 = arith.constant 32 : index
        %get3A_1048 = tpu.vector_load %arg14[%get3A_1046, %get3A_1047] {strides = array<i32>} : memref<160x160xbf16, #tpu.memory_space<vmem>>, vector<32xbf16>,
        %unpack3A_1049 = tpu.unpack_subelements %get3A_1048, 0 {pack_format = #tpu.pack_format<interleaved>} : vector<32xbf16> -> vector<16xf32>
        %unpack3A_1050 = tpu.unpack_subelements %get3A_1048, 1 {pack_format = #tpu.pack_format<interleaved>} : vector<32xbf16> -> vector<16xf32>
        %mul3A_1051 = arith.mulf %unpack3A_1049, %gather3A_815 : vector<16xf32>
        %add3A_1052 = arith.addf %add3A_1039, %mul3A_1051 : vector<16xf32>
        %mul3A_1053 = arith.mulf %unpack3A_1050, %gather3A_815 : vector<16xf32>
        %add3A_1054 = arith.addf %add3A_1041, %mul3A_1053 : vector<16xf32>
        %mul3A_1055 = arith.constant 10 : i32
        %mul3A_1056 = arith.muli %scan3A_797, %mul3A_1055 : i32
        %add3A_1057 = arith.constant 4 : i32
        %add3A_1058 = arith.addi %mul3A_1056, %add3A_1057 : i32
        %get3A_1059 = arith.index_cast %add3A_1058 : i32 to index
        %get3A_1060 = arith.constant 32 : index
        %get3A_1061 = tpu.vector_load %arg14[%get3A_1059, %get3A_1060] {strides = array<i32>} : memref<160x160xbf16, #tpu.memory_space<vmem>>, vector<32xbf16>,
        %unpack3A_1062 = tpu.unpack_subelements %get3A_1061, 0 {pack_format = #tpu.pack_format<interleaved>} : vector<32xbf16> -> vector<16xf32>
        %unpack3A_1063 = tpu.unpack_subelements %get3A_1061, 1 {pack_format = #tpu.pack_format<interleaved>} : vector<32xbf16> -> vector<16xf32>
        %mul3A_1064 = arith.mulf %unpack3A_1062, %gather3A_819 : vector<16xf32>
        %add3A_1065 = arith.addf %add3A_1052, %mul3A_1064 : vector<16xf32>
        %mul3A_1066 = arith.mulf %unpack3A_1063, %gather3A_819 : vector<16xf32>
        %add3A_1067 = arith.addf %add3A_1054, %mul3A_1066 : vector<16xf32>
        %mul3A_1068 = arith.constant 10 : i32
        %mul3A_1069 = arith.muli %scan3A_797, %mul3A_1068 : i32
        %add3A_1070 = arith.constant 5 : i32
        %add3A_1071 = arith.addi %mul3A_1069, %add3A_1070 : i32
        %get3A_1072 = arith.index_cast %add3A_1071 : i32 to index
        %get3A_1073 = arith.constant 32 : index
        %get3A_1074 = tpu.vector_load %arg14[%get3A_1072, %get3A_1073] {strides = array<i32>} : memref<160x160xbf16, #tpu.memory_space<vmem>>, vector<32xbf16>,
        %unpack3A_1075 = tpu.unpack_subelements %get3A_1074, 0 {pack_format = #tpu.pack_format<interleaved>} : vector<32xbf16> -> vector<16xf32>
        %unpack3A_1076 = tpu.unpack_subelements %get3A_1074, 1 {pack_format = #tpu.pack_format<interleaved>} : vector<32xbf16> -> vector<16xf32>
        %mul3A_1077 = arith.mulf %unpack3A_1075, %gather3A_823 : vector<16xf32>
        %add3A_1078 = arith.addf %add3A_1065, %mul3A_1077 : vector<16xf32>
        %mul3A_1079 = arith.mulf %unpack3A_1076, %gather3A_823 : vector<16xf32>
        %add3A_1080 = arith.addf %add3A_1067, %mul3A_1079 : vector<16xf32>
        %mul3A_1081 = arith.constant 10 : i32
        %mul3A_1082 = arith.muli %scan3A_797, %mul3A_1081 : i32
        %add3A_1083 = arith.constant 6 : i32
        %add3A_1084 = arith.addi %mul3A_1082, %add3A_1083 : i32
        %get3A_1085 = arith.index_cast %add3A_1084 : i32 to index
        %get3A_1086 = arith.constant 32 : index
        %get3A_1087 = tpu.vector_load %arg14[%get3A_1085, %get3A_1086] {strides = array<i32>} : memref<160x160xbf16, #tpu.memory_space<vmem>>, vector<32xbf16>,
        %unpack3A_1088 = tpu.unpack_subelements %get3A_1087, 0 {pack_format = #tpu.pack_format<interleaved>} : vector<32xbf16> -> vector<16xf32>
        %unpack3A_1089 = tpu.unpack_subelements %get3A_1087, 1 {pack_format = #tpu.pack_format<interleaved>} : vector<32xbf16> -> vector<16xf32>
        %mul3A_1090 = arith.mulf %unpack3A_1088, %gather3A_827 : vector<16xf32>
        %add3A_1091 = arith.addf %add3A_1078, %mul3A_1090 : vector<16xf32>
        %mul3A_1092 = arith.mulf %unpack3A_1089, %gather3A_827 : vector<16xf32>
        %add3A_1093 = arith.addf %add3A_1080, %mul3A_1092 : vector<16xf32>
        %mul3A_1094 = arith.constant 10 : i32
        %mul3A_1095 = arith.muli %scan3A_797, %mul3A_1094 : i32
        %add3A_1096 = arith.constant 7 : i32
        %add3A_1097 = arith.addi %mul3A_1095, %add3A_1096 : i32
        %get3A_1098 = arith.index_cast %add3A_1097 : i32 to index
        %get3A_1099 = arith.constant 32 : index
        %get3A_1100 = tpu.vector_load %arg14[%get3A_1098, %get3A_1099] {strides = array<i32>} : memref<160x160xbf16, #tpu.memory_space<vmem>>, vector<32xbf16>,
        %unpack3A_1101 = tpu.unpack_subelements %get3A_1100, 0 {pack_format = #tpu.pack_format<interleaved>} : vector<32xbf16> -> vector<16xf32>
        %unpack3A_1102 = tpu.unpack_subelements %get3A_1100, 1 {pack_format = #tpu.pack_format<interleaved>} : vector<32xbf16> -> vector<16xf32>
        %mul3A_1103 = arith.mulf %unpack3A_1101, %gather3A_831 : vector<16xf32>
        %add3A_1104 = arith.addf %add3A_1091, %mul3A_1103 : vector<16xf32>
        %mul3A_1105 = arith.mulf %unpack3A_1102, %gather3A_831 : vector<16xf32>
        %add3A_1106 = arith.addf %add3A_1093, %mul3A_1105 : vector<16xf32>
        %mul3A_1107 = arith.constant 10 : i32
        %mul3A_1108 = arith.muli %scan3A_797, %mul3A_1107 : i32
        %add3A_1109 = arith.constant 8 : i32
        %add3A_1110 = arith.addi %mul3A_1108, %add3A_1109 : i32
        %get3A_1111 = arith.index_cast %add3A_1110 : i32 to index
        %get3A_1112 = arith.constant 32 : index
        %get3A_1113 = tpu.vector_load %arg14[%get3A_1111, %get3A_1112] {strides = array<i32>} : memref<160x160xbf16, #tpu.memory_space<vmem>>, vector<32xbf16>,
        %unpack3A_1114 = tpu.unpack_subelements %get3A_1113, 0 {pack_format = #tpu.pack_format<interleaved>} : vector<32xbf16> -> vector<16xf32>
        %unpack3A_1115 = tpu.unpack_subelements %get3A_1113, 1 {pack_format = #tpu.pack_format<interleaved>} : vector<32xbf16> -> vector<16xf32>
        %mul3A_1116 = arith.mulf %unpack3A_1114, %gather3A_835 : vector<16xf32>
        %add3A_1117 = arith.addf %add3A_1104, %mul3A_1116 : vector<16xf32>
        %mul3A_1118 = arith.mulf %unpack3A_1115, %gather3A_835 : vector<16xf32>
        %add3A_1119 = arith.addf %add3A_1106, %mul3A_1118 : vector<16xf32>
        %mul3A_1120 = arith.constant 10 : i32
        %mul3A_1121 = arith.muli %scan3A_797, %mul3A_1120 : i32
        %add3A_1122 = arith.constant 9 : i32
        %add3A_1123 = arith.addi %mul3A_1121, %add3A_1122 : i32
        %get3A_1124 = arith.index_cast %add3A_1123 : i32 to index
        %get3A_1125 = arith.constant 32 : index
        %get3A_1126 = tpu.vector_load %arg14[%get3A_1124, %get3A_1125] {strides = array<i32>} : memref<160x160xbf16, #tpu.memory_space<vmem>>, vector<32xbf16>,
        %unpack3A_1127 = tpu.unpack_subelements %get3A_1126, 0 {pack_format = #tpu.pack_format<interleaved>} : vector<32xbf16> -> vector<16xf32>
        %unpack3A_1128 = tpu.unpack_subelements %get3A_1126, 1 {pack_format = #tpu.pack_format<interleaved>} : vector<32xbf16> -> vector<16xf32>
        %mul3A_1129 = arith.mulf %unpack3A_1127, %gather3A_839 : vector<16xf32>
        %add3A_1130 = arith.addf %add3A_1117, %mul3A_1129 : vector<16xf32>
        %mul3A_1131 = arith.mulf %unpack3A_1128, %gather3A_839 : vector<16xf32>
        %add3A_1132 = arith.addf %add3A_1119, %mul3A_1131 : vector<16xf32>
        %swap3A_1133 = arith.index_cast %scan3A_797 : i32 to index
        %swap3A_1134 = arith.constant 32 : index
        %swap3A_1135 = tpu.vector_load %arg17[%swap3A_1133, %swap3A_1134] {strides = array<i32>} : memref<16x160xf32, #tpu.memory_space<vmem>>, vector<16xf32>,
        tpu.vector_store %arg17[%swap3A_1133, %swap3A_1134], %add3A_1130 {strides = array<i32>} : memref<16x160xf32, #tpu.memory_space<vmem>>, vector<16xf32>,
        %swap3A_1136 = arith.index_cast %scan3A_797 : i32 to index
        %swap3A_1137 = arith.constant 48 : index
        %swap3A_1138 = tpu.vector_load %arg17[%swap3A_1136, %swap3A_1137] {strides = array<i32>} : memref<16x160xf32, #tpu.memory_space<vmem>>, vector<16xf32>,
        tpu.vector_store %arg17[%swap3A_1136, %swap3A_1137], %add3A_1132 {strides = array<i32>} : memref<16x160xf32, #tpu.memory_space<vmem>>, vector<16xf32>,
        %get3A_1139 = arith.index_cast %scan3A_797 : i32 to index
        %get3A_1140 = arith.constant 64 : index
        %get3A_1141 = tpu.vector_load %arg15[%get3A_1139, %get3A_1140] {strides = array<i32>} : memref<16x176xf32, #tpu.memory_space<vmem>>, vector<16xf32>,
        %get3A_1142 = arith.index_cast %scan3A_797 : i32 to index
        %get3A_1143 = arith.constant 64 : index
        %get3A_1144 = tpu.vector_load %arg16[%get3A_1142, %get3A_1143] {strides = array<i32>} : memref<16x160xf32, #tpu.memory_space<vmem>>, vector<16xf32>,
        %add3A_1145 = arith.addf %get3A_1141, %get3A_1144 : vector<16xf32>
        %get3A_1146 = arith.index_cast %scan3A_797 : i32 to index
        %get3A_1147 = arith.constant 80 : index
        %get3A_1148 = tpu.vector_load %arg15[%get3A_1146, %get3A_1147] {strides = array<i32>} : memref<16x176xf32, #tpu.memory_space<vmem>>, vector<16xf32>,
        %get3A_1149 = arith.index_cast %scan3A_797 : i32 to index
        %get3A_1150 = arith.constant 80 : index
        %get3A_1151 = tpu.vector_load %arg16[%get3A_1149, %get3A_1150] {strides = array<i32>} : memref<16x160xf32, #tpu.memory_space<vmem>>, vector<16xf32>,
        %add3A_1152 = arith.addf %get3A_1148, %get3A_1151 : vector<16xf32>
        %mul3A_1153 = arith.constant 10 : i32
        %mul3A_1154 = arith.muli %scan3A_797, %mul3A_1153 : i32
        %add3A_1155 = arith.constant 0 : i32
        %add3A_1156 = arith.addi %mul3A_1154, %add3A_1155 : i32
        %get3A_1157 = arith.index_cast %add3A_1156 : i32 to index
        %get3A_1158 = arith.constant 64 : index
        %get3A_1159 = tpu.vector_load %arg14[%get3A_1157, %get3A_1158] {strides = array<i32>} : memref<160x160xbf16, #tpu.memory_space<vmem>>, vector<32xbf16>,
        %unpack3A_1160 = tpu.unpack_subelements %get3A_1159, 0 {pack_format = #tpu.pack_format<interleaved>} : vector<32xbf16> -> vector<16xf32>
        %unpack3A_1161 = tpu.unpack_subelements %get3A_1159, 1 {pack_format = #tpu.pack_format<interleaved>} : vector<32xbf16> -> vector<16xf32>
        %mul3A_1162 = arith.mulf %unpack3A_1160, %gather3A_803 : vector<16xf32>
        %add3A_1163 = arith.addf %add3A_1145, %mul3A_1162 : vector<16xf32>
        %mul3A_1164 = arith.mulf %unpack3A_1161, %gather3A_803 : vector<16xf32>
        %add3A_1165 = arith.addf %add3A_1152, %mul3A_1164 : vector<16xf32>
        %mul3A_1166 = arith.constant 10 : i32
        %mul3A_1167 = arith.muli %scan3A_797, %mul3A_1166 : i32
        %add3A_1168 = arith.constant 1 : i32
        %add3A_1169 = arith.addi %mul3A_1167, %add3A_1168 : i32
        %get3A_1170 = arith.index_cast %add3A_1169 : i32 to index
        %get3A_1171 = arith.constant 64 : index
        %get3A_1172 = tpu.vector_load %arg14[%get3A_1170, %get3A_1171] {strides = array<i32>} : memref<160x160xbf16, #tpu.memory_space<vmem>>, vector<32xbf16>,
        %unpack3A_1173 = tpu.unpack_subelements %get3A_1172, 0 {pack_format = #tpu.pack_format<interleaved>} : vector<32xbf16> -> vector<16xf32>
        %unpack3A_1174 = tpu.unpack_subelements %get3A_1172, 1 {pack_format = #tpu.pack_format<interleaved>} : vector<32xbf16> -> vector<16xf32>
        %mul3A_1175 = arith.mulf %unpack3A_1173, %gather3A_807 : vector<16xf32>
        %add3A_1176 = arith.addf %add3A_1163, %mul3A_1175 : vector<16xf32>
        %mul3A_1177 = arith.mulf %unpack3A_1174, %gather3A_807 : vector<16xf32>
        %add3A_1178 = arith.addf %add3A_1165, %mul3A_1177 : vector<16xf32>
        %mul3A_1179 = arith.constant 10 : i32
        %mul3A_1180 = arith.muli %scan3A_797, %mul3A_1179 : i32
        %add3A_1181 = arith.constant 2 : i32
        %add3A_1182 = arith.addi %mul3A_1180, %add3A_1181 : i32
        %get3A_1183 = arith.index_cast %add3A_1182 : i32 to index
        %get3A_1184 = arith.constant 64 : index
        %get3A_1185 = tpu.vector_load %arg14[%get3A_1183, %get3A_1184] {strides = array<i32>} : memref<160x160xbf16, #tpu.memory_space<vmem>>, vector<32xbf16>,
        %unpack3A_1186 = tpu.unpack_subelements %get3A_1185, 0 {pack_format = #tpu.pack_format<interleaved>} : vector<32xbf16> -> vector<16xf32>
        %unpack3A_1187 = tpu.unpack_subelements %get3A_1185, 1 {pack_format = #tpu.pack_format<interleaved>} : vector<32xbf16> -> vector<16xf32>
        %mul3A_1188 = arith.mulf %unpack3A_1186, %gather3A_811 : vector<16xf32>
        %add3A_1189 = arith.addf %add3A_1176, %mul3A_1188 : vector<16xf32>
        %mul3A_1190 = arith.mulf %unpack3A_1187, %gather3A_811 : vector<16xf32>
        %add3A_1191 = arith.addf %add3A_1178, %mul3A_1190 : vector<16xf32>
        %mul3A_1192 = arith.constant 10 : i32
        %mul3A_1193 = arith.muli %scan3A_797, %mul3A_1192 : i32
        %add3A_1194 = arith.constant 3 : i32
        %add3A_1195 = arith.addi %mul3A_1193, %add3A_1194 : i32
        %get3A_1196 = arith.index_cast %add3A_1195 : i32 to index
        %get3A_1197 = arith.constant 64 : index
        %get3A_1198 = tpu.vector_load %arg14[%get3A_1196, %get3A_1197] {strides = array<i32>} : memref<160x160xbf16, #tpu.memory_space<vmem>>, vector<32xbf16>,
        %unpack3A_1199 = tpu.unpack_subelements %get3A_1198, 0 {pack_format = #tpu.pack_format<interleaved>} : vector<32xbf16> -> vector<16xf32>
        %unpack3A_1200 = tpu.unpack_subelements %get3A_1198, 1 {pack_format = #tpu.pack_format<interleaved>} : vector<32xbf16> -> vector<16xf32>
        %mul3A_1201 = arith.mulf %unpack3A_1199, %gather3A_815 : vector<16xf32>
        %add3A_1202 = arith.addf %add3A_1189, %mul3A_1201 : vector<16xf32>
        %mul3A_1203 = arith.mulf %unpack3A_1200, %gather3A_815 : vector<16xf32>
        %add3A_1204 = arith.addf %add3A_1191, %mul3A_1203 : vector<16xf32>
        %mul3A_1205 = arith.constant 10 : i32
        %mul3A_1206 = arith.muli %scan3A_797, %mul3A_1205 : i32
        %add3A_1207 = arith.constant 4 : i32
        %add3A_1208 = arith.addi %mul3A_1206, %add3A_1207 : i32
        %get3A_1209 = arith.index_cast %add3A_1208 : i32 to index
        %get3A_1210 = arith.constant 64 : index
        %get3A_1211 = tpu.vector_load %arg14[%get3A_1209, %get3A_1210] {strides = array<i32>} : memref<160x160xbf16, #tpu.memory_space<vmem>>, vector<32xbf16>,
        %unpack3A_1212 = tpu.unpack_subelements %get3A_1211, 0 {pack_format = #tpu.pack_format<interleaved>} : vector<32xbf16> -> vector<16xf32>
        %unpack3A_1213 = tpu.unpack_subelements %get3A_1211, 1 {pack_format = #tpu.pack_format<interleaved>} : vector<32xbf16> -> vector<16xf32>
        %mul3A_1214 = arith.mulf %unpack3A_1212, %gather3A_819 : vector<16xf32>
        %add3A_1215 = arith.addf %add3A_1202, %mul3A_1214 : vector<16xf32>
        %mul3A_1216 = arith.mulf %unpack3A_1213, %gather3A_819 : vector<16xf32>
        %add3A_1217 = arith.addf %add3A_1204, %mul3A_1216 : vector<16xf32>
        %mul3A_1218 = arith.constant 10 : i32
        %mul3A_1219 = arith.muli %scan3A_797, %mul3A_1218 : i32
        %add3A_1220 = arith.constant 5 : i32
        %add3A_1221 = arith.addi %mul3A_1219, %add3A_1220 : i32
        %get3A_1222 = arith.index_cast %add3A_1221 : i32 to index
        %get3A_1223 = arith.constant 64 : index
        %get3A_1224 = tpu.vector_load %arg14[%get3A_1222, %get3A_1223] {strides = array<i32>} : memref<160x160xbf16, #tpu.memory_space<vmem>>, vector<32xbf16>,
        %unpack3A_1225 = tpu.unpack_subelements %get3A_1224, 0 {pack_format = #tpu.pack_format<interleaved>} : vector<32xbf16> -> vector<16xf32>
        %unpack3A_1226 = tpu.unpack_subelements %get3A_1224, 1 {pack_format = #tpu.pack_format<interleaved>} : vector<32xbf16> -> vector<16xf32>
        %mul3A_1227 = arith.mulf %unpack3A_1225, %gather3A_823 : vector<16xf32>
        %add3A_1228 = arith.addf %add3A_1215, %mul3A_1227 : vector<16xf32>
        %mul3A_1229 = arith.mulf %unpack3A_1226, %gather3A_823 : vector<16xf32>
        %add3A_1230 = arith.addf %add3A_1217, %mul3A_1229 : vector<16xf32>
        %mul3A_1231 = arith.constant 10 : i32
        %mul3A_1232 = arith.muli %scan3A_797, %mul3A_1231 : i32
        %add3A_1233 = arith.constant 6 : i32
        %add3A_1234 = arith.addi %mul3A_1232, %add3A_1233 : i32
        %get3A_1235 = arith.index_cast %add3A_1234 : i32 to index
        %get3A_1236 = arith.constant 64 : index
        %get3A_1237 = tpu.vector_load %arg14[%get3A_1235, %get3A_1236] {strides = array<i32>} : memref<160x160xbf16, #tpu.memory_space<vmem>>, vector<32xbf16>,
        %unpack3A_1238 = tpu.unpack_subelements %get3A_1237, 0 {pack_format = #tpu.pack_format<interleaved>} : vector<32xbf16> -> vector<16xf32>
        %unpack3A_1239 = tpu.unpack_subelements %get3A_1237, 1 {pack_format = #tpu.pack_format<interleaved>} : vector<32xbf16> -> vector<16xf32>
        %mul3A_1240 = arith.mulf %unpack3A_1238, %gather3A_827 : vector<16xf32>
        %add3A_1241 = arith.addf %add3A_1228, %mul3A_1240 : vector<16xf32>
        %mul3A_1242 = arith.mulf %unpack3A_1239, %gather3A_827 : vector<16xf32>
        %add3A_1243 = arith.addf %add3A_1230, %mul3A_1242 : vector<16xf32>
        %mul3A_1244 = arith.constant 10 : i32
        %mul3A_1245 = arith.muli %scan3A_797, %mul3A_1244 : i32
        %add3A_1246 = arith.constant 7 : i32
        %add3A_1247 = arith.addi %mul3A_1245, %add3A_1246 : i32
        %get3A_1248 = arith.index_cast %add3A_1247 : i32 to index
        %get3A_1249 = arith.constant 64 : index
        %get3A_1250 = tpu.vector_load %arg14[%get3A_1248, %get3A_1249] {strides = array<i32>} : memref<160x160xbf16, #tpu.memory_space<vmem>>, vector<32xbf16>,
        %unpack3A_1251 = tpu.unpack_subelements %get3A_1250, 0 {pack_format = #tpu.pack_format<interleaved>} : vector<32xbf16> -> vector<16xf32>
        %unpack3A_1252 = tpu.unpack_subelements %get3A_1250, 1 {pack_format = #tpu.pack_format<interleaved>} : vector<32xbf16> -> vector<16xf32>
        %mul3A_1253 = arith.mulf %unpack3A_1251, %gather3A_831 : vector<16xf32>
        %add3A_1254 = arith.addf %add3A_1241, %mul3A_1253 : vector<16xf32>
        %mul3A_1255 = arith.mulf %unpack3A_1252, %gather3A_831 : vector<16xf32>
        %add3A_1256 = arith.addf %add3A_1243, %mul3A_1255 : vector<16xf32>
        %mul3A_1257 = arith.constant 10 : i32
        %mul3A_1258 = arith.muli %scan3A_797, %mul3A_1257 : i32
        %add3A_1259 = arith.constant 8 : i32
        %add3A_1260 = arith.addi %mul3A_1258, %add3A_1259 : i32
        %get3A_1261 = arith.index_cast %add3A_1260 : i32 to index
        %get3A_1262 = arith.constant 64 : index
        %get3A_1263 = tpu.vector_load %arg14[%get3A_1261, %get3A_1262] {strides = array<i32>} : memref<160x160xbf16, #tpu.memory_space<vmem>>, vector<32xbf16>,
        %unpack3A_1264 = tpu.unpack_subelements %get3A_1263, 0 {pack_format = #tpu.pack_format<interleaved>} : vector<32xbf16> -> vector<16xf32>
        %unpack3A_1265 = tpu.unpack_subelements %get3A_1263, 1 {pack_format = #tpu.pack_format<interleaved>} : vector<32xbf16> -> vector<16xf32>
        %mul3A_1266 = arith.mulf %unpack3A_1264, %gather3A_835 : vector<16xf32>
        %add3A_1267 = arith.addf %add3A_1254, %mul3A_1266 : vector<16xf32>
        %mul3A_1268 = arith.mulf %unpack3A_1265, %gather3A_835 : vector<16xf32>
        %add3A_1269 = arith.addf %add3A_1256, %mul3A_1268 : vector<16xf32>
        %mul3A_1270 = arith.constant 10 : i32
        %mul3A_1271 = arith.muli %scan3A_797, %mul3A_1270 : i32
        %add3A_1272 = arith.constant 9 : i32
        %add3A_1273 = arith.addi %mul3A_1271, %add3A_1272 : i32
        %get3A_1274 = arith.index_cast %add3A_1273 : i32 to index
        %get3A_1275 = arith.constant 64 : index
        %get3A_1276 = tpu.vector_load %arg14[%get3A_1274, %get3A_1275] {strides = array<i32>} : memref<160x160xbf16, #tpu.memory_space<vmem>>, vector<32xbf16>,
        %unpack3A_1277 = tpu.unpack_subelements %get3A_1276, 0 {pack_format = #tpu.pack_format<interleaved>} : vector<32xbf16> -> vector<16xf32>
        %unpack3A_1278 = tpu.unpack_subelements %get3A_1276, 1 {pack_format = #tpu.pack_format<interleaved>} : vector<32xbf16> -> vector<16xf32>
        %mul3A_1279 = arith.mulf %unpack3A_1277, %gather3A_839 : vector<16xf32>
        %add3A_1280 = arith.addf %add3A_1267, %mul3A_1279 : vector<16xf32>
        %mul3A_1281 = arith.mulf %unpack3A_1278, %gather3A_839 : vector<16xf32>
        %add3A_1282 = arith.addf %add3A_1269, %mul3A_1281 : vector<16xf32>
        %swap3A_1283 = arith.index_cast %scan3A_797 : i32 to index
        %swap3A_1284 = arith.constant 64 : index
        %swap3A_1285 = tpu.vector_load %arg17[%swap3A_1283, %swap3A_1284] {strides = array<i32>} : memref<16x160xf32, #tpu.memory_space<vmem>>, vector<16xf32>,
        tpu.vector_store %arg17[%swap3A_1283, %swap3A_1284], %add3A_1280 {strides = array<i32>} : memref<16x160xf32, #tpu.memory_space<vmem>>, vector<16xf32>,
        %swap3A_1286 = arith.index_cast %scan3A_797 : i32 to index
        %swap3A_1287 = arith.constant 80 : index
        %swap3A_1288 = tpu.vector_load %arg17[%swap3A_1286, %swap3A_1287] {strides = array<i32>} : memref<16x160xf32, #tpu.memory_space<vmem>>, vector<16xf32>,
        tpu.vector_store %arg17[%swap3A_1286, %swap3A_1287], %add3A_1282 {strides = array<i32>} : memref<16x160xf32, #tpu.memory_space<vmem>>, vector<16xf32>,
        %get3A_1289 = arith.index_cast %scan3A_797 : i32 to index
        %get3A_1290 = arith.constant 96 : index
        %get3A_1291 = tpu.vector_load %arg15[%get3A_1289, %get3A_1290] {strides = array<i32>} : memref<16x176xf32, #tpu.memory_space<vmem>>, vector<16xf32>,
        %get3A_1292 = arith.index_cast %scan3A_797 : i32 to index
        %get3A_1293 = arith.constant 96 : index
        %get3A_1294 = tpu.vector_load %arg16[%get3A_1292, %get3A_1293] {strides = array<i32>} : memref<16x160xf32, #tpu.memory_space<vmem>>, vector<16xf32>,
        %add3A_1295 = arith.addf %get3A_1291, %get3A_1294 : vector<16xf32>
        %get3A_1296 = arith.index_cast %scan3A_797 : i32 to index
        %get3A_1297 = arith.constant 112 : index
        %get3A_1298 = tpu.vector_load %arg15[%get3A_1296, %get3A_1297] {strides = array<i32>} : memref<16x176xf32, #tpu.memory_space<vmem>>, vector<16xf32>,
        %get3A_1299 = arith.index_cast %scan3A_797 : i32 to index
        %get3A_1300 = arith.constant 112 : index
        %get3A_1301 = tpu.vector_load %arg16[%get3A_1299, %get3A_1300] {strides = array<i32>} : memref<16x160xf32, #tpu.memory_space<vmem>>, vector<16xf32>,
        %add3A_1302 = arith.addf %get3A_1298, %get3A_1301 : vector<16xf32>
        %mul3A_1303 = arith.constant 10 : i32
        %mul3A_1304 = arith.muli %scan3A_797, %mul3A_1303 : i32
        %add3A_1305 = arith.constant 0 : i32
        %add3A_1306 = arith.addi %mul3A_1304, %add3A_1305 : i32
        %get3A_1307 = arith.index_cast %add3A_1306 : i32 to index
        %get3A_1308 = arith.constant 96 : index
        %get3A_1309 = tpu.vector_load %arg14[%get3A_1307, %get3A_1308] {strides = array<i32>} : memref<160x160xbf16, #tpu.memory_space<vmem>>, vector<32xbf16>,
        %unpack3A_1310 = tpu.unpack_subelements %get3A_1309, 0 {pack_format = #tpu.pack_format<interleaved>} : vector<32xbf16> -> vector<16xf32>
        %unpack3A_1311 = tpu.unpack_subelements %get3A_1309, 1 {pack_format = #tpu.pack_format<interleaved>} : vector<32xbf16> -> vector<16xf32>
        %mul3A_1312 = arith.mulf %unpack3A_1310, %gather3A_803 : vector<16xf32>
        %add3A_1313 = arith.addf %add3A_1295, %mul3A_1312 : vector<16xf32>
        %mul3A_1314 = arith.mulf %unpack3A_1311, %gather3A_803 : vector<16xf32>
        %add3A_1315 = arith.addf %add3A_1302, %mul3A_1314 : vector<16xf32>
        %mul3A_1316 = arith.constant 10 : i32
        %mul3A_1317 = arith.muli %scan3A_797, %mul3A_1316 : i32
        %add3A_1318 = arith.constant 1 : i32
        %add3A_1319 = arith.addi %mul3A_1317, %add3A_1318 : i32
        %get3A_1320 = arith.index_cast %add3A_1319 : i32 to index
        %get3A_1321 = arith.constant 96 : index
        %get3A_1322 = tpu.vector_load %arg14[%get3A_1320, %get3A_1321] {strides = array<i32>} : memref<160x160xbf16, #tpu.memory_space<vmem>>, vector<32xbf16>,
        %unpack3A_1323 = tpu.unpack_subelements %get3A_1322, 0 {pack_format = #tpu.pack_format<interleaved>} : vector<32xbf16> -> vector<16xf32>
        %unpack3A_1324 = tpu.unpack_subelements %get3A_1322, 1 {pack_format = #tpu.pack_format<interleaved>} : vector<32xbf16> -> vector<16xf32>
        %mul3A_1325 = arith.mulf %unpack3A_1323, %gather3A_807 : vector<16xf32>
        %add3A_1326 = arith.addf %add3A_1313, %mul3A_1325 : vector<16xf32>
        %mul3A_1327 = arith.mulf %unpack3A_1324, %gather3A_807 : vector<16xf32>
        %add3A_1328 = arith.addf %add3A_1315, %mul3A_1327 : vector<16xf32>
        %mul3A_1329 = arith.constant 10 : i32
        %mul3A_1330 = arith.muli %scan3A_797, %mul3A_1329 : i32
        %add3A_1331 = arith.constant 2 : i32
        %add3A_1332 = arith.addi %mul3A_1330, %add3A_1331 : i32
        %get3A_1333 = arith.index_cast %add3A_1332 : i32 to index
        %get3A_1334 = arith.constant 96 : index
        %get3A_1335 = tpu.vector_load %arg14[%get3A_1333, %get3A_1334] {strides = array<i32>} : memref<160x160xbf16, #tpu.memory_space<vmem>>, vector<32xbf16>,
        %unpack3A_1336 = tpu.unpack_subelements %get3A_1335, 0 {pack_format = #tpu.pack_format<interleaved>} : vector<32xbf16> -> vector<16xf32>
        %unpack3A_1337 = tpu.unpack_subelements %get3A_1335, 1 {pack_format = #tpu.pack_format<interleaved>} : vector<32xbf16> -> vector<16xf32>
        %mul3A_1338 = arith.mulf %unpack3A_1336, %gather3A_811 : vector<16xf32>
        %add3A_1339 = arith.addf %add3A_1326, %mul3A_1338 : vector<16xf32>
        %mul3A_1340 = arith.mulf %unpack3A_1337, %gather3A_811 : vector<16xf32>
        %add3A_1341 = arith.addf %add3A_1328, %mul3A_1340 : vector<16xf32>
        %mul3A_1342 = arith.constant 10 : i32
        %mul3A_1343 = arith.muli %scan3A_797, %mul3A_1342 : i32
        %add3A_1344 = arith.constant 3 : i32
        %add3A_1345 = arith.addi %mul3A_1343, %add3A_1344 : i32
        %get3A_1346 = arith.index_cast %add3A_1345 : i32 to index
        %get3A_1347 = arith.constant 96 : index
        %get3A_1348 = tpu.vector_load %arg14[%get3A_1346, %get3A_1347] {strides = array<i32>} : memref<160x160xbf16, #tpu.memory_space<vmem>>, vector<32xbf16>,
        %unpack3A_1349 = tpu.unpack_subelements %get3A_1348, 0 {pack_format = #tpu.pack_format<interleaved>} : vector<32xbf16> -> vector<16xf32>
        %unpack3A_1350 = tpu.unpack_subelements %get3A_1348, 1 {pack_format = #tpu.pack_format<interleaved>} : vector<32xbf16> -> vector<16xf32>
        %mul3A_1351 = arith.mulf %unpack3A_1349, %gather3A_815 : vector<16xf32>
        %add3A_1352 = arith.addf %add3A_1339, %mul3A_1351 : vector<16xf32>
        %mul3A_1353 = arith.mulf %unpack3A_1350, %gather3A_815 : vector<16xf32>
        %add3A_1354 = arith.addf %add3A_1341, %mul3A_1353 : vector<16xf32>
        %mul3A_1355 = arith.constant 10 : i32
        %mul3A_1356 = arith.muli %scan3A_797, %mul3A_1355 : i32
        %add3A_1357 = arith.constant 4 : i32
        %add3A_1358 = arith.addi %mul3A_1356, %add3A_1357 : i32
        %get3A_1359 = arith.index_cast %add3A_1358 : i32 to index
        %get3A_1360 = arith.constant 96 : index
        %get3A_1361 = tpu.vector_load %arg14[%get3A_1359, %get3A_1360] {strides = array<i32>} : memref<160x160xbf16, #tpu.memory_space<vmem>>, vector<32xbf16>,
        %unpack3A_1362 = tpu.unpack_subelements %get3A_1361, 0 {pack_format = #tpu.pack_format<interleaved>} : vector<32xbf16> -> vector<16xf32>
        %unpack3A_1363 = tpu.unpack_subelements %get3A_1361, 1 {pack_format = #tpu.pack_format<interleaved>} : vector<32xbf16> -> vector<16xf32>
        %mul3A_1364 = arith.mulf %unpack3A_1362, %gather3A_819 : vector<16xf32>
        %add3A_1365 = arith.addf %add3A_1352, %mul3A_1364 : vector<16xf32>
        %mul3A_1366 = arith.mulf %unpack3A_1363, %gather3A_819 : vector<16xf32>
        %add3A_1367 = arith.addf %add3A_1354, %mul3A_1366 : vector<16xf32>
        %mul3A_1368 = arith.constant 10 : i32
        %mul3A_1369 = arith.muli %scan3A_797, %mul3A_1368 : i32
        %add3A_1370 = arith.constant 5 : i32
        %add3A_1371 = arith.addi %mul3A_1369, %add3A_1370 : i32
        %get3A_1372 = arith.index_cast %add3A_1371 : i32 to index
        %get3A_1373 = arith.constant 96 : index
        %get3A_1374 = tpu.vector_load %arg14[%get3A_1372, %get3A_1373] {strides = array<i32>} : memref<160x160xbf16, #tpu.memory_space<vmem>>, vector<32xbf16>,
        %unpack3A_1375 = tpu.unpack_subelements %get3A_1374, 0 {pack_format = #tpu.pack_format<interleaved>} : vector<32xbf16> -> vector<16xf32>
        %unpack3A_1376 = tpu.unpack_subelements %get3A_1374, 1 {pack_format = #tpu.pack_format<interleaved>} : vector<32xbf16> -> vector<16xf32>
        %mul3A_1377 = arith.mulf %unpack3A_1375, %gather3A_823 : vector<16xf32>
        %add3A_1378 = arith.addf %add3A_1365, %mul3A_1377 : vector<16xf32>
        %mul3A_1379 = arith.mulf %unpack3A_1376, %gather3A_823 : vector<16xf32>
        %add3A_1380 = arith.addf %add3A_1367, %mul3A_1379 : vector<16xf32>
        %mul3A_1381 = arith.constant 10 : i32
        %mul3A_1382 = arith.muli %scan3A_797, %mul3A_1381 : i32
        %add3A_1383 = arith.constant 6 : i32
        %add3A_1384 = arith.addi %mul3A_1382, %add3A_1383 : i32
        %get3A_1385 = arith.index_cast %add3A_1384 : i32 to index
        %get3A_1386 = arith.constant 96 : index
        %get3A_1387 = tpu.vector_load %arg14[%get3A_1385, %get3A_1386] {strides = array<i32>} : memref<160x160xbf16, #tpu.memory_space<vmem>>, vector<32xbf16>,
        %unpack3A_1388 = tpu.unpack_subelements %get3A_1387, 0 {pack_format = #tpu.pack_format<interleaved>} : vector<32xbf16> -> vector<16xf32>
        %unpack3A_1389 = tpu.unpack_subelements %get3A_1387, 1 {pack_format = #tpu.pack_format<interleaved>} : vector<32xbf16> -> vector<16xf32>
        %mul3A_1390 = arith.mulf %unpack3A_1388, %gather3A_827 : vector<16xf32>
        %add3A_1391 = arith.addf %add3A_1378, %mul3A_1390 : vector<16xf32>
        %mul3A_1392 = arith.mulf %unpack3A_1389, %gather3A_827 : vector<16xf32>
        %add3A_1393 = arith.addf %add3A_1380, %mul3A_1392 : vector<16xf32>
        %mul3A_1394 = arith.constant 10 : i32
        %mul3A_1395 = arith.muli %scan3A_797, %mul3A_1394 : i32
        %add3A_1396 = arith.constant 7 : i32
        %add3A_1397 = arith.addi %mul3A_1395, %add3A_1396 : i32
        %get3A_1398 = arith.index_cast %add3A_1397 : i32 to index
        %get3A_1399 = arith.constant 96 : index
        %get3A_1400 = tpu.vector_load %arg14[%get3A_1398, %get3A_1399] {strides = array<i32>} : memref<160x160xbf16, #tpu.memory_space<vmem>>, vector<32xbf16>,
        %unpack3A_1401 = tpu.unpack_subelements %get3A_1400, 0 {pack_format = #tpu.pack_format<interleaved>} : vector<32xbf16> -> vector<16xf32>
        %unpack3A_1402 = tpu.unpack_subelements %get3A_1400, 1 {pack_format = #tpu.pack_format<interleaved>} : vector<32xbf16> -> vector<16xf32>
        %mul3A_1403 = arith.mulf %unpack3A_1401, %gather3A_831 : vector<16xf32>
        %add3A_1404 = arith.addf %add3A_1391, %mul3A_1403 : vector<16xf32>
        %mul3A_1405 = arith.mulf %unpack3A_1402, %gather3A_831 : vector<16xf32>
        %add3A_1406 = arith.addf %add3A_1393, %mul3A_1405 : vector<16xf32>
        %mul3A_1407 = arith.constant 10 : i32
        %mul3A_1408 = arith.muli %scan3A_797, %mul3A_1407 : i32
        %add3A_1409 = arith.constant 8 : i32
        %add3A_1410 = arith.addi %mul3A_1408, %add3A_1409 : i32
        %get3A_1411 = arith.index_cast %add3A_1410 : i32 to index
        %get3A_1412 = arith.constant 96 : index
        %get3A_1413 = tpu.vector_load %arg14[%get3A_1411, %get3A_1412] {strides = array<i32>} : memref<160x160xbf16, #tpu.memory_space<vmem>>, vector<32xbf16>,
        %unpack3A_1414 = tpu.unpack_subelements %get3A_1413, 0 {pack_format = #tpu.pack_format<interleaved>} : vector<32xbf16> -> vector<16xf32>
        %unpack3A_1415 = tpu.unpack_subelements %get3A_1413, 1 {pack_format = #tpu.pack_format<interleaved>} : vector<32xbf16> -> vector<16xf32>
        %mul3A_1416 = arith.mulf %unpack3A_1414, %gather3A_835 : vector<16xf32>
        %add3A_1417 = arith.addf %add3A_1404, %mul3A_1416 : vector<16xf32>
        %mul3A_1418 = arith.mulf %unpack3A_1415, %gather3A_835 : vector<16xf32>
        %add3A_1419 = arith.addf %add3A_1406, %mul3A_1418 : vector<16xf32>
        %mul3A_1420 = arith.constant 10 : i32
        %mul3A_1421 = arith.muli %scan3A_797, %mul3A_1420 : i32
        %add3A_1422 = arith.constant 9 : i32
        %add3A_1423 = arith.addi %mul3A_1421, %add3A_1422 : i32
        %get3A_1424 = arith.index_cast %add3A_1423 : i32 to index
        %get3A_1425 = arith.constant 96 : index
        %get3A_1426 = tpu.vector_load %arg14[%get3A_1424, %get3A_1425] {strides = array<i32>} : memref<160x160xbf16, #tpu.memory_space<vmem>>, vector<32xbf16>,
        %unpack3A_1427 = tpu.unpack_subelements %get3A_1426, 0 {pack_format = #tpu.pack_format<interleaved>} : vector<32xbf16> -> vector<16xf32>
        %unpack3A_1428 = tpu.unpack_subelements %get3A_1426, 1 {pack_format = #tpu.pack_format<interleaved>} : vector<32xbf16> -> vector<16xf32>
        %mul3A_1429 = arith.mulf %unpack3A_1427, %gather3A_839 : vector<16xf32>
        %add3A_1430 = arith.addf %add3A_1417, %mul3A_1429 : vector<16xf32>
        %mul3A_1431 = arith.mulf %unpack3A_1428, %gather3A_839 : vector<16xf32>
        %add3A_1432 = arith.addf %add3A_1419, %mul3A_1431 : vector<16xf32>
        %swap3A_1433 = arith.index_cast %scan3A_797 : i32 to index
        %swap3A_1434 = arith.constant 96 : index
        %swap3A_1435 = tpu.vector_load %arg17[%swap3A_1433, %swap3A_1434] {strides = array<i32>} : memref<16x160xf32, #tpu.memory_space<vmem>>, vector<16xf32>,
        tpu.vector_store %arg17[%swap3A_1433, %swap3A_1434], %add3A_1430 {strides = array<i32>} : memref<16x160xf32, #tpu.memory_space<vmem>>, vector<16xf32>,
        %swap3A_1436 = arith.index_cast %scan3A_797 : i32 to index
        %swap3A_1437 = arith.constant 112 : index
        %swap3A_1438 = tpu.vector_load %arg17[%swap3A_1436, %swap3A_1437] {strides = array<i32>} : memref<16x160xf32, #tpu.memory_space<vmem>>, vector<16xf32>,
        tpu.vector_store %arg17[%swap3A_1436, %swap3A_1437], %add3A_1432 {strides = array<i32>} : memref<16x160xf32, #tpu.memory_space<vmem>>, vector<16xf32>,
        %get3A_1439 = arith.index_cast %scan3A_797 : i32 to index
        %get3A_1440 = arith.constant 128 : index
        %get3A_1441 = tpu.vector_load %arg15[%get3A_1439, %get3A_1440] {strides = array<i32>} : memref<16x176xf32, #tpu.memory_space<vmem>>, vector<16xf32>,
        %get3A_1442 = arith.index_cast %scan3A_797 : i32 to index
        %get3A_1443 = arith.constant 128 : index
        %get3A_1444 = tpu.vector_load %arg16[%get3A_1442, %get3A_1443] {strides = array<i32>} : memref<16x160xf32, #tpu.memory_space<vmem>>, vector<16xf32>,
        %add3A_1445 = arith.addf %get3A_1441, %get3A_1444 : vector<16xf32>
        %get3A_1446 = arith.index_cast %scan3A_797 : i32 to index
        %get3A_1447 = arith.constant 144 : index
        %get3A_1448 = tpu.vector_load %arg15[%get3A_1446, %get3A_1447] {strides = array<i32>} : memref<16x176xf32, #tpu.memory_space<vmem>>, vector<16xf32>,
        %get3A_1449 = arith.index_cast %scan3A_797 : i32 to index
        %get3A_1450 = arith.constant 144 : index
        %get3A_1451 = tpu.vector_load %arg16[%get3A_1449, %get3A_1450] {strides = array<i32>} : memref<16x160xf32, #tpu.memory_space<vmem>>, vector<16xf32>,
        %add3A_1452 = arith.addf %get3A_1448, %get3A_1451 : vector<16xf32>
        %mul3A_1453 = arith.constant 10 : i32
        %mul3A_1454 = arith.muli %scan3A_797, %mul3A_1453 : i32
        %add3A_1455 = arith.constant 0 : i32
        %add3A_1456 = arith.addi %mul3A_1454, %add3A_1455 : i32
        %get3A_1457 = arith.index_cast %add3A_1456 : i32 to index
        %get3A_1458 = arith.constant 128 : index
        %get3A_1459 = tpu.vector_load %arg14[%get3A_1457, %get3A_1458] {strides = array<i32>} : memref<160x160xbf16, #tpu.memory_space<vmem>>, vector<32xbf16>,
        %unpack3A_1460 = tpu.unpack_subelements %get3A_1459, 0 {pack_format = #tpu.pack_format<interleaved>} : vector<32xbf16> -> vector<16xf32>
        %unpack3A_1461 = tpu.unpack_subelements %get3A_1459, 1 {pack_format = #tpu.pack_format<interleaved>} : vector<32xbf16> -> vector<16xf32>
        %mul3A_1462 = arith.mulf %unpack3A_1460, %gather3A_803 : vector<16xf32>
        %add3A_1463 = arith.addf %add3A_1445, %mul3A_1462 : vector<16xf32>
        %mul3A_1464 = arith.mulf %unpack3A_1461, %gather3A_803 : vector<16xf32>
        %add3A_1465 = arith.addf %add3A_1452, %mul3A_1464 : vector<16xf32>
        %mul3A_1466 = arith.constant 10 : i32
        %mul3A_1467 = arith.muli %scan3A_797, %mul3A_1466 : i32
        %add3A_1468 = arith.constant 1 : i32
        %add3A_1469 = arith.addi %mul3A_1467, %add3A_1468 : i32
        %get3A_1470 = arith.index_cast %add3A_1469 : i32 to index
        %get3A_1471 = arith.constant 128 : index
        %get3A_1472 = tpu.vector_load %arg14[%get3A_1470, %get3A_1471] {strides = array<i32>} : memref<160x160xbf16, #tpu.memory_space<vmem>>, vector<32xbf16>,
        %unpack3A_1473 = tpu.unpack_subelements %get3A_1472, 0 {pack_format = #tpu.pack_format<interleaved>} : vector<32xbf16> -> vector<16xf32>
        %unpack3A_1474 = tpu.unpack_subelements %get3A_1472, 1 {pack_format = #tpu.pack_format<interleaved>} : vector<32xbf16> -> vector<16xf32>
        %mul3A_1475 = arith.mulf %unpack3A_1473, %gather3A_807 : vector<16xf32>
        %add3A_1476 = arith.addf %add3A_1463, %mul3A_1475 : vector<16xf32>
        %mul3A_1477 = arith.mulf %unpack3A_1474, %gather3A_807 : vector<16xf32>
        %add3A_1478 = arith.addf %add3A_1465, %mul3A_1477 : vector<16xf32>
        %mul3A_1479 = arith.constant 10 : i32
        %mul3A_1480 = arith.muli %scan3A_797, %mul3A_1479 : i32
        %add3A_1481 = arith.constant 2 : i32
        %add3A_1482 = arith.addi %mul3A_1480, %add3A_1481 : i32
        %get3A_1483 = arith.index_cast %add3A_1482 : i32 to index
        %get3A_1484 = arith.constant 128 : index
        %get3A_1485 = tpu.vector_load %arg14[%get3A_1483, %get3A_1484] {strides = array<i32>} : memref<160x160xbf16, #tpu.memory_space<vmem>>, vector<32xbf16>,
        %unpack3A_1486 = tpu.unpack_subelements %get3A_1485, 0 {pack_format = #tpu.pack_format<interleaved>} : vector<32xbf16> -> vector<16xf32>
        %unpack3A_1487 = tpu.unpack_subelements %get3A_1485, 1 {pack_format = #tpu.pack_format<interleaved>} : vector<32xbf16> -> vector<16xf32>
        %mul3A_1488 = arith.mulf %unpack3A_1486, %gather3A_811 : vector<16xf32>
        %add3A_1489 = arith.addf %add3A_1476, %mul3A_1488 : vector<16xf32>
        %mul3A_1490 = arith.mulf %unpack3A_1487, %gather3A_811 : vector<16xf32>
        %add3A_1491 = arith.addf %add3A_1478, %mul3A_1490 : vector<16xf32>
        %mul3A_1492 = arith.constant 10 : i32
        %mul3A_1493 = arith.muli %scan3A_797, %mul3A_1492 : i32
        %add3A_1494 = arith.constant 3 : i32
        %add3A_1495 = arith.addi %mul3A_1493, %add3A_1494 : i32
        %get3A_1496 = arith.index_cast %add3A_1495 : i32 to index
        %get3A_1497 = arith.constant 128 : index
        %get3A_1498 = tpu.vector_load %arg14[%get3A_1496, %get3A_1497] {strides = array<i32>} : memref<160x160xbf16, #tpu.memory_space<vmem>>, vector<32xbf16>,
        %unpack3A_1499 = tpu.unpack_subelements %get3A_1498, 0 {pack_format = #tpu.pack_format<interleaved>} : vector<32xbf16> -> vector<16xf32>
        %unpack3A_1500 = tpu.unpack_subelements %get3A_1498, 1 {pack_format = #tpu.pack_format<interleaved>} : vector<32xbf16> -> vector<16xf32>
        %mul3A_1501 = arith.mulf %unpack3A_1499, %gather3A_815 : vector<16xf32>
        %add3A_1502 = arith.addf %add3A_1489, %mul3A_1501 : vector<16xf32>
        %mul3A_1503 = arith.mulf %unpack3A_1500, %gather3A_815 : vector<16xf32>
        %add3A_1504 = arith.addf %add3A_1491, %mul3A_1503 : vector<16xf32>
        %mul3A_1505 = arith.constant 10 : i32
        %mul3A_1506 = arith.muli %scan3A_797, %mul3A_1505 : i32
        %add3A_1507 = arith.constant 4 : i32
        %add3A_1508 = arith.addi %mul3A_1506, %add3A_1507 : i32
        %get3A_1509 = arith.index_cast %add3A_1508 : i32 to index
        %get3A_1510 = arith.constant 128 : index
        %get3A_1511 = tpu.vector_load %arg14[%get3A_1509, %get3A_1510] {strides = array<i32>} : memref<160x160xbf16, #tpu.memory_space<vmem>>, vector<32xbf16>,
        %unpack3A_1512 = tpu.unpack_subelements %get3A_1511, 0 {pack_format = #tpu.pack_format<interleaved>} : vector<32xbf16> -> vector<16xf32>
        %unpack3A_1513 = tpu.unpack_subelements %get3A_1511, 1 {pack_format = #tpu.pack_format<interleaved>} : vector<32xbf16> -> vector<16xf32>
        %mul3A_1514 = arith.mulf %unpack3A_1512, %gather3A_819 : vector<16xf32>
        %add3A_1515 = arith.addf %add3A_1502, %mul3A_1514 : vector<16xf32>
        %mul3A_1516 = arith.mulf %unpack3A_1513, %gather3A_819 : vector<16xf32>
        %add3A_1517 = arith.addf %add3A_1504, %mul3A_1516 : vector<16xf32>
        %mul3A_1518 = arith.constant 10 : i32
        %mul3A_1519 = arith.muli %scan3A_797, %mul3A_1518 : i32
        %add3A_1520 = arith.constant 5 : i32
        %add3A_1521 = arith.addi %mul3A_1519, %add3A_1520 : i32
        %get3A_1522 = arith.index_cast %add3A_1521 : i32 to index
        %get3A_1523 = arith.constant 128 : index
        %get3A_1524 = tpu.vector_load %arg14[%get3A_1522, %get3A_1523] {strides = array<i32>} : memref<160x160xbf16, #tpu.memory_space<vmem>>, vector<32xbf16>,
        %unpack3A_1525 = tpu.unpack_subelements %get3A_1524, 0 {pack_format = #tpu.pack_format<interleaved>} : vector<32xbf16> -> vector<16xf32>
        %unpack3A_1526 = tpu.unpack_subelements %get3A_1524, 1 {pack_format = #tpu.pack_format<interleaved>} : vector<32xbf16> -> vector<16xf32>
        %mul3A_1527 = arith.mulf %unpack3A_1525, %gather3A_823 : vector<16xf32>
        %add3A_1528 = arith.addf %add3A_1515, %mul3A_1527 : vector<16xf32>
        %mul3A_1529 = arith.mulf %unpack3A_1526, %gather3A_823 : vector<16xf32>
        %add3A_1530 = arith.addf %add3A_1517, %mul3A_1529 : vector<16xf32>
        %mul3A_1531 = arith.constant 10 : i32
        %mul3A_1532 = arith.muli %scan3A_797, %mul3A_1531 : i32
        %add3A_1533 = arith.constant 6 : i32
        %add3A_1534 = arith.addi %mul3A_1532, %add3A_1533 : i32
        %get3A_1535 = arith.index_cast %add3A_1534 : i32 to index
        %get3A_1536 = arith.constant 128 : index
        %get3A_1537 = tpu.vector_load %arg14[%get3A_1535, %get3A_1536] {strides = array<i32>} : memref<160x160xbf16, #tpu.memory_space<vmem>>, vector<32xbf16>,
        %unpack3A_1538 = tpu.unpack_subelements %get3A_1537, 0 {pack_format = #tpu.pack_format<interleaved>} : vector<32xbf16> -> vector<16xf32>
        %unpack3A_1539 = tpu.unpack_subelements %get3A_1537, 1 {pack_format = #tpu.pack_format<interleaved>} : vector<32xbf16> -> vector<16xf32>
        %mul3A_1540 = arith.mulf %unpack3A_1538, %gather3A_827 : vector<16xf32>
        %add3A_1541 = arith.addf %add3A_1528, %mul3A_1540 : vector<16xf32>
        %mul3A_1542 = arith.mulf %unpack3A_1539, %gather3A_827 : vector<16xf32>
        %add3A_1543 = arith.addf %add3A_1530, %mul3A_1542 : vector<16xf32>
        %mul3A_1544 = arith.constant 10 : i32
        %mul3A_1545 = arith.muli %scan3A_797, %mul3A_1544 : i32
        %add3A_1546 = arith.constant 7 : i32
        %add3A_1547 = arith.addi %mul3A_1545, %add3A_1546 : i32
        %get3A_1548 = arith.index_cast %add3A_1547 : i32 to index
        %get3A_1549 = arith.constant 128 : index
        %get3A_1550 = tpu.vector_load %arg14[%get3A_1548, %get3A_1549] {strides = array<i32>} : memref<160x160xbf16, #tpu.memory_space<vmem>>, vector<32xbf16>,
        %unpack3A_1551 = tpu.unpack_subelements %get3A_1550, 0 {pack_format = #tpu.pack_format<interleaved>} : vector<32xbf16> -> vector<16xf32>
        %unpack3A_1552 = tpu.unpack_subelements %get3A_1550, 1 {pack_format = #tpu.pack_format<interleaved>} : vector<32xbf16> -> vector<16xf32>
        %mul3A_1553 = arith.mulf %unpack3A_1551, %gather3A_831 : vector<16xf32>
        %add3A_1554 = arith.addf %add3A_1541, %mul3A_1553 : vector<16xf32>
        %mul3A_1555 = arith.mulf %unpack3A_1552, %gather3A_831 : vector<16xf32>
        %add3A_1556 = arith.addf %add3A_1543, %mul3A_1555 : vector<16xf32>
        %mul3A_1557 = arith.constant 10 : i32
        %mul3A_1558 = arith.muli %scan3A_797, %mul3A_1557 : i32
        %add3A_1559 = arith.constant 8 : i32
        %add3A_1560 = arith.addi %mul3A_1558, %add3A_1559 : i32
        %get3A_1561 = arith.index_cast %add3A_1560 : i32 to index
        %get3A_1562 = arith.constant 128 : index
        %get3A_1563 = tpu.vector_load %arg14[%get3A_1561, %get3A_1562] {strides = array<i32>} : memref<160x160xbf16, #tpu.memory_space<vmem>>, vector<32xbf16>,
        %unpack3A_1564 = tpu.unpack_subelements %get3A_1563, 0 {pack_format = #tpu.pack_format<interleaved>} : vector<32xbf16> -> vector<16xf32>
        %unpack3A_1565 = tpu.unpack_subelements %get3A_1563, 1 {pack_format = #tpu.pack_format<interleaved>} : vector<32xbf16> -> vector<16xf32>
        %mul3A_1566 = arith.mulf %unpack3A_1564, %gather3A_835 : vector<16xf32>
        %add3A_1567 = arith.addf %add3A_1554, %mul3A_1566 : vector<16xf32>
        %mul3A_1568 = arith.mulf %unpack3A_1565, %gather3A_835 : vector<16xf32>
        %add3A_1569 = arith.addf %add3A_1556, %mul3A_1568 : vector<16xf32>
        %mul3A_1570 = arith.constant 10 : i32
        %mul3A_1571 = arith.muli %scan3A_797, %mul3A_1570 : i32
        %add3A_1572 = arith.constant 9 : i32
        %add3A_1573 = arith.addi %mul3A_1571, %add3A_1572 : i32
        %get3A_1574 = arith.index_cast %add3A_1573 : i32 to index
        %get3A_1575 = arith.constant 128 : index
        %get3A_1576 = tpu.vector_load %arg14[%get3A_1574, %get3A_1575] {strides = array<i32>} : memref<160x160xbf16, #tpu.memory_space<vmem>>, vector<32xbf16>,
        %unpack3A_1577 = tpu.unpack_subelements %get3A_1576, 0 {pack_format = #tpu.pack_format<interleaved>} : vector<32xbf16> -> vector<16xf32>
        %unpack3A_1578 = tpu.unpack_subelements %get3A_1576, 1 {pack_format = #tpu.pack_format<interleaved>} : vector<32xbf16> -> vector<16xf32>
        %mul3A_1579 = arith.mulf %unpack3A_1577, %gather3A_839 : vector<16xf32>
        %add3A_1580 = arith.addf %add3A_1567, %mul3A_1579 : vector<16xf32>
        %mul3A_1581 = arith.mulf %unpack3A_1578, %gather3A_839 : vector<16xf32>
        %add3A_1582 = arith.addf %add3A_1569, %mul3A_1581 : vector<16xf32>
        %swap3A_1583 = arith.index_cast %scan3A_797 : i32 to index
        %swap3A_1584 = arith.constant 128 : index
        %swap3A_1585 = tpu.vector_load %arg17[%swap3A_1583, %swap3A_1584] {strides = array<i32>} : memref<16x160xf32, #tpu.memory_space<vmem>>, vector<16xf32>,
        tpu.vector_store %arg17[%swap3A_1583, %swap3A_1584], %add3A_1580 {strides = array<i32>} : memref<16x160xf32, #tpu.memory_space<vmem>>, vector<16xf32>,
        %swap3A_1586 = arith.index_cast %scan3A_797 : i32 to index
        %swap3A_1587 = arith.constant 144 : index
        %swap3A_1588 = tpu.vector_load %arg17[%swap3A_1586, %swap3A_1587] {strides = array<i32>} : memref<16x160xf32, #tpu.memory_space<vmem>>, vector<16xf32>,
        tpu.vector_store %arg17[%swap3A_1586, %swap3A_1587], %add3A_1582 {strides = array<i32>} : memref<16x160xf32, #tpu.memory_space<vmem>>, vector<16xf32>,
        %scan3A_1589 = arith.constant 1 : i32
        %scan3A_1590 = arith.addi %scan3A_797, %scan3A_1589 : i32
        %add3A_1591 = vector.broadcast %scan3A_1590 : i32 to vector<16xi32>
        %add3A_1592 = arith.addi %mul3A_5, %add3A_1591 : vector<16xi32>
        %add3A_1593 = arith.constant 0 : i32
        %add3A_1594 = vector.broadcast %add3A_1593 : i32 to vector<16xi32>
        %add3A_1595 = arith.addi %mul3A_5, %add3A_1594 : vector<16xi32>
        %gather3A_1596 = tpu.vector_load_idx %arg26[%add3A_1595, %add3A_1592] : memref<10x16xf32, #tpu.memory_space<vmem>>[vector<16xi32>, vector<16xi32>], vector<16xf32>,
        %add3A_1597 = arith.constant 1 : i32
        %add3A_1598 = vector.broadcast %add3A_1597 : i32 to vector<16xi32>
        %add3A_1599 = arith.addi %mul3A_5, %add3A_1598 : vector<16xi32>
        %gather3A_1600 = tpu.vector_load_idx %arg26[%add3A_1599, %add3A_1592] : memref<10x16xf32, #tpu.memory_space<vmem>>[vector<16xi32>, vector<16xi32>], vector<16xf32>,
        %add3A_1601 = arith.constant 2 : i32
        %add3A_1602 = vector.broadcast %add3A_1601 : i32 to vector<16xi32>
        %add3A_1603 = arith.addi %mul3A_5, %add3A_1602 : vector<16xi32>
        %gather3A_1604 = tpu.vector_load_idx %arg26[%add3A_1603, %add3A_1592] : memref<10x16xf32, #tpu.memory_space<vmem>>[vector<16xi32>, vector<16xi32>], vector<16xf32>,
        %add3A_1605 = arith.constant 3 : i32
        %add3A_1606 = vector.broadcast %add3A_1605 : i32 to vector<16xi32>
        %add3A_1607 = arith.addi %mul3A_5, %add3A_1606 : vector<16xi32>
        %gather3A_1608 = tpu.vector_load_idx %arg26[%add3A_1607, %add3A_1592] : memref<10x16xf32, #tpu.memory_space<vmem>>[vector<16xi32>, vector<16xi32>], vector<16xf32>,
        %add3A_1609 = arith.constant 4 : i32
        %add3A_1610 = vector.broadcast %add3A_1609 : i32 to vector<16xi32>
        %add3A_1611 = arith.addi %mul3A_5, %add3A_1610 : vector<16xi32>
        %gather3A_1612 = tpu.vector_load_idx %arg26[%add3A_1611, %add3A_1592] : memref<10x16xf32, #tpu.memory_space<vmem>>[vector<16xi32>, vector<16xi32>], vector<16xf32>,
        %add3A_1613 = arith.constant 5 : i32
        %add3A_1614 = vector.broadcast %add3A_1613 : i32 to vector<16xi32>
        %add3A_1615 = arith.addi %mul3A_5, %add3A_1614 : vector<16xi32>
        %gather3A_1616 = tpu.vector_load_idx %arg26[%add3A_1615, %add3A_1592] : memref<10x16xf32, #tpu.memory_space<vmem>>[vector<16xi32>, vector<16xi32>], vector<16xf32>,
        %add3A_1617 = arith.constant 6 : i32
        %add3A_1618 = vector.broadcast %add3A_1617 : i32 to vector<16xi32>
        %add3A_1619 = arith.addi %mul3A_5, %add3A_1618 : vector<16xi32>
        %gather3A_1620 = tpu.vector_load_idx %arg26[%add3A_1619, %add3A_1592] : memref<10x16xf32, #tpu.memory_space<vmem>>[vector<16xi32>, vector<16xi32>], vector<16xf32>,
        %add3A_1621 = arith.constant 7 : i32
        %add3A_1622 = vector.broadcast %add3A_1621 : i32 to vector<16xi32>
        %add3A_1623 = arith.addi %mul3A_5, %add3A_1622 : vector<16xi32>
        %gather3A_1624 = tpu.vector_load_idx %arg26[%add3A_1623, %add3A_1592] : memref<10x16xf32, #tpu.memory_space<vmem>>[vector<16xi32>, vector<16xi32>], vector<16xf32>,
        %add3A_1625 = arith.constant 8 : i32
        %add3A_1626 = vector.broadcast %add3A_1625 : i32 to vector<16xi32>
        %add3A_1627 = arith.addi %mul3A_5, %add3A_1626 : vector<16xi32>
        %gather3A_1628 = tpu.vector_load_idx %arg26[%add3A_1627, %add3A_1592] : memref<10x16xf32, #tpu.memory_space<vmem>>[vector<16xi32>, vector<16xi32>], vector<16xf32>,
        %add3A_1629 = arith.constant 9 : i32
        %add3A_1630 = vector.broadcast %add3A_1629 : i32 to vector<16xi32>
        %add3A_1631 = arith.addi %mul3A_5, %add3A_1630 : vector<16xi32>
        %gather3A_1632 = tpu.vector_load_idx %arg26[%add3A_1631, %add3A_1592] : memref<10x16xf32, #tpu.memory_space<vmem>>[vector<16xi32>, vector<16xi32>], vector<16xf32>,
        %get3A_1633 = arith.index_cast %scan3A_1590 : i32 to index
        %get3A_1634 = arith.constant 0 : index
        %get3A_1635 = tpu.vector_load %arg15[%get3A_1633, %get3A_1634] {strides = array<i32>} : memref<16x176xf32, #tpu.memory_space<vmem>>, vector<16xf32>,
        %get3A_1636 = arith.index_cast %scan3A_1590 : i32 to index
        %get3A_1637 = arith.constant 0 : index
        %get3A_1638 = tpu.vector_load %arg16[%get3A_1636, %get3A_1637] {strides = array<i32>} : memref<16x160xf32, #tpu.memory_space<vmem>>, vector<16xf32>,
        %add3A_1639 = arith.addf %get3A_1635, %get3A_1638 : vector<16xf32>
        %get3A_1640 = arith.index_cast %scan3A_1590 : i32 to index
        %get3A_1641 = arith.constant 16 : index
        %get3A_1642 = tpu.vector_load %arg15[%get3A_1640, %get3A_1641] {strides = array<i32>} : memref<16x176xf32, #tpu.memory_space<vmem>>, vector<16xf32>,
        %get3A_1643 = arith.index_cast %scan3A_1590 : i32 to index
        %get3A_1644 = arith.constant 16 : index
        %get3A_1645 = tpu.vector_load %arg16[%get3A_1643, %get3A_1644] {strides = array<i32>} : memref<16x160xf32, #tpu.memory_space<vmem>>, vector<16xf32>,
        %add3A_1646 = arith.addf %get3A_1642, %get3A_1645 : vector<16xf32>
        %mul3A_1647 = arith.constant 10 : i32
        %mul3A_1648 = arith.muli %scan3A_1590, %mul3A_1647 : i32
        %add3A_1649 = arith.constant 0 : i32
        %add3A_1650 = arith.addi %mul3A_1648, %add3A_1649 : i32
        %get3A_1651 = arith.index_cast %add3A_1650 : i32 to index
        %get3A_1652 = arith.constant 0 : index
        %get3A_1653 = tpu.vector_load %arg14[%get3A_1651, %get3A_1652] {strides = array<i32>} : memref<160x160xbf16, #tpu.memory_space<vmem>>, vector<32xbf16>,
        %unpack3A_1654 = tpu.unpack_subelements %get3A_1653, 0 {pack_format = #tpu.pack_format<interleaved>} : vector<32xbf16> -> vector<16xf32>
        %unpack3A_1655 = tpu.unpack_subelements %get3A_1653, 1 {pack_format = #tpu.pack_format<interleaved>} : vector<32xbf16> -> vector<16xf32>
        %mul3A_1656 = arith.mulf %unpack3A_1654, %gather3A_1596 : vector<16xf32>
        %add3A_1657 = arith.addf %add3A_1639, %mul3A_1656 : vector<16xf32>
        %mul3A_1658 = arith.mulf %unpack3A_1655, %gather3A_1596 : vector<16xf32>
        %add3A_1659 = arith.addf %add3A_1646, %mul3A_1658 : vector<16xf32>
        %mul3A_1660 = arith.constant 10 : i32
        %mul3A_1661 = arith.muli %scan3A_1590, %mul3A_1660 : i32
        %add3A_1662 = arith.constant 1 : i32
        %add3A_1663 = arith.addi %mul3A_1661, %add3A_1662 : i32
        %get3A_1664 = arith.index_cast %add3A_1663 : i32 to index
        %get3A_1665 = arith.constant 0 : index
        %get3A_1666 = tpu.vector_load %arg14[%get3A_1664, %get3A_1665] {strides = array<i32>} : memref<160x160xbf16, #tpu.memory_space<vmem>>, vector<32xbf16>,
        %unpack3A_1667 = tpu.unpack_subelements %get3A_1666, 0 {pack_format = #tpu.pack_format<interleaved>} : vector<32xbf16> -> vector<16xf32>
        %unpack3A_1668 = tpu.unpack_subelements %get3A_1666, 1 {pack_format = #tpu.pack_format<interleaved>} : vector<32xbf16> -> vector<16xf32>
        %mul3A_1669 = arith.mulf %unpack3A_1667, %gather3A_1600 : vector<16xf32>
        %add3A_1670 = arith.addf %add3A_1657, %mul3A_1669 : vector<16xf32>
        %mul3A_1671 = arith.mulf %unpack3A_1668, %gather3A_1600 : vector<16xf32>
        %add3A_1672 = arith.addf %add3A_1659, %mul3A_1671 : vector<16xf32>
        %mul3A_1673 = arith.constant 10 : i32
        %mul3A_1674 = arith.muli %scan3A_1590, %mul3A_1673 : i32
        %add3A_1675 = arith.constant 2 : i32
        %add3A_1676 = arith.addi %mul3A_1674, %add3A_1675 : i32
        %get3A_1677 = arith.index_cast %add3A_1676 : i32 to index
        %get3A_1678 = arith.constant 0 : index
        %get3A_1679 = tpu.vector_load %arg14[%get3A_1677, %get3A_1678] {strides = array<i32>} : memref<160x160xbf16, #tpu.memory_space<vmem>>, vector<32xbf16>,
        %unpack3A_1680 = tpu.unpack_subelements %get3A_1679, 0 {pack_format = #tpu.pack_format<interleaved>} : vector<32xbf16> -> vector<16xf32>
        %unpack3A_1681 = tpu.unpack_subelements %get3A_1679, 1 {pack_format = #tpu.pack_format<interleaved>} : vector<32xbf16> -> vector<16xf32>
        %mul3A_1682 = arith.mulf %unpack3A_1680, %gather3A_1604 : vector<16xf32>
        %add3A_1683 = arith.addf %add3A_1670, %mul3A_1682 : vector<16xf32>
        %mul3A_1684 = arith.mulf %unpack3A_1681, %gather3A_1604 : vector<16xf32>
        %add3A_1685 = arith.addf %add3A_1672, %mul3A_1684 : vector<16xf32>
        %mul3A_1686 = arith.constant 10 : i32
        %mul3A_1687 = arith.muli %scan3A_1590, %mul3A_1686 : i32
        %add3A_1688 = arith.constant 3 : i32
        %add3A_1689 = arith.addi %mul3A_1687, %add3A_1688 : i32
        %get3A_1690 = arith.index_cast %add3A_1689 : i32 to index
        %get3A_1691 = arith.constant 0 : index
        %get3A_1692 = tpu.vector_load %arg14[%get3A_1690, %get3A_1691] {strides = array<i32>} : memref<160x160xbf16, #tpu.memory_space<vmem>>, vector<32xbf16>,
        %unpack3A_1693 = tpu.unpack_subelements %get3A_1692, 0 {pack_format = #tpu.pack_format<interleaved>} : vector<32xbf16> -> vector<16xf32>
        %unpack3A_1694 = tpu.unpack_subelements %get3A_1692, 1 {pack_format = #tpu.pack_format<interleaved>} : vector<32xbf16> -> vector<16xf32>
        %mul3A_1695 = arith.mulf %unpack3A_1693, %gather3A_1608 : vector<16xf32>
        %add3A_1696 = arith.addf %add3A_1683, %mul3A_1695 : vector<16xf32>
        %mul3A_1697 = arith.mulf %unpack3A_1694, %gather3A_1608 : vector<16xf32>
        %add3A_1698 = arith.addf %add3A_1685, %mul3A_1697 : vector<16xf32>
        %mul3A_1699 = arith.constant 10 : i32
        %mul3A_1700 = arith.muli %scan3A_1590, %mul3A_1699 : i32
        %add3A_1701 = arith.constant 4 : i32
        %add3A_1702 = arith.addi %mul3A_1700, %add3A_1701 : i32
        %get3A_1703 = arith.index_cast %add3A_1702 : i32 to index
        %get3A_1704 = arith.constant 0 : index
        %get3A_1705 = tpu.vector_load %arg14[%get3A_1703, %get3A_1704] {strides = array<i32>} : memref<160x160xbf16, #tpu.memory_space<vmem>>, vector<32xbf16>,
        %unpack3A_1706 = tpu.unpack_subelements %get3A_1705, 0 {pack_format = #tpu.pack_format<interleaved>} : vector<32xbf16> -> vector<16xf32>
        %unpack3A_1707 = tpu.unpack_subelements %get3A_1705, 1 {pack_format = #tpu.pack_format<interleaved>} : vector<32xbf16> -> vector<16xf32>
        %mul3A_1708 = arith.mulf %unpack3A_1706, %gather3A_1612 : vector<16xf32>
        %add3A_1709 = arith.addf %add3A_1696, %mul3A_1708 : vector<16xf32>
        %mul3A_1710 = arith.mulf %unpack3A_1707, %gather3A_1612 : vector<16xf32>
        %add3A_1711 = arith.addf %add3A_1698, %mul3A_1710 : vector<16xf32>
        %mul3A_1712 = arith.constant 10 : i32
        %mul3A_1713 = arith.muli %scan3A_1590, %mul3A_1712 : i32
        %add3A_1714 = arith.constant 5 : i32
        %add3A_1715 = arith.addi %mul3A_1713, %add3A_1714 : i32
        %get3A_1716 = arith.index_cast %add3A_1715 : i32 to index
        %get3A_1717 = arith.constant 0 : index
        %get3A_1718 = tpu.vector_load %arg14[%get3A_1716, %get3A_1717] {strides = array<i32>} : memref<160x160xbf16, #tpu.memory_space<vmem>>, vector<32xbf16>,
        %unpack3A_1719 = tpu.unpack_subelements %get3A_1718, 0 {pack_format = #tpu.pack_format<interleaved>} : vector<32xbf16> -> vector<16xf32>
        %unpack3A_1720 = tpu.unpack_subelements %get3A_1718, 1 {pack_format = #tpu.pack_format<interleaved>} : vector<32xbf16> -> vector<16xf32>
        %mul3A_1721 = arith.mulf %unpack3A_1719, %gather3A_1616 : vector<16xf32>
        %add3A_1722 = arith.addf %add3A_1709, %mul3A_1721 : vector<16xf32>
        %mul3A_1723 = arith.mulf %unpack3A_1720, %gather3A_1616 : vector<16xf32>
        %add3A_1724 = arith.addf %add3A_1711, %mul3A_1723 : vector<16xf32>
        %mul3A_1725 = arith.constant 10 : i32
        %mul3A_1726 = arith.muli %scan3A_1590, %mul3A_1725 : i32
        %add3A_1727 = arith.constant 6 : i32
        %add3A_1728 = arith.addi %mul3A_1726, %add3A_1727 : i32
        %get3A_1729 = arith.index_cast %add3A_1728 : i32 to index
        %get3A_1730 = arith.constant 0 : index
        %get3A_1731 = tpu.vector_load %arg14[%get3A_1729, %get3A_1730] {strides = array<i32>} : memref<160x160xbf16, #tpu.memory_space<vmem>>, vector<32xbf16>,
        %unpack3A_1732 = tpu.unpack_subelements %get3A_1731, 0 {pack_format = #tpu.pack_format<interleaved>} : vector<32xbf16> -> vector<16xf32>
        %unpack3A_1733 = tpu.unpack_subelements %get3A_1731, 1 {pack_format = #tpu.pack_format<interleaved>} : vector<32xbf16> -> vector<16xf32>
        %mul3A_1734 = arith.mulf %unpack3A_1732, %gather3A_1620 : vector<16xf32>
        %add3A_1735 = arith.addf %add3A_1722, %mul3A_1734 : vector<16xf32>
        %mul3A_1736 = arith.mulf %unpack3A_1733, %gather3A_1620 : vector<16xf32>
        %add3A_1737 = arith.addf %add3A_1724, %mul3A_1736 : vector<16xf32>
        %mul3A_1738 = arith.constant 10 : i32
        %mul3A_1739 = arith.muli %scan3A_1590, %mul3A_1738 : i32
        %add3A_1740 = arith.constant 7 : i32
        %add3A_1741 = arith.addi %mul3A_1739, %add3A_1740 : i32
        %get3A_1742 = arith.index_cast %add3A_1741 : i32 to index
        %get3A_1743 = arith.constant 0 : index
        %get3A_1744 = tpu.vector_load %arg14[%get3A_1742, %get3A_1743] {strides = array<i32>} : memref<160x160xbf16, #tpu.memory_space<vmem>>, vector<32xbf16>,
        %unpack3A_1745 = tpu.unpack_subelements %get3A_1744, 0 {pack_format = #tpu.pack_format<interleaved>} : vector<32xbf16> -> vector<16xf32>
        %unpack3A_1746 = tpu.unpack_subelements %get3A_1744, 1 {pack_format = #tpu.pack_format<interleaved>} : vector<32xbf16> -> vector<16xf32>
        %mul3A_1747 = arith.mulf %unpack3A_1745, %gather3A_1624 : vector<16xf32>
        %add3A_1748 = arith.addf %add3A_1735, %mul3A_1747 : vector<16xf32>
        %mul3A_1749 = arith.mulf %unpack3A_1746, %gather3A_1624 : vector<16xf32>
        %add3A_1750 = arith.addf %add3A_1737, %mul3A_1749 : vector<16xf32>
        %mul3A_1751 = arith.constant 10 : i32
        %mul3A_1752 = arith.muli %scan3A_1590, %mul3A_1751 : i32
        %add3A_1753 = arith.constant 8 : i32
        %add3A_1754 = arith.addi %mul3A_1752, %add3A_1753 : i32
        %get3A_1755 = arith.index_cast %add3A_1754 : i32 to index
        %get3A_1756 = arith.constant 0 : index
        %get3A_1757 = tpu.vector_load %arg14[%get3A_1755, %get3A_1756] {strides = array<i32>} : memref<160x160xbf16, #tpu.memory_space<vmem>>, vector<32xbf16>,
        %unpack3A_1758 = tpu.unpack_subelements %get3A_1757, 0 {pack_format = #tpu.pack_format<interleaved>} : vector<32xbf16> -> vector<16xf32>
        %unpack3A_1759 = tpu.unpack_subelements %get3A_1757, 1 {pack_format = #tpu.pack_format<interleaved>} : vector<32xbf16> -> vector<16xf32>
        %mul3A_1760 = arith.mulf %unpack3A_1758, %gather3A_1628 : vector<16xf32>
        %add3A_1761 = arith.addf %add3A_1748, %mul3A_1760 : vector<16xf32>
        %mul3A_1762 = arith.mulf %unpack3A_1759, %gather3A_1628 : vector<16xf32>
        %add3A_1763 = arith.addf %add3A_1750, %mul3A_1762 : vector<16xf32>
        %mul3A_1764 = arith.constant 10 : i32
        %mul3A_1765 = arith.muli %scan3A_1590, %mul3A_1764 : i32
        %add3A_1766 = arith.constant 9 : i32
        %add3A_1767 = arith.addi %mul3A_1765, %add3A_1766 : i32
        %get3A_1768 = arith.index_cast %add3A_1767 : i32 to index
        %get3A_1769 = arith.constant 0 : index
        %get3A_1770 = tpu.vector_load %arg14[%get3A_1768, %get3A_1769] {strides = array<i32>} : memref<160x160xbf16, #tpu.memory_space<vmem>>, vector<32xbf16>,
        %unpack3A_1771 = tpu.unpack_subelements %get3A_1770, 0 {pack_format = #tpu.pack_format<interleaved>} : vector<32xbf16> -> vector<16xf32>
        %unpack3A_1772 = tpu.unpack_subelements %get3A_1770, 1 {pack_format = #tpu.pack_format<interleaved>} : vector<32xbf16> -> vector<16xf32>
        %mul3A_1773 = arith.mulf %unpack3A_1771, %gather3A_1632 : vector<16xf32>
        %add3A_1774 = arith.addf %add3A_1761, %mul3A_1773 : vector<16xf32>
        %mul3A_1775 = arith.mulf %unpack3A_1772, %gather3A_1632 : vector<16xf32>
        %add3A_1776 = arith.addf %add3A_1763, %mul3A_1775 : vector<16xf32>
        %swap3A_1777 = arith.index_cast %scan3A_1590 : i32 to index
        %swap3A_1778 = arith.constant 0 : index
        %swap3A_1779 = tpu.vector_load %arg17[%swap3A_1777, %swap3A_1778] {strides = array<i32>} : memref<16x160xf32, #tpu.memory_space<vmem>>, vector<16xf32>,
        tpu.vector_store %arg17[%swap3A_1777, %swap3A_1778], %add3A_1774 {strides = array<i32>} : memref<16x160xf32, #tpu.memory_space<vmem>>, vector<16xf32>,
        %swap3A_1780 = arith.index_cast %scan3A_1590 : i32 to index
        %swap3A_1781 = arith.constant 16 : index
        %swap3A_1782 = tpu.vector_load %arg17[%swap3A_1780, %swap3A_1781] {strides = array<i32>} : memref<16x160xf32, #tpu.memory_space<vmem>>, vector<16xf32>,
        tpu.vector_store %arg17[%swap3A_1780, %swap3A_1781], %add3A_1776 {strides = array<i32>} : memref<16x160xf32, #tpu.memory_space<vmem>>, vector<16xf32>,
        %get3A_1783 = arith.index_cast %scan3A_1590 : i32 to index
        %get3A_1784 = arith.constant 32 : index
        %get3A_1785 = tpu.vector_load %arg15[%get3A_1783, %get3A_1784] {strides = array<i32>} : memref<16x176xf32, #tpu.memory_space<vmem>>, vector<16xf32>,
        %get3A_1786 = arith.index_cast %scan3A_1590 : i32 to index
        %get3A_1787 = arith.constant 32 : index
        %get3A_1788 = tpu.vector_load %arg16[%get3A_1786, %get3A_1787] {strides = array<i32>} : memref<16x160xf32, #tpu.memory_space<vmem>>, vector<16xf32>,
        %add3A_1789 = arith.addf %get3A_1785, %get3A_1788 : vector<16xf32>
        %get3A_1790 = arith.index_cast %scan3A_1590 : i32 to index
        %get3A_1791 = arith.constant 48 : index
        %get3A_1792 = tpu.vector_load %arg15[%get3A_1790, %get3A_1791] {strides = array<i32>} : memref<16x176xf32, #tpu.memory_space<vmem>>, vector<16xf32>,
        %get3A_1793 = arith.index_cast %scan3A_1590 : i32 to index
        %get3A_1794 = arith.constant 48 : index
        %get3A_1795 = tpu.vector_load %arg16[%get3A_1793, %get3A_1794] {strides = array<i32>} : memref<16x160xf32, #tpu.memory_space<vmem>>, vector<16xf32>,
        %add3A_1796 = arith.addf %get3A_1792, %get3A_1795 : vector<16xf32>
        %mul3A_1797 = arith.constant 10 : i32
        %mul3A_1798 = arith.muli %scan3A_1590, %mul3A_1797 : i32
        %add3A_1799 = arith.constant 0 : i32
        %add3A_1800 = arith.addi %mul3A_1798, %add3A_1799 : i32
        %get3A_1801 = arith.index_cast %add3A_1800 : i32 to index
        %get3A_1802 = arith.constant 32 : index
        %get3A_1803 = tpu.vector_load %arg14[%get3A_1801, %get3A_1802] {strides = array<i32>} : memref<160x160xbf16, #tpu.memory_space<vmem>>, vector<32xbf16>,
        %unpack3A_1804 = tpu.unpack_subelements %get3A_1803, 0 {pack_format = #tpu.pack_format<interleaved>} : vector<32xbf16> -> vector<16xf32>
        %unpack3A_1805 = tpu.unpack_subelements %get3A_1803, 1 {pack_format = #tpu.pack_format<interleaved>} : vector<32xbf16> -> vector<16xf32>
        %mul3A_1806 = arith.mulf %unpack3A_1804, %gather3A_1596 : vector<16xf32>
        %add3A_1807 = arith.addf %add3A_1789, %mul3A_1806 : vector<16xf32>
        %mul3A_1808 = arith.mulf %unpack3A_1805, %gather3A_1596 : vector<16xf32>
        %add3A_1809 = arith.addf %add3A_1796, %mul3A_1808 : vector<16xf32>
        %mul3A_1810 = arith.constant 10 : i32
        %mul3A_1811 = arith.muli %scan3A_1590, %mul3A_1810 : i32
        %add3A_1812 = arith.constant 1 : i32
        %add3A_1813 = arith.addi %mul3A_1811, %add3A_1812 : i32
        %get3A_1814 = arith.index_cast %add3A_1813 : i32 to index
        %get3A_1815 = arith.constant 32 : index
        %get3A_1816 = tpu.vector_load %arg14[%get3A_1814, %get3A_1815] {strides = array<i32>} : memref<160x160xbf16, #tpu.memory_space<vmem>>, vector<32xbf16>,
        %unpack3A_1817 = tpu.unpack_subelements %get3A_1816, 0 {pack_format = #tpu.pack_format<interleaved>} : vector<32xbf16> -> vector<16xf32>
        %unpack3A_1818 = tpu.unpack_subelements %get3A_1816, 1 {pack_format = #tpu.pack_format<interleaved>} : vector<32xbf16> -> vector<16xf32>
        %mul3A_1819 = arith.mulf %unpack3A_1817, %gather3A_1600 : vector<16xf32>
        %add3A_1820 = arith.addf %add3A_1807, %mul3A_1819 : vector<16xf32>
        %mul3A_1821 = arith.mulf %unpack3A_1818, %gather3A_1600 : vector<16xf32>
        %add3A_1822 = arith.addf %add3A_1809, %mul3A_1821 : vector<16xf32>
        %mul3A_1823 = arith.constant 10 : i32
        %mul3A_1824 = arith.muli %scan3A_1590, %mul3A_1823 : i32
        %add3A_1825 = arith.constant 2 : i32
        %add3A_1826 = arith.addi %mul3A_1824, %add3A_1825 : i32
        %get3A_1827 = arith.index_cast %add3A_1826 : i32 to index
        %get3A_1828 = arith.constant 32 : index
        %get3A_1829 = tpu.vector_load %arg14[%get3A_1827, %get3A_1828] {strides = array<i32>} : memref<160x160xbf16, #tpu.memory_space<vmem>>, vector<32xbf16>,
        %unpack3A_1830 = tpu.unpack_subelements %get3A_1829, 0 {pack_format = #tpu.pack_format<interleaved>} : vector<32xbf16> -> vector<16xf32>
        %unpack3A_1831 = tpu.unpack_subelements %get3A_1829, 1 {pack_format = #tpu.pack_format<interleaved>} : vector<32xbf16> -> vector<16xf32>
        %mul3A_1832 = arith.mulf %unpack3A_1830, %gather3A_1604 : vector<16xf32>
        %add3A_1833 = arith.addf %add3A_1820, %mul3A_1832 : vector<16xf32>
        %mul3A_1834 = arith.mulf %unpack3A_1831, %gather3A_1604 : vector<16xf32>
        %add3A_1835 = arith.addf %add3A_1822, %mul3A_1834 : vector<16xf32>
        %mul3A_1836 = arith.constant 10 : i32
        %mul3A_1837 = arith.muli %scan3A_1590, %mul3A_1836 : i32
        %add3A_1838 = arith.constant 3 : i32
        %add3A_1839 = arith.addi %mul3A_1837, %add3A_1838 : i32
        %get3A_1840 = arith.index_cast %add3A_1839 : i32 to index
        %get3A_1841 = arith.constant 32 : index
        %get3A_1842 = tpu.vector_load %arg14[%get3A_1840, %get3A_1841] {strides = array<i32>} : memref<160x160xbf16, #tpu.memory_space<vmem>>, vector<32xbf16>,
        %unpack3A_1843 = tpu.unpack_subelements %get3A_1842, 0 {pack_format = #tpu.pack_format<interleaved>} : vector<32xbf16> -> vector<16xf32>
        %unpack3A_1844 = tpu.unpack_subelements %get3A_1842, 1 {pack_format = #tpu.pack_format<interleaved>} : vector<32xbf16> -> vector<16xf32>
        %mul3A_1845 = arith.mulf %unpack3A_1843, %gather3A_1608 : vector<16xf32>
        %add3A_1846 = arith.addf %add3A_1833, %mul3A_1845 : vector<16xf32>
        %mul3A_1847 = arith.mulf %unpack3A_1844, %gather3A_1608 : vector<16xf32>
        %add3A_1848 = arith.addf %add3A_1835, %mul3A_1847 : vector<16xf32>
        %mul3A_1849 = arith.constant 10 : i32
        %mul3A_1850 = arith.muli %scan3A_1590, %mul3A_1849 : i32
        %add3A_1851 = arith.constant 4 : i32
        %add3A_1852 = arith.addi %mul3A_1850, %add3A_1851 : i32
        %get3A_1853 = arith.index_cast %add3A_1852 : i32 to index
        %get3A_1854 = arith.constant 32 : index
        %get3A_1855 = tpu.vector_load %arg14[%get3A_1853, %get3A_1854] {strides = array<i32>} : memref<160x160xbf16, #tpu.memory_space<vmem>>, vector<32xbf16>,
        %unpack3A_1856 = tpu.unpack_subelements %get3A_1855, 0 {pack_format = #tpu.pack_format<interleaved>} : vector<32xbf16> -> vector<16xf32>
        %unpack3A_1857 = tpu.unpack_subelements %get3A_1855, 1 {pack_format = #tpu.pack_format<interleaved>} : vector<32xbf16> -> vector<16xf32>
        %mul3A_1858 = arith.mulf %unpack3A_1856, %gather3A_1612 : vector<16xf32>
        %add3A_1859 = arith.addf %add3A_1846, %mul3A_1858 : vector<16xf32>
        %mul3A_1860 = arith.mulf %unpack3A_1857, %gather3A_1612 : vector<16xf32>
        %add3A_1861 = arith.addf %add3A_1848, %mul3A_1860 : vector<16xf32>
        %mul3A_1862 = arith.constant 10 : i32
        %mul3A_1863 = arith.muli %scan3A_1590, %mul3A_1862 : i32
        %add3A_1864 = arith.constant 5 : i32
        %add3A_1865 = arith.addi %mul3A_1863, %add3A_1864 : i32
        %get3A_1866 = arith.index_cast %add3A_1865 : i32 to index
        %get3A_1867 = arith.constant 32 : index
        %get3A_1868 = tpu.vector_load %arg14[%get3A_1866, %get3A_1867] {strides = array<i32>} : memref<160x160xbf16, #tpu.memory_space<vmem>>, vector<32xbf16>,
        %unpack3A_1869 = tpu.unpack_subelements %get3A_1868, 0 {pack_format = #tpu.pack_format<interleaved>} : vector<32xbf16> -> vector<16xf32>
        %unpack3A_1870 = tpu.unpack_subelements %get3A_1868, 1 {pack_format = #tpu.pack_format<interleaved>} : vector<32xbf16> -> vector<16xf32>
        %mul3A_1871 = arith.mulf %unpack3A_1869, %gather3A_1616 : vector<16xf32>
        %add3A_1872 = arith.addf %add3A_1859, %mul3A_1871 : vector<16xf32>
        %mul3A_1873 = arith.mulf %unpack3A_1870, %gather3A_1616 : vector<16xf32>
        %add3A_1874 = arith.addf %add3A_1861, %mul3A_1873 : vector<16xf32>
        %mul3A_1875 = arith.constant 10 : i32
        %mul3A_1876 = arith.muli %scan3A_1590, %mul3A_1875 : i32
        %add3A_1877 = arith.constant 6 : i32
        %add3A_1878 = arith.addi %mul3A_1876, %add3A_1877 : i32
        %get3A_1879 = arith.index_cast %add3A_1878 : i32 to index
        %get3A_1880 = arith.constant 32 : index
        %get3A_1881 = tpu.vector_load %arg14[%get3A_1879, %get3A_1880] {strides = array<i32>} : memref<160x160xbf16, #tpu.memory_space<vmem>>, vector<32xbf16>,
        %unpack3A_1882 = tpu.unpack_subelements %get3A_1881, 0 {pack_format = #tpu.pack_format<interleaved>} : vector<32xbf16> -> vector<16xf32>
        %unpack3A_1883 = tpu.unpack_subelements %get3A_1881, 1 {pack_format = #tpu.pack_format<interleaved>} : vector<32xbf16> -> vector<16xf32>
        %mul3A_1884 = arith.mulf %unpack3A_1882, %gather3A_1620 : vector<16xf32>
        %add3A_1885 = arith.addf %add3A_1872, %mul3A_1884 : vector<16xf32>
        %mul3A_1886 = arith.mulf %unpack3A_1883, %gather3A_1620 : vector<16xf32>
        %add3A_1887 = arith.addf %add3A_1874, %mul3A_1886 : vector<16xf32>
        %mul3A_1888 = arith.constant 10 : i32
        %mul3A_1889 = arith.muli %scan3A_1590, %mul3A_1888 : i32
        %add3A_1890 = arith.constant 7 : i32
        %add3A_1891 = arith.addi %mul3A_1889, %add3A_1890 : i32
        %get3A_1892 = arith.index_cast %add3A_1891 : i32 to index
        %get3A_1893 = arith.constant 32 : index
        %get3A_1894 = tpu.vector_load %arg14[%get3A_1892, %get3A_1893] {strides = array<i32>} : memref<160x160xbf16, #tpu.memory_space<vmem>>, vector<32xbf16>,
        %unpack3A_1895 = tpu.unpack_subelements %get3A_1894, 0 {pack_format = #tpu.pack_format<interleaved>} : vector<32xbf16> -> vector<16xf32>
        %unpack3A_1896 = tpu.unpack_subelements %get3A_1894, 1 {pack_format = #tpu.pack_format<interleaved>} : vector<32xbf16> -> vector<16xf32>
        %mul3A_1897 = arith.mulf %unpack3A_1895, %gather3A_1624 : vector<16xf32>
        %add3A_1898 = arith.addf %add3A_1885, %mul3A_1897 : vector<16xf32>
        %mul3A_1899 = arith.mulf %unpack3A_1896, %gather3A_1624 : vector<16xf32>
        %add3A_1900 = arith.addf %add3A_1887, %mul3A_1899 : vector<16xf32>
        %mul3A_1901 = arith.constant 10 : i32
        %mul3A_1902 = arith.muli %scan3A_1590, %mul3A_1901 : i32
        %add3A_1903 = arith.constant 8 : i32
        %add3A_1904 = arith.addi %mul3A_1902, %add3A_1903 : i32
        %get3A_1905 = arith.index_cast %add3A_1904 : i32 to index
        %get3A_1906 = arith.constant 32 : index
        %get3A_1907 = tpu.vector_load %arg14[%get3A_1905, %get3A_1906] {strides = array<i32>} : memref<160x160xbf16, #tpu.memory_space<vmem>>, vector<32xbf16>,
        %unpack3A_1908 = tpu.unpack_subelements %get3A_1907, 0 {pack_format = #tpu.pack_format<interleaved>} : vector<32xbf16> -> vector<16xf32>
        %unpack3A_1909 = tpu.unpack_subelements %get3A_1907, 1 {pack_format = #tpu.pack_format<interleaved>} : vector<32xbf16> -> vector<16xf32>
        %mul3A_1910 = arith.mulf %unpack3A_1908, %gather3A_1628 : vector<16xf32>
        %add3A_1911 = arith.addf %add3A_1898, %mul3A_1910 : vector<16xf32>
        %mul3A_1912 = arith.mulf %unpack3A_1909, %gather3A_1628 : vector<16xf32>
        %add3A_1913 = arith.addf %add3A_1900, %mul3A_1912 : vector<16xf32>
        %mul3A_1914 = arith.constant 10 : i32
        %mul3A_1915 = arith.muli %scan3A_1590, %mul3A_1914 : i32
        %add3A_1916 = arith.constant 9 : i32
        %add3A_1917 = arith.addi %mul3A_1915, %add3A_1916 : i32
        %get3A_1918 = arith.index_cast %add3A_1917 : i32 to index
        %get3A_1919 = arith.constant 32 : index
        %get3A_1920 = tpu.vector_load %arg14[%get3A_1918, %get3A_1919] {strides = array<i32>} : memref<160x160xbf16, #tpu.memory_space<vmem>>, vector<32xbf16>,
        %unpack3A_1921 = tpu.unpack_subelements %get3A_1920, 0 {pack_format = #tpu.pack_format<interleaved>} : vector<32xbf16> -> vector<16xf32>
        %unpack3A_1922 = tpu.unpack_subelements %get3A_1920, 1 {pack_format = #tpu.pack_format<interleaved>} : vector<32xbf16> -> vector<16xf32>
        %mul3A_1923 = arith.mulf %unpack3A_1921, %gather3A_1632 : vector<16xf32>
        %add3A_1924 = arith.addf %add3A_1911, %mul3A_1923 : vector<16xf32>
        %mul3A_1925 = arith.mulf %unpack3A_1922, %gather3A_1632 : vector<16xf32>
        %add3A_1926 = arith.addf %add3A_1913, %mul3A_1925 : vector<16xf32>
        %swap3A_1927 = arith.index_cast %scan3A_1590 : i32 to index
        %swap3A_1928 = arith.constant 32 : index
        %swap3A_1929 = tpu.vector_load %arg17[%swap3A_1927, %swap3A_1928] {strides = array<i32>} : memref<16x160xf32, #tpu.memory_space<vmem>>, vector<16xf32>,
        tpu.vector_store %arg17[%swap3A_1927, %swap3A_1928], %add3A_1924 {strides = array<i32>} : memref<16x160xf32, #tpu.memory_space<vmem>>, vector<16xf32>,
        %swap3A_1930 = arith.index_cast %scan3A_1590 : i32 to index
        %swap3A_1931 = arith.constant 48 : index
        %swap3A_1932 = tpu.vector_load %arg17[%swap3A_1930, %swap3A_1931] {strides = array<i32>} : memref<16x160xf32, #tpu.memory_space<vmem>>, vector<16xf32>,
        tpu.vector_store %arg17[%swap3A_1930, %swap3A_1931], %add3A_1926 {strides = array<i32>} : memref<16x160xf32, #tpu.memory_space<vmem>>, vector<16xf32>,
        %get3A_1933 = arith.index_cast %scan3A_1590 : i32 to index
        %get3A_1934 = arith.constant 64 : index
        %get3A_1935 = tpu.vector_load %arg15[%get3A_1933, %get3A_1934] {strides = array<i32>} : memref<16x176xf32, #tpu.memory_space<vmem>>, vector<16xf32>,
        %get3A_1936 = arith.index_cast %scan3A_1590 : i32 to index
        %get3A_1937 = arith.constant 64 : index
        %get3A_1938 = tpu.vector_load %arg16[%get3A_1936, %get3A_1937] {strides = array<i32>} : memref<16x160xf32, #tpu.memory_space<vmem>>, vector<16xf32>,
        %add3A_1939 = arith.addf %get3A_1935, %get3A_1938 : vector<16xf32>
        %get3A_1940 = arith.index_cast %scan3A_1590 : i32 to index
        %get3A_1941 = arith.constant 80 : index
        %get3A_1942 = tpu.vector_load %arg15[%get3A_1940, %get3A_1941] {strides = array<i32>} : memref<16x176xf32, #tpu.memory_space<vmem>>, vector<16xf32>,
        %get3A_1943 = arith.index_cast %scan3A_1590 : i32 to index
        %get3A_1944 = arith.constant 80 : index
        %get3A_1945 = tpu.vector_load %arg16[%get3A_1943, %get3A_1944] {strides = array<i32>} : memref<16x160xf32, #tpu.memory_space<vmem>>, vector<16xf32>,
        %add3A_1946 = arith.addf %get3A_1942, %get3A_1945 : vector<16xf32>
        %mul3A_1947 = arith.constant 10 : i32
        %mul3A_1948 = arith.muli %scan3A_1590, %mul3A_1947 : i32
        %add3A_1949 = arith.constant 0 : i32
        %add3A_1950 = arith.addi %mul3A_1948, %add3A_1949 : i32
        %get3A_1951 = arith.index_cast %add3A_1950 : i32 to index
        %get3A_1952 = arith.constant 64 : index
        %get3A_1953 = tpu.vector_load %arg14[%get3A_1951, %get3A_1952] {strides = array<i32>} : memref<160x160xbf16, #tpu.memory_space<vmem>>, vector<32xbf16>,
        %unpack3A_1954 = tpu.unpack_subelements %get3A_1953, 0 {pack_format = #tpu.pack_format<interleaved>} : vector<32xbf16> -> vector<16xf32>
        %unpack3A_1955 = tpu.unpack_subelements %get3A_1953, 1 {pack_format = #tpu.pack_format<interleaved>} : vector<32xbf16> -> vector<16xf32>
        %mul3A_1956 = arith.mulf %unpack3A_1954, %gather3A_1596 : vector<16xf32>
        %add3A_1957 = arith.addf %add3A_1939, %mul3A_1956 : vector<16xf32>
        %mul3A_1958 = arith.mulf %unpack3A_1955, %gather3A_1596 : vector<16xf32>
        %add3A_1959 = arith.addf %add3A_1946, %mul3A_1958 : vector<16xf32>
        %mul3A_1960 = arith.constant 10 : i32
        %mul3A_1961 = arith.muli %scan3A_1590, %mul3A_1960 : i32
        %add3A_1962 = arith.constant 1 : i32
        %add3A_1963 = arith.addi %mul3A_1961, %add3A_1962 : i32
        %get3A_1964 = arith.index_cast %add3A_1963 : i32 to index
        %get3A_1965 = arith.constant 64 : index
        %get3A_1966 = tpu.vector_load %arg14[%get3A_1964, %get3A_1965] {strides = array<i32>} : memref<160x160xbf16, #tpu.memory_space<vmem>>, vector<32xbf16>,
        %unpack3A_1967 = tpu.unpack_subelements %get3A_1966, 0 {pack_format = #tpu.pack_format<interleaved>} : vector<32xbf16> -> vector<16xf32>
        %unpack3A_1968 = tpu.unpack_subelements %get3A_1966, 1 {pack_format = #tpu.pack_format<interleaved>} : vector<32xbf16> -> vector<16xf32>
        %mul3A_1969 = arith.mulf %unpack3A_1967, %gather3A_1600 : vector<16xf32>
        %add3A_1970 = arith.addf %add3A_1957, %mul3A_1969 : vector<16xf32>
        %mul3A_1971 = arith.mulf %unpack3A_1968, %gather3A_1600 : vector<16xf32>
        %add3A_1972 = arith.addf %add3A_1959, %mul3A_1971 : vector<16xf32>
        %mul3A_1973 = arith.constant 10 : i32
        %mul3A_1974 = arith.muli %scan3A_1590, %mul3A_1973 : i32
        %add3A_1975 = arith.constant 2 : i32
        %add3A_1976 = arith.addi %mul3A_1974, %add3A_1975 : i32
        %get3A_1977 = arith.index_cast %add3A_1976 : i32 to index
        %get3A_1978 = arith.constant 64 : index
        %get3A_1979 = tpu.vector_load %arg14[%get3A_1977, %get3A_1978] {strides = array<i32>} : memref<160x160xbf16, #tpu.memory_space<vmem>>, vector<32xbf16>,
        %unpack3A_1980 = tpu.unpack_subelements %get3A_1979, 0 {pack_format = #tpu.pack_format<interleaved>} : vector<32xbf16> -> vector<16xf32>
        %unpack3A_1981 = tpu.unpack_subelements %get3A_1979, 1 {pack_format = #tpu.pack_format<interleaved>} : vector<32xbf16> -> vector<16xf32>
        %mul3A_1982 = arith.mulf %unpack3A_1980, %gather3A_1604 : vector<16xf32>
        %add3A_1983 = arith.addf %add3A_1970, %mul3A_1982 : vector<16xf32>
        %mul3A_1984 = arith.mulf %unpack3A_1981, %gather3A_1604 : vector<16xf32>
        %add3A_1985 = arith.addf %add3A_1972, %mul3A_1984 : vector<16xf32>
        %mul3A_1986 = arith.constant 10 : i32
        %mul3A_1987 = arith.muli %scan3A_1590, %mul3A_1986 : i32
        %add3A_1988 = arith.constant 3 : i32
        %add3A_1989 = arith.addi %mul3A_1987, %add3A_1988 : i32
        %get3A_1990 = arith.index_cast %add3A_1989 : i32 to index
        %get3A_1991 = arith.constant 64 : index
        %get3A_1992 = tpu.vector_load %arg14[%get3A_1990, %get3A_1991] {strides = array<i32>} : memref<160x160xbf16, #tpu.memory_space<vmem>>, vector<32xbf16>,
        %unpack3A_1993 = tpu.unpack_subelements %get3A_1992, 0 {pack_format = #tpu.pack_format<interleaved>} : vector<32xbf16> -> vector<16xf32>
        %unpack3A_1994 = tpu.unpack_subelements %get3A_1992, 1 {pack_format = #tpu.pack_format<interleaved>} : vector<32xbf16> -> vector<16xf32>
        %mul3A_1995 = arith.mulf %unpack3A_1993, %gather3A_1608 : vector<16xf32>
        %add3A_1996 = arith.addf %add3A_1983, %mul3A_1995 : vector<16xf32>
        %mul3A_1997 = arith.mulf %unpack3A_1994, %gather3A_1608 : vector<16xf32>
        %add3A_1998 = arith.addf %add3A_1985, %mul3A_1997 : vector<16xf32>
        %mul3A_1999 = arith.constant 10 : i32
        %mul3A_2000 = arith.muli %scan3A_1590, %mul3A_1999 : i32
        %add3A_2001 = arith.constant 4 : i32
        %add3A_2002 = arith.addi %mul3A_2000, %add3A_2001 : i32
        %get3A_2003 = arith.index_cast %add3A_2002 : i32 to index
        %get3A_2004 = arith.constant 64 : index
        %get3A_2005 = tpu.vector_load %arg14[%get3A_2003, %get3A_2004] {strides = array<i32>} : memref<160x160xbf16, #tpu.memory_space<vmem>>, vector<32xbf16>,
        %unpack3A_2006 = tpu.unpack_subelements %get3A_2005, 0 {pack_format = #tpu.pack_format<interleaved>} : vector<32xbf16> -> vector<16xf32>
        %unpack3A_2007 = tpu.unpack_subelements %get3A_2005, 1 {pack_format = #tpu.pack_format<interleaved>} : vector<32xbf16> -> vector<16xf32>
        %mul3A_2008 = arith.mulf %unpack3A_2006, %gather3A_1612 : vector<16xf32>
        %add3A_2009 = arith.addf %add3A_1996, %mul3A_2008 : vector<16xf32>
        %mul3A_2010 = arith.mulf %unpack3A_2007, %gather3A_1612 : vector<16xf32>
        %add3A_2011 = arith.addf %add3A_1998, %mul3A_2010 : vector<16xf32>
        %mul3A_2012 = arith.constant 10 : i32
        %mul3A_2013 = arith.muli %scan3A_1590, %mul3A_2012 : i32
        %add3A_2014 = arith.constant 5 : i32
        %add3A_2015 = arith.addi %mul3A_2013, %add3A_2014 : i32
        %get3A_2016 = arith.index_cast %add3A_2015 : i32 to index
        %get3A_2017 = arith.constant 64 : index
        %get3A_2018 = tpu.vector_load %arg14[%get3A_2016, %get3A_2017] {strides = array<i32>} : memref<160x160xbf16, #tpu.memory_space<vmem>>, vector<32xbf16>,
        %unpack3A_2019 = tpu.unpack_subelements %get3A_2018, 0 {pack_format = #tpu.pack_format<interleaved>} : vector<32xbf16> -> vector<16xf32>
        %unpack3A_2020 = tpu.unpack_subelements %get3A_2018, 1 {pack_format = #tpu.pack_format<interleaved>} : vector<32xbf16> -> vector<16xf32>
        %mul3A_2021 = arith.mulf %unpack3A_2019, %gather3A_1616 : vector<16xf32>
        %add3A_2022 = arith.addf %add3A_2009, %mul3A_2021 : vector<16xf32>
        %mul3A_2023 = arith.mulf %unpack3A_2020, %gather3A_1616 : vector<16xf32>
        %add3A_2024 = arith.addf %add3A_2011, %mul3A_2023 : vector<16xf32>
        %mul3A_2025 = arith.constant 10 : i32
        %mul3A_2026 = arith.muli %scan3A_1590, %mul3A_2025 : i32
        %add3A_2027 = arith.constant 6 : i32
        %add3A_2028 = arith.addi %mul3A_2026, %add3A_2027 : i32
        %get3A_2029 = arith.index_cast %add3A_2028 : i32 to index
        %get3A_2030 = arith.constant 64 : index
        %get3A_2031 = tpu.vector_load %arg14[%get3A_2029, %get3A_2030] {strides = array<i32>} : memref<160x160xbf16, #tpu.memory_space<vmem>>, vector<32xbf16>,
        %unpack3A_2032 = tpu.unpack_subelements %get3A_2031, 0 {pack_format = #tpu.pack_format<interleaved>} : vector<32xbf16> -> vector<16xf32>
        %unpack3A_2033 = tpu.unpack_subelements %get3A_2031, 1 {pack_format = #tpu.pack_format<interleaved>} : vector<32xbf16> -> vector<16xf32>
        %mul3A_2034 = arith.mulf %unpack3A_2032, %gather3A_1620 : vector<16xf32>
        %add3A_2035 = arith.addf %add3A_2022, %mul3A_2034 : vector<16xf32>
        %mul3A_2036 = arith.mulf %unpack3A_2033, %gather3A_1620 : vector<16xf32>
        %add3A_2037 = arith.addf %add3A_2024, %mul3A_2036 : vector<16xf32>
        %mul3A_2038 = arith.constant 10 : i32
        %mul3A_2039 = arith.muli %scan3A_1590, %mul3A_2038 : i32
        %add3A_2040 = arith.constant 7 : i32
        %add3A_2041 = arith.addi %mul3A_2039, %add3A_2040 : i32
        %get3A_2042 = arith.index_cast %add3A_2041 : i32 to index
        %get3A_2043 = arith.constant 64 : index
        %get3A_2044 = tpu.vector_load %arg14[%get3A_2042, %get3A_2043] {strides = array<i32>} : memref<160x160xbf16, #tpu.memory_space<vmem>>, vector<32xbf16>,
        %unpack3A_2045 = tpu.unpack_subelements %get3A_2044, 0 {pack_format = #tpu.pack_format<interleaved>} : vector<32xbf16> -> vector<16xf32>
        %unpack3A_2046 = tpu.unpack_subelements %get3A_2044, 1 {pack_format = #tpu.pack_format<interleaved>} : vector<32xbf16> -> vector<16xf32>
        %mul3A_2047 = arith.mulf %unpack3A_2045, %gather3A_1624 : vector<16xf32>
        %add3A_2048 = arith.addf %add3A_2035, %mul3A_2047 : vector<16xf32>
        %mul3A_2049 = arith.mulf %unpack3A_2046, %gather3A_1624 : vector<16xf32>
        %add3A_2050 = arith.addf %add3A_2037, %mul3A_2049 : vector<16xf32>
        %mul3A_2051 = arith.constant 10 : i32
        %mul3A_2052 = arith.muli %scan3A_1590, %mul3A_2051 : i32
        %add3A_2053 = arith.constant 8 : i32
        %add3A_2054 = arith.addi %mul3A_2052, %add3A_2053 : i32
        %get3A_2055 = arith.index_cast %add3A_2054 : i32 to index
        %get3A_2056 = arith.constant 64 : index
        %get3A_2057 = tpu.vector_load %arg14[%get3A_2055, %get3A_2056] {strides = array<i32>} : memref<160x160xbf16, #tpu.memory_space<vmem>>, vector<32xbf16>,
        %unpack3A_2058 = tpu.unpack_subelements %get3A_2057, 0 {pack_format = #tpu.pack_format<interleaved>} : vector<32xbf16> -> vector<16xf32>
        %unpack3A_2059 = tpu.unpack_subelements %get3A_2057, 1 {pack_format = #tpu.pack_format<interleaved>} : vector<32xbf16> -> vector<16xf32>
        %mul3A_2060 = arith.mulf %unpack3A_2058, %gather3A_1628 : vector<16xf32>
        %add3A_2061 = arith.addf %add3A_2048, %mul3A_2060 : vector<16xf32>
        %mul3A_2062 = arith.mulf %unpack3A_2059, %gather3A_1628 : vector<16xf32>
        %add3A_2063 = arith.addf %add3A_2050, %mul3A_2062 : vector<16xf32>
        %mul3A_2064 = arith.constant 10 : i32
        %mul3A_2065 = arith.muli %scan3A_1590, %mul3A_2064 : i32
        %add3A_2066 = arith.constant 9 : i32
        %add3A_2067 = arith.addi %mul3A_2065, %add3A_2066 : i32
        %get3A_2068 = arith.index_cast %add3A_2067 : i32 to index
        %get3A_2069 = arith.constant 64 : index
        %get3A_2070 = tpu.vector_load %arg14[%get3A_2068, %get3A_2069] {strides = array<i32>} : memref<160x160xbf16, #tpu.memory_space<vmem>>, vector<32xbf16>,
        %unpack3A_2071 = tpu.unpack_subelements %get3A_2070, 0 {pack_format = #tpu.pack_format<interleaved>} : vector<32xbf16> -> vector<16xf32>
        %unpack3A_2072 = tpu.unpack_subelements %get3A_2070, 1 {pack_format = #tpu.pack_format<interleaved>} : vector<32xbf16> -> vector<16xf32>
        %mul3A_2073 = arith.mulf %unpack3A_2071, %gather3A_1632 : vector<16xf32>
        %add3A_2074 = arith.addf %add3A_2061, %mul3A_2073 : vector<16xf32>
        %mul3A_2075 = arith.mulf %unpack3A_2072, %gather3A_1632 : vector<16xf32>
        %add3A_2076 = arith.addf %add3A_2063, %mul3A_2075 : vector<16xf32>
        %swap3A_2077 = arith.index_cast %scan3A_1590 : i32 to index
        %swap3A_2078 = arith.constant 64 : index
        %swap3A_2079 = tpu.vector_load %arg17[%swap3A_2077, %swap3A_2078] {strides = array<i32>} : memref<16x160xf32, #tpu.memory_space<vmem>>, vector<16xf32>,
        tpu.vector_store %arg17[%swap3A_2077, %swap3A_2078], %add3A_2074 {strides = array<i32>} : memref<16x160xf32, #tpu.memory_space<vmem>>, vector<16xf32>,
        %swap3A_2080 = arith.index_cast %scan3A_1590 : i32 to index
        %swap3A_2081 = arith.constant 80 : index
        %swap3A_2082 = tpu.vector_load %arg17[%swap3A_2080, %swap3A_2081] {strides = array<i32>} : memref<16x160xf32, #tpu.memory_space<vmem>>, vector<16xf32>,
        tpu.vector_store %arg17[%swap3A_2080, %swap3A_2081], %add3A_2076 {strides = array<i32>} : memref<16x160xf32, #tpu.memory_space<vmem>>, vector<16xf32>,
        %get3A_2083 = arith.index_cast %scan3A_1590 : i32 to index
        %get3A_2084 = arith.constant 96 : index
        %get3A_2085 = tpu.vector_load %arg15[%get3A_2083, %get3A_2084] {strides = array<i32>} : memref<16x176xf32, #tpu.memory_space<vmem>>, vector<16xf32>,
        %get3A_2086 = arith.index_cast %scan3A_1590 : i32 to index
        %get3A_2087 = arith.constant 96 : index
        %get3A_2088 = tpu.vector_load %arg16[%get3A_2086, %get3A_2087] {strides = array<i32>} : memref<16x160xf32, #tpu.memory_space<vmem>>, vector<16xf32>,
        %add3A_2089 = arith.addf %get3A_2085, %get3A_2088 : vector<16xf32>
        %get3A_2090 = arith.index_cast %scan3A_1590 : i32 to index
        %get3A_2091 = arith.constant 112 : index
        %get3A_2092 = tpu.vector_load %arg15[%get3A_2090, %get3A_2091] {strides = array<i32>} : memref<16x176xf32, #tpu.memory_space<vmem>>, vector<16xf32>,
        %get3A_2093 = arith.index_cast %scan3A_1590 : i32 to index
        %get3A_2094 = arith.constant 112 : index
        %get3A_2095 = tpu.vector_load %arg16[%get3A_2093, %get3A_2094] {strides = array<i32>} : memref<16x160xf32, #tpu.memory_space<vmem>>, vector<16xf32>,
        %add3A_2096 = arith.addf %get3A_2092, %get3A_2095 : vector<16xf32>
        %mul3A_2097 = arith.constant 10 : i32
        %mul3A_2098 = arith.muli %scan3A_1590, %mul3A_2097 : i32
        %add3A_2099 = arith.constant 0 : i32
        %add3A_2100 = arith.addi %mul3A_2098, %add3A_2099 : i32
        %get3A_2101 = arith.index_cast %add3A_2100 : i32 to index
        %get3A_2102 = arith.constant 96 : index
        %get3A_2103 = tpu.vector_load %arg14[%get3A_2101, %get3A_2102] {strides = array<i32>} : memref<160x160xbf16, #tpu.memory_space<vmem>>, vector<32xbf16>,
        %unpack3A_2104 = tpu.unpack_subelements %get3A_2103, 0 {pack_format = #tpu.pack_format<interleaved>} : vector<32xbf16> -> vector<16xf32>
        %unpack3A_2105 = tpu.unpack_subelements %get3A_2103, 1 {pack_format = #tpu.pack_format<interleaved>} : vector<32xbf16> -> vector<16xf32>
        %mul3A_2106 = arith.mulf %unpack3A_2104, %gather3A_1596 : vector<16xf32>
        %add3A_2107 = arith.addf %add3A_2089, %mul3A_2106 : vector<16xf32>
        %mul3A_2108 = arith.mulf %unpack3A_2105, %gather3A_1596 : vector<16xf32>
        %add3A_2109 = arith.addf %add3A_2096, %mul3A_2108 : vector<16xf32>
        %mul3A_2110 = arith.constant 10 : i32
        %mul3A_2111 = arith.muli %scan3A_1590, %mul3A_2110 : i32
        %add3A_2112 = arith.constant 1 : i32
        %add3A_2113 = arith.addi %mul3A_2111, %add3A_2112 : i32
        %get3A_2114 = arith.index_cast %add3A_2113 : i32 to index
        %get3A_2115 = arith.constant 96 : index
        %get3A_2116 = tpu.vector_load %arg14[%get3A_2114, %get3A_2115] {strides = array<i32>} : memref<160x160xbf16, #tpu.memory_space<vmem>>, vector<32xbf16>,
        %unpack3A_2117 = tpu.unpack_subelements %get3A_2116, 0 {pack_format = #tpu.pack_format<interleaved>} : vector<32xbf16> -> vector<16xf32>
        %unpack3A_2118 = tpu.unpack_subelements %get3A_2116, 1 {pack_format = #tpu.pack_format<interleaved>} : vector<32xbf16> -> vector<16xf32>
        %mul3A_2119 = arith.mulf %unpack3A_2117, %gather3A_1600 : vector<16xf32>
        %add3A_2120 = arith.addf %add3A_2107, %mul3A_2119 : vector<16xf32>
        %mul3A_2121 = arith.mulf %unpack3A_2118, %gather3A_1600 : vector<16xf32>
        %add3A_2122 = arith.addf %add3A_2109, %mul3A_2121 : vector<16xf32>
        %mul3A_2123 = arith.constant 10 : i32
        %mul3A_2124 = arith.muli %scan3A_1590, %mul3A_2123 : i32
        %add3A_2125 = arith.constant 2 : i32
        %add3A_2126 = arith.addi %mul3A_2124, %add3A_2125 : i32
        %get3A_2127 = arith.index_cast %add3A_2126 : i32 to index
        %get3A_2128 = arith.constant 96 : index
        %get3A_2129 = tpu.vector_load %arg14[%get3A_2127, %get3A_2128] {strides = array<i32>} : memref<160x160xbf16, #tpu.memory_space<vmem>>, vector<32xbf16>,
        %unpack3A_2130 = tpu.unpack_subelements %get3A_2129, 0 {pack_format = #tpu.pack_format<interleaved>} : vector<32xbf16> -> vector<16xf32>
        %unpack3A_2131 = tpu.unpack_subelements %get3A_2129, 1 {pack_format = #tpu.pack_format<interleaved>} : vector<32xbf16> -> vector<16xf32>
        %mul3A_2132 = arith.mulf %unpack3A_2130, %gather3A_1604 : vector<16xf32>
        %add3A_2133 = arith.addf %add3A_2120, %mul3A_2132 : vector<16xf32>
        %mul3A_2134 = arith.mulf %unpack3A_2131, %gather3A_1604 : vector<16xf32>
        %add3A_2135 = arith.addf %add3A_2122, %mul3A_2134 : vector<16xf32>
        %mul3A_2136 = arith.constant 10 : i32
        %mul3A_2137 = arith.muli %scan3A_1590, %mul3A_2136 : i32
        %add3A_2138 = arith.constant 3 : i32
        %add3A_2139 = arith.addi %mul3A_2137, %add3A_2138 : i32
        %get3A_2140 = arith.index_cast %add3A_2139 : i32 to index
        %get3A_2141 = arith.constant 96 : index
        %get3A_2142 = tpu.vector_load %arg14[%get3A_2140, %get3A_2141] {strides = array<i32>} : memref<160x160xbf16, #tpu.memory_space<vmem>>, vector<32xbf16>,
        %unpack3A_2143 = tpu.unpack_subelements %get3A_2142, 0 {pack_format = #tpu.pack_format<interleaved>} : vector<32xbf16> -> vector<16xf32>
        %unpack3A_2144 = tpu.unpack_subelements %get3A_2142, 1 {pack_format = #tpu.pack_format<interleaved>} : vector<32xbf16> -> vector<16xf32>
        %mul3A_2145 = arith.mulf %unpack3A_2143, %gather3A_1608 : vector<16xf32>
        %add3A_2146 = arith.addf %add3A_2133, %mul3A_2145 : vector<16xf32>
        %mul3A_2147 = arith.mulf %unpack3A_2144, %gather3A_1608 : vector<16xf32>
        %add3A_2148 = arith.addf %add3A_2135, %mul3A_2147 : vector<16xf32>
        %mul3A_2149 = arith.constant 10 : i32
        %mul3A_2150 = arith.muli %scan3A_1590, %mul3A_2149 : i32
        %add3A_2151 = arith.constant 4 : i32
        %add3A_2152 = arith.addi %mul3A_2150, %add3A_2151 : i32
        %get3A_2153 = arith.index_cast %add3A_2152 : i32 to index
        %get3A_2154 = arith.constant 96 : index
        %get3A_2155 = tpu.vector_load %arg14[%get3A_2153, %get3A_2154] {strides = array<i32>} : memref<160x160xbf16, #tpu.memory_space<vmem>>, vector<32xbf16>,
        %unpack3A_2156 = tpu.unpack_subelements %get3A_2155, 0 {pack_format = #tpu.pack_format<interleaved>} : vector<32xbf16> -> vector<16xf32>
        %unpack3A_2157 = tpu.unpack_subelements %get3A_2155, 1 {pack_format = #tpu.pack_format<interleaved>} : vector<32xbf16> -> vector<16xf32>
        %mul3A_2158 = arith.mulf %unpack3A_2156, %gather3A_1612 : vector<16xf32>
        %add3A_2159 = arith.addf %add3A_2146, %mul3A_2158 : vector<16xf32>
        %mul3A_2160 = arith.mulf %unpack3A_2157, %gather3A_1612 : vector<16xf32>
        %add3A_2161 = arith.addf %add3A_2148, %mul3A_2160 : vector<16xf32>
        %mul3A_2162 = arith.constant 10 : i32
        %mul3A_2163 = arith.muli %scan3A_1590, %mul3A_2162 : i32
        %add3A_2164 = arith.constant 5 : i32
        %add3A_2165 = arith.addi %mul3A_2163, %add3A_2164 : i32
        %get3A_2166 = arith.index_cast %add3A_2165 : i32 to index
        %get3A_2167 = arith.constant 96 : index
        %get3A_2168 = tpu.vector_load %arg14[%get3A_2166, %get3A_2167] {strides = array<i32>} : memref<160x160xbf16, #tpu.memory_space<vmem>>, vector<32xbf16>,
        %unpack3A_2169 = tpu.unpack_subelements %get3A_2168, 0 {pack_format = #tpu.pack_format<interleaved>} : vector<32xbf16> -> vector<16xf32>
        %unpack3A_2170 = tpu.unpack_subelements %get3A_2168, 1 {pack_format = #tpu.pack_format<interleaved>} : vector<32xbf16> -> vector<16xf32>
        %mul3A_2171 = arith.mulf %unpack3A_2169, %gather3A_1616 : vector<16xf32>
        %add3A_2172 = arith.addf %add3A_2159, %mul3A_2171 : vector<16xf32>
        %mul3A_2173 = arith.mulf %unpack3A_2170, %gather3A_1616 : vector<16xf32>
        %add3A_2174 = arith.addf %add3A_2161, %mul3A_2173 : vector<16xf32>
        %mul3A_2175 = arith.constant 10 : i32
        %mul3A_2176 = arith.muli %scan3A_1590, %mul3A_2175 : i32
        %add3A_2177 = arith.constant 6 : i32
        %add3A_2178 = arith.addi %mul3A_2176, %add3A_2177 : i32
        %get3A_2179 = arith.index_cast %add3A_2178 : i32 to index
        %get3A_2180 = arith.constant 96 : index
        %get3A_2181 = tpu.vector_load %arg14[%get3A_2179, %get3A_2180] {strides = array<i32>} : memref<160x160xbf16, #tpu.memory_space<vmem>>, vector<32xbf16>,
        %unpack3A_2182 = tpu.unpack_subelements %get3A_2181, 0 {pack_format = #tpu.pack_format<interleaved>} : vector<32xbf16> -> vector<16xf32>
        %unpack3A_2183 = tpu.unpack_subelements %get3A_2181, 1 {pack_format = #tpu.pack_format<interleaved>} : vector<32xbf16> -> vector<16xf32>
        %mul3A_2184 = arith.mulf %unpack3A_2182, %gather3A_1620 : vector<16xf32>
        %add3A_2185 = arith.addf %add3A_2172, %mul3A_2184 : vector<16xf32>
        %mul3A_2186 = arith.mulf %unpack3A_2183, %gather3A_1620 : vector<16xf32>
        %add3A_2187 = arith.addf %add3A_2174, %mul3A_2186 : vector<16xf32>
        %mul3A_2188 = arith.constant 10 : i32
        %mul3A_2189 = arith.muli %scan3A_1590, %mul3A_2188 : i32
        %add3A_2190 = arith.constant 7 : i32
        %add3A_2191 = arith.addi %mul3A_2189, %add3A_2190 : i32
        %get3A_2192 = arith.index_cast %add3A_2191 : i32 to index
        %get3A_2193 = arith.constant 96 : index
        %get3A_2194 = tpu.vector_load %arg14[%get3A_2192, %get3A_2193] {strides = array<i32>} : memref<160x160xbf16, #tpu.memory_space<vmem>>, vector<32xbf16>,
        %unpack3A_2195 = tpu.unpack_subelements %get3A_2194, 0 {pack_format = #tpu.pack_format<interleaved>} : vector<32xbf16> -> vector<16xf32>
        %unpack3A_2196 = tpu.unpack_subelements %get3A_2194, 1 {pack_format = #tpu.pack_format<interleaved>} : vector<32xbf16> -> vector<16xf32>
        %mul3A_2197 = arith.mulf %unpack3A_2195, %gather3A_1624 : vector<16xf32>
        %add3A_2198 = arith.addf %add3A_2185, %mul3A_2197 : vector<16xf32>
        %mul3A_2199 = arith.mulf %unpack3A_2196, %gather3A_1624 : vector<16xf32>
        %add3A_2200 = arith.addf %add3A_2187, %mul3A_2199 : vector<16xf32>
        %mul3A_2201 = arith.constant 10 : i32
        %mul3A_2202 = arith.muli %scan3A_1590, %mul3A_2201 : i32
        %add3A_2203 = arith.constant 8 : i32
        %add3A_2204 = arith.addi %mul3A_2202, %add3A_2203 : i32
        %get3A_2205 = arith.index_cast %add3A_2204 : i32 to index
        %get3A_2206 = arith.constant 96 : index
        %get3A_2207 = tpu.vector_load %arg14[%get3A_2205, %get3A_2206] {strides = array<i32>} : memref<160x160xbf16, #tpu.memory_space<vmem>>, vector<32xbf16>,
        %unpack3A_2208 = tpu.unpack_subelements %get3A_2207, 0 {pack_format = #tpu.pack_format<interleaved>} : vector<32xbf16> -> vector<16xf32>
        %unpack3A_2209 = tpu.unpack_subelements %get3A_2207, 1 {pack_format = #tpu.pack_format<interleaved>} : vector<32xbf16> -> vector<16xf32>
        %mul3A_2210 = arith.mulf %unpack3A_2208, %gather3A_1628 : vector<16xf32>
        %add3A_2211 = arith.addf %add3A_2198, %mul3A_2210 : vector<16xf32>
        %mul3A_2212 = arith.mulf %unpack3A_2209, %gather3A_1628 : vector<16xf32>
        %add3A_2213 = arith.addf %add3A_2200, %mul3A_2212 : vector<16xf32>
        %mul3A_2214 = arith.constant 10 : i32
        %mul3A_2215 = arith.muli %scan3A_1590, %mul3A_2214 : i32
        %add3A_2216 = arith.constant 9 : i32
        %add3A_2217 = arith.addi %mul3A_2215, %add3A_2216 : i32
        %get3A_2218 = arith.index_cast %add3A_2217 : i32 to index
        %get3A_2219 = arith.constant 96 : index
        %get3A_2220 = tpu.vector_load %arg14[%get3A_2218, %get3A_2219] {strides = array<i32>} : memref<160x160xbf16, #tpu.memory_space<vmem>>, vector<32xbf16>,
        %unpack3A_2221 = tpu.unpack_subelements %get3A_2220, 0 {pack_format = #tpu.pack_format<interleaved>} : vector<32xbf16> -> vector<16xf32>
        %unpack3A_2222 = tpu.unpack_subelements %get3A_2220, 1 {pack_format = #tpu.pack_format<interleaved>} : vector<32xbf16> -> vector<16xf32>
        %mul3A_2223 = arith.mulf %unpack3A_2221, %gather3A_1632 : vector<16xf32>
        %add3A_2224 = arith.addf %add3A_2211, %mul3A_2223 : vector<16xf32>
        %mul3A_2225 = arith.mulf %unpack3A_2222, %gather3A_1632 : vector<16xf32>
        %add3A_2226 = arith.addf %add3A_2213, %mul3A_2225 : vector<16xf32>
        %swap3A_2227 = arith.index_cast %scan3A_1590 : i32 to index
        %swap3A_2228 = arith.constant 96 : index
        %swap3A_2229 = tpu.vector_load %arg17[%swap3A_2227, %swap3A_2228] {strides = array<i32>} : memref<16x160xf32, #tpu.memory_space<vmem>>, vector<16xf32>,
        tpu.vector_store %arg17[%swap3A_2227, %swap3A_2228], %add3A_2224 {strides = array<i32>} : memref<16x160xf32, #tpu.memory_space<vmem>>, vector<16xf32>,
        %swap3A_2230 = arith.index_cast %scan3A_1590 : i32 to index
        %swap3A_2231 = arith.constant 112 : index
        %swap3A_2232 = tpu.vector_load %arg17[%swap3A_2230, %swap3A_2231] {strides = array<i32>} : memref<16x160xf32, #tpu.memory_space<vmem>>, vector<16xf32>,
        tpu.vector_store %arg17[%swap3A_2230, %swap3A_2231], %add3A_2226 {strides = array<i32>} : memref<16x160xf32, #tpu.memory_space<vmem>>, vector<16xf32>,
        %get3A_2233 = arith.index_cast %scan3A_1590 : i32 to index
        %get3A_2234 = arith.constant 128 : index
        %get3A_2235 = tpu.vector_load %arg15[%get3A_2233, %get3A_2234] {strides = array<i32>} : memref<16x176xf32, #tpu.memory_space<vmem>>, vector<16xf32>,
        %get3A_2236 = arith.index_cast %scan3A_1590 : i32 to index
        %get3A_2237 = arith.constant 128 : index
        %get3A_2238 = tpu.vector_load %arg16[%get3A_2236, %get3A_2237] {strides = array<i32>} : memref<16x160xf32, #tpu.memory_space<vmem>>, vector<16xf32>,
        %add3A_2239 = arith.addf %get3A_2235, %get3A_2238 : vector<16xf32>
        %get3A_2240 = arith.index_cast %scan3A_1590 : i32 to index
        %get3A_2241 = arith.constant 144 : index
        %get3A_2242 = tpu.vector_load %arg15[%get3A_2240, %get3A_2241] {strides = array<i32>} : memref<16x176xf32, #tpu.memory_space<vmem>>, vector<16xf32>,
        %get3A_2243 = arith.index_cast %scan3A_1590 : i32 to index
        %get3A_2244 = arith.constant 144 : index
        %get3A_2245 = tpu.vector_load %arg16[%get3A_2243, %get3A_2244] {strides = array<i32>} : memref<16x160xf32, #tpu.memory_space<vmem>>, vector<16xf32>,
        %add3A_2246 = arith.addf %get3A_2242, %get3A_2245 : vector<16xf32>
        %mul3A_2247 = arith.constant 10 : i32
        %mul3A_2248 = arith.muli %scan3A_1590, %mul3A_2247 : i32
        %add3A_2249 = arith.constant 0 : i32
        %add3A_2250 = arith.addi %mul3A_2248, %add3A_2249 : i32
        %get3A_2251 = arith.index_cast %add3A_2250 : i32 to index
        %get3A_2252 = arith.constant 128 : index
        %get3A_2253 = tpu.vector_load %arg14[%get3A_2251, %get3A_2252] {strides = array<i32>} : memref<160x160xbf16, #tpu.memory_space<vmem>>, vector<32xbf16>,
        %unpack3A_2254 = tpu.unpack_subelements %get3A_2253, 0 {pack_format = #tpu.pack_format<interleaved>} : vector<32xbf16> -> vector<16xf32>
        %unpack3A_2255 = tpu.unpack_subelements %get3A_2253, 1 {pack_format = #tpu.pack_format<interleaved>} : vector<32xbf16> -> vector<16xf32>
        %mul3A_2256 = arith.mulf %unpack3A_2254, %gather3A_1596 : vector<16xf32>
        %add3A_2257 = arith.addf %add3A_2239, %mul3A_2256 : vector<16xf32>
        %mul3A_2258 = arith.mulf %unpack3A_2255, %gather3A_1596 : vector<16xf32>
        %add3A_2259 = arith.addf %add3A_2246, %mul3A_2258 : vector<16xf32>
        %mul3A_2260 = arith.constant 10 : i32
        %mul3A_2261 = arith.muli %scan3A_1590, %mul3A_2260 : i32
        %add3A_2262 = arith.constant 1 : i32
        %add3A_2263 = arith.addi %mul3A_2261, %add3A_2262 : i32
        %get3A_2264 = arith.index_cast %add3A_2263 : i32 to index
        %get3A_2265 = arith.constant 128 : index
        %get3A_2266 = tpu.vector_load %arg14[%get3A_2264, %get3A_2265] {strides = array<i32>} : memref<160x160xbf16, #tpu.memory_space<vmem>>, vector<32xbf16>,
        %unpack3A_2267 = tpu.unpack_subelements %get3A_2266, 0 {pack_format = #tpu.pack_format<interleaved>} : vector<32xbf16> -> vector<16xf32>
        %unpack3A_2268 = tpu.unpack_subelements %get3A_2266, 1 {pack_format = #tpu.pack_format<interleaved>} : vector<32xbf16> -> vector<16xf32>
        %mul3A_2269 = arith.mulf %unpack3A_2267, %gather3A_1600 : vector<16xf32>
        %add3A_2270 = arith.addf %add3A_2257, %mul3A_2269 : vector<16xf32>
        %mul3A_2271 = arith.mulf %unpack3A_2268, %gather3A_1600 : vector<16xf32>
        %add3A_2272 = arith.addf %add3A_2259, %mul3A_2271 : vector<16xf32>
        %mul3A_2273 = arith.constant 10 : i32
        %mul3A_2274 = arith.muli %scan3A_1590, %mul3A_2273 : i32
        %add3A_2275 = arith.constant 2 : i32
        %add3A_2276 = arith.addi %mul3A_2274, %add3A_2275 : i32
        %get3A_2277 = arith.index_cast %add3A_2276 : i32 to index
        %get3A_2278 = arith.constant 128 : index
        %get3A_2279 = tpu.vector_load %arg14[%get3A_2277, %get3A_2278] {strides = array<i32>} : memref<160x160xbf16, #tpu.memory_space<vmem>>, vector<32xbf16>,
        %unpack3A_2280 = tpu.unpack_subelements %get3A_2279, 0 {pack_format = #tpu.pack_format<interleaved>} : vector<32xbf16> -> vector<16xf32>
        %unpack3A_2281 = tpu.unpack_subelements %get3A_2279, 1 {pack_format = #tpu.pack_format<interleaved>} : vector<32xbf16> -> vector<16xf32>
        %mul3A_2282 = arith.mulf %unpack3A_2280, %gather3A_1604 : vector<16xf32>
        %add3A_2283 = arith.addf %add3A_2270, %mul3A_2282 : vector<16xf32>
        %mul3A_2284 = arith.mulf %unpack3A_2281, %gather3A_1604 : vector<16xf32>
        %add3A_2285 = arith.addf %add3A_2272, %mul3A_2284 : vector<16xf32>
        %mul3A_2286 = arith.constant 10 : i32
        %mul3A_2287 = arith.muli %scan3A_1590, %mul3A_2286 : i32
        %add3A_2288 = arith.constant 3 : i32
        %add3A_2289 = arith.addi %mul3A_2287, %add3A_2288 : i32
        %get3A_2290 = arith.index_cast %add3A_2289 : i32 to index
        %get3A_2291 = arith.constant 128 : index
        %get3A_2292 = tpu.vector_load %arg14[%get3A_2290, %get3A_2291] {strides = array<i32>} : memref<160x160xbf16, #tpu.memory_space<vmem>>, vector<32xbf16>,
        %unpack3A_2293 = tpu.unpack_subelements %get3A_2292, 0 {pack_format = #tpu.pack_format<interleaved>} : vector<32xbf16> -> vector<16xf32>
        %unpack3A_2294 = tpu.unpack_subelements %get3A_2292, 1 {pack_format = #tpu.pack_format<interleaved>} : vector<32xbf16> -> vector<16xf32>
        %mul3A_2295 = arith.mulf %unpack3A_2293, %gather3A_1608 : vector<16xf32>
        %add3A_2296 = arith.addf %add3A_2283, %mul3A_2295 : vector<16xf32>
        %mul3A_2297 = arith.mulf %unpack3A_2294, %gather3A_1608 : vector<16xf32>
        %add3A_2298 = arith.addf %add3A_2285, %mul3A_2297 : vector<16xf32>
        %mul3A_2299 = arith.constant 10 : i32
        %mul3A_2300 = arith.muli %scan3A_1590, %mul3A_2299 : i32
        %add3A_2301 = arith.constant 4 : i32
        %add3A_2302 = arith.addi %mul3A_2300, %add3A_2301 : i32
        %get3A_2303 = arith.index_cast %add3A_2302 : i32 to index
        %get3A_2304 = arith.constant 128 : index
        %get3A_2305 = tpu.vector_load %arg14[%get3A_2303, %get3A_2304] {strides = array<i32>} : memref<160x160xbf16, #tpu.memory_space<vmem>>, vector<32xbf16>,
        %unpack3A_2306 = tpu.unpack_subelements %get3A_2305, 0 {pack_format = #tpu.pack_format<interleaved>} : vector<32xbf16> -> vector<16xf32>
        %unpack3A_2307 = tpu.unpack_subelements %get3A_2305, 1 {pack_format = #tpu.pack_format<interleaved>} : vector<32xbf16> -> vector<16xf32>
        %mul3A_2308 = arith.mulf %unpack3A_2306, %gather3A_1612 : vector<16xf32>
        %add3A_2309 = arith.addf %add3A_2296, %mul3A_2308 : vector<16xf32>
        %mul3A_2310 = arith.mulf %unpack3A_2307, %gather3A_1612 : vector<16xf32>
        %add3A_2311 = arith.addf %add3A_2298, %mul3A_2310 : vector<16xf32>
        %mul3A_2312 = arith.constant 10 : i32
        %mul3A_2313 = arith.muli %scan3A_1590, %mul3A_2312 : i32
        %add3A_2314 = arith.constant 5 : i32
        %add3A_2315 = arith.addi %mul3A_2313, %add3A_2314 : i32
        %get3A_2316 = arith.index_cast %add3A_2315 : i32 to index
        %get3A_2317 = arith.constant 128 : index
        %get3A_2318 = tpu.vector_load %arg14[%get3A_2316, %get3A_2317] {strides = array<i32>} : memref<160x160xbf16, #tpu.memory_space<vmem>>, vector<32xbf16>,
        %unpack3A_2319 = tpu.unpack_subelements %get3A_2318, 0 {pack_format = #tpu.pack_format<interleaved>} : vector<32xbf16> -> vector<16xf32>
        %unpack3A_2320 = tpu.unpack_subelements %get3A_2318, 1 {pack_format = #tpu.pack_format<interleaved>} : vector<32xbf16> -> vector<16xf32>
        %mul3A_2321 = arith.mulf %unpack3A_2319, %gather3A_1616 : vector<16xf32>
        %add3A_2322 = arith.addf %add3A_2309, %mul3A_2321 : vector<16xf32>
        %mul3A_2323 = arith.mulf %unpack3A_2320, %gather3A_1616 : vector<16xf32>
        %add3A_2324 = arith.addf %add3A_2311, %mul3A_2323 : vector<16xf32>
        %mul3A_2325 = arith.constant 10 : i32
        %mul3A_2326 = arith.muli %scan3A_1590, %mul3A_2325 : i32
        %add3A_2327 = arith.constant 6 : i32
        %add3A_2328 = arith.addi %mul3A_2326, %add3A_2327 : i32
        %get3A_2329 = arith.index_cast %add3A_2328 : i32 to index
        %get3A_2330 = arith.constant 128 : index
        %get3A_2331 = tpu.vector_load %arg14[%get3A_2329, %get3A_2330] {strides = array<i32>} : memref<160x160xbf16, #tpu.memory_space<vmem>>, vector<32xbf16>,
        %unpack3A_2332 = tpu.unpack_subelements %get3A_2331, 0 {pack_format = #tpu.pack_format<interleaved>} : vector<32xbf16> -> vector<16xf32>
        %unpack3A_2333 = tpu.unpack_subelements %get3A_2331, 1 {pack_format = #tpu.pack_format<interleaved>} : vector<32xbf16> -> vector<16xf32>
        %mul3A_2334 = arith.mulf %unpack3A_2332, %gather3A_1620 : vector<16xf32>
        %add3A_2335 = arith.addf %add3A_2322, %mul3A_2334 : vector<16xf32>
        %mul3A_2336 = arith.mulf %unpack3A_2333, %gather3A_1620 : vector<16xf32>
        %add3A_2337 = arith.addf %add3A_2324, %mul3A_2336 : vector<16xf32>
        %mul3A_2338 = arith.constant 10 : i32
        %mul3A_2339 = arith.muli %scan3A_1590, %mul3A_2338 : i32
        %add3A_2340 = arith.constant 7 : i32
        %add3A_2341 = arith.addi %mul3A_2339, %add3A_2340 : i32
        %get3A_2342 = arith.index_cast %add3A_2341 : i32 to index
        %get3A_2343 = arith.constant 128 : index
        %get3A_2344 = tpu.vector_load %arg14[%get3A_2342, %get3A_2343] {strides = array<i32>} : memref<160x160xbf16, #tpu.memory_space<vmem>>, vector<32xbf16>,
        %unpack3A_2345 = tpu.unpack_subelements %get3A_2344, 0 {pack_format = #tpu.pack_format<interleaved>} : vector<32xbf16> -> vector<16xf32>
        %unpack3A_2346 = tpu.unpack_subelements %get3A_2344, 1 {pack_format = #tpu.pack_format<interleaved>} : vector<32xbf16> -> vector<16xf32>
        %mul3A_2347 = arith.mulf %unpack3A_2345, %gather3A_1624 : vector<16xf32>
        %add3A_2348 = arith.addf %add3A_2335, %mul3A_2347 : vector<16xf32>
        %mul3A_2349 = arith.mulf %unpack3A_2346, %gather3A_1624 : vector<16xf32>
        %add3A_2350 = arith.addf %add3A_2337, %mul3A_2349 : vector<16xf32>
        %mul3A_2351 = arith.constant 10 : i32
        %mul3A_2352 = arith.muli %scan3A_1590, %mul3A_2351 : i32
        %add3A_2353 = arith.constant 8 : i32
        %add3A_2354 = arith.addi %mul3A_2352, %add3A_2353 : i32
        %get3A_2355 = arith.index_cast %add3A_2354 : i32 to index
        %get3A_2356 = arith.constant 128 : index
        %get3A_2357 = tpu.vector_load %arg14[%get3A_2355, %get3A_2356] {strides = array<i32>} : memref<160x160xbf16, #tpu.memory_space<vmem>>, vector<32xbf16>,
        %unpack3A_2358 = tpu.unpack_subelements %get3A_2357, 0 {pack_format = #tpu.pack_format<interleaved>} : vector<32xbf16> -> vector<16xf32>
        %unpack3A_2359 = tpu.unpack_subelements %get3A_2357, 1 {pack_format = #tpu.pack_format<interleaved>} : vector<32xbf16> -> vector<16xf32>
        %mul3A_2360 = arith.mulf %unpack3A_2358, %gather3A_1628 : vector<16xf32>
        %add3A_2361 = arith.addf %add3A_2348, %mul3A_2360 : vector<16xf32>
        %mul3A_2362 = arith.mulf %unpack3A_2359, %gather3A_1628 : vector<16xf32>
        %add3A_2363 = arith.addf %add3A_2350, %mul3A_2362 : vector<16xf32>
        %mul3A_2364 = arith.constant 10 : i32
        %mul3A_2365 = arith.muli %scan3A_1590, %mul3A_2364 : i32
        %add3A_2366 = arith.constant 9 : i32
        %add3A_2367 = arith.addi %mul3A_2365, %add3A_2366 : i32
        %get3A_2368 = arith.index_cast %add3A_2367 : i32 to index
        %get3A_2369 = arith.constant 128 : index
        %get3A_2370 = tpu.vector_load %arg14[%get3A_2368, %get3A_2369] {strides = array<i32>} : memref<160x160xbf16, #tpu.memory_space<vmem>>, vector<32xbf16>,
        %unpack3A_2371 = tpu.unpack_subelements %get3A_2370, 0 {pack_format = #tpu.pack_format<interleaved>} : vector<32xbf16> -> vector<16xf32>
        %unpack3A_2372 = tpu.unpack_subelements %get3A_2370, 1 {pack_format = #tpu.pack_format<interleaved>} : vector<32xbf16> -> vector<16xf32>
        %mul3A_2373 = arith.mulf %unpack3A_2371, %gather3A_1632 : vector<16xf32>
        %add3A_2374 = arith.addf %add3A_2361, %mul3A_2373 : vector<16xf32>
        %mul3A_2375 = arith.mulf %unpack3A_2372, %gather3A_1632 : vector<16xf32>
        %add3A_2376 = arith.addf %add3A_2363, %mul3A_2375 : vector<16xf32>
        %swap3A_2377 = arith.index_cast %scan3A_1590 : i32 to index
        %swap3A_2378 = arith.constant 128 : index
        %swap3A_2379 = tpu.vector_load %arg17[%swap3A_2377, %swap3A_2378] {strides = array<i32>} : memref<16x160xf32, #tpu.memory_space<vmem>>, vector<16xf32>,
        tpu.vector_store %arg17[%swap3A_2377, %swap3A_2378], %add3A_2374 {strides = array<i32>} : memref<16x160xf32, #tpu.memory_space<vmem>>, vector<16xf32>,
        %swap3A_2380 = arith.index_cast %scan3A_1590 : i32 to index
        %swap3A_2381 = arith.constant 144 : index
        %swap3A_2382 = tpu.vector_load %arg17[%swap3A_2380, %swap3A_2381] {strides = array<i32>} : memref<16x160xf32, #tpu.memory_space<vmem>>, vector<16xf32>,
        tpu.vector_store %arg17[%swap3A_2380, %swap3A_2381], %add3A_2376 {strides = array<i32>} : memref<16x160xf32, #tpu.memory_space<vmem>>, vector<16xf32>,
      }
      %scan3A_537 = arith.constant 16 : i32
      %mul3A_538 = arith.constant 16 : i32
      %mul3A_539 = arith.muli %mul3A_222, %mul3A_538 : i32
      %add3A_540 = arith.addi %mul3A_2, %mul3A_539 : i32
      %dma_start3A_541 = arith.constant 0 : i32
      %dma_start3A_542 = tpu.memref_slice %arg7[%add3A_540, %dma_start3A_541] : memref<16384x160xf32, #tpu.memory_space<hbm>> -> memref<16x160xf32, #tpu.memory_space<hbm>>
      %dma_start3A_543 = arith.constant 0 : i32
      %dma_start3A_544 = tpu.memref_slice %arg7[%add3A_540, %dma_start3A_543] : memref<16384x160xf32, #tpu.memory_space<hbm>> -> memref<16x160xf32, #tpu.memory_space<hbm>>
      tpu.enqueue_dma source(%arg17 : memref<16x160xf32, #tpu.memory_space<vmem>>) target(%dma_start3A_544 : memref<16x160xf32, #tpu.memory_space<hbm>>) target_semaphore(%arg29 : memref<!tpu.dma_semaphore, #tpu.memory_space<semaphore_mem>>)
      %lt3A = arith.constant 15 : i32
      %lt3A_545 = arith.cmpi slt, %scan3A_220, %lt3A : i32
      %convert_element_type3A_546 = arith.extui %lt3A_545 : i1 to i32
      %cond3A_547 = arith.constant 0 : i32
      %cond3A_548 = arith.cmpi ne, %convert_element_type3A_546, %cond3A_547 : i32
      scf.if %cond3A_548 {
        %add3A_797 = arith.constant 2 : i32
        %add3A_798 = arith.addi %mul3A_222, %add3A_797 : i32
        %mul3A_799 = arith.constant 16 : i32
        %mul3A_800 = arith.muli %add3A_798, %mul3A_799 : i32
        %multiple_of3A_801 = tpu.assume_multiple %mul3A_800, 16 : i32
        %broadcast_in_dim3A_802 = vector.broadcast %multiple_of3A_801 : i32 to vector<16xi32>
        %get3A_803 = arith.index_cast %multiple_of3A_801 : i32 to index
        %get3A_804 = tpu.vector_load %arg8[%get3A_803] {strides = array<i32>} : memref<512xi32, #tpu.memory_space<vmem>>, vector<16xi32>,
        %get3A_805 = arith.index_cast %multiple_of3A_801 : i32 to index
        %get3A_806 = tpu.vector_load %arg9[%get3A_805] {strides = array<i32>} : memref<512xi32, #tpu.memory_space<vmem>>, vector<16xi32>,
        %add3A_807 = arith.addi %broadcast_in_dim3A_802, %shift_right_logical3A_13 : vector<16xi32>
        %gather3A_808 = tpu.vector_load_idx %arg8[%add3A_807] : memref<512xi32, #tpu.memory_space<vmem>>[vector<16xi32>], vector<16xi32>,
        %add3A_809 = arith.addi %gather3A_808, %sub3A : vector<16xi32>
        %swap3A_810 = arith.constant 0 : index
        %swap3A_811 = tpu.vector_load %arg10[%swap3A_810] {strides = array<i32>} : memref<80xi32, #tpu.memory_space<vmem>>, vector<16xi32>,
        tpu.vector_store %arg10[%swap3A_810], %add3A_809 {strides = array<i32>} : memref<80xi32, #tpu.memory_space<vmem>>, vector<16xi32>,
        %add3A_812 = arith.addi %broadcast_in_dim3A_802, %shift_right_logical3A_25 : vector<16xi32>
        %gather3A_813 = tpu.vector_load_idx %arg8[%add3A_812] : memref<512xi32, #tpu.memory_space<vmem>>[vector<16xi32>], vector<16xi32>,
        %add3A_814 = arith.addi %gather3A_813, %sub3A_29 : vector<16xi32>
        %swap3A_815 = arith.constant 16 : index
        %swap3A_816 = tpu.vector_load %arg10[%swap3A_815] {strides = array<i32>} : memref<80xi32, #tpu.memory_space<vmem>>, vector<16xi32>,
        tpu.vector_store %arg10[%swap3A_815], %add3A_814 {strides = array<i32>} : memref<80xi32, #tpu.memory_space<vmem>>, vector<16xi32>,
        %add3A_817 = arith.addi %broadcast_in_dim3A_802, %shift_right_logical3A_38 : vector<16xi32>
        %gather3A_818 = tpu.vector_load_idx %arg8[%add3A_817] : memref<512xi32, #tpu.memory_space<vmem>>[vector<16xi32>], vector<16xi32>,
        %add3A_819 = arith.addi %gather3A_818, %sub3A_42 : vector<16xi32>
        %swap3A_820 = arith.constant 32 : index
        %swap3A_821 = tpu.vector_load %arg10[%swap3A_820] {strides = array<i32>} : memref<80xi32, #tpu.memory_space<vmem>>, vector<16xi32>,
        tpu.vector_store %arg10[%swap3A_820], %add3A_819 {strides = array<i32>} : memref<80xi32, #tpu.memory_space<vmem>>, vector<16xi32>,
        %add3A_822 = arith.addi %broadcast_in_dim3A_802, %shift_right_logical3A_51 : vector<16xi32>
        %gather3A_823 = tpu.vector_load_idx %arg8[%add3A_822] : memref<512xi32, #tpu.memory_space<vmem>>[vector<16xi32>], vector<16xi32>,
        %add3A_824 = arith.addi %gather3A_823, %sub3A_55 : vector<16xi32>
        %swap3A_825 = arith.constant 48 : index
        %swap3A_826 = tpu.vector_load %arg10[%swap3A_825] {strides = array<i32>} : memref<80xi32, #tpu.memory_space<vmem>>, vector<16xi32>,
        tpu.vector_store %arg10[%swap3A_825], %add3A_824 {strides = array<i32>} : memref<80xi32, #tpu.memory_space<vmem>>, vector<16xi32>,
        %add3A_827 = arith.addi %broadcast_in_dim3A_802, %shift_right_logical3A_64 : vector<16xi32>
        %gather3A_828 = tpu.vector_load_idx %arg8[%add3A_827] : memref<512xi32, #tpu.memory_space<vmem>>[vector<16xi32>], vector<16xi32>,
        %add3A_829 = arith.addi %gather3A_828, %sub3A_68 : vector<16xi32>
        %swap3A_830 = arith.constant 64 : index
        %swap3A_831 = tpu.vector_load %arg10[%swap3A_830] {strides = array<i32>} : memref<80xi32, #tpu.memory_space<vmem>>, vector<16xi32>,
        tpu.vector_store %arg10[%swap3A_830], %add3A_829 {strides = array<i32>} : memref<80xi32, #tpu.memory_space<vmem>>, vector<16xi32>,
        %add3A_832 = arith.addi %broadcast_in_dim3A_802, %shift_right_logical3A_77 : vector<16xi32>
        %gather3A_833 = tpu.vector_load_idx %arg8[%add3A_832] : memref<512xi32, #tpu.memory_space<vmem>>[vector<16xi32>], vector<16xi32>,
        %add3A_834 = arith.addi %gather3A_833, %sub3A_81 : vector<16xi32>
        %swap3A_835 = arith.constant 0 : index
        %swap3A_836 = tpu.vector_load %arg11[%swap3A_835] {strides = array<i32>} : memref<80xi32, #tpu.memory_space<vmem>>, vector<16xi32>,
        tpu.vector_store %arg11[%swap3A_835], %add3A_834 {strides = array<i32>} : memref<80xi32, #tpu.memory_space<vmem>>, vector<16xi32>,
        %add3A_837 = arith.addi %broadcast_in_dim3A_802, %shift_right_logical3A_90 : vector<16xi32>
        %gather3A_838 = tpu.vector_load_idx %arg8[%add3A_837] : memref<512xi32, #tpu.memory_space<vmem>>[vector<16xi32>], vector<16xi32>,
        %add3A_839 = arith.addi %gather3A_838, %sub3A_94 : vector<16xi32>
        %swap3A_840 = arith.constant 16 : index
        %swap3A_841 = tpu.vector_load %arg11[%swap3A_840] {strides = array<i32>} : memref<80xi32, #tpu.memory_space<vmem>>, vector<16xi32>,
        tpu.vector_store %arg11[%swap3A_840], %add3A_839 {strides = array<i32>} : memref<80xi32, #tpu.memory_space<vmem>>, vector<16xi32>,
        %add3A_842 = arith.addi %broadcast_in_dim3A_802, %shift_right_logical3A_103 : vector<16xi32>
        %gather3A_843 = tpu.vector_load_idx %arg8[%add3A_842] : memref<512xi32, #tpu.memory_space<vmem>>[vector<16xi32>], vector<16xi32>,
        %add3A_844 = arith.addi %gather3A_843, %sub3A_107 : vector<16xi32>
        %swap3A_845 = arith.constant 32 : index
        %swap3A_846 = tpu.vector_load %arg11[%swap3A_845] {strides = array<i32>} : memref<80xi32, #tpu.memory_space<vmem>>, vector<16xi32>,
        tpu.vector_store %arg11[%swap3A_845], %add3A_844 {strides = array<i32>} : memref<80xi32, #tpu.memory_space<vmem>>, vector<16xi32>,
        %add3A_847 = arith.addi %broadcast_in_dim3A_802, %shift_right_logical3A_116 : vector<16xi32>
        %gather3A_848 = tpu.vector_load_idx %arg8[%add3A_847] : memref<512xi32, #tpu.memory_space<vmem>>[vector<16xi32>], vector<16xi32>,
        %add3A_849 = arith.addi %gather3A_848, %sub3A_120 : vector<16xi32>
        %swap3A_850 = arith.constant 48 : index
        %swap3A_851 = tpu.vector_load %arg11[%swap3A_850] {strides = array<i32>} : memref<80xi32, #tpu.memory_space<vmem>>, vector<16xi32>,
        tpu.vector_store %arg11[%swap3A_850], %add3A_849 {strides = array<i32>} : memref<80xi32, #tpu.memory_space<vmem>>, vector<16xi32>,
        %add3A_852 = arith.addi %broadcast_in_dim3A_802, %shift_right_logical3A_129 : vector<16xi32>
        %gather3A_853 = tpu.vector_load_idx %arg8[%add3A_852] : memref<512xi32, #tpu.memory_space<vmem>>[vector<16xi32>], vector<16xi32>,
        %add3A_854 = arith.addi %gather3A_853, %sub3A_133 : vector<16xi32>
        %swap3A_855 = arith.constant 64 : index
        %swap3A_856 = tpu.vector_load %arg11[%swap3A_855] {strides = array<i32>} : memref<80xi32, #tpu.memory_space<vmem>>, vector<16xi32>,
        tpu.vector_store %arg11[%swap3A_855], %add3A_854 {strides = array<i32>} : memref<80xi32, #tpu.memory_space<vmem>>, vector<16xi32>,
        %swap3A_857 = arith.constant 0 : index
        %swap3A_858 = tpu.vector_load %arg12[%swap3A_857] {strides = array<i32>} : memref<16xi32, #tpu.memory_space<vmem>>, vector<16xi32>,
        tpu.vector_store %arg12[%swap3A_857], %get3A_804 {strides = array<i32>} : memref<16xi32, #tpu.memory_space<vmem>>, vector<16xi32>,
        %add3A_859 = arith.addi %get3A_804, %get3A_806 : vector<16xi32>
        %swap3A_860 = arith.constant 0 : index
        %swap3A_861 = tpu.vector_load %arg13[%swap3A_860] {strides = array<i32>} : memref<16xi32, #tpu.memory_space<vmem>>, vector<16xi32>,
        tpu.vector_store %arg13[%swap3A_860], %add3A_859 {strides = array<i32>} : memref<16xi32, #tpu.memory_space<vmem>>, vector<16xi32>,
        %dma_start3A_862 = arith.constant 0 : i32
        %dma_start3A_863 = arith.constant 0 : i32
        %dma_start3A_864 = tpu.memref_slice %arg14[%dma_start3A_862, %dma_start3A_863] : memref<160x160xbf16, #tpu.memory_space<vmem>> -> memref<80x160xbf16, #tpu.memory_space<vmem>>
        %dma_start3A_865 = arith.constant 0 : i32
        %dma_start3A_866 = arith.constant 0 : i32
        %dma_start3A_867 = tpu.memref_slice %arg2[%dma_start3A_865, %dma_start3A_866] : memref<8192x160xbf16, #tpu.memory_space<hbm>> -> memref<8192x160xbf16, #tpu.memory_space<hbm>>
        tpu.enqueue_indirect_dma source(%dma_start3A_867 : memref<8192x160xbf16, #tpu.memory_space<hbm>>) target(%dma_start3A_864 : memref<80x160xbf16, #tpu.memory_space<vmem>>) offsets(%arg10 : memref<80xi32, #tpu.memory_space<vmem>>) semaphore(%arg27 : memref<!tpu.dma_semaphore, #tpu.memory_space<semaphore_mem>>)
        %dma_start3A_868 = arith.constant 80 : i32
        %dma_start3A_869 = arith.constant 0 : i32
        %dma_start3A_870 = tpu.memref_slice %arg14[%dma_start3A_868, %dma_start3A_869] : memref<160x160xbf16, #tpu.memory_space<vmem>> -> memref<80x160xbf16, #tpu.memory_space<vmem>>
        %dma_start3A_871 = arith.constant 0 : i32
        %dma_start3A_872 = arith.constant 0 : i32
        %dma_start3A_873 = tpu.memref_slice %arg2[%dma_start3A_871, %dma_start3A_872] : memref<8192x160xbf16, #tpu.memory_space<hbm>> -> memref<8192x160xbf16, #tpu.memory_space<hbm>>
        tpu.enqueue_indirect_dma source(%dma_start3A_873 : memref<8192x160xbf16, #tpu.memory_space<hbm>>) target(%dma_start3A_870 : memref<80x160xbf16, #tpu.memory_space<vmem>>) offsets(%arg11 : memref<80xi32, #tpu.memory_space<vmem>>) semaphore(%arg27 : memref<!tpu.dma_semaphore, #tpu.memory_space<semaphore_mem>>)
        %dma_start3A_874 = arith.constant 0 : i32
        %dma_start3A_875 = arith.constant 0 : i32
        %dma_start3A_876 = tpu.memref_slice %arg3[%dma_start3A_874, %dma_start3A_875] : memref<8192x176xf32, #tpu.memory_space<hbm>> -> memref<8192x176xf32, #tpu.memory_space<hbm>>
        tpu.enqueue_indirect_dma source(%dma_start3A_876 : memref<8192x176xf32, #tpu.memory_space<hbm>>) target(%arg15 : memref<16x176xf32, #tpu.memory_space<vmem>>) offsets(%arg12 : memref<16xi32, #tpu.memory_space<vmem>>) semaphore(%arg27 : memref<!tpu.dma_semaphore, #tpu.memory_space<semaphore_mem>>)
        %dma_start3A_877 = arith.constant 0 : i32
        %dma_start3A_878 = arith.constant 0 : i32
        %dma_start3A_879 = tpu.memref_slice %arg4[%dma_start3A_877, %dma_start3A_878] : memref<8192x160xf32, #tpu.memory_space<hbm>> -> memref<8192x160xf32, #tpu.memory_space<hbm>>
        tpu.enqueue_indirect_dma source(%dma_start3A_879 : memref<8192x160xf32, #tpu.memory_space<hbm>>) target(%arg16 : memref<16x160xf32, #tpu.memory_space<vmem>>) offsets(%arg13 : memref<16xi32, #tpu.memory_space<vmem>>) semaphore(%arg27 : memref<!tpu.dma_semaphore, #tpu.memory_space<semaphore_mem>>)
      } else {
      }
      %dma_wait3A_549 = arith.constant 0 : i32
      %dma_wait3A_550 = arith.constant 0 : i32
      %dma_wait3A_551 = tpu.memref_slice %arg22[%dma_wait3A_549, %dma_wait3A_550] : memref<160x160xbf16, #tpu.memory_space<vmem>> -> memref<80x160xbf16, #tpu.memory_space<vmem>>
      %dma_wait3A_552 = arith.constant 0 : i32
      %dma_wait3A_553 = arith.constant 0 : i32
      %dma_wait3A_554 = tpu.memref_slice %arg2[%dma_wait3A_552, %dma_wait3A_553] : memref<8192x160xbf16, #tpu.memory_space<hbm>> -> memref<8192x160xbf16, #tpu.memory_space<hbm>>
      tpu.wait_indirect_dma semaphore(%arg28 : memref<!tpu.dma_semaphore, #tpu.memory_space<semaphore_mem>>) src(%dma_wait3A_554 : memref<8192x160xbf16, #tpu.memory_space<hbm>>) dst(%dma_wait3A_551 : memref<80x160xbf16, #tpu.memory_space<vmem>>)
      %dma_wait3A_555 = arith.constant 80 : i32
      %dma_wait3A_556 = arith.constant 0 : i32
      %dma_wait3A_557 = tpu.memref_slice %arg22[%dma_wait3A_555, %dma_wait3A_556] : memref<160x160xbf16, #tpu.memory_space<vmem>> -> memref<80x160xbf16, #tpu.memory_space<vmem>>
      %dma_wait3A_558 = arith.constant 0 : i32
      %dma_wait3A_559 = arith.constant 0 : i32
      %dma_wait3A_560 = tpu.memref_slice %arg2[%dma_wait3A_558, %dma_wait3A_559] : memref<8192x160xbf16, #tpu.memory_space<hbm>> -> memref<8192x160xbf16, #tpu.memory_space<hbm>>
      tpu.wait_indirect_dma semaphore(%arg28 : memref<!tpu.dma_semaphore, #tpu.memory_space<semaphore_mem>>) src(%dma_wait3A_560 : memref<8192x160xbf16, #tpu.memory_space<hbm>>) dst(%dma_wait3A_557 : memref<80x160xbf16, #tpu.memory_space<vmem>>)
      %dma_wait3A_561 = arith.constant 0 : i32
      %dma_wait3A_562 = arith.constant 0 : i32
      %dma_wait3A_563 = tpu.memref_slice %arg3[%dma_wait3A_561, %dma_wait3A_562] : memref<8192x176xf32, #tpu.memory_space<hbm>> -> memref<8192x176xf32, #tpu.memory_space<hbm>>
      tpu.wait_indirect_dma semaphore(%arg28 : memref<!tpu.dma_semaphore, #tpu.memory_space<semaphore_mem>>) src(%dma_wait3A_563 : memref<8192x176xf32, #tpu.memory_space<hbm>>) dst(%arg23 : memref<16x176xf32, #tpu.memory_space<vmem>>)
      %dma_wait3A_564 = arith.constant 0 : i32
      %dma_wait3A_565 = arith.constant 0 : i32
      %dma_wait3A_566 = tpu.memref_slice %arg4[%dma_wait3A_564, %dma_wait3A_565] : memref<8192x160xf32, #tpu.memory_space<hbm>> -> memref<8192x160xf32, #tpu.memory_space<hbm>>
      tpu.wait_indirect_dma semaphore(%arg28 : memref<!tpu.dma_semaphore, #tpu.memory_space<semaphore_mem>>) src(%dma_wait3A_566 : memref<8192x160xf32, #tpu.memory_space<hbm>>) dst(%arg24 : memref<16x160xf32, #tpu.memory_space<vmem>>)
      %gt3A_567 = arith.constant 0 : i32
      %gt3A_568 = arith.cmpi sgt, %scan3A_220, %gt3A_567 : i32
      %convert_element_type3A_569 = arith.extui %gt3A_568 : i1 to i32
      %cond3A_570 = arith.constant 0 : i32
      %cond3A_571 = arith.cmpi ne, %convert_element_type3A_569, %cond3A_570 : i32
      scf.if %cond3A_571 {
        %dma_wait3A_797 = arith.constant 0 : i32
        %dma_wait3A_798 = tpu.memref_slice %arg7[%mul3A_2, %dma_wait3A_797] : memref<16384x160xf32, #tpu.memory_space<hbm>> -> memref<16x160xf32, #tpu.memory_space<hbm>>
        %dma_wait3A_799 = arith.constant 0 : i32
        %dma_wait3A_800 = tpu.memref_slice %arg7[%mul3A_2, %dma_wait3A_799] : memref<16384x160xf32, #tpu.memory_space<hbm>> -> memref<16x160xf32, #tpu.memory_space<hbm>>
        tpu.wait_dma2 semaphore(%arg30 : memref<!tpu.dma_semaphore, #tpu.memory_space<semaphore_mem>>) src(%arg25 : memref<16x160xf32, #tpu.memory_space<vmem>>) dst(%dma_wait3A_800 : memref<16x160xf32, #tpu.memory_space<hbm>>)
      } else {
      }
      %mul3A_572 = arith.constant 16 : i32
      %mul3A_573 = arith.muli %add3A_224, %mul3A_572 : i32
      %multiple_of3A_574 = tpu.assume_multiple %mul3A_573, 16 : i32
      %get3A_575 = arith.index_cast %multiple_of3A_574 : i32 to index
      %get3A_576 = tpu.vector_load %arg9[%get3A_575] {strides = array<i32>} : memref<512xi32, #tpu.memory_space<vmem>>, vector<16xi32>,
      %broadcast_in_dim3A_577 = arith.constant -1.000000e+30 : f32
      %broadcast_in_dim3A_578 = vector.broadcast %broadcast_in_dim3A_577 : f32 to vector<16xf32>
      %add3A_579 = arith.constant 160 : i32
      %add3A_580 = vector.broadcast %add3A_579 : i32 to vector<16xi32>
      %add3A_581 = arith.addi %mul3A_5, %add3A_580 : vector<16xi32>
      %gather3A_582 = tpu.vector_load_idx %arg23[%iota3A, %add3A_581] : memref<16x176xf32, #tpu.memory_space<vmem>>[vector<16xi32>, vector<16xi32>], vector<16xf32>,
      %ge3A_583 = arith.constant 0 : i32
      %ge3A_584 = vector.broadcast %ge3A_583 : i32 to vector<16xi32>
      %ge3A_585 = arith.cmpi sge, %get3A_576, %ge3A_584 : vector<16xi32>
      %select_n3A_586 = arith.select %ge3A_585, %gather3A_582, %broadcast_in_dim3A_578 : vector<16xi1>, vector<16xf32>
      %max3A_587 = arith.maximumf %broadcast_in_dim3A_578, %select_n3A_586 : vector<16xf32>
      %add3A_588 = arith.constant 161 : i32
      %add3A_589 = vector.broadcast %add3A_588 : i32 to vector<16xi32>
      %add3A_590 = arith.addi %mul3A_5, %add3A_589 : vector<16xi32>
      %gather3A_591 = tpu.vector_load_idx %arg23[%iota3A, %add3A_590] : memref<16x176xf32, #tpu.memory_space<vmem>>[vector<16xi32>, vector<16xi32>], vector<16xf32>,
      %ge3A_592 = arith.constant 1 : i32
      %ge3A_593 = vector.broadcast %ge3A_592 : i32 to vector<16xi32>
      %ge3A_594 = arith.cmpi sge, %get3A_576, %ge3A_593 : vector<16xi32>
      %select_n3A_595 = arith.select %ge3A_594, %gather3A_591, %broadcast_in_dim3A_578 : vector<16xi1>, vector<16xf32>
      %max3A_596 = arith.maximumf %max3A_587, %select_n3A_595 : vector<16xf32>
      %add3A_597 = arith.constant 162 : i32
      %add3A_598 = vector.broadcast %add3A_597 : i32 to vector<16xi32>
      %add3A_599 = arith.addi %mul3A_5, %add3A_598 : vector<16xi32>
      %gather3A_600 = tpu.vector_load_idx %arg23[%iota3A, %add3A_599] : memref<16x176xf32, #tpu.memory_space<vmem>>[vector<16xi32>, vector<16xi32>], vector<16xf32>,
      %ge3A_601 = arith.constant 2 : i32
      %ge3A_602 = vector.broadcast %ge3A_601 : i32 to vector<16xi32>
      %ge3A_603 = arith.cmpi sge, %get3A_576, %ge3A_602 : vector<16xi32>
      %select_n3A_604 = arith.select %ge3A_603, %gather3A_600, %broadcast_in_dim3A_578 : vector<16xi1>, vector<16xf32>
      %max3A_605 = arith.maximumf %max3A_596, %select_n3A_604 : vector<16xf32>
      %add3A_606 = arith.constant 163 : i32
      %add3A_607 = vector.broadcast %add3A_606 : i32 to vector<16xi32>
      %add3A_608 = arith.addi %mul3A_5, %add3A_607 : vector<16xi32>
      %gather3A_609 = tpu.vector_load_idx %arg23[%iota3A, %add3A_608] : memref<16x176xf32, #tpu.memory_space<vmem>>[vector<16xi32>, vector<16xi32>], vector<16xf32>,
      %ge3A_610 = arith.constant 3 : i32
      %ge3A_611 = vector.broadcast %ge3A_610 : i32 to vector<16xi32>
      %ge3A_612 = arith.cmpi sge, %get3A_576, %ge3A_611 : vector<16xi32>
      %select_n3A_613 = arith.select %ge3A_612, %gather3A_609, %broadcast_in_dim3A_578 : vector<16xi1>, vector<16xf32>
      %max3A_614 = arith.maximumf %max3A_605, %select_n3A_613 : vector<16xf32>
      %add3A_615 = arith.constant 164 : i32
      %add3A_616 = vector.broadcast %add3A_615 : i32 to vector<16xi32>
      %add3A_617 = arith.addi %mul3A_5, %add3A_616 : vector<16xi32>
      %gather3A_618 = tpu.vector_load_idx %arg23[%iota3A, %add3A_617] : memref<16x176xf32, #tpu.memory_space<vmem>>[vector<16xi32>, vector<16xi32>], vector<16xf32>,
      %ge3A_619 = arith.constant 4 : i32
      %ge3A_620 = vector.broadcast %ge3A_619 : i32 to vector<16xi32>
      %ge3A_621 = arith.cmpi sge, %get3A_576, %ge3A_620 : vector<16xi32>
      %select_n3A_622 = arith.select %ge3A_621, %gather3A_618, %broadcast_in_dim3A_578 : vector<16xi1>, vector<16xf32>
      %max3A_623 = arith.maximumf %max3A_614, %select_n3A_622 : vector<16xf32>
      %add3A_624 = arith.constant 165 : i32
      %add3A_625 = vector.broadcast %add3A_624 : i32 to vector<16xi32>
      %add3A_626 = arith.addi %mul3A_5, %add3A_625 : vector<16xi32>
      %gather3A_627 = tpu.vector_load_idx %arg23[%iota3A, %add3A_626] : memref<16x176xf32, #tpu.memory_space<vmem>>[vector<16xi32>, vector<16xi32>], vector<16xf32>,
      %ge3A_628 = arith.constant 5 : i32
      %ge3A_629 = vector.broadcast %ge3A_628 : i32 to vector<16xi32>
      %ge3A_630 = arith.cmpi sge, %get3A_576, %ge3A_629 : vector<16xi32>
      %select_n3A_631 = arith.select %ge3A_630, %gather3A_627, %broadcast_in_dim3A_578 : vector<16xi1>, vector<16xf32>
      %max3A_632 = arith.maximumf %max3A_623, %select_n3A_631 : vector<16xf32>
      %add3A_633 = arith.constant 166 : i32
      %add3A_634 = vector.broadcast %add3A_633 : i32 to vector<16xi32>
      %add3A_635 = arith.addi %mul3A_5, %add3A_634 : vector<16xi32>
      %gather3A_636 = tpu.vector_load_idx %arg23[%iota3A, %add3A_635] : memref<16x176xf32, #tpu.memory_space<vmem>>[vector<16xi32>, vector<16xi32>], vector<16xf32>,
      %ge3A_637 = arith.constant 6 : i32
      %ge3A_638 = vector.broadcast %ge3A_637 : i32 to vector<16xi32>
      %ge3A_639 = arith.cmpi sge, %get3A_576, %ge3A_638 : vector<16xi32>
      %select_n3A_640 = arith.select %ge3A_639, %gather3A_636, %broadcast_in_dim3A_578 : vector<16xi1>, vector<16xf32>
      %max3A_641 = arith.maximumf %max3A_632, %select_n3A_640 : vector<16xf32>
      %add3A_642 = arith.constant 167 : i32
      %add3A_643 = vector.broadcast %add3A_642 : i32 to vector<16xi32>
      %add3A_644 = arith.addi %mul3A_5, %add3A_643 : vector<16xi32>
      %gather3A_645 = tpu.vector_load_idx %arg23[%iota3A, %add3A_644] : memref<16x176xf32, #tpu.memory_space<vmem>>[vector<16xi32>, vector<16xi32>], vector<16xf32>,
      %ge3A_646 = arith.constant 7 : i32
      %ge3A_647 = vector.broadcast %ge3A_646 : i32 to vector<16xi32>
      %ge3A_648 = arith.cmpi sge, %get3A_576, %ge3A_647 : vector<16xi32>
      %select_n3A_649 = arith.select %ge3A_648, %gather3A_645, %broadcast_in_dim3A_578 : vector<16xi1>, vector<16xf32>
      %max3A_650 = arith.maximumf %max3A_641, %select_n3A_649 : vector<16xf32>
      %add3A_651 = arith.constant 168 : i32
      %add3A_652 = vector.broadcast %add3A_651 : i32 to vector<16xi32>
      %add3A_653 = arith.addi %mul3A_5, %add3A_652 : vector<16xi32>
      %gather3A_654 = tpu.vector_load_idx %arg23[%iota3A, %add3A_653] : memref<16x176xf32, #tpu.memory_space<vmem>>[vector<16xi32>, vector<16xi32>], vector<16xf32>,
      %ge3A_655 = arith.constant 8 : i32
      %ge3A_656 = vector.broadcast %ge3A_655 : i32 to vector<16xi32>
      %ge3A_657 = arith.cmpi sge, %get3A_576, %ge3A_656 : vector<16xi32>
      %select_n3A_658 = arith.select %ge3A_657, %gather3A_654, %broadcast_in_dim3A_578 : vector<16xi1>, vector<16xf32>
      %max3A_659 = arith.maximumf %max3A_650, %select_n3A_658 : vector<16xf32>
      %add3A_660 = arith.constant 169 : i32
      %add3A_661 = vector.broadcast %add3A_660 : i32 to vector<16xi32>
      %add3A_662 = arith.addi %mul3A_5, %add3A_661 : vector<16xi32>
      %gather3A_663 = tpu.vector_load_idx %arg23[%iota3A, %add3A_662] : memref<16x176xf32, #tpu.memory_space<vmem>>[vector<16xi32>, vector<16xi32>], vector<16xf32>,
      %ge3A_664 = arith.constant 9 : i32
      %ge3A_665 = vector.broadcast %ge3A_664 : i32 to vector<16xi32>
      %ge3A_666 = arith.cmpi sge, %get3A_576, %ge3A_665 : vector<16xi32>
      %select_n3A_667 = arith.select %ge3A_666, %gather3A_663, %broadcast_in_dim3A_578 : vector<16xi1>, vector<16xf32>
      %max3A_668 = arith.maximumf %max3A_659, %select_n3A_667 : vector<16xf32>
      %broadcast_in_dim3A_669 = arith.constant 0.000000e+00 : f32
      %broadcast_in_dim3A_670 = vector.broadcast %broadcast_in_dim3A_669 : f32 to vector<16xf32>
      %sub3A_671 = arith.subf %gather3A_582, %max3A_668 : vector<16xf32>
      %exp3A_672 = math.exp %sub3A_671 : vector<16xf32>
      %jit3A_673 = arith.constant 0.000000e+00 : f32
      %broadcast_in_dim3A_674 = vector.broadcast %jit3A_673 : f32 to vector<16xf32>
      %select_n3A_675 = arith.select %ge3A_585, %exp3A_672, %broadcast_in_dim3A_674 : vector<16xi1>, vector<16xf32>
      %add3A_676 = arith.addf %broadcast_in_dim3A_670, %select_n3A_675 : vector<16xf32>
      %sub3A_677 = arith.subf %gather3A_591, %max3A_668 : vector<16xf32>
      %exp3A_678 = math.exp %sub3A_677 : vector<16xf32>
      %jit3A_679 = arith.constant 0.000000e+00 : f32
      %broadcast_in_dim3A_680 = vector.broadcast %jit3A_679 : f32 to vector<16xf32>
      %select_n3A_681 = arith.select %ge3A_594, %exp3A_678, %broadcast_in_dim3A_680 : vector<16xi1>, vector<16xf32>
      %add3A_682 = arith.addf %add3A_676, %select_n3A_681 : vector<16xf32>
      %sub3A_683 = arith.subf %gather3A_600, %max3A_668 : vector<16xf32>
      %exp3A_684 = math.exp %sub3A_683 : vector<16xf32>
      %jit3A_685 = arith.constant 0.000000e+00 : f32
      %broadcast_in_dim3A_686 = vector.broadcast %jit3A_685 : f32 to vector<16xf32>
      %select_n3A_687 = arith.select %ge3A_603, %exp3A_684, %broadcast_in_dim3A_686 : vector<16xi1>, vector<16xf32>
      %add3A_688 = arith.addf %add3A_682, %select_n3A_687 : vector<16xf32>
      %sub3A_689 = arith.subf %gather3A_609, %max3A_668 : vector<16xf32>
      %exp3A_690 = math.exp %sub3A_689 : vector<16xf32>
      %jit3A_691 = arith.constant 0.000000e+00 : f32
      %broadcast_in_dim3A_692 = vector.broadcast %jit3A_691 : f32 to vector<16xf32>
      %select_n3A_693 = arith.select %ge3A_612, %exp3A_690, %broadcast_in_dim3A_692 : vector<16xi1>, vector<16xf32>
      %add3A_694 = arith.addf %add3A_688, %select_n3A_693 : vector<16xf32>
      %sub3A_695 = arith.subf %gather3A_618, %max3A_668 : vector<16xf32>
      %exp3A_696 = math.exp %sub3A_695 : vector<16xf32>
      %jit3A_697 = arith.constant 0.000000e+00 : f32
      %broadcast_in_dim3A_698 = vector.broadcast %jit3A_697 : f32 to vector<16xf32>
      %select_n3A_699 = arith.select %ge3A_621, %exp3A_696, %broadcast_in_dim3A_698 : vector<16xi1>, vector<16xf32>
      %add3A_700 = arith.addf %add3A_694, %select_n3A_699 : vector<16xf32>
      %sub3A_701 = arith.subf %gather3A_627, %max3A_668 : vector<16xf32>
      %exp3A_702 = math.exp %sub3A_701 : vector<16xf32>
      %jit3A_703 = arith.constant 0.000000e+00 : f32
      %broadcast_in_dim3A_704 = vector.broadcast %jit3A_703 : f32 to vector<16xf32>
      %select_n3A_705 = arith.select %ge3A_630, %exp3A_702, %broadcast_in_dim3A_704 : vector<16xi1>, vector<16xf32>
      %add3A_706 = arith.addf %add3A_700, %select_n3A_705 : vector<16xf32>
      %sub3A_707 = arith.subf %gather3A_636, %max3A_668 : vector<16xf32>
      %exp3A_708 = math.exp %sub3A_707 : vector<16xf32>
      %jit3A_709 = arith.constant 0.000000e+00 : f32
      %broadcast_in_dim3A_710 = vector.broadcast %jit3A_709 : f32 to vector<16xf32>
      %select_n3A_711 = arith.select %ge3A_639, %exp3A_708, %broadcast_in_dim3A_710 : vector<16xi1>, vector<16xf32>
      %add3A_712 = arith.addf %add3A_706, %select_n3A_711 : vector<16xf32>
      %sub3A_713 = arith.subf %gather3A_645, %max3A_668 : vector<16xf32>
      %exp3A_714 = math.exp %sub3A_713 : vector<16xf32>
      %jit3A_715 = arith.constant 0.000000e+00 : f32
      %broadcast_in_dim3A_716 = vector.broadcast %jit3A_715 : f32 to vector<16xf32>
      %select_n3A_717 = arith.select %ge3A_648, %exp3A_714, %broadcast_in_dim3A_716 : vector<16xi1>, vector<16xf32>
      %add3A_718 = arith.addf %add3A_712, %select_n3A_717 : vector<16xf32>
      %sub3A_719 = arith.subf %gather3A_654, %max3A_668 : vector<16xf32>
      %exp3A_720 = math.exp %sub3A_719 : vector<16xf32>
      %jit3A_721 = arith.constant 0.000000e+00 : f32
      %broadcast_in_dim3A_722 = vector.broadcast %jit3A_721 : f32 to vector<16xf32>
      %select_n3A_723 = arith.select %ge3A_657, %exp3A_720, %broadcast_in_dim3A_722 : vector<16xi1>, vector<16xf32>
      %add3A_724 = arith.addf %add3A_718, %select_n3A_723 : vector<16xf32>
      %sub3A_725 = arith.subf %gather3A_663, %max3A_668 : vector<16xf32>
      %exp3A_726 = math.exp %sub3A_725 : vector<16xf32>
      %jit3A_727 = arith.constant 0.000000e+00 : f32
      %broadcast_in_dim3A_728 = vector.broadcast %jit3A_727 : f32 to vector<16xf32>
      %select_n3A_729 = arith.select %ge3A_666, %exp3A_726, %broadcast_in_dim3A_728 : vector<16xi1>, vector<16xf32>
      %add3A_730 = arith.addf %add3A_724, %select_n3A_729 : vector<16xf32>
      %div3A_731 = arith.constant 1.000000e+00 : f32
      %div3A_732 = vector.broadcast %div3A_731 : f32 to vector<16xf32>
      %div3A_733 = arith.divf %div3A_732, %add3A_730 : vector<16xf32>
      %mul3A_734 = arith.mulf %select_n3A_675, %div3A_733 : vector<16xf32>
      %swap3A_735 = arith.constant 0 : i32
      %swap3A_736 = arith.index_cast %swap3A_735 : i32 to index
      %swap3A_737 = arith.constant 0 : index
      %swap3A_738 = tpu.vector_load %arg26[%swap3A_736, %swap3A_737] {strides = array<i32>} : memref<10x16xf32, #tpu.memory_space<vmem>>, vector<16xf32>,
      tpu.vector_store %arg26[%swap3A_736, %swap3A_737], %mul3A_734 {strides = array<i32>} : memref<10x16xf32, #tpu.memory_space<vmem>>, vector<16xf32>,
      %mul3A_739 = arith.mulf %select_n3A_681, %div3A_733 : vector<16xf32>
      %swap3A_740 = arith.constant 1 : i32
      %swap3A_741 = arith.index_cast %swap3A_740 : i32 to index
      %swap3A_742 = arith.constant 0 : index
      %swap3A_743 = tpu.vector_load %arg26[%swap3A_741, %swap3A_742] {strides = array<i32>} : memref<10x16xf32, #tpu.memory_space<vmem>>, vector<16xf32>,
      tpu.vector_store %arg26[%swap3A_741, %swap3A_742], %mul3A_739 {strides = array<i32>} : memref<10x16xf32, #tpu.memory_space<vmem>>, vector<16xf32>,
      %mul3A_744 = arith.mulf %select_n3A_687, %div3A_733 : vector<16xf32>
      %swap3A_745 = arith.constant 2 : i32
      %swap3A_746 = arith.index_cast %swap3A_745 : i32 to index
      %swap3A_747 = arith.constant 0 : index
      %swap3A_748 = tpu.vector_load %arg26[%swap3A_746, %swap3A_747] {strides = array<i32>} : memref<10x16xf32, #tpu.memory_space<vmem>>, vector<16xf32>,
      tpu.vector_store %arg26[%swap3A_746, %swap3A_747], %mul3A_744 {strides = array<i32>} : memref<10x16xf32, #tpu.memory_space<vmem>>, vector<16xf32>,
      %mul3A_749 = arith.mulf %select_n3A_693, %div3A_733 : vector<16xf32>
      %swap3A_750 = arith.constant 3 : i32
      %swap3A_751 = arith.index_cast %swap3A_750 : i32 to index
      %swap3A_752 = arith.constant 0 : index
      %swap3A_753 = tpu.vector_load %arg26[%swap3A_751, %swap3A_752] {strides = array<i32>} : memref<10x16xf32, #tpu.memory_space<vmem>>, vector<16xf32>,
      tpu.vector_store %arg26[%swap3A_751, %swap3A_752], %mul3A_749 {strides = array<i32>} : memref<10x16xf32, #tpu.memory_space<vmem>>, vector<16xf32>,
      %mul3A_754 = arith.mulf %select_n3A_699, %div3A_733 : vector<16xf32>
      %swap3A_755 = arith.constant 4 : i32
      %swap3A_756 = arith.index_cast %swap3A_755 : i32 to index
      %swap3A_757 = arith.constant 0 : index
      %swap3A_758 = tpu.vector_load %arg26[%swap3A_756, %swap3A_757] {strides = array<i32>} : memref<10x16xf32, #tpu.memory_space<vmem>>, vector<16xf32>,
      tpu.vector_store %arg26[%swap3A_756, %swap3A_757], %mul3A_754 {strides = array<i32>} : memref<10x16xf32, #tpu.memory_space<vmem>>, vector<16xf32>,
      %mul3A_759 = arith.mulf %select_n3A_705, %div3A_733 : vector<16xf32>
      %swap3A_760 = arith.constant 5 : i32
      %swap3A_761 = arith.index_cast %swap3A_760 : i32 to index
      %swap3A_762 = arith.constant 0 : index
      %swap3A_763 = tpu.vector_load %arg26[%swap3A_761, %swap3A_762] {strides = array<i32>} : memref<10x16xf32, #tpu.memory_space<vmem>>, vector<16xf32>,
      tpu.vector_store %arg26[%swap3A_761, %swap3A_762], %mul3A_759 {strides = array<i32>} : memref<10x16xf32, #tpu.memory_space<vmem>>, vector<16xf32>,
      %mul3A_764 = arith.mulf %select_n3A_711, %div3A_733 : vector<16xf32>
      %swap3A_765 = arith.constant 6 : i32
      %swap3A_766 = arith.index_cast %swap3A_765 : i32 to index
      %swap3A_767 = arith.constant 0 : index
      %swap3A_768 = tpu.vector_load %arg26[%swap3A_766, %swap3A_767] {strides = array<i32>} : memref<10x16xf32, #tpu.memory_space<vmem>>, vector<16xf32>,
      tpu.vector_store %arg26[%swap3A_766, %swap3A_767], %mul3A_764 {strides = array<i32>} : memref<10x16xf32, #tpu.memory_space<vmem>>, vector<16xf32>,
      %mul3A_769 = arith.mulf %select_n3A_717, %div3A_733 : vector<16xf32>
      %swap3A_770 = arith.constant 7 : i32
      %swap3A_771 = arith.index_cast %swap3A_770 : i32 to index
      %swap3A_772 = arith.constant 0 : index
      %swap3A_773 = tpu.vector_load %arg26[%swap3A_771, %swap3A_772] {strides = array<i32>} : memref<10x16xf32, #tpu.memory_space<vmem>>, vector<16xf32>,
      tpu.vector_store %arg26[%swap3A_771, %swap3A_772], %mul3A_769 {strides = array<i32>} : memref<10x16xf32, #tpu.memory_space<vmem>>, vector<16xf32>,
      %mul3A_774 = arith.mulf %select_n3A_723, %div3A_733 : vector<16xf32>
      %swap3A_775 = arith.constant 8 : i32
      %swap3A_776 = arith.index_cast %swap3A_775 : i32 to index
      %swap3A_777 = arith.constant 0 : index
      %swap3A_778 = tpu.vector_load %arg26[%swap3A_776, %swap3A_777] {strides = array<i32>} : memref<10x16xf32, #tpu.memory_space<vmem>>, vector<16xf32>,
      tpu.vector_store %arg26[%swap3A_776, %swap3A_777], %mul3A_774 {strides = array<i32>} : memref<10x16xf32, #tpu.memory_space<vmem>>, vector<16xf32>,
      %mul3A_779 = arith.mulf %select_n3A_729, %div3A_733 : vector<16xf32>
      %swap3A_780 = arith.constant 9 : i32
      %swap3A_781 = arith.index_cast %swap3A_780 : i32 to index
      %swap3A_782 = arith.constant 0 : index
      %swap3A_783 = tpu.vector_load %arg26[%swap3A_781, %swap3A_782] {strides = array<i32>} : memref<10x16xf32, #tpu.memory_space<vmem>>, vector<16xf32>,
      tpu.vector_store %arg26[%swap3A_781, %swap3A_782], %mul3A_779 {strides = array<i32>} : memref<10x16xf32, #tpu.memory_space<vmem>>, vector<16xf32>,
      %scan3A_784 = arith.constant 0 : i32
      %scan3A_785 = arith.constant 0 : i32
      %scan3A_786 = arith.constant 16 : i32
      %scan3A_787 = arith.addi %scan3A_785, %scan3A_786 : i32
      %scan3A_788 = arith.constant 2 : i32
      scf.for %scan3A_797 = %scan3A_785 to %scan3A_787 step %scan3A_788  : i32 {
        %add3A_798 = vector.broadcast %scan3A_797 : i32 to vector<16xi32>
        %add3A_799 = arith.addi %mul3A_5, %add3A_798 : vector<16xi32>
        %add3A_800 = arith.constant 0 : i32
        %add3A_801 = vector.broadcast %add3A_800 : i32 to vector<16xi32>
        %add3A_802 = arith.addi %mul3A_5, %add3A_801 : vector<16xi32>
        %gather3A_803 = tpu.vector_load_idx %arg26[%add3A_802, %add3A_799] : memref<10x16xf32, #tpu.memory_space<vmem>>[vector<16xi32>, vector<16xi32>], vector<16xf32>,
        %add3A_804 = arith.constant 1 : i32
        %add3A_805 = vector.broadcast %add3A_804 : i32 to vector<16xi32>
        %add3A_806 = arith.addi %mul3A_5, %add3A_805 : vector<16xi32>
        %gather3A_807 = tpu.vector_load_idx %arg26[%add3A_806, %add3A_799] : memref<10x16xf32, #tpu.memory_space<vmem>>[vector<16xi32>, vector<16xi32>], vector<16xf32>,
        %add3A_808 = arith.constant 2 : i32
        %add3A_809 = vector.broadcast %add3A_808 : i32 to vector<16xi32>
        %add3A_810 = arith.addi %mul3A_5, %add3A_809 : vector<16xi32>
        %gather3A_811 = tpu.vector_load_idx %arg26[%add3A_810, %add3A_799] : memref<10x16xf32, #tpu.memory_space<vmem>>[vector<16xi32>, vector<16xi32>], vector<16xf32>,
        %add3A_812 = arith.constant 3 : i32
        %add3A_813 = vector.broadcast %add3A_812 : i32 to vector<16xi32>
        %add3A_814 = arith.addi %mul3A_5, %add3A_813 : vector<16xi32>
        %gather3A_815 = tpu.vector_load_idx %arg26[%add3A_814, %add3A_799] : memref<10x16xf32, #tpu.memory_space<vmem>>[vector<16xi32>, vector<16xi32>], vector<16xf32>,
        %add3A_816 = arith.constant 4 : i32
        %add3A_817 = vector.broadcast %add3A_816 : i32 to vector<16xi32>
        %add3A_818 = arith.addi %mul3A_5, %add3A_817 : vector<16xi32>
        %gather3A_819 = tpu.vector_load_idx %arg26[%add3A_818, %add3A_799] : memref<10x16xf32, #tpu.memory_space<vmem>>[vector<16xi32>, vector<16xi32>], vector<16xf32>,
        %add3A_820 = arith.constant 5 : i32
        %add3A_821 = vector.broadcast %add3A_820 : i32 to vector<16xi32>
        %add3A_822 = arith.addi %mul3A_5, %add3A_821 : vector<16xi32>
        %gather3A_823 = tpu.vector_load_idx %arg26[%add3A_822, %add3A_799] : memref<10x16xf32, #tpu.memory_space<vmem>>[vector<16xi32>, vector<16xi32>], vector<16xf32>,
        %add3A_824 = arith.constant 6 : i32
        %add3A_825 = vector.broadcast %add3A_824 : i32 to vector<16xi32>
        %add3A_826 = arith.addi %mul3A_5, %add3A_825 : vector<16xi32>
        %gather3A_827 = tpu.vector_load_idx %arg26[%add3A_826, %add3A_799] : memref<10x16xf32, #tpu.memory_space<vmem>>[vector<16xi32>, vector<16xi32>], vector<16xf32>,
        %add3A_828 = arith.constant 7 : i32
        %add3A_829 = vector.broadcast %add3A_828 : i32 to vector<16xi32>
        %add3A_830 = arith.addi %mul3A_5, %add3A_829 : vector<16xi32>
        %gather3A_831 = tpu.vector_load_idx %arg26[%add3A_830, %add3A_799] : memref<10x16xf32, #tpu.memory_space<vmem>>[vector<16xi32>, vector<16xi32>], vector<16xf32>,
        %add3A_832 = arith.constant 8 : i32
        %add3A_833 = vector.broadcast %add3A_832 : i32 to vector<16xi32>
        %add3A_834 = arith.addi %mul3A_5, %add3A_833 : vector<16xi32>
        %gather3A_835 = tpu.vector_load_idx %arg26[%add3A_834, %add3A_799] : memref<10x16xf32, #tpu.memory_space<vmem>>[vector<16xi32>, vector<16xi32>], vector<16xf32>,
        %add3A_836 = arith.constant 9 : i32
        %add3A_837 = vector.broadcast %add3A_836 : i32 to vector<16xi32>
        %add3A_838 = arith.addi %mul3A_5, %add3A_837 : vector<16xi32>
        %gather3A_839 = tpu.vector_load_idx %arg26[%add3A_838, %add3A_799] : memref<10x16xf32, #tpu.memory_space<vmem>>[vector<16xi32>, vector<16xi32>], vector<16xf32>,
        %get3A_840 = arith.index_cast %scan3A_797 : i32 to index
        %get3A_841 = arith.constant 0 : index
        %get3A_842 = tpu.vector_load %arg23[%get3A_840, %get3A_841] {strides = array<i32>} : memref<16x176xf32, #tpu.memory_space<vmem>>, vector<16xf32>,
        %get3A_843 = arith.index_cast %scan3A_797 : i32 to index
        %get3A_844 = arith.constant 0 : index
        %get3A_845 = tpu.vector_load %arg24[%get3A_843, %get3A_844] {strides = array<i32>} : memref<16x160xf32, #tpu.memory_space<vmem>>, vector<16xf32>,
        %add3A_846 = arith.addf %get3A_842, %get3A_845 : vector<16xf32>
        %get3A_847 = arith.index_cast %scan3A_797 : i32 to index
        %get3A_848 = arith.constant 16 : index
        %get3A_849 = tpu.vector_load %arg23[%get3A_847, %get3A_848] {strides = array<i32>} : memref<16x176xf32, #tpu.memory_space<vmem>>, vector<16xf32>,
        %get3A_850 = arith.index_cast %scan3A_797 : i32 to index
        %get3A_851 = arith.constant 16 : index
        %get3A_852 = tpu.vector_load %arg24[%get3A_850, %get3A_851] {strides = array<i32>} : memref<16x160xf32, #tpu.memory_space<vmem>>, vector<16xf32>,
        %add3A_853 = arith.addf %get3A_849, %get3A_852 : vector<16xf32>
        %mul3A_854 = arith.constant 10 : i32
        %mul3A_855 = arith.muli %scan3A_797, %mul3A_854 : i32
        %add3A_856 = arith.constant 0 : i32
        %add3A_857 = arith.addi %mul3A_855, %add3A_856 : i32
        %get3A_858 = arith.index_cast %add3A_857 : i32 to index
        %get3A_859 = arith.constant 0 : index
        %get3A_860 = tpu.vector_load %arg22[%get3A_858, %get3A_859] {strides = array<i32>} : memref<160x160xbf16, #tpu.memory_space<vmem>>, vector<32xbf16>,
        %unpack3A = tpu.unpack_subelements %get3A_860, 0 {pack_format = #tpu.pack_format<interleaved>} : vector<32xbf16> -> vector<16xf32>
        %unpack3A_861 = tpu.unpack_subelements %get3A_860, 1 {pack_format = #tpu.pack_format<interleaved>} : vector<32xbf16> -> vector<16xf32>
        %mul3A_862 = arith.mulf %unpack3A, %gather3A_803 : vector<16xf32>
        %add3A_863 = arith.addf %add3A_846, %mul3A_862 : vector<16xf32>
        %mul3A_864 = arith.mulf %unpack3A_861, %gather3A_803 : vector<16xf32>
        %add3A_865 = arith.addf %add3A_853, %mul3A_864 : vector<16xf32>
        %mul3A_866 = arith.constant 10 : i32
        %mul3A_867 = arith.muli %scan3A_797, %mul3A_866 : i32
        %add3A_868 = arith.constant 1 : i32
        %add3A_869 = arith.addi %mul3A_867, %add3A_868 : i32
        %get3A_870 = arith.index_cast %add3A_869 : i32 to index
        %get3A_871 = arith.constant 0 : index
        %get3A_872 = tpu.vector_load %arg22[%get3A_870, %get3A_871] {strides = array<i32>} : memref<160x160xbf16, #tpu.memory_space<vmem>>, vector<32xbf16>,
        %unpack3A_873 = tpu.unpack_subelements %get3A_872, 0 {pack_format = #tpu.pack_format<interleaved>} : vector<32xbf16> -> vector<16xf32>
        %unpack3A_874 = tpu.unpack_subelements %get3A_872, 1 {pack_format = #tpu.pack_format<interleaved>} : vector<32xbf16> -> vector<16xf32>
        %mul3A_875 = arith.mulf %unpack3A_873, %gather3A_807 : vector<16xf32>
        %add3A_876 = arith.addf %add3A_863, %mul3A_875 : vector<16xf32>
        %mul3A_877 = arith.mulf %unpack3A_874, %gather3A_807 : vector<16xf32>
        %add3A_878 = arith.addf %add3A_865, %mul3A_877 : vector<16xf32>
        %mul3A_879 = arith.constant 10 : i32
        %mul3A_880 = arith.muli %scan3A_797, %mul3A_879 : i32
        %add3A_881 = arith.constant 2 : i32
        %add3A_882 = arith.addi %mul3A_880, %add3A_881 : i32
        %get3A_883 = arith.index_cast %add3A_882 : i32 to index
        %get3A_884 = arith.constant 0 : index
        %get3A_885 = tpu.vector_load %arg22[%get3A_883, %get3A_884] {strides = array<i32>} : memref<160x160xbf16, #tpu.memory_space<vmem>>, vector<32xbf16>,
        %unpack3A_886 = tpu.unpack_subelements %get3A_885, 0 {pack_format = #tpu.pack_format<interleaved>} : vector<32xbf16> -> vector<16xf32>
        %unpack3A_887 = tpu.unpack_subelements %get3A_885, 1 {pack_format = #tpu.pack_format<interleaved>} : vector<32xbf16> -> vector<16xf32>
        %mul3A_888 = arith.mulf %unpack3A_886, %gather3A_811 : vector<16xf32>
        %add3A_889 = arith.addf %add3A_876, %mul3A_888 : vector<16xf32>
        %mul3A_890 = arith.mulf %unpack3A_887, %gather3A_811 : vector<16xf32>
        %add3A_891 = arith.addf %add3A_878, %mul3A_890 : vector<16xf32>
        %mul3A_892 = arith.constant 10 : i32
        %mul3A_893 = arith.muli %scan3A_797, %mul3A_892 : i32
        %add3A_894 = arith.constant 3 : i32
        %add3A_895 = arith.addi %mul3A_893, %add3A_894 : i32
        %get3A_896 = arith.index_cast %add3A_895 : i32 to index
        %get3A_897 = arith.constant 0 : index
        %get3A_898 = tpu.vector_load %arg22[%get3A_896, %get3A_897] {strides = array<i32>} : memref<160x160xbf16, #tpu.memory_space<vmem>>, vector<32xbf16>,
        %unpack3A_899 = tpu.unpack_subelements %get3A_898, 0 {pack_format = #tpu.pack_format<interleaved>} : vector<32xbf16> -> vector<16xf32>
        %unpack3A_900 = tpu.unpack_subelements %get3A_898, 1 {pack_format = #tpu.pack_format<interleaved>} : vector<32xbf16> -> vector<16xf32>
        %mul3A_901 = arith.mulf %unpack3A_899, %gather3A_815 : vector<16xf32>
        %add3A_902 = arith.addf %add3A_889, %mul3A_901 : vector<16xf32>
        %mul3A_903 = arith.mulf %unpack3A_900, %gather3A_815 : vector<16xf32>
        %add3A_904 = arith.addf %add3A_891, %mul3A_903 : vector<16xf32>
        %mul3A_905 = arith.constant 10 : i32
        %mul3A_906 = arith.muli %scan3A_797, %mul3A_905 : i32
        %add3A_907 = arith.constant 4 : i32
        %add3A_908 = arith.addi %mul3A_906, %add3A_907 : i32
        %get3A_909 = arith.index_cast %add3A_908 : i32 to index
        %get3A_910 = arith.constant 0 : index
        %get3A_911 = tpu.vector_load %arg22[%get3A_909, %get3A_910] {strides = array<i32>} : memref<160x160xbf16, #tpu.memory_space<vmem>>, vector<32xbf16>,
        %unpack3A_912 = tpu.unpack_subelements %get3A_911, 0 {pack_format = #tpu.pack_format<interleaved>} : vector<32xbf16> -> vector<16xf32>
        %unpack3A_913 = tpu.unpack_subelements %get3A_911, 1 {pack_format = #tpu.pack_format<interleaved>} : vector<32xbf16> -> vector<16xf32>
        %mul3A_914 = arith.mulf %unpack3A_912, %gather3A_819 : vector<16xf32>
        %add3A_915 = arith.addf %add3A_902, %mul3A_914 : vector<16xf32>
        %mul3A_916 = arith.mulf %unpack3A_913, %gather3A_819 : vector<16xf32>
        %add3A_917 = arith.addf %add3A_904, %mul3A_916 : vector<16xf32>
        %mul3A_918 = arith.constant 10 : i32
        %mul3A_919 = arith.muli %scan3A_797, %mul3A_918 : i32
        %add3A_920 = arith.constant 5 : i32
        %add3A_921 = arith.addi %mul3A_919, %add3A_920 : i32
        %get3A_922 = arith.index_cast %add3A_921 : i32 to index
        %get3A_923 = arith.constant 0 : index
        %get3A_924 = tpu.vector_load %arg22[%get3A_922, %get3A_923] {strides = array<i32>} : memref<160x160xbf16, #tpu.memory_space<vmem>>, vector<32xbf16>,
        %unpack3A_925 = tpu.unpack_subelements %get3A_924, 0 {pack_format = #tpu.pack_format<interleaved>} : vector<32xbf16> -> vector<16xf32>
        %unpack3A_926 = tpu.unpack_subelements %get3A_924, 1 {pack_format = #tpu.pack_format<interleaved>} : vector<32xbf16> -> vector<16xf32>
        %mul3A_927 = arith.mulf %unpack3A_925, %gather3A_823 : vector<16xf32>
        %add3A_928 = arith.addf %add3A_915, %mul3A_927 : vector<16xf32>
        %mul3A_929 = arith.mulf %unpack3A_926, %gather3A_823 : vector<16xf32>
        %add3A_930 = arith.addf %add3A_917, %mul3A_929 : vector<16xf32>
        %mul3A_931 = arith.constant 10 : i32
        %mul3A_932 = arith.muli %scan3A_797, %mul3A_931 : i32
        %add3A_933 = arith.constant 6 : i32
        %add3A_934 = arith.addi %mul3A_932, %add3A_933 : i32
        %get3A_935 = arith.index_cast %add3A_934 : i32 to index
        %get3A_936 = arith.constant 0 : index
        %get3A_937 = tpu.vector_load %arg22[%get3A_935, %get3A_936] {strides = array<i32>} : memref<160x160xbf16, #tpu.memory_space<vmem>>, vector<32xbf16>,
        %unpack3A_938 = tpu.unpack_subelements %get3A_937, 0 {pack_format = #tpu.pack_format<interleaved>} : vector<32xbf16> -> vector<16xf32>
        %unpack3A_939 = tpu.unpack_subelements %get3A_937, 1 {pack_format = #tpu.pack_format<interleaved>} : vector<32xbf16> -> vector<16xf32>
        %mul3A_940 = arith.mulf %unpack3A_938, %gather3A_827 : vector<16xf32>
        %add3A_941 = arith.addf %add3A_928, %mul3A_940 : vector<16xf32>
        %mul3A_942 = arith.mulf %unpack3A_939, %gather3A_827 : vector<16xf32>
        %add3A_943 = arith.addf %add3A_930, %mul3A_942 : vector<16xf32>
        %mul3A_944 = arith.constant 10 : i32
        %mul3A_945 = arith.muli %scan3A_797, %mul3A_944 : i32
        %add3A_946 = arith.constant 7 : i32
        %add3A_947 = arith.addi %mul3A_945, %add3A_946 : i32
        %get3A_948 = arith.index_cast %add3A_947 : i32 to index
        %get3A_949 = arith.constant 0 : index
        %get3A_950 = tpu.vector_load %arg22[%get3A_948, %get3A_949] {strides = array<i32>} : memref<160x160xbf16, #tpu.memory_space<vmem>>, vector<32xbf16>,
        %unpack3A_951 = tpu.unpack_subelements %get3A_950, 0 {pack_format = #tpu.pack_format<interleaved>} : vector<32xbf16> -> vector<16xf32>
        %unpack3A_952 = tpu.unpack_subelements %get3A_950, 1 {pack_format = #tpu.pack_format<interleaved>} : vector<32xbf16> -> vector<16xf32>
        %mul3A_953 = arith.mulf %unpack3A_951, %gather3A_831 : vector<16xf32>
        %add3A_954 = arith.addf %add3A_941, %mul3A_953 : vector<16xf32>
        %mul3A_955 = arith.mulf %unpack3A_952, %gather3A_831 : vector<16xf32>
        %add3A_956 = arith.addf %add3A_943, %mul3A_955 : vector<16xf32>
        %mul3A_957 = arith.constant 10 : i32
        %mul3A_958 = arith.muli %scan3A_797, %mul3A_957 : i32
        %add3A_959 = arith.constant 8 : i32
        %add3A_960 = arith.addi %mul3A_958, %add3A_959 : i32
        %get3A_961 = arith.index_cast %add3A_960 : i32 to index
        %get3A_962 = arith.constant 0 : index
        %get3A_963 = tpu.vector_load %arg22[%get3A_961, %get3A_962] {strides = array<i32>} : memref<160x160xbf16, #tpu.memory_space<vmem>>, vector<32xbf16>,
        %unpack3A_964 = tpu.unpack_subelements %get3A_963, 0 {pack_format = #tpu.pack_format<interleaved>} : vector<32xbf16> -> vector<16xf32>
        %unpack3A_965 = tpu.unpack_subelements %get3A_963, 1 {pack_format = #tpu.pack_format<interleaved>} : vector<32xbf16> -> vector<16xf32>
        %mul3A_966 = arith.mulf %unpack3A_964, %gather3A_835 : vector<16xf32>
        %add3A_967 = arith.addf %add3A_954, %mul3A_966 : vector<16xf32>
        %mul3A_968 = arith.mulf %unpack3A_965, %gather3A_835 : vector<16xf32>
        %add3A_969 = arith.addf %add3A_956, %mul3A_968 : vector<16xf32>
        %mul3A_970 = arith.constant 10 : i32
        %mul3A_971 = arith.muli %scan3A_797, %mul3A_970 : i32
        %add3A_972 = arith.constant 9 : i32
        %add3A_973 = arith.addi %mul3A_971, %add3A_972 : i32
        %get3A_974 = arith.index_cast %add3A_973 : i32 to index
        %get3A_975 = arith.constant 0 : index
        %get3A_976 = tpu.vector_load %arg22[%get3A_974, %get3A_975] {strides = array<i32>} : memref<160x160xbf16, #tpu.memory_space<vmem>>, vector<32xbf16>,
        %unpack3A_977 = tpu.unpack_subelements %get3A_976, 0 {pack_format = #tpu.pack_format<interleaved>} : vector<32xbf16> -> vector<16xf32>
        %unpack3A_978 = tpu.unpack_subelements %get3A_976, 1 {pack_format = #tpu.pack_format<interleaved>} : vector<32xbf16> -> vector<16xf32>
        %mul3A_979 = arith.mulf %unpack3A_977, %gather3A_839 : vector<16xf32>
        %add3A_980 = arith.addf %add3A_967, %mul3A_979 : vector<16xf32>
        %mul3A_981 = arith.mulf %unpack3A_978, %gather3A_839 : vector<16xf32>
        %add3A_982 = arith.addf %add3A_969, %mul3A_981 : vector<16xf32>
        %swap3A_983 = arith.index_cast %scan3A_797 : i32 to index
        %swap3A_984 = arith.constant 0 : index
        %swap3A_985 = tpu.vector_load %arg25[%swap3A_983, %swap3A_984] {strides = array<i32>} : memref<16x160xf32, #tpu.memory_space<vmem>>, vector<16xf32>,
        tpu.vector_store %arg25[%swap3A_983, %swap3A_984], %add3A_980 {strides = array<i32>} : memref<16x160xf32, #tpu.memory_space<vmem>>, vector<16xf32>,
        %swap3A_986 = arith.index_cast %scan3A_797 : i32 to index
        %swap3A_987 = arith.constant 16 : index
        %swap3A_988 = tpu.vector_load %arg25[%swap3A_986, %swap3A_987] {strides = array<i32>} : memref<16x160xf32, #tpu.memory_space<vmem>>, vector<16xf32>,
        tpu.vector_store %arg25[%swap3A_986, %swap3A_987], %add3A_982 {strides = array<i32>} : memref<16x160xf32, #tpu.memory_space<vmem>>, vector<16xf32>,
        %get3A_989 = arith.index_cast %scan3A_797 : i32 to index
        %get3A_990 = arith.constant 32 : index
        %get3A_991 = tpu.vector_load %arg23[%get3A_989, %get3A_990] {strides = array<i32>} : memref<16x176xf32, #tpu.memory_space<vmem>>, vector<16xf32>,
        %get3A_992 = arith.index_cast %scan3A_797 : i32 to index
        %get3A_993 = arith.constant 32 : index
        %get3A_994 = tpu.vector_load %arg24[%get3A_992, %get3A_993] {strides = array<i32>} : memref<16x160xf32, #tpu.memory_space<vmem>>, vector<16xf32>,
        %add3A_995 = arith.addf %get3A_991, %get3A_994 : vector<16xf32>
        %get3A_996 = arith.index_cast %scan3A_797 : i32 to index
        %get3A_997 = arith.constant 48 : index
        %get3A_998 = tpu.vector_load %arg23[%get3A_996, %get3A_997] {strides = array<i32>} : memref<16x176xf32, #tpu.memory_space<vmem>>, vector<16xf32>,
        %get3A_999 = arith.index_cast %scan3A_797 : i32 to index
        %get3A_1000 = arith.constant 48 : index
        %get3A_1001 = tpu.vector_load %arg24[%get3A_999, %get3A_1000] {strides = array<i32>} : memref<16x160xf32, #tpu.memory_space<vmem>>, vector<16xf32>,
        %add3A_1002 = arith.addf %get3A_998, %get3A_1001 : vector<16xf32>
        %mul3A_1003 = arith.constant 10 : i32
        %mul3A_1004 = arith.muli %scan3A_797, %mul3A_1003 : i32
        %add3A_1005 = arith.constant 0 : i32
        %add3A_1006 = arith.addi %mul3A_1004, %add3A_1005 : i32
        %get3A_1007 = arith.index_cast %add3A_1006 : i32 to index
        %get3A_1008 = arith.constant 32 : index
        %get3A_1009 = tpu.vector_load %arg22[%get3A_1007, %get3A_1008] {strides = array<i32>} : memref<160x160xbf16, #tpu.memory_space<vmem>>, vector<32xbf16>,
        %unpack3A_1010 = tpu.unpack_subelements %get3A_1009, 0 {pack_format = #tpu.pack_format<interleaved>} : vector<32xbf16> -> vector<16xf32>
        %unpack3A_1011 = tpu.unpack_subelements %get3A_1009, 1 {pack_format = #tpu.pack_format<interleaved>} : vector<32xbf16> -> vector<16xf32>
        %mul3A_1012 = arith.mulf %unpack3A_1010, %gather3A_803 : vector<16xf32>
        %add3A_1013 = arith.addf %add3A_995, %mul3A_1012 : vector<16xf32>
        %mul3A_1014 = arith.mulf %unpack3A_1011, %gather3A_803 : vector<16xf32>
        %add3A_1015 = arith.addf %add3A_1002, %mul3A_1014 : vector<16xf32>
        %mul3A_1016 = arith.constant 10 : i32
        %mul3A_1017 = arith.muli %scan3A_797, %mul3A_1016 : i32
        %add3A_1018 = arith.constant 1 : i32
        %add3A_1019 = arith.addi %mul3A_1017, %add3A_1018 : i32
        %get3A_1020 = arith.index_cast %add3A_1019 : i32 to index
        %get3A_1021 = arith.constant 32 : index
        %get3A_1022 = tpu.vector_load %arg22[%get3A_1020, %get3A_1021] {strides = array<i32>} : memref<160x160xbf16, #tpu.memory_space<vmem>>, vector<32xbf16>,
        %unpack3A_1023 = tpu.unpack_subelements %get3A_1022, 0 {pack_format = #tpu.pack_format<interleaved>} : vector<32xbf16> -> vector<16xf32>
        %unpack3A_1024 = tpu.unpack_subelements %get3A_1022, 1 {pack_format = #tpu.pack_format<interleaved>} : vector<32xbf16> -> vector<16xf32>
        %mul3A_1025 = arith.mulf %unpack3A_1023, %gather3A_807 : vector<16xf32>
        %add3A_1026 = arith.addf %add3A_1013, %mul3A_1025 : vector<16xf32>
        %mul3A_1027 = arith.mulf %unpack3A_1024, %gather3A_807 : vector<16xf32>
        %add3A_1028 = arith.addf %add3A_1015, %mul3A_1027 : vector<16xf32>
        %mul3A_1029 = arith.constant 10 : i32
        %mul3A_1030 = arith.muli %scan3A_797, %mul3A_1029 : i32
        %add3A_1031 = arith.constant 2 : i32
        %add3A_1032 = arith.addi %mul3A_1030, %add3A_1031 : i32
        %get3A_1033 = arith.index_cast %add3A_1032 : i32 to index
        %get3A_1034 = arith.constant 32 : index
        %get3A_1035 = tpu.vector_load %arg22[%get3A_1033, %get3A_1034] {strides = array<i32>} : memref<160x160xbf16, #tpu.memory_space<vmem>>, vector<32xbf16>,
        %unpack3A_1036 = tpu.unpack_subelements %get3A_1035, 0 {pack_format = #tpu.pack_format<interleaved>} : vector<32xbf16> -> vector<16xf32>
        %unpack3A_1037 = tpu.unpack_subelements %get3A_1035, 1 {pack_format = #tpu.pack_format<interleaved>} : vector<32xbf16> -> vector<16xf32>
        %mul3A_1038 = arith.mulf %unpack3A_1036, %gather3A_811 : vector<16xf32>
        %add3A_1039 = arith.addf %add3A_1026, %mul3A_1038 : vector<16xf32>
        %mul3A_1040 = arith.mulf %unpack3A_1037, %gather3A_811 : vector<16xf32>
        %add3A_1041 = arith.addf %add3A_1028, %mul3A_1040 : vector<16xf32>
        %mul3A_1042 = arith.constant 10 : i32
        %mul3A_1043 = arith.muli %scan3A_797, %mul3A_1042 : i32
        %add3A_1044 = arith.constant 3 : i32
        %add3A_1045 = arith.addi %mul3A_1043, %add3A_1044 : i32
        %get3A_1046 = arith.index_cast %add3A_1045 : i32 to index
        %get3A_1047 = arith.constant 32 : index
        %get3A_1048 = tpu.vector_load %arg22[%get3A_1046, %get3A_1047] {strides = array<i32>} : memref<160x160xbf16, #tpu.memory_space<vmem>>, vector<32xbf16>,
        %unpack3A_1049 = tpu.unpack_subelements %get3A_1048, 0 {pack_format = #tpu.pack_format<interleaved>} : vector<32xbf16> -> vector<16xf32>
        %unpack3A_1050 = tpu.unpack_subelements %get3A_1048, 1 {pack_format = #tpu.pack_format<interleaved>} : vector<32xbf16> -> vector<16xf32>
        %mul3A_1051 = arith.mulf %unpack3A_1049, %gather3A_815 : vector<16xf32>
        %add3A_1052 = arith.addf %add3A_1039, %mul3A_1051 : vector<16xf32>
        %mul3A_1053 = arith.mulf %unpack3A_1050, %gather3A_815 : vector<16xf32>
        %add3A_1054 = arith.addf %add3A_1041, %mul3A_1053 : vector<16xf32>
        %mul3A_1055 = arith.constant 10 : i32
        %mul3A_1056 = arith.muli %scan3A_797, %mul3A_1055 : i32
        %add3A_1057 = arith.constant 4 : i32
        %add3A_1058 = arith.addi %mul3A_1056, %add3A_1057 : i32
        %get3A_1059 = arith.index_cast %add3A_1058 : i32 to index
        %get3A_1060 = arith.constant 32 : index
        %get3A_1061 = tpu.vector_load %arg22[%get3A_1059, %get3A_1060] {strides = array<i32>} : memref<160x160xbf16, #tpu.memory_space<vmem>>, vector<32xbf16>,
        %unpack3A_1062 = tpu.unpack_subelements %get3A_1061, 0 {pack_format = #tpu.pack_format<interleaved>} : vector<32xbf16> -> vector<16xf32>
        %unpack3A_1063 = tpu.unpack_subelements %get3A_1061, 1 {pack_format = #tpu.pack_format<interleaved>} : vector<32xbf16> -> vector<16xf32>
        %mul3A_1064 = arith.mulf %unpack3A_1062, %gather3A_819 : vector<16xf32>
        %add3A_1065 = arith.addf %add3A_1052, %mul3A_1064 : vector<16xf32>
        %mul3A_1066 = arith.mulf %unpack3A_1063, %gather3A_819 : vector<16xf32>
        %add3A_1067 = arith.addf %add3A_1054, %mul3A_1066 : vector<16xf32>
        %mul3A_1068 = arith.constant 10 : i32
        %mul3A_1069 = arith.muli %scan3A_797, %mul3A_1068 : i32
        %add3A_1070 = arith.constant 5 : i32
        %add3A_1071 = arith.addi %mul3A_1069, %add3A_1070 : i32
        %get3A_1072 = arith.index_cast %add3A_1071 : i32 to index
        %get3A_1073 = arith.constant 32 : index
        %get3A_1074 = tpu.vector_load %arg22[%get3A_1072, %get3A_1073] {strides = array<i32>} : memref<160x160xbf16, #tpu.memory_space<vmem>>, vector<32xbf16>,
        %unpack3A_1075 = tpu.unpack_subelements %get3A_1074, 0 {pack_format = #tpu.pack_format<interleaved>} : vector<32xbf16> -> vector<16xf32>
        %unpack3A_1076 = tpu.unpack_subelements %get3A_1074, 1 {pack_format = #tpu.pack_format<interleaved>} : vector<32xbf16> -> vector<16xf32>
        %mul3A_1077 = arith.mulf %unpack3A_1075, %gather3A_823 : vector<16xf32>
        %add3A_1078 = arith.addf %add3A_1065, %mul3A_1077 : vector<16xf32>
        %mul3A_1079 = arith.mulf %unpack3A_1076, %gather3A_823 : vector<16xf32>
        %add3A_1080 = arith.addf %add3A_1067, %mul3A_1079 : vector<16xf32>
        %mul3A_1081 = arith.constant 10 : i32
        %mul3A_1082 = arith.muli %scan3A_797, %mul3A_1081 : i32
        %add3A_1083 = arith.constant 6 : i32
        %add3A_1084 = arith.addi %mul3A_1082, %add3A_1083 : i32
        %get3A_1085 = arith.index_cast %add3A_1084 : i32 to index
        %get3A_1086 = arith.constant 32 : index
        %get3A_1087 = tpu.vector_load %arg22[%get3A_1085, %get3A_1086] {strides = array<i32>} : memref<160x160xbf16, #tpu.memory_space<vmem>>, vector<32xbf16>,
        %unpack3A_1088 = tpu.unpack_subelements %get3A_1087, 0 {pack_format = #tpu.pack_format<interleaved>} : vector<32xbf16> -> vector<16xf32>
        %unpack3A_1089 = tpu.unpack_subelements %get3A_1087, 1 {pack_format = #tpu.pack_format<interleaved>} : vector<32xbf16> -> vector<16xf32>
        %mul3A_1090 = arith.mulf %unpack3A_1088, %gather3A_827 : vector<16xf32>
        %add3A_1091 = arith.addf %add3A_1078, %mul3A_1090 : vector<16xf32>
        %mul3A_1092 = arith.mulf %unpack3A_1089, %gather3A_827 : vector<16xf32>
        %add3A_1093 = arith.addf %add3A_1080, %mul3A_1092 : vector<16xf32>
        %mul3A_1094 = arith.constant 10 : i32
        %mul3A_1095 = arith.muli %scan3A_797, %mul3A_1094 : i32
        %add3A_1096 = arith.constant 7 : i32
        %add3A_1097 = arith.addi %mul3A_1095, %add3A_1096 : i32
        %get3A_1098 = arith.index_cast %add3A_1097 : i32 to index
        %get3A_1099 = arith.constant 32 : index
        %get3A_1100 = tpu.vector_load %arg22[%get3A_1098, %get3A_1099] {strides = array<i32>} : memref<160x160xbf16, #tpu.memory_space<vmem>>, vector<32xbf16>,
        %unpack3A_1101 = tpu.unpack_subelements %get3A_1100, 0 {pack_format = #tpu.pack_format<interleaved>} : vector<32xbf16> -> vector<16xf32>
        %unpack3A_1102 = tpu.unpack_subelements %get3A_1100, 1 {pack_format = #tpu.pack_format<interleaved>} : vector<32xbf16> -> vector<16xf32>
        %mul3A_1103 = arith.mulf %unpack3A_1101, %gather3A_831 : vector<16xf32>
        %add3A_1104 = arith.addf %add3A_1091, %mul3A_1103 : vector<16xf32>
        %mul3A_1105 = arith.mulf %unpack3A_1102, %gather3A_831 : vector<16xf32>
        %add3A_1106 = arith.addf %add3A_1093, %mul3A_1105 : vector<16xf32>
        %mul3A_1107 = arith.constant 10 : i32
        %mul3A_1108 = arith.muli %scan3A_797, %mul3A_1107 : i32
        %add3A_1109 = arith.constant 8 : i32
        %add3A_1110 = arith.addi %mul3A_1108, %add3A_1109 : i32
        %get3A_1111 = arith.index_cast %add3A_1110 : i32 to index
        %get3A_1112 = arith.constant 32 : index
        %get3A_1113 = tpu.vector_load %arg22[%get3A_1111, %get3A_1112] {strides = array<i32>} : memref<160x160xbf16, #tpu.memory_space<vmem>>, vector<32xbf16>,
        %unpack3A_1114 = tpu.unpack_subelements %get3A_1113, 0 {pack_format = #tpu.pack_format<interleaved>} : vector<32xbf16> -> vector<16xf32>
        %unpack3A_1115 = tpu.unpack_subelements %get3A_1113, 1 {pack_format = #tpu.pack_format<interleaved>} : vector<32xbf16> -> vector<16xf32>
        %mul3A_1116 = arith.mulf %unpack3A_1114, %gather3A_835 : vector<16xf32>
        %add3A_1117 = arith.addf %add3A_1104, %mul3A_1116 : vector<16xf32>
        %mul3A_1118 = arith.mulf %unpack3A_1115, %gather3A_835 : vector<16xf32>
        %add3A_1119 = arith.addf %add3A_1106, %mul3A_1118 : vector<16xf32>
        %mul3A_1120 = arith.constant 10 : i32
        %mul3A_1121 = arith.muli %scan3A_797, %mul3A_1120 : i32
        %add3A_1122 = arith.constant 9 : i32
        %add3A_1123 = arith.addi %mul3A_1121, %add3A_1122 : i32
        %get3A_1124 = arith.index_cast %add3A_1123 : i32 to index
        %get3A_1125 = arith.constant 32 : index
        %get3A_1126 = tpu.vector_load %arg22[%get3A_1124, %get3A_1125] {strides = array<i32>} : memref<160x160xbf16, #tpu.memory_space<vmem>>, vector<32xbf16>,
        %unpack3A_1127 = tpu.unpack_subelements %get3A_1126, 0 {pack_format = #tpu.pack_format<interleaved>} : vector<32xbf16> -> vector<16xf32>
        %unpack3A_1128 = tpu.unpack_subelements %get3A_1126, 1 {pack_format = #tpu.pack_format<interleaved>} : vector<32xbf16> -> vector<16xf32>
        %mul3A_1129 = arith.mulf %unpack3A_1127, %gather3A_839 : vector<16xf32>
        %add3A_1130 = arith.addf %add3A_1117, %mul3A_1129 : vector<16xf32>
        %mul3A_1131 = arith.mulf %unpack3A_1128, %gather3A_839 : vector<16xf32>
        %add3A_1132 = arith.addf %add3A_1119, %mul3A_1131 : vector<16xf32>
        %swap3A_1133 = arith.index_cast %scan3A_797 : i32 to index
        %swap3A_1134 = arith.constant 32 : index
        %swap3A_1135 = tpu.vector_load %arg25[%swap3A_1133, %swap3A_1134] {strides = array<i32>} : memref<16x160xf32, #tpu.memory_space<vmem>>, vector<16xf32>,
        tpu.vector_store %arg25[%swap3A_1133, %swap3A_1134], %add3A_1130 {strides = array<i32>} : memref<16x160xf32, #tpu.memory_space<vmem>>, vector<16xf32>,
        %swap3A_1136 = arith.index_cast %scan3A_797 : i32 to index
        %swap3A_1137 = arith.constant 48 : index
        %swap3A_1138 = tpu.vector_load %arg25[%swap3A_1136, %swap3A_1137] {strides = array<i32>} : memref<16x160xf32, #tpu.memory_space<vmem>>, vector<16xf32>,
        tpu.vector_store %arg25[%swap3A_1136, %swap3A_1137], %add3A_1132 {strides = array<i32>} : memref<16x160xf32, #tpu.memory_space<vmem>>, vector<16xf32>,
        %get3A_1139 = arith.index_cast %scan3A_797 : i32 to index
        %get3A_1140 = arith.constant 64 : index
        %get3A_1141 = tpu.vector_load %arg23[%get3A_1139, %get3A_1140] {strides = array<i32>} : memref<16x176xf32, #tpu.memory_space<vmem>>, vector<16xf32>,
        %get3A_1142 = arith.index_cast %scan3A_797 : i32 to index
        %get3A_1143 = arith.constant 64 : index
        %get3A_1144 = tpu.vector_load %arg24[%get3A_1142, %get3A_1143] {strides = array<i32>} : memref<16x160xf32, #tpu.memory_space<vmem>>, vector<16xf32>,
        %add3A_1145 = arith.addf %get3A_1141, %get3A_1144 : vector<16xf32>
        %get3A_1146 = arith.index_cast %scan3A_797 : i32 to index
        %get3A_1147 = arith.constant 80 : index
        %get3A_1148 = tpu.vector_load %arg23[%get3A_1146, %get3A_1147] {strides = array<i32>} : memref<16x176xf32, #tpu.memory_space<vmem>>, vector<16xf32>,
        %get3A_1149 = arith.index_cast %scan3A_797 : i32 to index
        %get3A_1150 = arith.constant 80 : index
        %get3A_1151 = tpu.vector_load %arg24[%get3A_1149, %get3A_1150] {strides = array<i32>} : memref<16x160xf32, #tpu.memory_space<vmem>>, vector<16xf32>,
        %add3A_1152 = arith.addf %get3A_1148, %get3A_1151 : vector<16xf32>
        %mul3A_1153 = arith.constant 10 : i32
        %mul3A_1154 = arith.muli %scan3A_797, %mul3A_1153 : i32
        %add3A_1155 = arith.constant 0 : i32
        %add3A_1156 = arith.addi %mul3A_1154, %add3A_1155 : i32
        %get3A_1157 = arith.index_cast %add3A_1156 : i32 to index
        %get3A_1158 = arith.constant 64 : index
        %get3A_1159 = tpu.vector_load %arg22[%get3A_1157, %get3A_1158] {strides = array<i32>} : memref<160x160xbf16, #tpu.memory_space<vmem>>, vector<32xbf16>,
        %unpack3A_1160 = tpu.unpack_subelements %get3A_1159, 0 {pack_format = #tpu.pack_format<interleaved>} : vector<32xbf16> -> vector<16xf32>
        %unpack3A_1161 = tpu.unpack_subelements %get3A_1159, 1 {pack_format = #tpu.pack_format<interleaved>} : vector<32xbf16> -> vector<16xf32>
        %mul3A_1162 = arith.mulf %unpack3A_1160, %gather3A_803 : vector<16xf32>
        %add3A_1163 = arith.addf %add3A_1145, %mul3A_1162 : vector<16xf32>
        %mul3A_1164 = arith.mulf %unpack3A_1161, %gather3A_803 : vector<16xf32>
        %add3A_1165 = arith.addf %add3A_1152, %mul3A_1164 : vector<16xf32>
        %mul3A_1166 = arith.constant 10 : i32
        %mul3A_1167 = arith.muli %scan3A_797, %mul3A_1166 : i32
        %add3A_1168 = arith.constant 1 : i32
        %add3A_1169 = arith.addi %mul3A_1167, %add3A_1168 : i32
        %get3A_1170 = arith.index_cast %add3A_1169 : i32 to index
        %get3A_1171 = arith.constant 64 : index
        %get3A_1172 = tpu.vector_load %arg22[%get3A_1170, %get3A_1171] {strides = array<i32>} : memref<160x160xbf16, #tpu.memory_space<vmem>>, vector<32xbf16>,
        %unpack3A_1173 = tpu.unpack_subelements %get3A_1172, 0 {pack_format = #tpu.pack_format<interleaved>} : vector<32xbf16> -> vector<16xf32>
        %unpack3A_1174 = tpu.unpack_subelements %get3A_1172, 1 {pack_format = #tpu.pack_format<interleaved>} : vector<32xbf16> -> vector<16xf32>
        %mul3A_1175 = arith.mulf %unpack3A_1173, %gather3A_807 : vector<16xf32>
        %add3A_1176 = arith.addf %add3A_1163, %mul3A_1175 : vector<16xf32>
        %mul3A_1177 = arith.mulf %unpack3A_1174, %gather3A_807 : vector<16xf32>
        %add3A_1178 = arith.addf %add3A_1165, %mul3A_1177 : vector<16xf32>
        %mul3A_1179 = arith.constant 10 : i32
        %mul3A_1180 = arith.muli %scan3A_797, %mul3A_1179 : i32
        %add3A_1181 = arith.constant 2 : i32
        %add3A_1182 = arith.addi %mul3A_1180, %add3A_1181 : i32
        %get3A_1183 = arith.index_cast %add3A_1182 : i32 to index
        %get3A_1184 = arith.constant 64 : index
        %get3A_1185 = tpu.vector_load %arg22[%get3A_1183, %get3A_1184] {strides = array<i32>} : memref<160x160xbf16, #tpu.memory_space<vmem>>, vector<32xbf16>,
        %unpack3A_1186 = tpu.unpack_subelements %get3A_1185, 0 {pack_format = #tpu.pack_format<interleaved>} : vector<32xbf16> -> vector<16xf32>
        %unpack3A_1187 = tpu.unpack_subelements %get3A_1185, 1 {pack_format = #tpu.pack_format<interleaved>} : vector<32xbf16> -> vector<16xf32>
        %mul3A_1188 = arith.mulf %unpack3A_1186, %gather3A_811 : vector<16xf32>
        %add3A_1189 = arith.addf %add3A_1176, %mul3A_1188 : vector<16xf32>
        %mul3A_1190 = arith.mulf %unpack3A_1187, %gather3A_811 : vector<16xf32>
        %add3A_1191 = arith.addf %add3A_1178, %mul3A_1190 : vector<16xf32>
        %mul3A_1192 = arith.constant 10 : i32
        %mul3A_1193 = arith.muli %scan3A_797, %mul3A_1192 : i32
        %add3A_1194 = arith.constant 3 : i32
        %add3A_1195 = arith.addi %mul3A_1193, %add3A_1194 : i32
        %get3A_1196 = arith.index_cast %add3A_1195 : i32 to index
        %get3A_1197 = arith.constant 64 : index
        %get3A_1198 = tpu.vector_load %arg22[%get3A_1196, %get3A_1197] {strides = array<i32>} : memref<160x160xbf16, #tpu.memory_space<vmem>>, vector<32xbf16>,
        %unpack3A_1199 = tpu.unpack_subelements %get3A_1198, 0 {pack_format = #tpu.pack_format<interleaved>} : vector<32xbf16> -> vector<16xf32>
        %unpack3A_1200 = tpu.unpack_subelements %get3A_1198, 1 {pack_format = #tpu.pack_format<interleaved>} : vector<32xbf16> -> vector<16xf32>
        %mul3A_1201 = arith.mulf %unpack3A_1199, %gather3A_815 : vector<16xf32>
        %add3A_1202 = arith.addf %add3A_1189, %mul3A_1201 : vector<16xf32>
        %mul3A_1203 = arith.mulf %unpack3A_1200, %gather3A_815 : vector<16xf32>
        %add3A_1204 = arith.addf %add3A_1191, %mul3A_1203 : vector<16xf32>
        %mul3A_1205 = arith.constant 10 : i32
        %mul3A_1206 = arith.muli %scan3A_797, %mul3A_1205 : i32
        %add3A_1207 = arith.constant 4 : i32
        %add3A_1208 = arith.addi %mul3A_1206, %add3A_1207 : i32
        %get3A_1209 = arith.index_cast %add3A_1208 : i32 to index
        %get3A_1210 = arith.constant 64 : index
        %get3A_1211 = tpu.vector_load %arg22[%get3A_1209, %get3A_1210] {strides = array<i32>} : memref<160x160xbf16, #tpu.memory_space<vmem>>, vector<32xbf16>,
        %unpack3A_1212 = tpu.unpack_subelements %get3A_1211, 0 {pack_format = #tpu.pack_format<interleaved>} : vector<32xbf16> -> vector<16xf32>
        %unpack3A_1213 = tpu.unpack_subelements %get3A_1211, 1 {pack_format = #tpu.pack_format<interleaved>} : vector<32xbf16> -> vector<16xf32>
        %mul3A_1214 = arith.mulf %unpack3A_1212, %gather3A_819 : vector<16xf32>
        %add3A_1215 = arith.addf %add3A_1202, %mul3A_1214 : vector<16xf32>
        %mul3A_1216 = arith.mulf %unpack3A_1213, %gather3A_819 : vector<16xf32>
        %add3A_1217 = arith.addf %add3A_1204, %mul3A_1216 : vector<16xf32>
        %mul3A_1218 = arith.constant 10 : i32
        %mul3A_1219 = arith.muli %scan3A_797, %mul3A_1218 : i32
        %add3A_1220 = arith.constant 5 : i32
        %add3A_1221 = arith.addi %mul3A_1219, %add3A_1220 : i32
        %get3A_1222 = arith.index_cast %add3A_1221 : i32 to index
        %get3A_1223 = arith.constant 64 : index
        %get3A_1224 = tpu.vector_load %arg22[%get3A_1222, %get3A_1223] {strides = array<i32>} : memref<160x160xbf16, #tpu.memory_space<vmem>>, vector<32xbf16>,
        %unpack3A_1225 = tpu.unpack_subelements %get3A_1224, 0 {pack_format = #tpu.pack_format<interleaved>} : vector<32xbf16> -> vector<16xf32>
        %unpack3A_1226 = tpu.unpack_subelements %get3A_1224, 1 {pack_format = #tpu.pack_format<interleaved>} : vector<32xbf16> -> vector<16xf32>
        %mul3A_1227 = arith.mulf %unpack3A_1225, %gather3A_823 : vector<16xf32>
        %add3A_1228 = arith.addf %add3A_1215, %mul3A_1227 : vector<16xf32>
        %mul3A_1229 = arith.mulf %unpack3A_1226, %gather3A_823 : vector<16xf32>
        %add3A_1230 = arith.addf %add3A_1217, %mul3A_1229 : vector<16xf32>
        %mul3A_1231 = arith.constant 10 : i32
        %mul3A_1232 = arith.muli %scan3A_797, %mul3A_1231 : i32
        %add3A_1233 = arith.constant 6 : i32
        %add3A_1234 = arith.addi %mul3A_1232, %add3A_1233 : i32
        %get3A_1235 = arith.index_cast %add3A_1234 : i32 to index
        %get3A_1236 = arith.constant 64 : index
        %get3A_1237 = tpu.vector_load %arg22[%get3A_1235, %get3A_1236] {strides = array<i32>} : memref<160x160xbf16, #tpu.memory_space<vmem>>, vector<32xbf16>,
        %unpack3A_1238 = tpu.unpack_subelements %get3A_1237, 0 {pack_format = #tpu.pack_format<interleaved>} : vector<32xbf16> -> vector<16xf32>
        %unpack3A_1239 = tpu.unpack_subelements %get3A_1237, 1 {pack_format = #tpu.pack_format<interleaved>} : vector<32xbf16> -> vector<16xf32>
        %mul3A_1240 = arith.mulf %unpack3A_1238, %gather3A_827 : vector<16xf32>
        %add3A_1241 = arith.addf %add3A_1228, %mul3A_1240 : vector<16xf32>
        %mul3A_1242 = arith.mulf %unpack3A_1239, %gather3A_827 : vector<16xf32>
        %add3A_1243 = arith.addf %add3A_1230, %mul3A_1242 : vector<16xf32>
        %mul3A_1244 = arith.constant 10 : i32
        %mul3A_1245 = arith.muli %scan3A_797, %mul3A_1244 : i32
        %add3A_1246 = arith.constant 7 : i32
        %add3A_1247 = arith.addi %mul3A_1245, %add3A_1246 : i32
        %get3A_1248 = arith.index_cast %add3A_1247 : i32 to index
        %get3A_1249 = arith.constant 64 : index
        %get3A_1250 = tpu.vector_load %arg22[%get3A_1248, %get3A_1249] {strides = array<i32>} : memref<160x160xbf16, #tpu.memory_space<vmem>>, vector<32xbf16>,
        %unpack3A_1251 = tpu.unpack_subelements %get3A_1250, 0 {pack_format = #tpu.pack_format<interleaved>} : vector<32xbf16> -> vector<16xf32>
        %unpack3A_1252 = tpu.unpack_subelements %get3A_1250, 1 {pack_format = #tpu.pack_format<interleaved>} : vector<32xbf16> -> vector<16xf32>
        %mul3A_1253 = arith.mulf %unpack3A_1251, %gather3A_831 : vector<16xf32>
        %add3A_1254 = arith.addf %add3A_1241, %mul3A_1253 : vector<16xf32>
        %mul3A_1255 = arith.mulf %unpack3A_1252, %gather3A_831 : vector<16xf32>
        %add3A_1256 = arith.addf %add3A_1243, %mul3A_1255 : vector<16xf32>
        %mul3A_1257 = arith.constant 10 : i32
        %mul3A_1258 = arith.muli %scan3A_797, %mul3A_1257 : i32
        %add3A_1259 = arith.constant 8 : i32
        %add3A_1260 = arith.addi %mul3A_1258, %add3A_1259 : i32
        %get3A_1261 = arith.index_cast %add3A_1260 : i32 to index
        %get3A_1262 = arith.constant 64 : index
        %get3A_1263 = tpu.vector_load %arg22[%get3A_1261, %get3A_1262] {strides = array<i32>} : memref<160x160xbf16, #tpu.memory_space<vmem>>, vector<32xbf16>,
        %unpack3A_1264 = tpu.unpack_subelements %get3A_1263, 0 {pack_format = #tpu.pack_format<interleaved>} : vector<32xbf16> -> vector<16xf32>
        %unpack3A_1265 = tpu.unpack_subelements %get3A_1263, 1 {pack_format = #tpu.pack_format<interleaved>} : vector<32xbf16> -> vector<16xf32>
        %mul3A_1266 = arith.mulf %unpack3A_1264, %gather3A_835 : vector<16xf32>
        %add3A_1267 = arith.addf %add3A_1254, %mul3A_1266 : vector<16xf32>
        %mul3A_1268 = arith.mulf %unpack3A_1265, %gather3A_835 : vector<16xf32>
        %add3A_1269 = arith.addf %add3A_1256, %mul3A_1268 : vector<16xf32>
        %mul3A_1270 = arith.constant 10 : i32
        %mul3A_1271 = arith.muli %scan3A_797, %mul3A_1270 : i32
        %add3A_1272 = arith.constant 9 : i32
        %add3A_1273 = arith.addi %mul3A_1271, %add3A_1272 : i32
        %get3A_1274 = arith.index_cast %add3A_1273 : i32 to index
        %get3A_1275 = arith.constant 64 : index
        %get3A_1276 = tpu.vector_load %arg22[%get3A_1274, %get3A_1275] {strides = array<i32>} : memref<160x160xbf16, #tpu.memory_space<vmem>>, vector<32xbf16>,
        %unpack3A_1277 = tpu.unpack_subelements %get3A_1276, 0 {pack_format = #tpu.pack_format<interleaved>} : vector<32xbf16> -> vector<16xf32>
        %unpack3A_1278 = tpu.unpack_subelements %get3A_1276, 1 {pack_format = #tpu.pack_format<interleaved>} : vector<32xbf16> -> vector<16xf32>
        %mul3A_1279 = arith.mulf %unpack3A_1277, %gather3A_839 : vector<16xf32>
        %add3A_1280 = arith.addf %add3A_1267, %mul3A_1279 : vector<16xf32>
        %mul3A_1281 = arith.mulf %unpack3A_1278, %gather3A_839 : vector<16xf32>
        %add3A_1282 = arith.addf %add3A_1269, %mul3A_1281 : vector<16xf32>
        %swap3A_1283 = arith.index_cast %scan3A_797 : i32 to index
        %swap3A_1284 = arith.constant 64 : index
        %swap3A_1285 = tpu.vector_load %arg25[%swap3A_1283, %swap3A_1284] {strides = array<i32>} : memref<16x160xf32, #tpu.memory_space<vmem>>, vector<16xf32>,
        tpu.vector_store %arg25[%swap3A_1283, %swap3A_1284], %add3A_1280 {strides = array<i32>} : memref<16x160xf32, #tpu.memory_space<vmem>>, vector<16xf32>,
        %swap3A_1286 = arith.index_cast %scan3A_797 : i32 to index
        %swap3A_1287 = arith.constant 80 : index
        %swap3A_1288 = tpu.vector_load %arg25[%swap3A_1286, %swap3A_1287] {strides = array<i32>} : memref<16x160xf32, #tpu.memory_space<vmem>>, vector<16xf32>,
        tpu.vector_store %arg25[%swap3A_1286, %swap3A_1287], %add3A_1282 {strides = array<i32>} : memref<16x160xf32, #tpu.memory_space<vmem>>, vector<16xf32>,
        %get3A_1289 = arith.index_cast %scan3A_797 : i32 to index
        %get3A_1290 = arith.constant 96 : index
        %get3A_1291 = tpu.vector_load %arg23[%get3A_1289, %get3A_1290] {strides = array<i32>} : memref<16x176xf32, #tpu.memory_space<vmem>>, vector<16xf32>,
        %get3A_1292 = arith.index_cast %scan3A_797 : i32 to index
        %get3A_1293 = arith.constant 96 : index
        %get3A_1294 = tpu.vector_load %arg24[%get3A_1292, %get3A_1293] {strides = array<i32>} : memref<16x160xf32, #tpu.memory_space<vmem>>, vector<16xf32>,
        %add3A_1295 = arith.addf %get3A_1291, %get3A_1294 : vector<16xf32>
        %get3A_1296 = arith.index_cast %scan3A_797 : i32 to index
        %get3A_1297 = arith.constant 112 : index
        %get3A_1298 = tpu.vector_load %arg23[%get3A_1296, %get3A_1297] {strides = array<i32>} : memref<16x176xf32, #tpu.memory_space<vmem>>, vector<16xf32>,
        %get3A_1299 = arith.index_cast %scan3A_797 : i32 to index
        %get3A_1300 = arith.constant 112 : index
        %get3A_1301 = tpu.vector_load %arg24[%get3A_1299, %get3A_1300] {strides = array<i32>} : memref<16x160xf32, #tpu.memory_space<vmem>>, vector<16xf32>,
        %add3A_1302 = arith.addf %get3A_1298, %get3A_1301 : vector<16xf32>
        %mul3A_1303 = arith.constant 10 : i32
        %mul3A_1304 = arith.muli %scan3A_797, %mul3A_1303 : i32
        %add3A_1305 = arith.constant 0 : i32
        %add3A_1306 = arith.addi %mul3A_1304, %add3A_1305 : i32
        %get3A_1307 = arith.index_cast %add3A_1306 : i32 to index
        %get3A_1308 = arith.constant 96 : index
        %get3A_1309 = tpu.vector_load %arg22[%get3A_1307, %get3A_1308] {strides = array<i32>} : memref<160x160xbf16, #tpu.memory_space<vmem>>, vector<32xbf16>,
        %unpack3A_1310 = tpu.unpack_subelements %get3A_1309, 0 {pack_format = #tpu.pack_format<interleaved>} : vector<32xbf16> -> vector<16xf32>
        %unpack3A_1311 = tpu.unpack_subelements %get3A_1309, 1 {pack_format = #tpu.pack_format<interleaved>} : vector<32xbf16> -> vector<16xf32>
        %mul3A_1312 = arith.mulf %unpack3A_1310, %gather3A_803 : vector<16xf32>
        %add3A_1313 = arith.addf %add3A_1295, %mul3A_1312 : vector<16xf32>
        %mul3A_1314 = arith.mulf %unpack3A_1311, %gather3A_803 : vector<16xf32>
        %add3A_1315 = arith.addf %add3A_1302, %mul3A_1314 : vector<16xf32>
        %mul3A_1316 = arith.constant 10 : i32
        %mul3A_1317 = arith.muli %scan3A_797, %mul3A_1316 : i32
        %add3A_1318 = arith.constant 1 : i32
        %add3A_1319 = arith.addi %mul3A_1317, %add3A_1318 : i32
        %get3A_1320 = arith.index_cast %add3A_1319 : i32 to index
        %get3A_1321 = arith.constant 96 : index
        %get3A_1322 = tpu.vector_load %arg22[%get3A_1320, %get3A_1321] {strides = array<i32>} : memref<160x160xbf16, #tpu.memory_space<vmem>>, vector<32xbf16>,
        %unpack3A_1323 = tpu.unpack_subelements %get3A_1322, 0 {pack_format = #tpu.pack_format<interleaved>} : vector<32xbf16> -> vector<16xf32>
        %unpack3A_1324 = tpu.unpack_subelements %get3A_1322, 1 {pack_format = #tpu.pack_format<interleaved>} : vector<32xbf16> -> vector<16xf32>
        %mul3A_1325 = arith.mulf %unpack3A_1323, %gather3A_807 : vector<16xf32>
        %add3A_1326 = arith.addf %add3A_1313, %mul3A_1325 : vector<16xf32>
        %mul3A_1327 = arith.mulf %unpack3A_1324, %gather3A_807 : vector<16xf32>
        %add3A_1328 = arith.addf %add3A_1315, %mul3A_1327 : vector<16xf32>
        %mul3A_1329 = arith.constant 10 : i32
        %mul3A_1330 = arith.muli %scan3A_797, %mul3A_1329 : i32
        %add3A_1331 = arith.constant 2 : i32
        %add3A_1332 = arith.addi %mul3A_1330, %add3A_1331 : i32
        %get3A_1333 = arith.index_cast %add3A_1332 : i32 to index
        %get3A_1334 = arith.constant 96 : index
        %get3A_1335 = tpu.vector_load %arg22[%get3A_1333, %get3A_1334] {strides = array<i32>} : memref<160x160xbf16, #tpu.memory_space<vmem>>, vector<32xbf16>,
        %unpack3A_1336 = tpu.unpack_subelements %get3A_1335, 0 {pack_format = #tpu.pack_format<interleaved>} : vector<32xbf16> -> vector<16xf32>
        %unpack3A_1337 = tpu.unpack_subelements %get3A_1335, 1 {pack_format = #tpu.pack_format<interleaved>} : vector<32xbf16> -> vector<16xf32>
        %mul3A_1338 = arith.mulf %unpack3A_1336, %gather3A_811 : vector<16xf32>
        %add3A_1339 = arith.addf %add3A_1326, %mul3A_1338 : vector<16xf32>
        %mul3A_1340 = arith.mulf %unpack3A_1337, %gather3A_811 : vector<16xf32>
        %add3A_1341 = arith.addf %add3A_1328, %mul3A_1340 : vector<16xf32>
        %mul3A_1342 = arith.constant 10 : i32
        %mul3A_1343 = arith.muli %scan3A_797, %mul3A_1342 : i32
        %add3A_1344 = arith.constant 3 : i32
        %add3A_1345 = arith.addi %mul3A_1343, %add3A_1344 : i32
        %get3A_1346 = arith.index_cast %add3A_1345 : i32 to index
        %get3A_1347 = arith.constant 96 : index
        %get3A_1348 = tpu.vector_load %arg22[%get3A_1346, %get3A_1347] {strides = array<i32>} : memref<160x160xbf16, #tpu.memory_space<vmem>>, vector<32xbf16>,
        %unpack3A_1349 = tpu.unpack_subelements %get3A_1348, 0 {pack_format = #tpu.pack_format<interleaved>} : vector<32xbf16> -> vector<16xf32>
        %unpack3A_1350 = tpu.unpack_subelements %get3A_1348, 1 {pack_format = #tpu.pack_format<interleaved>} : vector<32xbf16> -> vector<16xf32>
        %mul3A_1351 = arith.mulf %unpack3A_1349, %gather3A_815 : vector<16xf32>
        %add3A_1352 = arith.addf %add3A_1339, %mul3A_1351 : vector<16xf32>
        %mul3A_1353 = arith.mulf %unpack3A_1350, %gather3A_815 : vector<16xf32>
        %add3A_1354 = arith.addf %add3A_1341, %mul3A_1353 : vector<16xf32>
        %mul3A_1355 = arith.constant 10 : i32
        %mul3A_1356 = arith.muli %scan3A_797, %mul3A_1355 : i32
        %add3A_1357 = arith.constant 4 : i32
        %add3A_1358 = arith.addi %mul3A_1356, %add3A_1357 : i32
        %get3A_1359 = arith.index_cast %add3A_1358 : i32 to index
        %get3A_1360 = arith.constant 96 : index
        %get3A_1361 = tpu.vector_load %arg22[%get3A_1359, %get3A_1360] {strides = array<i32>} : memref<160x160xbf16, #tpu.memory_space<vmem>>, vector<32xbf16>,
        %unpack3A_1362 = tpu.unpack_subelements %get3A_1361, 0 {pack_format = #tpu.pack_format<interleaved>} : vector<32xbf16> -> vector<16xf32>
        %unpack3A_1363 = tpu.unpack_subelements %get3A_1361, 1 {pack_format = #tpu.pack_format<interleaved>} : vector<32xbf16> -> vector<16xf32>
        %mul3A_1364 = arith.mulf %unpack3A_1362, %gather3A_819 : vector<16xf32>
        %add3A_1365 = arith.addf %add3A_1352, %mul3A_1364 : vector<16xf32>
        %mul3A_1366 = arith.mulf %unpack3A_1363, %gather3A_819 : vector<16xf32>
        %add3A_1367 = arith.addf %add3A_1354, %mul3A_1366 : vector<16xf32>
        %mul3A_1368 = arith.constant 10 : i32
        %mul3A_1369 = arith.muli %scan3A_797, %mul3A_1368 : i32
        %add3A_1370 = arith.constant 5 : i32
        %add3A_1371 = arith.addi %mul3A_1369, %add3A_1370 : i32
        %get3A_1372 = arith.index_cast %add3A_1371 : i32 to index
        %get3A_1373 = arith.constant 96 : index
        %get3A_1374 = tpu.vector_load %arg22[%get3A_1372, %get3A_1373] {strides = array<i32>} : memref<160x160xbf16, #tpu.memory_space<vmem>>, vector<32xbf16>,
        %unpack3A_1375 = tpu.unpack_subelements %get3A_1374, 0 {pack_format = #tpu.pack_format<interleaved>} : vector<32xbf16> -> vector<16xf32>
        %unpack3A_1376 = tpu.unpack_subelements %get3A_1374, 1 {pack_format = #tpu.pack_format<interleaved>} : vector<32xbf16> -> vector<16xf32>
        %mul3A_1377 = arith.mulf %unpack3A_1375, %gather3A_823 : vector<16xf32>
        %add3A_1378 = arith.addf %add3A_1365, %mul3A_1377 : vector<16xf32>
        %mul3A_1379 = arith.mulf %unpack3A_1376, %gather3A_823 : vector<16xf32>
        %add3A_1380 = arith.addf %add3A_1367, %mul3A_1379 : vector<16xf32>
        %mul3A_1381 = arith.constant 10 : i32
        %mul3A_1382 = arith.muli %scan3A_797, %mul3A_1381 : i32
        %add3A_1383 = arith.constant 6 : i32
        %add3A_1384 = arith.addi %mul3A_1382, %add3A_1383 : i32
        %get3A_1385 = arith.index_cast %add3A_1384 : i32 to index
        %get3A_1386 = arith.constant 96 : index
        %get3A_1387 = tpu.vector_load %arg22[%get3A_1385, %get3A_1386] {strides = array<i32>} : memref<160x160xbf16, #tpu.memory_space<vmem>>, vector<32xbf16>,
        %unpack3A_1388 = tpu.unpack_subelements %get3A_1387, 0 {pack_format = #tpu.pack_format<interleaved>} : vector<32xbf16> -> vector<16xf32>
        %unpack3A_1389 = tpu.unpack_subelements %get3A_1387, 1 {pack_format = #tpu.pack_format<interleaved>} : vector<32xbf16> -> vector<16xf32>
        %mul3A_1390 = arith.mulf %unpack3A_1388, %gather3A_827 : vector<16xf32>
        %add3A_1391 = arith.addf %add3A_1378, %mul3A_1390 : vector<16xf32>
        %mul3A_1392 = arith.mulf %unpack3A_1389, %gather3A_827 : vector<16xf32>
        %add3A_1393 = arith.addf %add3A_1380, %mul3A_1392 : vector<16xf32>
        %mul3A_1394 = arith.constant 10 : i32
        %mul3A_1395 = arith.muli %scan3A_797, %mul3A_1394 : i32
        %add3A_1396 = arith.constant 7 : i32
        %add3A_1397 = arith.addi %mul3A_1395, %add3A_1396 : i32
        %get3A_1398 = arith.index_cast %add3A_1397 : i32 to index
        %get3A_1399 = arith.constant 96 : index
        %get3A_1400 = tpu.vector_load %arg22[%get3A_1398, %get3A_1399] {strides = array<i32>} : memref<160x160xbf16, #tpu.memory_space<vmem>>, vector<32xbf16>,
        %unpack3A_1401 = tpu.unpack_subelements %get3A_1400, 0 {pack_format = #tpu.pack_format<interleaved>} : vector<32xbf16> -> vector<16xf32>
        %unpack3A_1402 = tpu.unpack_subelements %get3A_1400, 1 {pack_format = #tpu.pack_format<interleaved>} : vector<32xbf16> -> vector<16xf32>
        %mul3A_1403 = arith.mulf %unpack3A_1401, %gather3A_831 : vector<16xf32>
        %add3A_1404 = arith.addf %add3A_1391, %mul3A_1403 : vector<16xf32>
        %mul3A_1405 = arith.mulf %unpack3A_1402, %gather3A_831 : vector<16xf32>
        %add3A_1406 = arith.addf %add3A_1393, %mul3A_1405 : vector<16xf32>
        %mul3A_1407 = arith.constant 10 : i32
        %mul3A_1408 = arith.muli %scan3A_797, %mul3A_1407 : i32
        %add3A_1409 = arith.constant 8 : i32
        %add3A_1410 = arith.addi %mul3A_1408, %add3A_1409 : i32
        %get3A_1411 = arith.index_cast %add3A_1410 : i32 to index
        %get3A_1412 = arith.constant 96 : index
        %get3A_1413 = tpu.vector_load %arg22[%get3A_1411, %get3A_1412] {strides = array<i32>} : memref<160x160xbf16, #tpu.memory_space<vmem>>, vector<32xbf16>,
        %unpack3A_1414 = tpu.unpack_subelements %get3A_1413, 0 {pack_format = #tpu.pack_format<interleaved>} : vector<32xbf16> -> vector<16xf32>
        %unpack3A_1415 = tpu.unpack_subelements %get3A_1413, 1 {pack_format = #tpu.pack_format<interleaved>} : vector<32xbf16> -> vector<16xf32>
        %mul3A_1416 = arith.mulf %unpack3A_1414, %gather3A_835 : vector<16xf32>
        %add3A_1417 = arith.addf %add3A_1404, %mul3A_1416 : vector<16xf32>
        %mul3A_1418 = arith.mulf %unpack3A_1415, %gather3A_835 : vector<16xf32>
        %add3A_1419 = arith.addf %add3A_1406, %mul3A_1418 : vector<16xf32>
        %mul3A_1420 = arith.constant 10 : i32
        %mul3A_1421 = arith.muli %scan3A_797, %mul3A_1420 : i32
        %add3A_1422 = arith.constant 9 : i32
        %add3A_1423 = arith.addi %mul3A_1421, %add3A_1422 : i32
        %get3A_1424 = arith.index_cast %add3A_1423 : i32 to index
        %get3A_1425 = arith.constant 96 : index
        %get3A_1426 = tpu.vector_load %arg22[%get3A_1424, %get3A_1425] {strides = array<i32>} : memref<160x160xbf16, #tpu.memory_space<vmem>>, vector<32xbf16>,
        %unpack3A_1427 = tpu.unpack_subelements %get3A_1426, 0 {pack_format = #tpu.pack_format<interleaved>} : vector<32xbf16> -> vector<16xf32>
        %unpack3A_1428 = tpu.unpack_subelements %get3A_1426, 1 {pack_format = #tpu.pack_format<interleaved>} : vector<32xbf16> -> vector<16xf32>
        %mul3A_1429 = arith.mulf %unpack3A_1427, %gather3A_839 : vector<16xf32>
        %add3A_1430 = arith.addf %add3A_1417, %mul3A_1429 : vector<16xf32>
        %mul3A_1431 = arith.mulf %unpack3A_1428, %gather3A_839 : vector<16xf32>
        %add3A_1432 = arith.addf %add3A_1419, %mul3A_1431 : vector<16xf32>
        %swap3A_1433 = arith.index_cast %scan3A_797 : i32 to index
        %swap3A_1434 = arith.constant 96 : index
        %swap3A_1435 = tpu.vector_load %arg25[%swap3A_1433, %swap3A_1434] {strides = array<i32>} : memref<16x160xf32, #tpu.memory_space<vmem>>, vector<16xf32>,
        tpu.vector_store %arg25[%swap3A_1433, %swap3A_1434], %add3A_1430 {strides = array<i32>} : memref<16x160xf32, #tpu.memory_space<vmem>>, vector<16xf32>,
        %swap3A_1436 = arith.index_cast %scan3A_797 : i32 to index
        %swap3A_1437 = arith.constant 112 : index
        %swap3A_1438 = tpu.vector_load %arg25[%swap3A_1436, %swap3A_1437] {strides = array<i32>} : memref<16x160xf32, #tpu.memory_space<vmem>>, vector<16xf32>,
        tpu.vector_store %arg25[%swap3A_1436, %swap3A_1437], %add3A_1432 {strides = array<i32>} : memref<16x160xf32, #tpu.memory_space<vmem>>, vector<16xf32>,
        %get3A_1439 = arith.index_cast %scan3A_797 : i32 to index
        %get3A_1440 = arith.constant 128 : index
        %get3A_1441 = tpu.vector_load %arg23[%get3A_1439, %get3A_1440] {strides = array<i32>} : memref<16x176xf32, #tpu.memory_space<vmem>>, vector<16xf32>,
        %get3A_1442 = arith.index_cast %scan3A_797 : i32 to index
        %get3A_1443 = arith.constant 128 : index
        %get3A_1444 = tpu.vector_load %arg24[%get3A_1442, %get3A_1443] {strides = array<i32>} : memref<16x160xf32, #tpu.memory_space<vmem>>, vector<16xf32>,
        %add3A_1445 = arith.addf %get3A_1441, %get3A_1444 : vector<16xf32>
        %get3A_1446 = arith.index_cast %scan3A_797 : i32 to index
        %get3A_1447 = arith.constant 144 : index
        %get3A_1448 = tpu.vector_load %arg23[%get3A_1446, %get3A_1447] {strides = array<i32>} : memref<16x176xf32, #tpu.memory_space<vmem>>, vector<16xf32>,
        %get3A_1449 = arith.index_cast %scan3A_797 : i32 to index
        %get3A_1450 = arith.constant 144 : index
        %get3A_1451 = tpu.vector_load %arg24[%get3A_1449, %get3A_1450] {strides = array<i32>} : memref<16x160xf32, #tpu.memory_space<vmem>>, vector<16xf32>,
        %add3A_1452 = arith.addf %get3A_1448, %get3A_1451 : vector<16xf32>
        %mul3A_1453 = arith.constant 10 : i32
        %mul3A_1454 = arith.muli %scan3A_797, %mul3A_1453 : i32
        %add3A_1455 = arith.constant 0 : i32
        %add3A_1456 = arith.addi %mul3A_1454, %add3A_1455 : i32
        %get3A_1457 = arith.index_cast %add3A_1456 : i32 to index
        %get3A_1458 = arith.constant 128 : index
        %get3A_1459 = tpu.vector_load %arg22[%get3A_1457, %get3A_1458] {strides = array<i32>} : memref<160x160xbf16, #tpu.memory_space<vmem>>, vector<32xbf16>,
        %unpack3A_1460 = tpu.unpack_subelements %get3A_1459, 0 {pack_format = #tpu.pack_format<interleaved>} : vector<32xbf16> -> vector<16xf32>
        %unpack3A_1461 = tpu.unpack_subelements %get3A_1459, 1 {pack_format = #tpu.pack_format<interleaved>} : vector<32xbf16> -> vector<16xf32>
        %mul3A_1462 = arith.mulf %unpack3A_1460, %gather3A_803 : vector<16xf32>
        %add3A_1463 = arith.addf %add3A_1445, %mul3A_1462 : vector<16xf32>
        %mul3A_1464 = arith.mulf %unpack3A_1461, %gather3A_803 : vector<16xf32>
        %add3A_1465 = arith.addf %add3A_1452, %mul3A_1464 : vector<16xf32>
        %mul3A_1466 = arith.constant 10 : i32
        %mul3A_1467 = arith.muli %scan3A_797, %mul3A_1466 : i32
        %add3A_1468 = arith.constant 1 : i32
        %add3A_1469 = arith.addi %mul3A_1467, %add3A_1468 : i32
        %get3A_1470 = arith.index_cast %add3A_1469 : i32 to index
        %get3A_1471 = arith.constant 128 : index
        %get3A_1472 = tpu.vector_load %arg22[%get3A_1470, %get3A_1471] {strides = array<i32>} : memref<160x160xbf16, #tpu.memory_space<vmem>>, vector<32xbf16>,
        %unpack3A_1473 = tpu.unpack_subelements %get3A_1472, 0 {pack_format = #tpu.pack_format<interleaved>} : vector<32xbf16> -> vector<16xf32>
        %unpack3A_1474 = tpu.unpack_subelements %get3A_1472, 1 {pack_format = #tpu.pack_format<interleaved>} : vector<32xbf16> -> vector<16xf32>
        %mul3A_1475 = arith.mulf %unpack3A_1473, %gather3A_807 : vector<16xf32>
        %add3A_1476 = arith.addf %add3A_1463, %mul3A_1475 : vector<16xf32>
        %mul3A_1477 = arith.mulf %unpack3A_1474, %gather3A_807 : vector<16xf32>
        %add3A_1478 = arith.addf %add3A_1465, %mul3A_1477 : vector<16xf32>
        %mul3A_1479 = arith.constant 10 : i32
        %mul3A_1480 = arith.muli %scan3A_797, %mul3A_1479 : i32
        %add3A_1481 = arith.constant 2 : i32
        %add3A_1482 = arith.addi %mul3A_1480, %add3A_1481 : i32
        %get3A_1483 = arith.index_cast %add3A_1482 : i32 to index
        %get3A_1484 = arith.constant 128 : index
        %get3A_1485 = tpu.vector_load %arg22[%get3A_1483, %get3A_1484] {strides = array<i32>} : memref<160x160xbf16, #tpu.memory_space<vmem>>, vector<32xbf16>,
        %unpack3A_1486 = tpu.unpack_subelements %get3A_1485, 0 {pack_format = #tpu.pack_format<interleaved>} : vector<32xbf16> -> vector<16xf32>
        %unpack3A_1487 = tpu.unpack_subelements %get3A_1485, 1 {pack_format = #tpu.pack_format<interleaved>} : vector<32xbf16> -> vector<16xf32>
        %mul3A_1488 = arith.mulf %unpack3A_1486, %gather3A_811 : vector<16xf32>
        %add3A_1489 = arith.addf %add3A_1476, %mul3A_1488 : vector<16xf32>
        %mul3A_1490 = arith.mulf %unpack3A_1487, %gather3A_811 : vector<16xf32>
        %add3A_1491 = arith.addf %add3A_1478, %mul3A_1490 : vector<16xf32>
        %mul3A_1492 = arith.constant 10 : i32
        %mul3A_1493 = arith.muli %scan3A_797, %mul3A_1492 : i32
        %add3A_1494 = arith.constant 3 : i32
        %add3A_1495 = arith.addi %mul3A_1493, %add3A_1494 : i32
        %get3A_1496 = arith.index_cast %add3A_1495 : i32 to index
        %get3A_1497 = arith.constant 128 : index
        %get3A_1498 = tpu.vector_load %arg22[%get3A_1496, %get3A_1497] {strides = array<i32>} : memref<160x160xbf16, #tpu.memory_space<vmem>>, vector<32xbf16>,
        %unpack3A_1499 = tpu.unpack_subelements %get3A_1498, 0 {pack_format = #tpu.pack_format<interleaved>} : vector<32xbf16> -> vector<16xf32>
        %unpack3A_1500 = tpu.unpack_subelements %get3A_1498, 1 {pack_format = #tpu.pack_format<interleaved>} : vector<32xbf16> -> vector<16xf32>
        %mul3A_1501 = arith.mulf %unpack3A_1499, %gather3A_815 : vector<16xf32>
        %add3A_1502 = arith.addf %add3A_1489, %mul3A_1501 : vector<16xf32>
        %mul3A_1503 = arith.mulf %unpack3A_1500, %gather3A_815 : vector<16xf32>
        %add3A_1504 = arith.addf %add3A_1491, %mul3A_1503 : vector<16xf32>
        %mul3A_1505 = arith.constant 10 : i32
        %mul3A_1506 = arith.muli %scan3A_797, %mul3A_1505 : i32
        %add3A_1507 = arith.constant 4 : i32
        %add3A_1508 = arith.addi %mul3A_1506, %add3A_1507 : i32
        %get3A_1509 = arith.index_cast %add3A_1508 : i32 to index
        %get3A_1510 = arith.constant 128 : index
        %get3A_1511 = tpu.vector_load %arg22[%get3A_1509, %get3A_1510] {strides = array<i32>} : memref<160x160xbf16, #tpu.memory_space<vmem>>, vector<32xbf16>,
        %unpack3A_1512 = tpu.unpack_subelements %get3A_1511, 0 {pack_format = #tpu.pack_format<interleaved>} : vector<32xbf16> -> vector<16xf32>
        %unpack3A_1513 = tpu.unpack_subelements %get3A_1511, 1 {pack_format = #tpu.pack_format<interleaved>} : vector<32xbf16> -> vector<16xf32>
        %mul3A_1514 = arith.mulf %unpack3A_1512, %gather3A_819 : vector<16xf32>
        %add3A_1515 = arith.addf %add3A_1502, %mul3A_1514 : vector<16xf32>
        %mul3A_1516 = arith.mulf %unpack3A_1513, %gather3A_819 : vector<16xf32>
        %add3A_1517 = arith.addf %add3A_1504, %mul3A_1516 : vector<16xf32>
        %mul3A_1518 = arith.constant 10 : i32
        %mul3A_1519 = arith.muli %scan3A_797, %mul3A_1518 : i32
        %add3A_1520 = arith.constant 5 : i32
        %add3A_1521 = arith.addi %mul3A_1519, %add3A_1520 : i32
        %get3A_1522 = arith.index_cast %add3A_1521 : i32 to index
        %get3A_1523 = arith.constant 128 : index
        %get3A_1524 = tpu.vector_load %arg22[%get3A_1522, %get3A_1523] {strides = array<i32>} : memref<160x160xbf16, #tpu.memory_space<vmem>>, vector<32xbf16>,
        %unpack3A_1525 = tpu.unpack_subelements %get3A_1524, 0 {pack_format = #tpu.pack_format<interleaved>} : vector<32xbf16> -> vector<16xf32>
        %unpack3A_1526 = tpu.unpack_subelements %get3A_1524, 1 {pack_format = #tpu.pack_format<interleaved>} : vector<32xbf16> -> vector<16xf32>
        %mul3A_1527 = arith.mulf %unpack3A_1525, %gather3A_823 : vector<16xf32>
        %add3A_1528 = arith.addf %add3A_1515, %mul3A_1527 : vector<16xf32>
        %mul3A_1529 = arith.mulf %unpack3A_1526, %gather3A_823 : vector<16xf32>
        %add3A_1530 = arith.addf %add3A_1517, %mul3A_1529 : vector<16xf32>
        %mul3A_1531 = arith.constant 10 : i32
        %mul3A_1532 = arith.muli %scan3A_797, %mul3A_1531 : i32
        %add3A_1533 = arith.constant 6 : i32
        %add3A_1534 = arith.addi %mul3A_1532, %add3A_1533 : i32
        %get3A_1535 = arith.index_cast %add3A_1534 : i32 to index
        %get3A_1536 = arith.constant 128 : index
        %get3A_1537 = tpu.vector_load %arg22[%get3A_1535, %get3A_1536] {strides = array<i32>} : memref<160x160xbf16, #tpu.memory_space<vmem>>, vector<32xbf16>,
        %unpack3A_1538 = tpu.unpack_subelements %get3A_1537, 0 {pack_format = #tpu.pack_format<interleaved>} : vector<32xbf16> -> vector<16xf32>
        %unpack3A_1539 = tpu.unpack_subelements %get3A_1537, 1 {pack_format = #tpu.pack_format<interleaved>} : vector<32xbf16> -> vector<16xf32>
        %mul3A_1540 = arith.mulf %unpack3A_1538, %gather3A_827 : vector<16xf32>
        %add3A_1541 = arith.addf %add3A_1528, %mul3A_1540 : vector<16xf32>
        %mul3A_1542 = arith.mulf %unpack3A_1539, %gather3A_827 : vector<16xf32>
        %add3A_1543 = arith.addf %add3A_1530, %mul3A_1542 : vector<16xf32>
        %mul3A_1544 = arith.constant 10 : i32
        %mul3A_1545 = arith.muli %scan3A_797, %mul3A_1544 : i32
        %add3A_1546 = arith.constant 7 : i32
        %add3A_1547 = arith.addi %mul3A_1545, %add3A_1546 : i32
        %get3A_1548 = arith.index_cast %add3A_1547 : i32 to index
        %get3A_1549 = arith.constant 128 : index
        %get3A_1550 = tpu.vector_load %arg22[%get3A_1548, %get3A_1549] {strides = array<i32>} : memref<160x160xbf16, #tpu.memory_space<vmem>>, vector<32xbf16>,
        %unpack3A_1551 = tpu.unpack_subelements %get3A_1550, 0 {pack_format = #tpu.pack_format<interleaved>} : vector<32xbf16> -> vector<16xf32>
        %unpack3A_1552 = tpu.unpack_subelements %get3A_1550, 1 {pack_format = #tpu.pack_format<interleaved>} : vector<32xbf16> -> vector<16xf32>
        %mul3A_1553 = arith.mulf %unpack3A_1551, %gather3A_831 : vector<16xf32>
        %add3A_1554 = arith.addf %add3A_1541, %mul3A_1553 : vector<16xf32>
        %mul3A_1555 = arith.mulf %unpack3A_1552, %gather3A_831 : vector<16xf32>
        %add3A_1556 = arith.addf %add3A_1543, %mul3A_1555 : vector<16xf32>
        %mul3A_1557 = arith.constant 10 : i32
        %mul3A_1558 = arith.muli %scan3A_797, %mul3A_1557 : i32
        %add3A_1559 = arith.constant 8 : i32
        %add3A_1560 = arith.addi %mul3A_1558, %add3A_1559 : i32
        %get3A_1561 = arith.index_cast %add3A_1560 : i32 to index
        %get3A_1562 = arith.constant 128 : index
        %get3A_1563 = tpu.vector_load %arg22[%get3A_1561, %get3A_1562] {strides = array<i32>} : memref<160x160xbf16, #tpu.memory_space<vmem>>, vector<32xbf16>,
        %unpack3A_1564 = tpu.unpack_subelements %get3A_1563, 0 {pack_format = #tpu.pack_format<interleaved>} : vector<32xbf16> -> vector<16xf32>
        %unpack3A_1565 = tpu.unpack_subelements %get3A_1563, 1 {pack_format = #tpu.pack_format<interleaved>} : vector<32xbf16> -> vector<16xf32>
        %mul3A_1566 = arith.mulf %unpack3A_1564, %gather3A_835 : vector<16xf32>
        %add3A_1567 = arith.addf %add3A_1554, %mul3A_1566 : vector<16xf32>
        %mul3A_1568 = arith.mulf %unpack3A_1565, %gather3A_835 : vector<16xf32>
        %add3A_1569 = arith.addf %add3A_1556, %mul3A_1568 : vector<16xf32>
        %mul3A_1570 = arith.constant 10 : i32
        %mul3A_1571 = arith.muli %scan3A_797, %mul3A_1570 : i32
        %add3A_1572 = arith.constant 9 : i32
        %add3A_1573 = arith.addi %mul3A_1571, %add3A_1572 : i32
        %get3A_1574 = arith.index_cast %add3A_1573 : i32 to index
        %get3A_1575 = arith.constant 128 : index
        %get3A_1576 = tpu.vector_load %arg22[%get3A_1574, %get3A_1575] {strides = array<i32>} : memref<160x160xbf16, #tpu.memory_space<vmem>>, vector<32xbf16>,
        %unpack3A_1577 = tpu.unpack_subelements %get3A_1576, 0 {pack_format = #tpu.pack_format<interleaved>} : vector<32xbf16> -> vector<16xf32>
        %unpack3A_1578 = tpu.unpack_subelements %get3A_1576, 1 {pack_format = #tpu.pack_format<interleaved>} : vector<32xbf16> -> vector<16xf32>
        %mul3A_1579 = arith.mulf %unpack3A_1577, %gather3A_839 : vector<16xf32>
        %add3A_1580 = arith.addf %add3A_1567, %mul3A_1579 : vector<16xf32>
        %mul3A_1581 = arith.mulf %unpack3A_1578, %gather3A_839 : vector<16xf32>
        %add3A_1582 = arith.addf %add3A_1569, %mul3A_1581 : vector<16xf32>
        %swap3A_1583 = arith.index_cast %scan3A_797 : i32 to index
        %swap3A_1584 = arith.constant 128 : index
        %swap3A_1585 = tpu.vector_load %arg25[%swap3A_1583, %swap3A_1584] {strides = array<i32>} : memref<16x160xf32, #tpu.memory_space<vmem>>, vector<16xf32>,
        tpu.vector_store %arg25[%swap3A_1583, %swap3A_1584], %add3A_1580 {strides = array<i32>} : memref<16x160xf32, #tpu.memory_space<vmem>>, vector<16xf32>,
        %swap3A_1586 = arith.index_cast %scan3A_797 : i32 to index
        %swap3A_1587 = arith.constant 144 : index
        %swap3A_1588 = tpu.vector_load %arg25[%swap3A_1586, %swap3A_1587] {strides = array<i32>} : memref<16x160xf32, #tpu.memory_space<vmem>>, vector<16xf32>,
        tpu.vector_store %arg25[%swap3A_1586, %swap3A_1587], %add3A_1582 {strides = array<i32>} : memref<16x160xf32, #tpu.memory_space<vmem>>, vector<16xf32>,
        %scan3A_1589 = arith.constant 1 : i32
        %scan3A_1590 = arith.addi %scan3A_797, %scan3A_1589 : i32
        %add3A_1591 = vector.broadcast %scan3A_1590 : i32 to vector<16xi32>
        %add3A_1592 = arith.addi %mul3A_5, %add3A_1591 : vector<16xi32>
        %add3A_1593 = arith.constant 0 : i32
        %add3A_1594 = vector.broadcast %add3A_1593 : i32 to vector<16xi32>
        %add3A_1595 = arith.addi %mul3A_5, %add3A_1594 : vector<16xi32>
        %gather3A_1596 = tpu.vector_load_idx %arg26[%add3A_1595, %add3A_1592] : memref<10x16xf32, #tpu.memory_space<vmem>>[vector<16xi32>, vector<16xi32>], vector<16xf32>,
        %add3A_1597 = arith.constant 1 : i32
        %add3A_1598 = vector.broadcast %add3A_1597 : i32 to vector<16xi32>
        %add3A_1599 = arith.addi %mul3A_5, %add3A_1598 : vector<16xi32>
        %gather3A_1600 = tpu.vector_load_idx %arg26[%add3A_1599, %add3A_1592] : memref<10x16xf32, #tpu.memory_space<vmem>>[vector<16xi32>, vector<16xi32>], vector<16xf32>,
        %add3A_1601 = arith.constant 2 : i32
        %add3A_1602 = vector.broadcast %add3A_1601 : i32 to vector<16xi32>
        %add3A_1603 = arith.addi %mul3A_5, %add3A_1602 : vector<16xi32>
        %gather3A_1604 = tpu.vector_load_idx %arg26[%add3A_1603, %add3A_1592] : memref<10x16xf32, #tpu.memory_space<vmem>>[vector<16xi32>, vector<16xi32>], vector<16xf32>,
        %add3A_1605 = arith.constant 3 : i32
        %add3A_1606 = vector.broadcast %add3A_1605 : i32 to vector<16xi32>
        %add3A_1607 = arith.addi %mul3A_5, %add3A_1606 : vector<16xi32>
        %gather3A_1608 = tpu.vector_load_idx %arg26[%add3A_1607, %add3A_1592] : memref<10x16xf32, #tpu.memory_space<vmem>>[vector<16xi32>, vector<16xi32>], vector<16xf32>,
        %add3A_1609 = arith.constant 4 : i32
        %add3A_1610 = vector.broadcast %add3A_1609 : i32 to vector<16xi32>
        %add3A_1611 = arith.addi %mul3A_5, %add3A_1610 : vector<16xi32>
        %gather3A_1612 = tpu.vector_load_idx %arg26[%add3A_1611, %add3A_1592] : memref<10x16xf32, #tpu.memory_space<vmem>>[vector<16xi32>, vector<16xi32>], vector<16xf32>,
        %add3A_1613 = arith.constant 5 : i32
        %add3A_1614 = vector.broadcast %add3A_1613 : i32 to vector<16xi32>
        %add3A_1615 = arith.addi %mul3A_5, %add3A_1614 : vector<16xi32>
        %gather3A_1616 = tpu.vector_load_idx %arg26[%add3A_1615, %add3A_1592] : memref<10x16xf32, #tpu.memory_space<vmem>>[vector<16xi32>, vector<16xi32>], vector<16xf32>,
        %add3A_1617 = arith.constant 6 : i32
        %add3A_1618 = vector.broadcast %add3A_1617 : i32 to vector<16xi32>
        %add3A_1619 = arith.addi %mul3A_5, %add3A_1618 : vector<16xi32>
        %gather3A_1620 = tpu.vector_load_idx %arg26[%add3A_1619, %add3A_1592] : memref<10x16xf32, #tpu.memory_space<vmem>>[vector<16xi32>, vector<16xi32>], vector<16xf32>,
        %add3A_1621 = arith.constant 7 : i32
        %add3A_1622 = vector.broadcast %add3A_1621 : i32 to vector<16xi32>
        %add3A_1623 = arith.addi %mul3A_5, %add3A_1622 : vector<16xi32>
        %gather3A_1624 = tpu.vector_load_idx %arg26[%add3A_1623, %add3A_1592] : memref<10x16xf32, #tpu.memory_space<vmem>>[vector<16xi32>, vector<16xi32>], vector<16xf32>,
        %add3A_1625 = arith.constant 8 : i32
        %add3A_1626 = vector.broadcast %add3A_1625 : i32 to vector<16xi32>
        %add3A_1627 = arith.addi %mul3A_5, %add3A_1626 : vector<16xi32>
        %gather3A_1628 = tpu.vector_load_idx %arg26[%add3A_1627, %add3A_1592] : memref<10x16xf32, #tpu.memory_space<vmem>>[vector<16xi32>, vector<16xi32>], vector<16xf32>,
        %add3A_1629 = arith.constant 9 : i32
        %add3A_1630 = vector.broadcast %add3A_1629 : i32 to vector<16xi32>
        %add3A_1631 = arith.addi %mul3A_5, %add3A_1630 : vector<16xi32>
        %gather3A_1632 = tpu.vector_load_idx %arg26[%add3A_1631, %add3A_1592] : memref<10x16xf32, #tpu.memory_space<vmem>>[vector<16xi32>, vector<16xi32>], vector<16xf32>,
        %get3A_1633 = arith.index_cast %scan3A_1590 : i32 to index
        %get3A_1634 = arith.constant 0 : index
        %get3A_1635 = tpu.vector_load %arg23[%get3A_1633, %get3A_1634] {strides = array<i32>} : memref<16x176xf32, #tpu.memory_space<vmem>>, vector<16xf32>,
        %get3A_1636 = arith.index_cast %scan3A_1590 : i32 to index
        %get3A_1637 = arith.constant 0 : index
        %get3A_1638 = tpu.vector_load %arg24[%get3A_1636, %get3A_1637] {strides = array<i32>} : memref<16x160xf32, #tpu.memory_space<vmem>>, vector<16xf32>,
        %add3A_1639 = arith.addf %get3A_1635, %get3A_1638 : vector<16xf32>
        %get3A_1640 = arith.index_cast %scan3A_1590 : i32 to index
        %get3A_1641 = arith.constant 16 : index
        %get3A_1642 = tpu.vector_load %arg23[%get3A_1640, %get3A_1641] {strides = array<i32>} : memref<16x176xf32, #tpu.memory_space<vmem>>, vector<16xf32>,
        %get3A_1643 = arith.index_cast %scan3A_1590 : i32 to index
        %get3A_1644 = arith.constant 16 : index
        %get3A_1645 = tpu.vector_load %arg24[%get3A_1643, %get3A_1644] {strides = array<i32>} : memref<16x160xf32, #tpu.memory_space<vmem>>, vector<16xf32>,
        %add3A_1646 = arith.addf %get3A_1642, %get3A_1645 : vector<16xf32>
        %mul3A_1647 = arith.constant 10 : i32
        %mul3A_1648 = arith.muli %scan3A_1590, %mul3A_1647 : i32
        %add3A_1649 = arith.constant 0 : i32
        %add3A_1650 = arith.addi %mul3A_1648, %add3A_1649 : i32
        %get3A_1651 = arith.index_cast %add3A_1650 : i32 to index
        %get3A_1652 = arith.constant 0 : index
        %get3A_1653 = tpu.vector_load %arg22[%get3A_1651, %get3A_1652] {strides = array<i32>} : memref<160x160xbf16, #tpu.memory_space<vmem>>, vector<32xbf16>,
        %unpack3A_1654 = tpu.unpack_subelements %get3A_1653, 0 {pack_format = #tpu.pack_format<interleaved>} : vector<32xbf16> -> vector<16xf32>
        %unpack3A_1655 = tpu.unpack_subelements %get3A_1653, 1 {pack_format = #tpu.pack_format<interleaved>} : vector<32xbf16> -> vector<16xf32>
        %mul3A_1656 = arith.mulf %unpack3A_1654, %gather3A_1596 : vector<16xf32>
        %add3A_1657 = arith.addf %add3A_1639, %mul3A_1656 : vector<16xf32>
        %mul3A_1658 = arith.mulf %unpack3A_1655, %gather3A_1596 : vector<16xf32>
        %add3A_1659 = arith.addf %add3A_1646, %mul3A_1658 : vector<16xf32>
        %mul3A_1660 = arith.constant 10 : i32
        %mul3A_1661 = arith.muli %scan3A_1590, %mul3A_1660 : i32
        %add3A_1662 = arith.constant 1 : i32
        %add3A_1663 = arith.addi %mul3A_1661, %add3A_1662 : i32
        %get3A_1664 = arith.index_cast %add3A_1663 : i32 to index
        %get3A_1665 = arith.constant 0 : index
        %get3A_1666 = tpu.vector_load %arg22[%get3A_1664, %get3A_1665] {strides = array<i32>} : memref<160x160xbf16, #tpu.memory_space<vmem>>, vector<32xbf16>,
        %unpack3A_1667 = tpu.unpack_subelements %get3A_1666, 0 {pack_format = #tpu.pack_format<interleaved>} : vector<32xbf16> -> vector<16xf32>
        %unpack3A_1668 = tpu.unpack_subelements %get3A_1666, 1 {pack_format = #tpu.pack_format<interleaved>} : vector<32xbf16> -> vector<16xf32>
        %mul3A_1669 = arith.mulf %unpack3A_1667, %gather3A_1600 : vector<16xf32>
        %add3A_1670 = arith.addf %add3A_1657, %mul3A_1669 : vector<16xf32>
        %mul3A_1671 = arith.mulf %unpack3A_1668, %gather3A_1600 : vector<16xf32>
        %add3A_1672 = arith.addf %add3A_1659, %mul3A_1671 : vector<16xf32>
        %mul3A_1673 = arith.constant 10 : i32
        %mul3A_1674 = arith.muli %scan3A_1590, %mul3A_1673 : i32
        %add3A_1675 = arith.constant 2 : i32
        %add3A_1676 = arith.addi %mul3A_1674, %add3A_1675 : i32
        %get3A_1677 = arith.index_cast %add3A_1676 : i32 to index
        %get3A_1678 = arith.constant 0 : index
        %get3A_1679 = tpu.vector_load %arg22[%get3A_1677, %get3A_1678] {strides = array<i32>} : memref<160x160xbf16, #tpu.memory_space<vmem>>, vector<32xbf16>,
        %unpack3A_1680 = tpu.unpack_subelements %get3A_1679, 0 {pack_format = #tpu.pack_format<interleaved>} : vector<32xbf16> -> vector<16xf32>
        %unpack3A_1681 = tpu.unpack_subelements %get3A_1679, 1 {pack_format = #tpu.pack_format<interleaved>} : vector<32xbf16> -> vector<16xf32>
        %mul3A_1682 = arith.mulf %unpack3A_1680, %gather3A_1604 : vector<16xf32>
        %add3A_1683 = arith.addf %add3A_1670, %mul3A_1682 : vector<16xf32>
        %mul3A_1684 = arith.mulf %unpack3A_1681, %gather3A_1604 : vector<16xf32>
        %add3A_1685 = arith.addf %add3A_1672, %mul3A_1684 : vector<16xf32>
        %mul3A_1686 = arith.constant 10 : i32
        %mul3A_1687 = arith.muli %scan3A_1590, %mul3A_1686 : i32
        %add3A_1688 = arith.constant 3 : i32
        %add3A_1689 = arith.addi %mul3A_1687, %add3A_1688 : i32
        %get3A_1690 = arith.index_cast %add3A_1689 : i32 to index
        %get3A_1691 = arith.constant 0 : index
        %get3A_1692 = tpu.vector_load %arg22[%get3A_1690, %get3A_1691] {strides = array<i32>} : memref<160x160xbf16, #tpu.memory_space<vmem>>, vector<32xbf16>,
        %unpack3A_1693 = tpu.unpack_subelements %get3A_1692, 0 {pack_format = #tpu.pack_format<interleaved>} : vector<32xbf16> -> vector<16xf32>
        %unpack3A_1694 = tpu.unpack_subelements %get3A_1692, 1 {pack_format = #tpu.pack_format<interleaved>} : vector<32xbf16> -> vector<16xf32>
        %mul3A_1695 = arith.mulf %unpack3A_1693, %gather3A_1608 : vector<16xf32>
        %add3A_1696 = arith.addf %add3A_1683, %mul3A_1695 : vector<16xf32>
        %mul3A_1697 = arith.mulf %unpack3A_1694, %gather3A_1608 : vector<16xf32>
        %add3A_1698 = arith.addf %add3A_1685, %mul3A_1697 : vector<16xf32>
        %mul3A_1699 = arith.constant 10 : i32
        %mul3A_1700 = arith.muli %scan3A_1590, %mul3A_1699 : i32
        %add3A_1701 = arith.constant 4 : i32
        %add3A_1702 = arith.addi %mul3A_1700, %add3A_1701 : i32
        %get3A_1703 = arith.index_cast %add3A_1702 : i32 to index
        %get3A_1704 = arith.constant 0 : index
        %get3A_1705 = tpu.vector_load %arg22[%get3A_1703, %get3A_1704] {strides = array<i32>} : memref<160x160xbf16, #tpu.memory_space<vmem>>, vector<32xbf16>,
        %unpack3A_1706 = tpu.unpack_subelements %get3A_1705, 0 {pack_format = #tpu.pack_format<interleaved>} : vector<32xbf16> -> vector<16xf32>
        %unpack3A_1707 = tpu.unpack_subelements %get3A_1705, 1 {pack_format = #tpu.pack_format<interleaved>} : vector<32xbf16> -> vector<16xf32>
        %mul3A_1708 = arith.mulf %unpack3A_1706, %gather3A_1612 : vector<16xf32>
        %add3A_1709 = arith.addf %add3A_1696, %mul3A_1708 : vector<16xf32>
        %mul3A_1710 = arith.mulf %unpack3A_1707, %gather3A_1612 : vector<16xf32>
        %add3A_1711 = arith.addf %add3A_1698, %mul3A_1710 : vector<16xf32>
        %mul3A_1712 = arith.constant 10 : i32
        %mul3A_1713 = arith.muli %scan3A_1590, %mul3A_1712 : i32
        %add3A_1714 = arith.constant 5 : i32
        %add3A_1715 = arith.addi %mul3A_1713, %add3A_1714 : i32
        %get3A_1716 = arith.index_cast %add3A_1715 : i32 to index
        %get3A_1717 = arith.constant 0 : index
        %get3A_1718 = tpu.vector_load %arg22[%get3A_1716, %get3A_1717] {strides = array<i32>} : memref<160x160xbf16, #tpu.memory_space<vmem>>, vector<32xbf16>,
        %unpack3A_1719 = tpu.unpack_subelements %get3A_1718, 0 {pack_format = #tpu.pack_format<interleaved>} : vector<32xbf16> -> vector<16xf32>
        %unpack3A_1720 = tpu.unpack_subelements %get3A_1718, 1 {pack_format = #tpu.pack_format<interleaved>} : vector<32xbf16> -> vector<16xf32>
        %mul3A_1721 = arith.mulf %unpack3A_1719, %gather3A_1616 : vector<16xf32>
        %add3A_1722 = arith.addf %add3A_1709, %mul3A_1721 : vector<16xf32>
        %mul3A_1723 = arith.mulf %unpack3A_1720, %gather3A_1616 : vector<16xf32>
        %add3A_1724 = arith.addf %add3A_1711, %mul3A_1723 : vector<16xf32>
        %mul3A_1725 = arith.constant 10 : i32
        %mul3A_1726 = arith.muli %scan3A_1590, %mul3A_1725 : i32
        %add3A_1727 = arith.constant 6 : i32
        %add3A_1728 = arith.addi %mul3A_1726, %add3A_1727 : i32
        %get3A_1729 = arith.index_cast %add3A_1728 : i32 to index
        %get3A_1730 = arith.constant 0 : index
        %get3A_1731 = tpu.vector_load %arg22[%get3A_1729, %get3A_1730] {strides = array<i32>} : memref<160x160xbf16, #tpu.memory_space<vmem>>, vector<32xbf16>,
        %unpack3A_1732 = tpu.unpack_subelements %get3A_1731, 0 {pack_format = #tpu.pack_format<interleaved>} : vector<32xbf16> -> vector<16xf32>
        %unpack3A_1733 = tpu.unpack_subelements %get3A_1731, 1 {pack_format = #tpu.pack_format<interleaved>} : vector<32xbf16> -> vector<16xf32>
        %mul3A_1734 = arith.mulf %unpack3A_1732, %gather3A_1620 : vector<16xf32>
        %add3A_1735 = arith.addf %add3A_1722, %mul3A_1734 : vector<16xf32>
        %mul3A_1736 = arith.mulf %unpack3A_1733, %gather3A_1620 : vector<16xf32>
        %add3A_1737 = arith.addf %add3A_1724, %mul3A_1736 : vector<16xf32>
        %mul3A_1738 = arith.constant 10 : i32
        %mul3A_1739 = arith.muli %scan3A_1590, %mul3A_1738 : i32
        %add3A_1740 = arith.constant 7 : i32
        %add3A_1741 = arith.addi %mul3A_1739, %add3A_1740 : i32
        %get3A_1742 = arith.index_cast %add3A_1741 : i32 to index
        %get3A_1743 = arith.constant 0 : index
        %get3A_1744 = tpu.vector_load %arg22[%get3A_1742, %get3A_1743] {strides = array<i32>} : memref<160x160xbf16, #tpu.memory_space<vmem>>, vector<32xbf16>,
        %unpack3A_1745 = tpu.unpack_subelements %get3A_1744, 0 {pack_format = #tpu.pack_format<interleaved>} : vector<32xbf16> -> vector<16xf32>
        %unpack3A_1746 = tpu.unpack_subelements %get3A_1744, 1 {pack_format = #tpu.pack_format<interleaved>} : vector<32xbf16> -> vector<16xf32>
        %mul3A_1747 = arith.mulf %unpack3A_1745, %gather3A_1624 : vector<16xf32>
        %add3A_1748 = arith.addf %add3A_1735, %mul3A_1747 : vector<16xf32>
        %mul3A_1749 = arith.mulf %unpack3A_1746, %gather3A_1624 : vector<16xf32>
        %add3A_1750 = arith.addf %add3A_1737, %mul3A_1749 : vector<16xf32>
        %mul3A_1751 = arith.constant 10 : i32
        %mul3A_1752 = arith.muli %scan3A_1590, %mul3A_1751 : i32
        %add3A_1753 = arith.constant 8 : i32
        %add3A_1754 = arith.addi %mul3A_1752, %add3A_1753 : i32
        %get3A_1755 = arith.index_cast %add3A_1754 : i32 to index
        %get3A_1756 = arith.constant 0 : index
        %get3A_1757 = tpu.vector_load %arg22[%get3A_1755, %get3A_1756] {strides = array<i32>} : memref<160x160xbf16, #tpu.memory_space<vmem>>, vector<32xbf16>,
        %unpack3A_1758 = tpu.unpack_subelements %get3A_1757, 0 {pack_format = #tpu.pack_format<interleaved>} : vector<32xbf16> -> vector<16xf32>
        %unpack3A_1759 = tpu.unpack_subelements %get3A_1757, 1 {pack_format = #tpu.pack_format<interleaved>} : vector<32xbf16> -> vector<16xf32>
        %mul3A_1760 = arith.mulf %unpack3A_1758, %gather3A_1628 : vector<16xf32>
        %add3A_1761 = arith.addf %add3A_1748, %mul3A_1760 : vector<16xf32>
        %mul3A_1762 = arith.mulf %unpack3A_1759, %gather3A_1628 : vector<16xf32>
        %add3A_1763 = arith.addf %add3A_1750, %mul3A_1762 : vector<16xf32>
        %mul3A_1764 = arith.constant 10 : i32
        %mul3A_1765 = arith.muli %scan3A_1590, %mul3A_1764 : i32
        %add3A_1766 = arith.constant 9 : i32
        %add3A_1767 = arith.addi %mul3A_1765, %add3A_1766 : i32
        %get3A_1768 = arith.index_cast %add3A_1767 : i32 to index
        %get3A_1769 = arith.constant 0 : index
        %get3A_1770 = tpu.vector_load %arg22[%get3A_1768, %get3A_1769] {strides = array<i32>} : memref<160x160xbf16, #tpu.memory_space<vmem>>, vector<32xbf16>,
        %unpack3A_1771 = tpu.unpack_subelements %get3A_1770, 0 {pack_format = #tpu.pack_format<interleaved>} : vector<32xbf16> -> vector<16xf32>
        %unpack3A_1772 = tpu.unpack_subelements %get3A_1770, 1 {pack_format = #tpu.pack_format<interleaved>} : vector<32xbf16> -> vector<16xf32>
        %mul3A_1773 = arith.mulf %unpack3A_1771, %gather3A_1632 : vector<16xf32>
        %add3A_1774 = arith.addf %add3A_1761, %mul3A_1773 : vector<16xf32>
        %mul3A_1775 = arith.mulf %unpack3A_1772, %gather3A_1632 : vector<16xf32>
        %add3A_1776 = arith.addf %add3A_1763, %mul3A_1775 : vector<16xf32>
        %swap3A_1777 = arith.index_cast %scan3A_1590 : i32 to index
        %swap3A_1778 = arith.constant 0 : index
        %swap3A_1779 = tpu.vector_load %arg25[%swap3A_1777, %swap3A_1778] {strides = array<i32>} : memref<16x160xf32, #tpu.memory_space<vmem>>, vector<16xf32>,
        tpu.vector_store %arg25[%swap3A_1777, %swap3A_1778], %add3A_1774 {strides = array<i32>} : memref<16x160xf32, #tpu.memory_space<vmem>>, vector<16xf32>,
        %swap3A_1780 = arith.index_cast %scan3A_1590 : i32 to index
        %swap3A_1781 = arith.constant 16 : index
        %swap3A_1782 = tpu.vector_load %arg25[%swap3A_1780, %swap3A_1781] {strides = array<i32>} : memref<16x160xf32, #tpu.memory_space<vmem>>, vector<16xf32>,
        tpu.vector_store %arg25[%swap3A_1780, %swap3A_1781], %add3A_1776 {strides = array<i32>} : memref<16x160xf32, #tpu.memory_space<vmem>>, vector<16xf32>,
        %get3A_1783 = arith.index_cast %scan3A_1590 : i32 to index
        %get3A_1784 = arith.constant 32 : index
        %get3A_1785 = tpu.vector_load %arg23[%get3A_1783, %get3A_1784] {strides = array<i32>} : memref<16x176xf32, #tpu.memory_space<vmem>>, vector<16xf32>,
        %get3A_1786 = arith.index_cast %scan3A_1590 : i32 to index
        %get3A_1787 = arith.constant 32 : index
        %get3A_1788 = tpu.vector_load %arg24[%get3A_1786, %get3A_1787] {strides = array<i32>} : memref<16x160xf32, #tpu.memory_space<vmem>>, vector<16xf32>,
        %add3A_1789 = arith.addf %get3A_1785, %get3A_1788 : vector<16xf32>
        %get3A_1790 = arith.index_cast %scan3A_1590 : i32 to index
        %get3A_1791 = arith.constant 48 : index
        %get3A_1792 = tpu.vector_load %arg23[%get3A_1790, %get3A_1791] {strides = array<i32>} : memref<16x176xf32, #tpu.memory_space<vmem>>, vector<16xf32>,
        %get3A_1793 = arith.index_cast %scan3A_1590 : i32 to index
        %get3A_1794 = arith.constant 48 : index
        %get3A_1795 = tpu.vector_load %arg24[%get3A_1793, %get3A_1794] {strides = array<i32>} : memref<16x160xf32, #tpu.memory_space<vmem>>, vector<16xf32>,
        %add3A_1796 = arith.addf %get3A_1792, %get3A_1795 : vector<16xf32>
        %mul3A_1797 = arith.constant 10 : i32
        %mul3A_1798 = arith.muli %scan3A_1590, %mul3A_1797 : i32
        %add3A_1799 = arith.constant 0 : i32
        %add3A_1800 = arith.addi %mul3A_1798, %add3A_1799 : i32
        %get3A_1801 = arith.index_cast %add3A_1800 : i32 to index
        %get3A_1802 = arith.constant 32 : index
        %get3A_1803 = tpu.vector_load %arg22[%get3A_1801, %get3A_1802] {strides = array<i32>} : memref<160x160xbf16, #tpu.memory_space<vmem>>, vector<32xbf16>,
        %unpack3A_1804 = tpu.unpack_subelements %get3A_1803, 0 {pack_format = #tpu.pack_format<interleaved>} : vector<32xbf16> -> vector<16xf32>
        %unpack3A_1805 = tpu.unpack_subelements %get3A_1803, 1 {pack_format = #tpu.pack_format<interleaved>} : vector<32xbf16> -> vector<16xf32>
        %mul3A_1806 = arith.mulf %unpack3A_1804, %gather3A_1596 : vector<16xf32>
        %add3A_1807 = arith.addf %add3A_1789, %mul3A_1806 : vector<16xf32>
        %mul3A_1808 = arith.mulf %unpack3A_1805, %gather3A_1596 : vector<16xf32>
        %add3A_1809 = arith.addf %add3A_1796, %mul3A_1808 : vector<16xf32>
        %mul3A_1810 = arith.constant 10 : i32
        %mul3A_1811 = arith.muli %scan3A_1590, %mul3A_1810 : i32
        %add3A_1812 = arith.constant 1 : i32
        %add3A_1813 = arith.addi %mul3A_1811, %add3A_1812 : i32
        %get3A_1814 = arith.index_cast %add3A_1813 : i32 to index
        %get3A_1815 = arith.constant 32 : index
        %get3A_1816 = tpu.vector_load %arg22[%get3A_1814, %get3A_1815] {strides = array<i32>} : memref<160x160xbf16, #tpu.memory_space<vmem>>, vector<32xbf16>,
        %unpack3A_1817 = tpu.unpack_subelements %get3A_1816, 0 {pack_format = #tpu.pack_format<interleaved>} : vector<32xbf16> -> vector<16xf32>
        %unpack3A_1818 = tpu.unpack_subelements %get3A_1816, 1 {pack_format = #tpu.pack_format<interleaved>} : vector<32xbf16> -> vector<16xf32>
        %mul3A_1819 = arith.mulf %unpack3A_1817, %gather3A_1600 : vector<16xf32>
        %add3A_1820 = arith.addf %add3A_1807, %mul3A_1819 : vector<16xf32>
        %mul3A_1821 = arith.mulf %unpack3A_1818, %gather3A_1600 : vector<16xf32>
        %add3A_1822 = arith.addf %add3A_1809, %mul3A_1821 : vector<16xf32>
        %mul3A_1823 = arith.constant 10 : i32
        %mul3A_1824 = arith.muli %scan3A_1590, %mul3A_1823 : i32
        %add3A_1825 = arith.constant 2 : i32
        %add3A_1826 = arith.addi %mul3A_1824, %add3A_1825 : i32
        %get3A_1827 = arith.index_cast %add3A_1826 : i32 to index
        %get3A_1828 = arith.constant 32 : index
        %get3A_1829 = tpu.vector_load %arg22[%get3A_1827, %get3A_1828] {strides = array<i32>} : memref<160x160xbf16, #tpu.memory_space<vmem>>, vector<32xbf16>,
        %unpack3A_1830 = tpu.unpack_subelements %get3A_1829, 0 {pack_format = #tpu.pack_format<interleaved>} : vector<32xbf16> -> vector<16xf32>
        %unpack3A_1831 = tpu.unpack_subelements %get3A_1829, 1 {pack_format = #tpu.pack_format<interleaved>} : vector<32xbf16> -> vector<16xf32>
        %mul3A_1832 = arith.mulf %unpack3A_1830, %gather3A_1604 : vector<16xf32>
        %add3A_1833 = arith.addf %add3A_1820, %mul3A_1832 : vector<16xf32>
        %mul3A_1834 = arith.mulf %unpack3A_1831, %gather3A_1604 : vector<16xf32>
        %add3A_1835 = arith.addf %add3A_1822, %mul3A_1834 : vector<16xf32>
        %mul3A_1836 = arith.constant 10 : i32
        %mul3A_1837 = arith.muli %scan3A_1590, %mul3A_1836 : i32
        %add3A_1838 = arith.constant 3 : i32
        %add3A_1839 = arith.addi %mul3A_1837, %add3A_1838 : i32
        %get3A_1840 = arith.index_cast %add3A_1839 : i32 to index
        %get3A_1841 = arith.constant 32 : index
        %get3A_1842 = tpu.vector_load %arg22[%get3A_1840, %get3A_1841] {strides = array<i32>} : memref<160x160xbf16, #tpu.memory_space<vmem>>, vector<32xbf16>,
        %unpack3A_1843 = tpu.unpack_subelements %get3A_1842, 0 {pack_format = #tpu.pack_format<interleaved>} : vector<32xbf16> -> vector<16xf32>
        %unpack3A_1844 = tpu.unpack_subelements %get3A_1842, 1 {pack_format = #tpu.pack_format<interleaved>} : vector<32xbf16> -> vector<16xf32>
        %mul3A_1845 = arith.mulf %unpack3A_1843, %gather3A_1608 : vector<16xf32>
        %add3A_1846 = arith.addf %add3A_1833, %mul3A_1845 : vector<16xf32>
        %mul3A_1847 = arith.mulf %unpack3A_1844, %gather3A_1608 : vector<16xf32>
        %add3A_1848 = arith.addf %add3A_1835, %mul3A_1847 : vector<16xf32>
        %mul3A_1849 = arith.constant 10 : i32
        %mul3A_1850 = arith.muli %scan3A_1590, %mul3A_1849 : i32
        %add3A_1851 = arith.constant 4 : i32
        %add3A_1852 = arith.addi %mul3A_1850, %add3A_1851 : i32
        %get3A_1853 = arith.index_cast %add3A_1852 : i32 to index
        %get3A_1854 = arith.constant 32 : index
        %get3A_1855 = tpu.vector_load %arg22[%get3A_1853, %get3A_1854] {strides = array<i32>} : memref<160x160xbf16, #tpu.memory_space<vmem>>, vector<32xbf16>,
        %unpack3A_1856 = tpu.unpack_subelements %get3A_1855, 0 {pack_format = #tpu.pack_format<interleaved>} : vector<32xbf16> -> vector<16xf32>
        %unpack3A_1857 = tpu.unpack_subelements %get3A_1855, 1 {pack_format = #tpu.pack_format<interleaved>} : vector<32xbf16> -> vector<16xf32>
        %mul3A_1858 = arith.mulf %unpack3A_1856, %gather3A_1612 : vector<16xf32>
        %add3A_1859 = arith.addf %add3A_1846, %mul3A_1858 : vector<16xf32>
        %mul3A_1860 = arith.mulf %unpack3A_1857, %gather3A_1612 : vector<16xf32>
        %add3A_1861 = arith.addf %add3A_1848, %mul3A_1860 : vector<16xf32>
        %mul3A_1862 = arith.constant 10 : i32
        %mul3A_1863 = arith.muli %scan3A_1590, %mul3A_1862 : i32
        %add3A_1864 = arith.constant 5 : i32
        %add3A_1865 = arith.addi %mul3A_1863, %add3A_1864 : i32
        %get3A_1866 = arith.index_cast %add3A_1865 : i32 to index
        %get3A_1867 = arith.constant 32 : index
        %get3A_1868 = tpu.vector_load %arg22[%get3A_1866, %get3A_1867] {strides = array<i32>} : memref<160x160xbf16, #tpu.memory_space<vmem>>, vector<32xbf16>,
        %unpack3A_1869 = tpu.unpack_subelements %get3A_1868, 0 {pack_format = #tpu.pack_format<interleaved>} : vector<32xbf16> -> vector<16xf32>
        %unpack3A_1870 = tpu.unpack_subelements %get3A_1868, 1 {pack_format = #tpu.pack_format<interleaved>} : vector<32xbf16> -> vector<16xf32>
        %mul3A_1871 = arith.mulf %unpack3A_1869, %gather3A_1616 : vector<16xf32>
        %add3A_1872 = arith.addf %add3A_1859, %mul3A_1871 : vector<16xf32>
        %mul3A_1873 = arith.mulf %unpack3A_1870, %gather3A_1616 : vector<16xf32>
        %add3A_1874 = arith.addf %add3A_1861, %mul3A_1873 : vector<16xf32>
        %mul3A_1875 = arith.constant 10 : i32
        %mul3A_1876 = arith.muli %scan3A_1590, %mul3A_1875 : i32
        %add3A_1877 = arith.constant 6 : i32
        %add3A_1878 = arith.addi %mul3A_1876, %add3A_1877 : i32
        %get3A_1879 = arith.index_cast %add3A_1878 : i32 to index
        %get3A_1880 = arith.constant 32 : index
        %get3A_1881 = tpu.vector_load %arg22[%get3A_1879, %get3A_1880] {strides = array<i32>} : memref<160x160xbf16, #tpu.memory_space<vmem>>, vector<32xbf16>,
        %unpack3A_1882 = tpu.unpack_subelements %get3A_1881, 0 {pack_format = #tpu.pack_format<interleaved>} : vector<32xbf16> -> vector<16xf32>
        %unpack3A_1883 = tpu.unpack_subelements %get3A_1881, 1 {pack_format = #tpu.pack_format<interleaved>} : vector<32xbf16> -> vector<16xf32>
        %mul3A_1884 = arith.mulf %unpack3A_1882, %gather3A_1620 : vector<16xf32>
        %add3A_1885 = arith.addf %add3A_1872, %mul3A_1884 : vector<16xf32>
        %mul3A_1886 = arith.mulf %unpack3A_1883, %gather3A_1620 : vector<16xf32>
        %add3A_1887 = arith.addf %add3A_1874, %mul3A_1886 : vector<16xf32>
        %mul3A_1888 = arith.constant 10 : i32
        %mul3A_1889 = arith.muli %scan3A_1590, %mul3A_1888 : i32
        %add3A_1890 = arith.constant 7 : i32
        %add3A_1891 = arith.addi %mul3A_1889, %add3A_1890 : i32
        %get3A_1892 = arith.index_cast %add3A_1891 : i32 to index
        %get3A_1893 = arith.constant 32 : index
        %get3A_1894 = tpu.vector_load %arg22[%get3A_1892, %get3A_1893] {strides = array<i32>} : memref<160x160xbf16, #tpu.memory_space<vmem>>, vector<32xbf16>,
        %unpack3A_1895 = tpu.unpack_subelements %get3A_1894, 0 {pack_format = #tpu.pack_format<interleaved>} : vector<32xbf16> -> vector<16xf32>
        %unpack3A_1896 = tpu.unpack_subelements %get3A_1894, 1 {pack_format = #tpu.pack_format<interleaved>} : vector<32xbf16> -> vector<16xf32>
        %mul3A_1897 = arith.mulf %unpack3A_1895, %gather3A_1624 : vector<16xf32>
        %add3A_1898 = arith.addf %add3A_1885, %mul3A_1897 : vector<16xf32>
        %mul3A_1899 = arith.mulf %unpack3A_1896, %gather3A_1624 : vector<16xf32>
        %add3A_1900 = arith.addf %add3A_1887, %mul3A_1899 : vector<16xf32>
        %mul3A_1901 = arith.constant 10 : i32
        %mul3A_1902 = arith.muli %scan3A_1590, %mul3A_1901 : i32
        %add3A_1903 = arith.constant 8 : i32
        %add3A_1904 = arith.addi %mul3A_1902, %add3A_1903 : i32
        %get3A_1905 = arith.index_cast %add3A_1904 : i32 to index
        %get3A_1906 = arith.constant 32 : index
        %get3A_1907 = tpu.vector_load %arg22[%get3A_1905, %get3A_1906] {strides = array<i32>} : memref<160x160xbf16, #tpu.memory_space<vmem>>, vector<32xbf16>,
        %unpack3A_1908 = tpu.unpack_subelements %get3A_1907, 0 {pack_format = #tpu.pack_format<interleaved>} : vector<32xbf16> -> vector<16xf32>
        %unpack3A_1909 = tpu.unpack_subelements %get3A_1907, 1 {pack_format = #tpu.pack_format<interleaved>} : vector<32xbf16> -> vector<16xf32>
        %mul3A_1910 = arith.mulf %unpack3A_1908, %gather3A_1628 : vector<16xf32>
        %add3A_1911 = arith.addf %add3A_1898, %mul3A_1910 : vector<16xf32>
        %mul3A_1912 = arith.mulf %unpack3A_1909, %gather3A_1628 : vector<16xf32>
        %add3A_1913 = arith.addf %add3A_1900, %mul3A_1912 : vector<16xf32>
        %mul3A_1914 = arith.constant 10 : i32
        %mul3A_1915 = arith.muli %scan3A_1590, %mul3A_1914 : i32
        %add3A_1916 = arith.constant 9 : i32
        %add3A_1917 = arith.addi %mul3A_1915, %add3A_1916 : i32
        %get3A_1918 = arith.index_cast %add3A_1917 : i32 to index
        %get3A_1919 = arith.constant 32 : index
        %get3A_1920 = tpu.vector_load %arg22[%get3A_1918, %get3A_1919] {strides = array<i32>} : memref<160x160xbf16, #tpu.memory_space<vmem>>, vector<32xbf16>,
        %unpack3A_1921 = tpu.unpack_subelements %get3A_1920, 0 {pack_format = #tpu.pack_format<interleaved>} : vector<32xbf16> -> vector<16xf32>
        %unpack3A_1922 = tpu.unpack_subelements %get3A_1920, 1 {pack_format = #tpu.pack_format<interleaved>} : vector<32xbf16> -> vector<16xf32>
        %mul3A_1923 = arith.mulf %unpack3A_1921, %gather3A_1632 : vector<16xf32>
        %add3A_1924 = arith.addf %add3A_1911, %mul3A_1923 : vector<16xf32>
        %mul3A_1925 = arith.mulf %unpack3A_1922, %gather3A_1632 : vector<16xf32>
        %add3A_1926 = arith.addf %add3A_1913, %mul3A_1925 : vector<16xf32>
        %swap3A_1927 = arith.index_cast %scan3A_1590 : i32 to index
        %swap3A_1928 = arith.constant 32 : index
        %swap3A_1929 = tpu.vector_load %arg25[%swap3A_1927, %swap3A_1928] {strides = array<i32>} : memref<16x160xf32, #tpu.memory_space<vmem>>, vector<16xf32>,
        tpu.vector_store %arg25[%swap3A_1927, %swap3A_1928], %add3A_1924 {strides = array<i32>} : memref<16x160xf32, #tpu.memory_space<vmem>>, vector<16xf32>,
        %swap3A_1930 = arith.index_cast %scan3A_1590 : i32 to index
        %swap3A_1931 = arith.constant 48 : index
        %swap3A_1932 = tpu.vector_load %arg25[%swap3A_1930, %swap3A_1931] {strides = array<i32>} : memref<16x160xf32, #tpu.memory_space<vmem>>, vector<16xf32>,
        tpu.vector_store %arg25[%swap3A_1930, %swap3A_1931], %add3A_1926 {strides = array<i32>} : memref<16x160xf32, #tpu.memory_space<vmem>>, vector<16xf32>,
        %get3A_1933 = arith.index_cast %scan3A_1590 : i32 to index
        %get3A_1934 = arith.constant 64 : index
        %get3A_1935 = tpu.vector_load %arg23[%get3A_1933, %get3A_1934] {strides = array<i32>} : memref<16x176xf32, #tpu.memory_space<vmem>>, vector<16xf32>,
        %get3A_1936 = arith.index_cast %scan3A_1590 : i32 to index
        %get3A_1937 = arith.constant 64 : index
        %get3A_1938 = tpu.vector_load %arg24[%get3A_1936, %get3A_1937] {strides = array<i32>} : memref<16x160xf32, #tpu.memory_space<vmem>>, vector<16xf32>,
        %add3A_1939 = arith.addf %get3A_1935, %get3A_1938 : vector<16xf32>
        %get3A_1940 = arith.index_cast %scan3A_1590 : i32 to index
        %get3A_1941 = arith.constant 80 : index
        %get3A_1942 = tpu.vector_load %arg23[%get3A_1940, %get3A_1941] {strides = array<i32>} : memref<16x176xf32, #tpu.memory_space<vmem>>, vector<16xf32>,
        %get3A_1943 = arith.index_cast %scan3A_1590 : i32 to index
        %get3A_1944 = arith.constant 80 : index
        %get3A_1945 = tpu.vector_load %arg24[%get3A_1943, %get3A_1944] {strides = array<i32>} : memref<16x160xf32, #tpu.memory_space<vmem>>, vector<16xf32>,
        %add3A_1946 = arith.addf %get3A_1942, %get3A_1945 : vector<16xf32>
        %mul3A_1947 = arith.constant 10 : i32
        %mul3A_1948 = arith.muli %scan3A_1590, %mul3A_1947 : i32
        %add3A_1949 = arith.constant 0 : i32
        %add3A_1950 = arith.addi %mul3A_1948, %add3A_1949 : i32
        %get3A_1951 = arith.index_cast %add3A_1950 : i32 to index
        %get3A_1952 = arith.constant 64 : index
        %get3A_1953 = tpu.vector_load %arg22[%get3A_1951, %get3A_1952] {strides = array<i32>} : memref<160x160xbf16, #tpu.memory_space<vmem>>, vector<32xbf16>,
        %unpack3A_1954 = tpu.unpack_subelements %get3A_1953, 0 {pack_format = #tpu.pack_format<interleaved>} : vector<32xbf16> -> vector<16xf32>
        %unpack3A_1955 = tpu.unpack_subelements %get3A_1953, 1 {pack_format = #tpu.pack_format<interleaved>} : vector<32xbf16> -> vector<16xf32>
        %mul3A_1956 = arith.mulf %unpack3A_1954, %gather3A_1596 : vector<16xf32>
        %add3A_1957 = arith.addf %add3A_1939, %mul3A_1956 : vector<16xf32>
        %mul3A_1958 = arith.mulf %unpack3A_1955, %gather3A_1596 : vector<16xf32>
        %add3A_1959 = arith.addf %add3A_1946, %mul3A_1958 : vector<16xf32>
        %mul3A_1960 = arith.constant 10 : i32
        %mul3A_1961 = arith.muli %scan3A_1590, %mul3A_1960 : i32
        %add3A_1962 = arith.constant 1 : i32
        %add3A_1963 = arith.addi %mul3A_1961, %add3A_1962 : i32
        %get3A_1964 = arith.index_cast %add3A_1963 : i32 to index
        %get3A_1965 = arith.constant 64 : index
        %get3A_1966 = tpu.vector_load %arg22[%get3A_1964, %get3A_1965] {strides = array<i32>} : memref<160x160xbf16, #tpu.memory_space<vmem>>, vector<32xbf16>,
        %unpack3A_1967 = tpu.unpack_subelements %get3A_1966, 0 {pack_format = #tpu.pack_format<interleaved>} : vector<32xbf16> -> vector<16xf32>
        %unpack3A_1968 = tpu.unpack_subelements %get3A_1966, 1 {pack_format = #tpu.pack_format<interleaved>} : vector<32xbf16> -> vector<16xf32>
        %mul3A_1969 = arith.mulf %unpack3A_1967, %gather3A_1600 : vector<16xf32>
        %add3A_1970 = arith.addf %add3A_1957, %mul3A_1969 : vector<16xf32>
        %mul3A_1971 = arith.mulf %unpack3A_1968, %gather3A_1600 : vector<16xf32>
        %add3A_1972 = arith.addf %add3A_1959, %mul3A_1971 : vector<16xf32>
        %mul3A_1973 = arith.constant 10 : i32
        %mul3A_1974 = arith.muli %scan3A_1590, %mul3A_1973 : i32
        %add3A_1975 = arith.constant 2 : i32
        %add3A_1976 = arith.addi %mul3A_1974, %add3A_1975 : i32
        %get3A_1977 = arith.index_cast %add3A_1976 : i32 to index
        %get3A_1978 = arith.constant 64 : index
        %get3A_1979 = tpu.vector_load %arg22[%get3A_1977, %get3A_1978] {strides = array<i32>} : memref<160x160xbf16, #tpu.memory_space<vmem>>, vector<32xbf16>,
        %unpack3A_1980 = tpu.unpack_subelements %get3A_1979, 0 {pack_format = #tpu.pack_format<interleaved>} : vector<32xbf16> -> vector<16xf32>
        %unpack3A_1981 = tpu.unpack_subelements %get3A_1979, 1 {pack_format = #tpu.pack_format<interleaved>} : vector<32xbf16> -> vector<16xf32>
        %mul3A_1982 = arith.mulf %unpack3A_1980, %gather3A_1604 : vector<16xf32>
        %add3A_1983 = arith.addf %add3A_1970, %mul3A_1982 : vector<16xf32>
        %mul3A_1984 = arith.mulf %unpack3A_1981, %gather3A_1604 : vector<16xf32>
        %add3A_1985 = arith.addf %add3A_1972, %mul3A_1984 : vector<16xf32>
        %mul3A_1986 = arith.constant 10 : i32
        %mul3A_1987 = arith.muli %scan3A_1590, %mul3A_1986 : i32
        %add3A_1988 = arith.constant 3 : i32
        %add3A_1989 = arith.addi %mul3A_1987, %add3A_1988 : i32
        %get3A_1990 = arith.index_cast %add3A_1989 : i32 to index
        %get3A_1991 = arith.constant 64 : index
        %get3A_1992 = tpu.vector_load %arg22[%get3A_1990, %get3A_1991] {strides = array<i32>} : memref<160x160xbf16, #tpu.memory_space<vmem>>, vector<32xbf16>,
        %unpack3A_1993 = tpu.unpack_subelements %get3A_1992, 0 {pack_format = #tpu.pack_format<interleaved>} : vector<32xbf16> -> vector<16xf32>
        %unpack3A_1994 = tpu.unpack_subelements %get3A_1992, 1 {pack_format = #tpu.pack_format<interleaved>} : vector<32xbf16> -> vector<16xf32>
        %mul3A_1995 = arith.mulf %unpack3A_1993, %gather3A_1608 : vector<16xf32>
        %add3A_1996 = arith.addf %add3A_1983, %mul3A_1995 : vector<16xf32>
        %mul3A_1997 = arith.mulf %unpack3A_1994, %gather3A_1608 : vector<16xf32>
        %add3A_1998 = arith.addf %add3A_1985, %mul3A_1997 : vector<16xf32>
        %mul3A_1999 = arith.constant 10 : i32
        %mul3A_2000 = arith.muli %scan3A_1590, %mul3A_1999 : i32
        %add3A_2001 = arith.constant 4 : i32
        %add3A_2002 = arith.addi %mul3A_2000, %add3A_2001 : i32
        %get3A_2003 = arith.index_cast %add3A_2002 : i32 to index
        %get3A_2004 = arith.constant 64 : index
        %get3A_2005 = tpu.vector_load %arg22[%get3A_2003, %get3A_2004] {strides = array<i32>} : memref<160x160xbf16, #tpu.memory_space<vmem>>, vector<32xbf16>,
        %unpack3A_2006 = tpu.unpack_subelements %get3A_2005, 0 {pack_format = #tpu.pack_format<interleaved>} : vector<32xbf16> -> vector<16xf32>
        %unpack3A_2007 = tpu.unpack_subelements %get3A_2005, 1 {pack_format = #tpu.pack_format<interleaved>} : vector<32xbf16> -> vector<16xf32>
        %mul3A_2008 = arith.mulf %unpack3A_2006, %gather3A_1612 : vector<16xf32>
        %add3A_2009 = arith.addf %add3A_1996, %mul3A_2008 : vector<16xf32>
        %mul3A_2010 = arith.mulf %unpack3A_2007, %gather3A_1612 : vector<16xf32>
        %add3A_2011 = arith.addf %add3A_1998, %mul3A_2010 : vector<16xf32>
        %mul3A_2012 = arith.constant 10 : i32
        %mul3A_2013 = arith.muli %scan3A_1590, %mul3A_2012 : i32
        %add3A_2014 = arith.constant 5 : i32
        %add3A_2015 = arith.addi %mul3A_2013, %add3A_2014 : i32
        %get3A_2016 = arith.index_cast %add3A_2015 : i32 to index
        %get3A_2017 = arith.constant 64 : index
        %get3A_2018 = tpu.vector_load %arg22[%get3A_2016, %get3A_2017] {strides = array<i32>} : memref<160x160xbf16, #tpu.memory_space<vmem>>, vector<32xbf16>,
        %unpack3A_2019 = tpu.unpack_subelements %get3A_2018, 0 {pack_format = #tpu.pack_format<interleaved>} : vector<32xbf16> -> vector<16xf32>
        %unpack3A_2020 = tpu.unpack_subelements %get3A_2018, 1 {pack_format = #tpu.pack_format<interleaved>} : vector<32xbf16> -> vector<16xf32>
        %mul3A_2021 = arith.mulf %unpack3A_2019, %gather3A_1616 : vector<16xf32>
        %add3A_2022 = arith.addf %add3A_2009, %mul3A_2021 : vector<16xf32>
        %mul3A_2023 = arith.mulf %unpack3A_2020, %gather3A_1616 : vector<16xf32>
        %add3A_2024 = arith.addf %add3A_2011, %mul3A_2023 : vector<16xf32>
        %mul3A_2025 = arith.constant 10 : i32
        %mul3A_2026 = arith.muli %scan3A_1590, %mul3A_2025 : i32
        %add3A_2027 = arith.constant 6 : i32
        %add3A_2028 = arith.addi %mul3A_2026, %add3A_2027 : i32
        %get3A_2029 = arith.index_cast %add3A_2028 : i32 to index
        %get3A_2030 = arith.constant 64 : index
        %get3A_2031 = tpu.vector_load %arg22[%get3A_2029, %get3A_2030] {strides = array<i32>} : memref<160x160xbf16, #tpu.memory_space<vmem>>, vector<32xbf16>,
        %unpack3A_2032 = tpu.unpack_subelements %get3A_2031, 0 {pack_format = #tpu.pack_format<interleaved>} : vector<32xbf16> -> vector<16xf32>
        %unpack3A_2033 = tpu.unpack_subelements %get3A_2031, 1 {pack_format = #tpu.pack_format<interleaved>} : vector<32xbf16> -> vector<16xf32>
        %mul3A_2034 = arith.mulf %unpack3A_2032, %gather3A_1620 : vector<16xf32>
        %add3A_2035 = arith.addf %add3A_2022, %mul3A_2034 : vector<16xf32>
        %mul3A_2036 = arith.mulf %unpack3A_2033, %gather3A_1620 : vector<16xf32>
        %add3A_2037 = arith.addf %add3A_2024, %mul3A_2036 : vector<16xf32>
        %mul3A_2038 = arith.constant 10 : i32
        %mul3A_2039 = arith.muli %scan3A_1590, %mul3A_2038 : i32
        %add3A_2040 = arith.constant 7 : i32
        %add3A_2041 = arith.addi %mul3A_2039, %add3A_2040 : i32
        %get3A_2042 = arith.index_cast %add3A_2041 : i32 to index
        %get3A_2043 = arith.constant 64 : index
        %get3A_2044 = tpu.vector_load %arg22[%get3A_2042, %get3A_2043] {strides = array<i32>} : memref<160x160xbf16, #tpu.memory_space<vmem>>, vector<32xbf16>,
        %unpack3A_2045 = tpu.unpack_subelements %get3A_2044, 0 {pack_format = #tpu.pack_format<interleaved>} : vector<32xbf16> -> vector<16xf32>
        %unpack3A_2046 = tpu.unpack_subelements %get3A_2044, 1 {pack_format = #tpu.pack_format<interleaved>} : vector<32xbf16> -> vector<16xf32>
        %mul3A_2047 = arith.mulf %unpack3A_2045, %gather3A_1624 : vector<16xf32>
        %add3A_2048 = arith.addf %add3A_2035, %mul3A_2047 : vector<16xf32>
        %mul3A_2049 = arith.mulf %unpack3A_2046, %gather3A_1624 : vector<16xf32>
        %add3A_2050 = arith.addf %add3A_2037, %mul3A_2049 : vector<16xf32>
        %mul3A_2051 = arith.constant 10 : i32
        %mul3A_2052 = arith.muli %scan3A_1590, %mul3A_2051 : i32
        %add3A_2053 = arith.constant 8 : i32
        %add3A_2054 = arith.addi %mul3A_2052, %add3A_2053 : i32
        %get3A_2055 = arith.index_cast %add3A_2054 : i32 to index
        %get3A_2056 = arith.constant 64 : index
        %get3A_2057 = tpu.vector_load %arg22[%get3A_2055, %get3A_2056] {strides = array<i32>} : memref<160x160xbf16, #tpu.memory_space<vmem>>, vector<32xbf16>,
        %unpack3A_2058 = tpu.unpack_subelements %get3A_2057, 0 {pack_format = #tpu.pack_format<interleaved>} : vector<32xbf16> -> vector<16xf32>
        %unpack3A_2059 = tpu.unpack_subelements %get3A_2057, 1 {pack_format = #tpu.pack_format<interleaved>} : vector<32xbf16> -> vector<16xf32>
        %mul3A_2060 = arith.mulf %unpack3A_2058, %gather3A_1628 : vector<16xf32>
        %add3A_2061 = arith.addf %add3A_2048, %mul3A_2060 : vector<16xf32>
        %mul3A_2062 = arith.mulf %unpack3A_2059, %gather3A_1628 : vector<16xf32>
        %add3A_2063 = arith.addf %add3A_2050, %mul3A_2062 : vector<16xf32>
        %mul3A_2064 = arith.constant 10 : i32
        %mul3A_2065 = arith.muli %scan3A_1590, %mul3A_2064 : i32
        %add3A_2066 = arith.constant 9 : i32
        %add3A_2067 = arith.addi %mul3A_2065, %add3A_2066 : i32
        %get3A_2068 = arith.index_cast %add3A_2067 : i32 to index
        %get3A_2069 = arith.constant 64 : index
        %get3A_2070 = tpu.vector_load %arg22[%get3A_2068, %get3A_2069] {strides = array<i32>} : memref<160x160xbf16, #tpu.memory_space<vmem>>, vector<32xbf16>,
        %unpack3A_2071 = tpu.unpack_subelements %get3A_2070, 0 {pack_format = #tpu.pack_format<interleaved>} : vector<32xbf16> -> vector<16xf32>
        %unpack3A_2072 = tpu.unpack_subelements %get3A_2070, 1 {pack_format = #tpu.pack_format<interleaved>} : vector<32xbf16> -> vector<16xf32>
        %mul3A_2073 = arith.mulf %unpack3A_2071, %gather3A_1632 : vector<16xf32>
        %add3A_2074 = arith.addf %add3A_2061, %mul3A_2073 : vector<16xf32>
        %mul3A_2075 = arith.mulf %unpack3A_2072, %gather3A_1632 : vector<16xf32>
        %add3A_2076 = arith.addf %add3A_2063, %mul3A_2075 : vector<16xf32>
        %swap3A_2077 = arith.index_cast %scan3A_1590 : i32 to index
        %swap3A_2078 = arith.constant 64 : index
        %swap3A_2079 = tpu.vector_load %arg25[%swap3A_2077, %swap3A_2078] {strides = array<i32>} : memref<16x160xf32, #tpu.memory_space<vmem>>, vector<16xf32>,
        tpu.vector_store %arg25[%swap3A_2077, %swap3A_2078], %add3A_2074 {strides = array<i32>} : memref<16x160xf32, #tpu.memory_space<vmem>>, vector<16xf32>,
        %swap3A_2080 = arith.index_cast %scan3A_1590 : i32 to index
        %swap3A_2081 = arith.constant 80 : index
        %swap3A_2082 = tpu.vector_load %arg25[%swap3A_2080, %swap3A_2081] {strides = array<i32>} : memref<16x160xf32, #tpu.memory_space<vmem>>, vector<16xf32>,
        tpu.vector_store %arg25[%swap3A_2080, %swap3A_2081], %add3A_2076 {strides = array<i32>} : memref<16x160xf32, #tpu.memory_space<vmem>>, vector<16xf32>,
        %get3A_2083 = arith.index_cast %scan3A_1590 : i32 to index
        %get3A_2084 = arith.constant 96 : index
        %get3A_2085 = tpu.vector_load %arg23[%get3A_2083, %get3A_2084] {strides = array<i32>} : memref<16x176xf32, #tpu.memory_space<vmem>>, vector<16xf32>,
        %get3A_2086 = arith.index_cast %scan3A_1590 : i32 to index
        %get3A_2087 = arith.constant 96 : index
        %get3A_2088 = tpu.vector_load %arg24[%get3A_2086, %get3A_2087] {strides = array<i32>} : memref<16x160xf32, #tpu.memory_space<vmem>>, vector<16xf32>,
        %add3A_2089 = arith.addf %get3A_2085, %get3A_2088 : vector<16xf32>
        %get3A_2090 = arith.index_cast %scan3A_1590 : i32 to index
        %get3A_2091 = arith.constant 112 : index
        %get3A_2092 = tpu.vector_load %arg23[%get3A_2090, %get3A_2091] {strides = array<i32>} : memref<16x176xf32, #tpu.memory_space<vmem>>, vector<16xf32>,
        %get3A_2093 = arith.index_cast %scan3A_1590 : i32 to index
        %get3A_2094 = arith.constant 112 : index
        %get3A_2095 = tpu.vector_load %arg24[%get3A_2093, %get3A_2094] {strides = array<i32>} : memref<16x160xf32, #tpu.memory_space<vmem>>, vector<16xf32>,
        %add3A_2096 = arith.addf %get3A_2092, %get3A_2095 : vector<16xf32>
        %mul3A_2097 = arith.constant 10 : i32
        %mul3A_2098 = arith.muli %scan3A_1590, %mul3A_2097 : i32
        %add3A_2099 = arith.constant 0 : i32
        %add3A_2100 = arith.addi %mul3A_2098, %add3A_2099 : i32
        %get3A_2101 = arith.index_cast %add3A_2100 : i32 to index
        %get3A_2102 = arith.constant 96 : index
        %get3A_2103 = tpu.vector_load %arg22[%get3A_2101, %get3A_2102] {strides = array<i32>} : memref<160x160xbf16, #tpu.memory_space<vmem>>, vector<32xbf16>,
        %unpack3A_2104 = tpu.unpack_subelements %get3A_2103, 0 {pack_format = #tpu.pack_format<interleaved>} : vector<32xbf16> -> vector<16xf32>
        %unpack3A_2105 = tpu.unpack_subelements %get3A_2103, 1 {pack_format = #tpu.pack_format<interleaved>} : vector<32xbf16> -> vector<16xf32>
        %mul3A_2106 = arith.mulf %unpack3A_2104, %gather3A_1596 : vector<16xf32>
        %add3A_2107 = arith.addf %add3A_2089, %mul3A_2106 : vector<16xf32>
        %mul3A_2108 = arith.mulf %unpack3A_2105, %gather3A_1596 : vector<16xf32>
        %add3A_2109 = arith.addf %add3A_2096, %mul3A_2108 : vector<16xf32>
        %mul3A_2110 = arith.constant 10 : i32
        %mul3A_2111 = arith.muli %scan3A_1590, %mul3A_2110 : i32
        %add3A_2112 = arith.constant 1 : i32
        %add3A_2113 = arith.addi %mul3A_2111, %add3A_2112 : i32
        %get3A_2114 = arith.index_cast %add3A_2113 : i32 to index
        %get3A_2115 = arith.constant 96 : index
        %get3A_2116 = tpu.vector_load %arg22[%get3A_2114, %get3A_2115] {strides = array<i32>} : memref<160x160xbf16, #tpu.memory_space<vmem>>, vector<32xbf16>,
        %unpack3A_2117 = tpu.unpack_subelements %get3A_2116, 0 {pack_format = #tpu.pack_format<interleaved>} : vector<32xbf16> -> vector<16xf32>
        %unpack3A_2118 = tpu.unpack_subelements %get3A_2116, 1 {pack_format = #tpu.pack_format<interleaved>} : vector<32xbf16> -> vector<16xf32>
        %mul3A_2119 = arith.mulf %unpack3A_2117, %gather3A_1600 : vector<16xf32>
        %add3A_2120 = arith.addf %add3A_2107, %mul3A_2119 : vector<16xf32>
        %mul3A_2121 = arith.mulf %unpack3A_2118, %gather3A_1600 : vector<16xf32>
        %add3A_2122 = arith.addf %add3A_2109, %mul3A_2121 : vector<16xf32>
        %mul3A_2123 = arith.constant 10 : i32
        %mul3A_2124 = arith.muli %scan3A_1590, %mul3A_2123 : i32
        %add3A_2125 = arith.constant 2 : i32
        %add3A_2126 = arith.addi %mul3A_2124, %add3A_2125 : i32
        %get3A_2127 = arith.index_cast %add3A_2126 : i32 to index
        %get3A_2128 = arith.constant 96 : index
        %get3A_2129 = tpu.vector_load %arg22[%get3A_2127, %get3A_2128] {strides = array<i32>} : memref<160x160xbf16, #tpu.memory_space<vmem>>, vector<32xbf16>,
        %unpack3A_2130 = tpu.unpack_subelements %get3A_2129, 0 {pack_format = #tpu.pack_format<interleaved>} : vector<32xbf16> -> vector<16xf32>
        %unpack3A_2131 = tpu.unpack_subelements %get3A_2129, 1 {pack_format = #tpu.pack_format<interleaved>} : vector<32xbf16> -> vector<16xf32>
        %mul3A_2132 = arith.mulf %unpack3A_2130, %gather3A_1604 : vector<16xf32>
        %add3A_2133 = arith.addf %add3A_2120, %mul3A_2132 : vector<16xf32>
        %mul3A_2134 = arith.mulf %unpack3A_2131, %gather3A_1604 : vector<16xf32>
        %add3A_2135 = arith.addf %add3A_2122, %mul3A_2134 : vector<16xf32>
        %mul3A_2136 = arith.constant 10 : i32
        %mul3A_2137 = arith.muli %scan3A_1590, %mul3A_2136 : i32
        %add3A_2138 = arith.constant 3 : i32
        %add3A_2139 = arith.addi %mul3A_2137, %add3A_2138 : i32
        %get3A_2140 = arith.index_cast %add3A_2139 : i32 to index
        %get3A_2141 = arith.constant 96 : index
        %get3A_2142 = tpu.vector_load %arg22[%get3A_2140, %get3A_2141] {strides = array<i32>} : memref<160x160xbf16, #tpu.memory_space<vmem>>, vector<32xbf16>,
        %unpack3A_2143 = tpu.unpack_subelements %get3A_2142, 0 {pack_format = #tpu.pack_format<interleaved>} : vector<32xbf16> -> vector<16xf32>
        %unpack3A_2144 = tpu.unpack_subelements %get3A_2142, 1 {pack_format = #tpu.pack_format<interleaved>} : vector<32xbf16> -> vector<16xf32>
        %mul3A_2145 = arith.mulf %unpack3A_2143, %gather3A_1608 : vector<16xf32>
        %add3A_2146 = arith.addf %add3A_2133, %mul3A_2145 : vector<16xf32>
        %mul3A_2147 = arith.mulf %unpack3A_2144, %gather3A_1608 : vector<16xf32>
        %add3A_2148 = arith.addf %add3A_2135, %mul3A_2147 : vector<16xf32>
        %mul3A_2149 = arith.constant 10 : i32
        %mul3A_2150 = arith.muli %scan3A_1590, %mul3A_2149 : i32
        %add3A_2151 = arith.constant 4 : i32
        %add3A_2152 = arith.addi %mul3A_2150, %add3A_2151 : i32
        %get3A_2153 = arith.index_cast %add3A_2152 : i32 to index
        %get3A_2154 = arith.constant 96 : index
        %get3A_2155 = tpu.vector_load %arg22[%get3A_2153, %get3A_2154] {strides = array<i32>} : memref<160x160xbf16, #tpu.memory_space<vmem>>, vector<32xbf16>,
        %unpack3A_2156 = tpu.unpack_subelements %get3A_2155, 0 {pack_format = #tpu.pack_format<interleaved>} : vector<32xbf16> -> vector<16xf32>
        %unpack3A_2157 = tpu.unpack_subelements %get3A_2155, 1 {pack_format = #tpu.pack_format<interleaved>} : vector<32xbf16> -> vector<16xf32>
        %mul3A_2158 = arith.mulf %unpack3A_2156, %gather3A_1612 : vector<16xf32>
        %add3A_2159 = arith.addf %add3A_2146, %mul3A_2158 : vector<16xf32>
        %mul3A_2160 = arith.mulf %unpack3A_2157, %gather3A_1612 : vector<16xf32>
        %add3A_2161 = arith.addf %add3A_2148, %mul3A_2160 : vector<16xf32>
        %mul3A_2162 = arith.constant 10 : i32
        %mul3A_2163 = arith.muli %scan3A_1590, %mul3A_2162 : i32
        %add3A_2164 = arith.constant 5 : i32
        %add3A_2165 = arith.addi %mul3A_2163, %add3A_2164 : i32
        %get3A_2166 = arith.index_cast %add3A_2165 : i32 to index
        %get3A_2167 = arith.constant 96 : index
        %get3A_2168 = tpu.vector_load %arg22[%get3A_2166, %get3A_2167] {strides = array<i32>} : memref<160x160xbf16, #tpu.memory_space<vmem>>, vector<32xbf16>,
        %unpack3A_2169 = tpu.unpack_subelements %get3A_2168, 0 {pack_format = #tpu.pack_format<interleaved>} : vector<32xbf16> -> vector<16xf32>
        %unpack3A_2170 = tpu.unpack_subelements %get3A_2168, 1 {pack_format = #tpu.pack_format<interleaved>} : vector<32xbf16> -> vector<16xf32>
        %mul3A_2171 = arith.mulf %unpack3A_2169, %gather3A_1616 : vector<16xf32>
        %add3A_2172 = arith.addf %add3A_2159, %mul3A_2171 : vector<16xf32>
        %mul3A_2173 = arith.mulf %unpack3A_2170, %gather3A_1616 : vector<16xf32>
        %add3A_2174 = arith.addf %add3A_2161, %mul3A_2173 : vector<16xf32>
        %mul3A_2175 = arith.constant 10 : i32
        %mul3A_2176 = arith.muli %scan3A_1590, %mul3A_2175 : i32
        %add3A_2177 = arith.constant 6 : i32
        %add3A_2178 = arith.addi %mul3A_2176, %add3A_2177 : i32
        %get3A_2179 = arith.index_cast %add3A_2178 : i32 to index
        %get3A_2180 = arith.constant 96 : index
        %get3A_2181 = tpu.vector_load %arg22[%get3A_2179, %get3A_2180] {strides = array<i32>} : memref<160x160xbf16, #tpu.memory_space<vmem>>, vector<32xbf16>,
        %unpack3A_2182 = tpu.unpack_subelements %get3A_2181, 0 {pack_format = #tpu.pack_format<interleaved>} : vector<32xbf16> -> vector<16xf32>
        %unpack3A_2183 = tpu.unpack_subelements %get3A_2181, 1 {pack_format = #tpu.pack_format<interleaved>} : vector<32xbf16> -> vector<16xf32>
        %mul3A_2184 = arith.mulf %unpack3A_2182, %gather3A_1620 : vector<16xf32>
        %add3A_2185 = arith.addf %add3A_2172, %mul3A_2184 : vector<16xf32>
        %mul3A_2186 = arith.mulf %unpack3A_2183, %gather3A_1620 : vector<16xf32>
        %add3A_2187 = arith.addf %add3A_2174, %mul3A_2186 : vector<16xf32>
        %mul3A_2188 = arith.constant 10 : i32
        %mul3A_2189 = arith.muli %scan3A_1590, %mul3A_2188 : i32
        %add3A_2190 = arith.constant 7 : i32
        %add3A_2191 = arith.addi %mul3A_2189, %add3A_2190 : i32
        %get3A_2192 = arith.index_cast %add3A_2191 : i32 to index
        %get3A_2193 = arith.constant 96 : index
        %get3A_2194 = tpu.vector_load %arg22[%get3A_2192, %get3A_2193] {strides = array<i32>} : memref<160x160xbf16, #tpu.memory_space<vmem>>, vector<32xbf16>,
        %unpack3A_2195 = tpu.unpack_subelements %get3A_2194, 0 {pack_format = #tpu.pack_format<interleaved>} : vector<32xbf16> -> vector<16xf32>
        %unpack3A_2196 = tpu.unpack_subelements %get3A_2194, 1 {pack_format = #tpu.pack_format<interleaved>} : vector<32xbf16> -> vector<16xf32>
        %mul3A_2197 = arith.mulf %unpack3A_2195, %gather3A_1624 : vector<16xf32>
        %add3A_2198 = arith.addf %add3A_2185, %mul3A_2197 : vector<16xf32>
        %mul3A_2199 = arith.mulf %unpack3A_2196, %gather3A_1624 : vector<16xf32>
        %add3A_2200 = arith.addf %add3A_2187, %mul3A_2199 : vector<16xf32>
        %mul3A_2201 = arith.constant 10 : i32
        %mul3A_2202 = arith.muli %scan3A_1590, %mul3A_2201 : i32
        %add3A_2203 = arith.constant 8 : i32
        %add3A_2204 = arith.addi %mul3A_2202, %add3A_2203 : i32
        %get3A_2205 = arith.index_cast %add3A_2204 : i32 to index
        %get3A_2206 = arith.constant 96 : index
        %get3A_2207 = tpu.vector_load %arg22[%get3A_2205, %get3A_2206] {strides = array<i32>} : memref<160x160xbf16, #tpu.memory_space<vmem>>, vector<32xbf16>,
        %unpack3A_2208 = tpu.unpack_subelements %get3A_2207, 0 {pack_format = #tpu.pack_format<interleaved>} : vector<32xbf16> -> vector<16xf32>
        %unpack3A_2209 = tpu.unpack_subelements %get3A_2207, 1 {pack_format = #tpu.pack_format<interleaved>} : vector<32xbf16> -> vector<16xf32>
        %mul3A_2210 = arith.mulf %unpack3A_2208, %gather3A_1628 : vector<16xf32>
        %add3A_2211 = arith.addf %add3A_2198, %mul3A_2210 : vector<16xf32>
        %mul3A_2212 = arith.mulf %unpack3A_2209, %gather3A_1628 : vector<16xf32>
        %add3A_2213 = arith.addf %add3A_2200, %mul3A_2212 : vector<16xf32>
        %mul3A_2214 = arith.constant 10 : i32
        %mul3A_2215 = arith.muli %scan3A_1590, %mul3A_2214 : i32
        %add3A_2216 = arith.constant 9 : i32
        %add3A_2217 = arith.addi %mul3A_2215, %add3A_2216 : i32
        %get3A_2218 = arith.index_cast %add3A_2217 : i32 to index
        %get3A_2219 = arith.constant 96 : index
        %get3A_2220 = tpu.vector_load %arg22[%get3A_2218, %get3A_2219] {strides = array<i32>} : memref<160x160xbf16, #tpu.memory_space<vmem>>, vector<32xbf16>,
        %unpack3A_2221 = tpu.unpack_subelements %get3A_2220, 0 {pack_format = #tpu.pack_format<interleaved>} : vector<32xbf16> -> vector<16xf32>
        %unpack3A_2222 = tpu.unpack_subelements %get3A_2220, 1 {pack_format = #tpu.pack_format<interleaved>} : vector<32xbf16> -> vector<16xf32>
        %mul3A_2223 = arith.mulf %unpack3A_2221, %gather3A_1632 : vector<16xf32>
        %add3A_2224 = arith.addf %add3A_2211, %mul3A_2223 : vector<16xf32>
        %mul3A_2225 = arith.mulf %unpack3A_2222, %gather3A_1632 : vector<16xf32>
        %add3A_2226 = arith.addf %add3A_2213, %mul3A_2225 : vector<16xf32>
        %swap3A_2227 = arith.index_cast %scan3A_1590 : i32 to index
        %swap3A_2228 = arith.constant 96 : index
        %swap3A_2229 = tpu.vector_load %arg25[%swap3A_2227, %swap3A_2228] {strides = array<i32>} : memref<16x160xf32, #tpu.memory_space<vmem>>, vector<16xf32>,
        tpu.vector_store %arg25[%swap3A_2227, %swap3A_2228], %add3A_2224 {strides = array<i32>} : memref<16x160xf32, #tpu.memory_space<vmem>>, vector<16xf32>,
        %swap3A_2230 = arith.index_cast %scan3A_1590 : i32 to index
        %swap3A_2231 = arith.constant 112 : index
        %swap3A_2232 = tpu.vector_load %arg25[%swap3A_2230, %swap3A_2231] {strides = array<i32>} : memref<16x160xf32, #tpu.memory_space<vmem>>, vector<16xf32>,
        tpu.vector_store %arg25[%swap3A_2230, %swap3A_2231], %add3A_2226 {strides = array<i32>} : memref<16x160xf32, #tpu.memory_space<vmem>>, vector<16xf32>,
        %get3A_2233 = arith.index_cast %scan3A_1590 : i32 to index
        %get3A_2234 = arith.constant 128 : index
        %get3A_2235 = tpu.vector_load %arg23[%get3A_2233, %get3A_2234] {strides = array<i32>} : memref<16x176xf32, #tpu.memory_space<vmem>>, vector<16xf32>,
        %get3A_2236 = arith.index_cast %scan3A_1590 : i32 to index
        %get3A_2237 = arith.constant 128 : index
        %get3A_2238 = tpu.vector_load %arg24[%get3A_2236, %get3A_2237] {strides = array<i32>} : memref<16x160xf32, #tpu.memory_space<vmem>>, vector<16xf32>,
        %add3A_2239 = arith.addf %get3A_2235, %get3A_2238 : vector<16xf32>
        %get3A_2240 = arith.index_cast %scan3A_1590 : i32 to index
        %get3A_2241 = arith.constant 144 : index
        %get3A_2242 = tpu.vector_load %arg23[%get3A_2240, %get3A_2241] {strides = array<i32>} : memref<16x176xf32, #tpu.memory_space<vmem>>, vector<16xf32>,
        %get3A_2243 = arith.index_cast %scan3A_1590 : i32 to index
        %get3A_2244 = arith.constant 144 : index
        %get3A_2245 = tpu.vector_load %arg24[%get3A_2243, %get3A_2244] {strides = array<i32>} : memref<16x160xf32, #tpu.memory_space<vmem>>, vector<16xf32>,
        %add3A_2246 = arith.addf %get3A_2242, %get3A_2245 : vector<16xf32>
        %mul3A_2247 = arith.constant 10 : i32
        %mul3A_2248 = arith.muli %scan3A_1590, %mul3A_2247 : i32
        %add3A_2249 = arith.constant 0 : i32
        %add3A_2250 = arith.addi %mul3A_2248, %add3A_2249 : i32
        %get3A_2251 = arith.index_cast %add3A_2250 : i32 to index
        %get3A_2252 = arith.constant 128 : index
        %get3A_2253 = tpu.vector_load %arg22[%get3A_2251, %get3A_2252] {strides = array<i32>} : memref<160x160xbf16, #tpu.memory_space<vmem>>, vector<32xbf16>,
        %unpack3A_2254 = tpu.unpack_subelements %get3A_2253, 0 {pack_format = #tpu.pack_format<interleaved>} : vector<32xbf16> -> vector<16xf32>
        %unpack3A_2255 = tpu.unpack_subelements %get3A_2253, 1 {pack_format = #tpu.pack_format<interleaved>} : vector<32xbf16> -> vector<16xf32>
        %mul3A_2256 = arith.mulf %unpack3A_2254, %gather3A_1596 : vector<16xf32>
        %add3A_2257 = arith.addf %add3A_2239, %mul3A_2256 : vector<16xf32>
        %mul3A_2258 = arith.mulf %unpack3A_2255, %gather3A_1596 : vector<16xf32>
        %add3A_2259 = arith.addf %add3A_2246, %mul3A_2258 : vector<16xf32>
        %mul3A_2260 = arith.constant 10 : i32
        %mul3A_2261 = arith.muli %scan3A_1590, %mul3A_2260 : i32
        %add3A_2262 = arith.constant 1 : i32
        %add3A_2263 = arith.addi %mul3A_2261, %add3A_2262 : i32
        %get3A_2264 = arith.index_cast %add3A_2263 : i32 to index
        %get3A_2265 = arith.constant 128 : index
        %get3A_2266 = tpu.vector_load %arg22[%get3A_2264, %get3A_2265] {strides = array<i32>} : memref<160x160xbf16, #tpu.memory_space<vmem>>, vector<32xbf16>,
        %unpack3A_2267 = tpu.unpack_subelements %get3A_2266, 0 {pack_format = #tpu.pack_format<interleaved>} : vector<32xbf16> -> vector<16xf32>
        %unpack3A_2268 = tpu.unpack_subelements %get3A_2266, 1 {pack_format = #tpu.pack_format<interleaved>} : vector<32xbf16> -> vector<16xf32>
        %mul3A_2269 = arith.mulf %unpack3A_2267, %gather3A_1600 : vector<16xf32>
        %add3A_2270 = arith.addf %add3A_2257, %mul3A_2269 : vector<16xf32>
        %mul3A_2271 = arith.mulf %unpack3A_2268, %gather3A_1600 : vector<16xf32>
        %add3A_2272 = arith.addf %add3A_2259, %mul3A_2271 : vector<16xf32>
        %mul3A_2273 = arith.constant 10 : i32
        %mul3A_2274 = arith.muli %scan3A_1590, %mul3A_2273 : i32
        %add3A_2275 = arith.constant 2 : i32
        %add3A_2276 = arith.addi %mul3A_2274, %add3A_2275 : i32
        %get3A_2277 = arith.index_cast %add3A_2276 : i32 to index
        %get3A_2278 = arith.constant 128 : index
        %get3A_2279 = tpu.vector_load %arg22[%get3A_2277, %get3A_2278] {strides = array<i32>} : memref<160x160xbf16, #tpu.memory_space<vmem>>, vector<32xbf16>,
        %unpack3A_2280 = tpu.unpack_subelements %get3A_2279, 0 {pack_format = #tpu.pack_format<interleaved>} : vector<32xbf16> -> vector<16xf32>
        %unpack3A_2281 = tpu.unpack_subelements %get3A_2279, 1 {pack_format = #tpu.pack_format<interleaved>} : vector<32xbf16> -> vector<16xf32>
        %mul3A_2282 = arith.mulf %unpack3A_2280, %gather3A_1604 : vector<16xf32>
        %add3A_2283 = arith.addf %add3A_2270, %mul3A_2282 : vector<16xf32>
        %mul3A_2284 = arith.mulf %unpack3A_2281, %gather3A_1604 : vector<16xf32>
        %add3A_2285 = arith.addf %add3A_2272, %mul3A_2284 : vector<16xf32>
        %mul3A_2286 = arith.constant 10 : i32
        %mul3A_2287 = arith.muli %scan3A_1590, %mul3A_2286 : i32
        %add3A_2288 = arith.constant 3 : i32
        %add3A_2289 = arith.addi %mul3A_2287, %add3A_2288 : i32
        %get3A_2290 = arith.index_cast %add3A_2289 : i32 to index
        %get3A_2291 = arith.constant 128 : index
        %get3A_2292 = tpu.vector_load %arg22[%get3A_2290, %get3A_2291] {strides = array<i32>} : memref<160x160xbf16, #tpu.memory_space<vmem>>, vector<32xbf16>,
        %unpack3A_2293 = tpu.unpack_subelements %get3A_2292, 0 {pack_format = #tpu.pack_format<interleaved>} : vector<32xbf16> -> vector<16xf32>
        %unpack3A_2294 = tpu.unpack_subelements %get3A_2292, 1 {pack_format = #tpu.pack_format<interleaved>} : vector<32xbf16> -> vector<16xf32>
        %mul3A_2295 = arith.mulf %unpack3A_2293, %gather3A_1608 : vector<16xf32>
        %add3A_2296 = arith.addf %add3A_2283, %mul3A_2295 : vector<16xf32>
        %mul3A_2297 = arith.mulf %unpack3A_2294, %gather3A_1608 : vector<16xf32>
        %add3A_2298 = arith.addf %add3A_2285, %mul3A_2297 : vector<16xf32>
        %mul3A_2299 = arith.constant 10 : i32
        %mul3A_2300 = arith.muli %scan3A_1590, %mul3A_2299 : i32
        %add3A_2301 = arith.constant 4 : i32
        %add3A_2302 = arith.addi %mul3A_2300, %add3A_2301 : i32
        %get3A_2303 = arith.index_cast %add3A_2302 : i32 to index
        %get3A_2304 = arith.constant 128 : index
        %get3A_2305 = tpu.vector_load %arg22[%get3A_2303, %get3A_2304] {strides = array<i32>} : memref<160x160xbf16, #tpu.memory_space<vmem>>, vector<32xbf16>,
        %unpack3A_2306 = tpu.unpack_subelements %get3A_2305, 0 {pack_format = #tpu.pack_format<interleaved>} : vector<32xbf16> -> vector<16xf32>
        %unpack3A_2307 = tpu.unpack_subelements %get3A_2305, 1 {pack_format = #tpu.pack_format<interleaved>} : vector<32xbf16> -> vector<16xf32>
        %mul3A_2308 = arith.mulf %unpack3A_2306, %gather3A_1612 : vector<16xf32>
        %add3A_2309 = arith.addf %add3A_2296, %mul3A_2308 : vector<16xf32>
        %mul3A_2310 = arith.mulf %unpack3A_2307, %gather3A_1612 : vector<16xf32>
        %add3A_2311 = arith.addf %add3A_2298, %mul3A_2310 : vector<16xf32>
        %mul3A_2312 = arith.constant 10 : i32
        %mul3A_2313 = arith.muli %scan3A_1590, %mul3A_2312 : i32
        %add3A_2314 = arith.constant 5 : i32
        %add3A_2315 = arith.addi %mul3A_2313, %add3A_2314 : i32
        %get3A_2316 = arith.index_cast %add3A_2315 : i32 to index
        %get3A_2317 = arith.constant 128 : index
        %get3A_2318 = tpu.vector_load %arg22[%get3A_2316, %get3A_2317] {strides = array<i32>} : memref<160x160xbf16, #tpu.memory_space<vmem>>, vector<32xbf16>,
        %unpack3A_2319 = tpu.unpack_subelements %get3A_2318, 0 {pack_format = #tpu.pack_format<interleaved>} : vector<32xbf16> -> vector<16xf32>
        %unpack3A_2320 = tpu.unpack_subelements %get3A_2318, 1 {pack_format = #tpu.pack_format<interleaved>} : vector<32xbf16> -> vector<16xf32>
        %mul3A_2321 = arith.mulf %unpack3A_2319, %gather3A_1616 : vector<16xf32>
        %add3A_2322 = arith.addf %add3A_2309, %mul3A_2321 : vector<16xf32>
        %mul3A_2323 = arith.mulf %unpack3A_2320, %gather3A_1616 : vector<16xf32>
        %add3A_2324 = arith.addf %add3A_2311, %mul3A_2323 : vector<16xf32>
        %mul3A_2325 = arith.constant 10 : i32
        %mul3A_2326 = arith.muli %scan3A_1590, %mul3A_2325 : i32
        %add3A_2327 = arith.constant 6 : i32
        %add3A_2328 = arith.addi %mul3A_2326, %add3A_2327 : i32
        %get3A_2329 = arith.index_cast %add3A_2328 : i32 to index
        %get3A_2330 = arith.constant 128 : index
        %get3A_2331 = tpu.vector_load %arg22[%get3A_2329, %get3A_2330] {strides = array<i32>} : memref<160x160xbf16, #tpu.memory_space<vmem>>, vector<32xbf16>,
        %unpack3A_2332 = tpu.unpack_subelements %get3A_2331, 0 {pack_format = #tpu.pack_format<interleaved>} : vector<32xbf16> -> vector<16xf32>
        %unpack3A_2333 = tpu.unpack_subelements %get3A_2331, 1 {pack_format = #tpu.pack_format<interleaved>} : vector<32xbf16> -> vector<16xf32>
        %mul3A_2334 = arith.mulf %unpack3A_2332, %gather3A_1620 : vector<16xf32>
        %add3A_2335 = arith.addf %add3A_2322, %mul3A_2334 : vector<16xf32>
        %mul3A_2336 = arith.mulf %unpack3A_2333, %gather3A_1620 : vector<16xf32>
        %add3A_2337 = arith.addf %add3A_2324, %mul3A_2336 : vector<16xf32>
        %mul3A_2338 = arith.constant 10 : i32
        %mul3A_2339 = arith.muli %scan3A_1590, %mul3A_2338 : i32
        %add3A_2340 = arith.constant 7 : i32
        %add3A_2341 = arith.addi %mul3A_2339, %add3A_2340 : i32
        %get3A_2342 = arith.index_cast %add3A_2341 : i32 to index
        %get3A_2343 = arith.constant 128 : index
        %get3A_2344 = tpu.vector_load %arg22[%get3A_2342, %get3A_2343] {strides = array<i32>} : memref<160x160xbf16, #tpu.memory_space<vmem>>, vector<32xbf16>,
        %unpack3A_2345 = tpu.unpack_subelements %get3A_2344, 0 {pack_format = #tpu.pack_format<interleaved>} : vector<32xbf16> -> vector<16xf32>
        %unpack3A_2346 = tpu.unpack_subelements %get3A_2344, 1 {pack_format = #tpu.pack_format<interleaved>} : vector<32xbf16> -> vector<16xf32>
        %mul3A_2347 = arith.mulf %unpack3A_2345, %gather3A_1624 : vector<16xf32>
        %add3A_2348 = arith.addf %add3A_2335, %mul3A_2347 : vector<16xf32>
        %mul3A_2349 = arith.mulf %unpack3A_2346, %gather3A_1624 : vector<16xf32>
        %add3A_2350 = arith.addf %add3A_2337, %mul3A_2349 : vector<16xf32>
        %mul3A_2351 = arith.constant 10 : i32
        %mul3A_2352 = arith.muli %scan3A_1590, %mul3A_2351 : i32
        %add3A_2353 = arith.constant 8 : i32
        %add3A_2354 = arith.addi %mul3A_2352, %add3A_2353 : i32
        %get3A_2355 = arith.index_cast %add3A_2354 : i32 to index
        %get3A_2356 = arith.constant 128 : index
        %get3A_2357 = tpu.vector_load %arg22[%get3A_2355, %get3A_2356] {strides = array<i32>} : memref<160x160xbf16, #tpu.memory_space<vmem>>, vector<32xbf16>,
        %unpack3A_2358 = tpu.unpack_subelements %get3A_2357, 0 {pack_format = #tpu.pack_format<interleaved>} : vector<32xbf16> -> vector<16xf32>
        %unpack3A_2359 = tpu.unpack_subelements %get3A_2357, 1 {pack_format = #tpu.pack_format<interleaved>} : vector<32xbf16> -> vector<16xf32>
        %mul3A_2360 = arith.mulf %unpack3A_2358, %gather3A_1628 : vector<16xf32>
        %add3A_2361 = arith.addf %add3A_2348, %mul3A_2360 : vector<16xf32>
        %mul3A_2362 = arith.mulf %unpack3A_2359, %gather3A_1628 : vector<16xf32>
        %add3A_2363 = arith.addf %add3A_2350, %mul3A_2362 : vector<16xf32>
        %mul3A_2364 = arith.constant 10 : i32
        %mul3A_2365 = arith.muli %scan3A_1590, %mul3A_2364 : i32
        %add3A_2366 = arith.constant 9 : i32
        %add3A_2367 = arith.addi %mul3A_2365, %add3A_2366 : i32
        %get3A_2368 = arith.index_cast %add3A_2367 : i32 to index
        %get3A_2369 = arith.constant 128 : index
        %get3A_2370 = tpu.vector_load %arg22[%get3A_2368, %get3A_2369] {strides = array<i32>} : memref<160x160xbf16, #tpu.memory_space<vmem>>, vector<32xbf16>,
        %unpack3A_2371 = tpu.unpack_subelements %get3A_2370, 0 {pack_format = #tpu.pack_format<interleaved>} : vector<32xbf16> -> vector<16xf32>
        %unpack3A_2372 = tpu.unpack_subelements %get3A_2370, 1 {pack_format = #tpu.pack_format<interleaved>} : vector<32xbf16> -> vector<16xf32>
        %mul3A_2373 = arith.mulf %unpack3A_2371, %gather3A_1632 : vector<16xf32>
        %add3A_2374 = arith.addf %add3A_2361, %mul3A_2373 : vector<16xf32>
        %mul3A_2375 = arith.mulf %unpack3A_2372, %gather3A_1632 : vector<16xf32>
        %add3A_2376 = arith.addf %add3A_2363, %mul3A_2375 : vector<16xf32>
        %swap3A_2377 = arith.index_cast %scan3A_1590 : i32 to index
        %swap3A_2378 = arith.constant 128 : index
        %swap3A_2379 = tpu.vector_load %arg25[%swap3A_2377, %swap3A_2378] {strides = array<i32>} : memref<16x160xf32, #tpu.memory_space<vmem>>, vector<16xf32>,
        tpu.vector_store %arg25[%swap3A_2377, %swap3A_2378], %add3A_2374 {strides = array<i32>} : memref<16x160xf32, #tpu.memory_space<vmem>>, vector<16xf32>,
        %swap3A_2380 = arith.index_cast %scan3A_1590 : i32 to index
        %swap3A_2381 = arith.constant 144 : index
        %swap3A_2382 = tpu.vector_load %arg25[%swap3A_2380, %swap3A_2381] {strides = array<i32>} : memref<16x160xf32, #tpu.memory_space<vmem>>, vector<16xf32>,
        tpu.vector_store %arg25[%swap3A_2380, %swap3A_2381], %add3A_2376 {strides = array<i32>} : memref<16x160xf32, #tpu.memory_space<vmem>>, vector<16xf32>,
      }
      %scan3A_789 = arith.constant 16 : i32
      %mul3A_790 = arith.constant 16 : i32
      %mul3A_791 = arith.muli %add3A_224, %mul3A_790 : i32
      %add3A_792 = arith.addi %mul3A_2, %mul3A_791 : i32
      %dma_start3A_793 = arith.constant 0 : i32
      %dma_start3A_794 = tpu.memref_slice %arg7[%add3A_792, %dma_start3A_793] : memref<16384x160xf32, #tpu.memory_space<hbm>> -> memref<16x160xf32, #tpu.memory_space<hbm>>
      %dma_start3A_795 = arith.constant 0 : i32
      %dma_start3A_796 = tpu.memref_slice %arg7[%add3A_792, %dma_start3A_795] : memref<16384x160xf32, #tpu.memory_space<hbm>> -> memref<16x160xf32, #tpu.memory_space<hbm>>
      tpu.enqueue_dma source(%arg25 : memref<16x160xf32, #tpu.memory_space<vmem>>) target(%dma_start3A_796 : memref<16x160xf32, #tpu.memory_space<hbm>>) target_semaphore(%arg30 : memref<!tpu.dma_semaphore, #tpu.memory_space<semaphore_mem>>)
    }
    %scan3A_212 = arith.constant 16 : i32
    %dma_wait3A = arith.constant 0 : i32
    %dma_wait3A_213 = tpu.memref_slice %arg7[%mul3A_2, %dma_wait3A] : memref<16384x160xf32, #tpu.memory_space<hbm>> -> memref<16x160xf32, #tpu.memory_space<hbm>>
    %dma_wait3A_214 = arith.constant 0 : i32
    %dma_wait3A_215 = tpu.memref_slice %arg7[%mul3A_2, %dma_wait3A_214] : memref<16384x160xf32, #tpu.memory_space<hbm>> -> memref<16x160xf32, #tpu.memory_space<hbm>>
    tpu.wait_dma2 semaphore(%arg29 : memref<!tpu.dma_semaphore, #tpu.memory_space<semaphore_mem>>) src(%arg17 : memref<16x160xf32, #tpu.memory_space<vmem>>) dst(%dma_wait3A_215 : memref<16x160xf32, #tpu.memory_space<hbm>>)
    %dma_wait3A_216 = arith.constant 0 : i32
    %dma_wait3A_217 = tpu.memref_slice %arg7[%mul3A_2, %dma_wait3A_216] : memref<16384x160xf32, #tpu.memory_space<hbm>> -> memref<16x160xf32, #tpu.memory_space<hbm>>
    %dma_wait3A_218 = arith.constant 0 : i32
    %dma_wait3A_219 = tpu.memref_slice %arg7[%mul3A_2, %dma_wait3A_218] : memref<16384x160xf32, #tpu.memory_space<hbm>> -> memref<16x160xf32, #tpu.memory_space<hbm>>
    tpu.wait_dma2 semaphore(%arg30 : memref<!tpu.dma_semaphore, #tpu.memory_space<semaphore_mem>>) src(%arg25 : memref<16x160xf32, #tpu.memory_space<vmem>>) dst(%dma_wait3A_219 : memref<16x160xf32, #tpu.memory_space<hbm>>)
    return
  }
}

module attributes {stable_mosaic.version = 14 : i64} {
  func.func @_stage_a_body(%arg0: i32, %arg1: memref<1024x512xf32, #tpu.memory_space<vmem>>, %arg2: memref<1024x512xf32, #tpu.memory_space<vmem>>, %arg3: memref<1024x512xf32, #tpu.memory_space<vmem>>, %arg4: memref<512x150xf32, #tpu.memory_space<vmem>>, %arg5: memref<150xf32, #tpu.memory_space<vmem>>, %arg6: memref<150x150xf32, #tpu.memory_space<vmem>>, %arg7: memref<150xf32, #tpu.memory_space<vmem>>, %arg8: memref<150x1xf32, #tpu.memory_space<vmem>>, %arg9: memref<1xf32, #tpu.memory_space<vmem>>, %arg10: memref<512x160xf32, #tpu.memory_space<vmem>>, %arg11: memref<512x160xf32, #tpu.memory_space<vmem>>, %arg12: memref<512x160xf32, #tpu.memory_space<vmem>>, %arg13: memref<1024x176xf32, #tpu.memory_space<vmem>>, %arg14: memref<1024x160xf32, #tpu.memory_space<vmem>>, %arg15: memref<1024x160xbf16, #tpu.memory_space<vmem>>) attributes {dimension_semantics = [#tpu.dimension_semantics<arbitrary>], iteration_bounds = array<i64: 8>, scalar_prefetch = 0 : i64, scratch_operands = 0 : i64, tpu.core_type = #tpu.core_type<tc>, window_params = [{transform_indices = @transform_0, window_bounds = array<i64: 1024, 512>}, {transform_indices = @transform_1, window_bounds = array<i64: 1024, 512>}, {transform_indices = @transform_2, window_bounds = array<i64: 1024, 512>}, {pipeline_mode = #tpu.pipeline_mode<synchronous>, transform_indices = @transform_3, window_bounds = array<i64: 512, 150>}, {pipeline_mode = #tpu.pipeline_mode<synchronous>, transform_indices = @transform_4, window_bounds = array<i64: 150>}, {pipeline_mode = #tpu.pipeline_mode<synchronous>, transform_indices = @transform_5, window_bounds = array<i64: 150, 150>}, {pipeline_mode = #tpu.pipeline_mode<synchronous>, transform_indices = @transform_6, window_bounds = array<i64: 150>}, {pipeline_mode = #tpu.pipeline_mode<synchronous>, transform_indices = @transform_7, window_bounds = array<i64: 150, 1>}, {pipeline_mode = #tpu.pipeline_mode<synchronous>, transform_indices = @transform_8, window_bounds = array<i64: 1>}, {pipeline_mode = #tpu.pipeline_mode<synchronous>, transform_indices = @transform_9, window_bounds = array<i64: 512, 160>}, {pipeline_mode = #tpu.pipeline_mode<synchronous>, transform_indices = @transform_10, window_bounds = array<i64: 512, 160>}, {pipeline_mode = #tpu.pipeline_mode<synchronous>, transform_indices = @transform_11, window_bounds = array<i64: 512, 160>}, {transform_indices = @transform_12, window_bounds = array<i64: 1024, 176>}, {transform_indices = @transform_13, window_bounds = array<i64: 1024, 160>}, {transform_indices = @transform_14, window_bounds = array<i64: 1024, 160>}]} {
    %get3A = arith.constant 0 : index
    %get3A_0 = arith.constant 0 : index
    %get3A_1 = vector.load %arg1[%get3A, %get3A_0] : memref<1024x512xf32, #tpu.memory_space<vmem>>, vector<1024x512xf32>
    %get3A_2 = arith.constant 0 : index
    %get3A_3 = arith.constant 0 : index
    %get3A_4 = vector.load %arg3[%get3A_2, %get3A_3] : memref<1024x512xf32, #tpu.memory_space<vmem>>, vector<1024x512xf32>
    %get3A_5 = arith.constant 0 : index
    %get3A_6 = arith.constant 0 : index
    %get3A_7 = vector.load %arg4[%get3A_5, %get3A_6] : memref<512x150xf32, #tpu.memory_space<vmem>>, vector<512x150xf32>
    %get3A_8 = arith.constant 0 : index
    %get3A_9 = vector.load %arg5[%get3A_8] : memref<150xf32, #tpu.memory_space<vmem>>, vector<150xf32>
    %get3A_10 = arith.constant 0 : index
    %get3A_11 = arith.constant 0 : index
    %get3A_12 = vector.load %arg6[%get3A_10, %get3A_11] : memref<150x150xf32, #tpu.memory_space<vmem>>, vector<150x150xf32>
    %get3A_13 = arith.constant 0 : index
    %get3A_14 = vector.load %arg7[%get3A_13] : memref<150xf32, #tpu.memory_space<vmem>>, vector<150xf32>
    %get3A_15 = arith.constant 0 : index
    %get3A_16 = arith.constant 0 : index
    %get3A_17 = vector.load %arg8[%get3A_15, %get3A_16] : memref<150x1xf32, #tpu.memory_space<vmem>>, vector<150x1xf32>
    %get3A_18 = arith.constant 0 : index
    %get3A_19 = vector.load %arg9[%get3A_18] : memref<1xf32, #tpu.memory_space<vmem>>, vector<1xf32>
    %dot_general3A = arith.constant dense<0.000000e+00> : vector<1024x150xf32>
    %dot_general3A_20 = tpu.matmul %get3A_1, %get3A_7, %dot_general3A {dimension_numbers = #tpu.dot_dimension_numbers<[1], [0], [0], [1], [0, 0, 1, 1], [], []>, transpose_lhs_hint = false} : vector<1024x512xf32>, vector<512x150xf32>, vector<1024x150xf32> -> vector<1024x150xf32>
    %broadcast_in_dim3A = vector.shape_cast %get3A_9 : vector<150xf32> to vector<1x150xf32>
    %add3A = vector.broadcast %broadcast_in_dim3A : vector<1x150xf32> to vector<1024x150xf32>
    %add3A_21 = arith.addf %dot_general3A_20, %add3A : vector<1024x150xf32>
    %max3A = arith.constant 0.000000e+00 : f32
    %max3A_22 = vector.broadcast %max3A : f32 to vector<1024x150xf32>
    %max3A_23 = arith.maximumf %add3A_21, %max3A_22 : vector<1024x150xf32>
    %dot_general3A_24 = arith.constant dense<0.000000e+00> : vector<1024x150xf32>
    %dot_general3A_25 = tpu.matmul %max3A_23, %get3A_12, %dot_general3A_24 {dimension_numbers = #tpu.dot_dimension_numbers<[1], [0], [0], [1], [0, 0, 1, 1], [], []>, transpose_lhs_hint = false} : vector<1024x150xf32>, vector<150x150xf32>, vector<1024x150xf32> -> vector<1024x150xf32>
    %broadcast_in_dim3A_26 = vector.shape_cast %get3A_14 : vector<150xf32> to vector<1x150xf32>
    %add3A_27 = vector.broadcast %broadcast_in_dim3A_26 : vector<1x150xf32> to vector<1024x150xf32>
    %add3A_28 = arith.addf %dot_general3A_25, %add3A_27 : vector<1024x150xf32>
    %max3A_29 = arith.constant 0.000000e+00 : f32
    %max3A_30 = vector.broadcast %max3A_29 : f32 to vector<1024x150xf32>
    %max3A_31 = arith.maximumf %add3A_28, %max3A_30 : vector<1024x150xf32>
    %dot_general3A_32 = arith.constant dense<0.000000e+00> : vector<1024x1xf32>
    %dot_general3A_33 = tpu.matmul %max3A_31, %get3A_17, %dot_general3A_32 {dimension_numbers = #tpu.dot_dimension_numbers<[1], [0], [0], [1], [0, 0, 1, 1], [], []>, transpose_lhs_hint = false} : vector<1024x150xf32>, vector<150x1xf32>, vector<1024x1xf32> -> vector<1024x1xf32>
    %broadcast_in_dim3A_34 = vector.shape_cast %get3A_19 : vector<1xf32> to vector<1x1xf32>
    %add3A_35 = vector.broadcast %broadcast_in_dim3A_34 : vector<1x1xf32> to vector<1024x1xf32>
    %add3A_36 = arith.addf %dot_general3A_33, %add3A_35 : vector<1024x1xf32>
    %get3A_37 = arith.constant 0 : index
    %get3A_38 = arith.constant 0 : index
    %get3A_39 = vector.load %arg2[%get3A_37, %get3A_38] : memref<1024x512xf32, #tpu.memory_space<vmem>>, vector<16x512xf32>
    %get3A_40 = arith.constant 0 : index
    %get3A_41 = arith.constant 0 : index
    %get3A_42 = vector.load %arg4[%get3A_40, %get3A_41] : memref<512x150xf32, #tpu.memory_space<vmem>>, vector<512x150xf32>
    %get3A_43 = arith.constant 0 : index
    %get3A_44 = vector.load %arg5[%get3A_43] : memref<150xf32, #tpu.memory_space<vmem>>, vector<150xf32>
    %get3A_45 = arith.constant 0 : index
    %get3A_46 = arith.constant 0 : index
    %get3A_47 = vector.load %arg6[%get3A_45, %get3A_46] : memref<150x150xf32, #tpu.memory_space<vmem>>, vector<150x150xf32>
    %get3A_48 = arith.constant 0 : index
    %get3A_49 = vector.load %arg7[%get3A_48] : memref<150xf32, #tpu.memory_space<vmem>>, vector<150xf32>
    %get3A_50 = arith.constant 0 : index
    %get3A_51 = arith.constant 0 : index
    %get3A_52 = vector.load %arg8[%get3A_50, %get3A_51] : memref<150x1xf32, #tpu.memory_space<vmem>>, vector<150x1xf32>
    %get3A_53 = arith.constant 0 : index
    %get3A_54 = vector.load %arg9[%get3A_53] : memref<1xf32, #tpu.memory_space<vmem>>, vector<1xf32>
    %dot_general3A_55 = arith.constant dense<0.000000e+00> : vector<16x150xf32>
    %dot_general3A_56 = tpu.matmul %get3A_39, %get3A_42, %dot_general3A_55 {dimension_numbers = #tpu.dot_dimension_numbers<[1], [0], [0], [1], [0, 0, 1, 1], [], []>, transpose_lhs_hint = false} : vector<16x512xf32>, vector<512x150xf32>, vector<16x150xf32> -> vector<16x150xf32>
    %broadcast_in_dim3A_57 = vector.shape_cast %get3A_44 : vector<150xf32> to vector<1x150xf32>
    %add3A_58 = vector.broadcast %broadcast_in_dim3A_57 : vector<1x150xf32> to vector<16x150xf32>
    %add3A_59 = arith.addf %dot_general3A_56, %add3A_58 : vector<16x150xf32>
    %max3A_60 = arith.constant 0.000000e+00 : f32
    %max3A_61 = vector.broadcast %max3A_60 : f32 to vector<16x150xf32>
    %max3A_62 = arith.maximumf %add3A_59, %max3A_61 : vector<16x150xf32>
    %dot_general3A_63 = arith.constant dense<0.000000e+00> : vector<16x150xf32>
    %dot_general3A_64 = tpu.matmul %max3A_62, %get3A_47, %dot_general3A_63 {dimension_numbers = #tpu.dot_dimension_numbers<[1], [0], [0], [1], [0, 0, 1, 1], [], []>, transpose_lhs_hint = false} : vector<16x150xf32>, vector<150x150xf32>, vector<16x150xf32> -> vector<16x150xf32>
    %broadcast_in_dim3A_65 = vector.shape_cast %get3A_49 : vector<150xf32> to vector<1x150xf32>
    %add3A_66 = vector.broadcast %broadcast_in_dim3A_65 : vector<1x150xf32> to vector<16x150xf32>
    %add3A_67 = arith.addf %dot_general3A_64, %add3A_66 : vector<16x150xf32>
    %max3A_68 = arith.constant 0.000000e+00 : f32
    %max3A_69 = vector.broadcast %max3A_68 : f32 to vector<16x150xf32>
    %max3A_70 = arith.maximumf %add3A_67, %max3A_69 : vector<16x150xf32>
    %dot_general3A_71 = arith.constant dense<0.000000e+00> : vector<16x1xf32>
    %dot_general3A_72 = tpu.matmul %max3A_70, %get3A_52, %dot_general3A_71 {dimension_numbers = #tpu.dot_dimension_numbers<[1], [0], [0], [1], [0, 0, 1, 1], [], []>, transpose_lhs_hint = false} : vector<16x150xf32>, vector<150x1xf32>, vector<16x1xf32> -> vector<16x1xf32>
    %broadcast_in_dim3A_73 = vector.shape_cast %get3A_54 : vector<1xf32> to vector<1x1xf32>
    %add3A_74 = vector.broadcast %broadcast_in_dim3A_73 : vector<1x1xf32> to vector<16x1xf32>
    %add3A_75 = arith.addf %dot_general3A_72, %add3A_74 : vector<16x1xf32>
    %concatenate3A = tpu.concatenate %add3A_36, %add3A_75 in 0 : vector<1024x1xf32>, vector<16x1xf32> -> vector<1040x1xf32>
    %slice3A = vector.extract_strided_slice %concatenate3A {offsets = [0, 0], sizes = [1024, 1], strides = [1, 1]} : vector<1040x1xf32> to vector<1024x1xf32>
    %slice3A_76 = vector.extract_strided_slice %concatenate3A {offsets = [1, 0], sizes = [1024, 1], strides = [1, 1]} : vector<1040x1xf32> to vector<1024x1xf32>
    %slice3A_77 = vector.extract_strided_slice %concatenate3A {offsets = [2, 0], sizes = [1024, 1], strides = [1, 1]} : vector<1040x1xf32> to vector<1024x1xf32>
    %slice3A_78 = vector.extract_strided_slice %concatenate3A {offsets = [3, 0], sizes = [1024, 1], strides = [1, 1]} : vector<1040x1xf32> to vector<1024x1xf32>
    %slice3A_79 = vector.extract_strided_slice %concatenate3A {offsets = [4, 0], sizes = [1024, 1], strides = [1, 1]} : vector<1040x1xf32> to vector<1024x1xf32>
    %slice3A_80 = vector.extract_strided_slice %concatenate3A {offsets = [5, 0], sizes = [1024, 1], strides = [1, 1]} : vector<1040x1xf32> to vector<1024x1xf32>
    %slice3A_81 = vector.extract_strided_slice %concatenate3A {offsets = [6, 0], sizes = [1024, 1], strides = [1, 1]} : vector<1040x1xf32> to vector<1024x1xf32>
    %slice3A_82 = vector.extract_strided_slice %concatenate3A {offsets = [7, 0], sizes = [1024, 1], strides = [1, 1]} : vector<1040x1xf32> to vector<1024x1xf32>
    %slice3A_83 = vector.extract_strided_slice %concatenate3A {offsets = [8, 0], sizes = [1024, 1], strides = [1, 1]} : vector<1040x1xf32> to vector<1024x1xf32>
    %slice3A_84 = vector.extract_strided_slice %concatenate3A {offsets = [9, 0], sizes = [1024, 1], strides = [1, 1]} : vector<1040x1xf32> to vector<1024x1xf32>
    %broadcast_in_dim3A_85 = arith.constant 0.000000e+00 : f32
    %broadcast_in_dim3A_86 = vector.broadcast %broadcast_in_dim3A_85 : f32 to vector<1024x1xf32>
    %concatenate3A_87 = tpu.concatenate %slice3A, %slice3A_76, %slice3A_77, %slice3A_78, %slice3A_79, %slice3A_80, %slice3A_81, %slice3A_82, %slice3A_83, %slice3A_84, %broadcast_in_dim3A_86, %broadcast_in_dim3A_86, %broadcast_in_dim3A_86, %broadcast_in_dim3A_86, %broadcast_in_dim3A_86, %broadcast_in_dim3A_86 in 1 : vector<1024x1xf32>, vector<1024x1xf32>, vector<1024x1xf32>, vector<1024x1xf32>, vector<1024x1xf32>, vector<1024x1xf32>, vector<1024x1xf32>, vector<1024x1xf32>, vector<1024x1xf32>, vector<1024x1xf32>, vector<1024x1xf32>, vector<1024x1xf32>, vector<1024x1xf32>, vector<1024x1xf32>, vector<1024x1xf32>, vector<1024x1xf32> -> vector<1024x16xf32>
    %get3A_88 = arith.constant 0 : index
    %get3A_89 = arith.constant 0 : index
    %get3A_90 = vector.load %arg10[%get3A_88, %get3A_89] : memref<512x160xf32, #tpu.memory_space<vmem>>, vector<512x160xf32>
    %dot_general3A_91 = arith.constant dense<0.000000e+00> : vector<1024x160xf32>
    %dot_general3A_92 = tpu.matmul %get3A_1, %get3A_90, %dot_general3A_91 {dimension_numbers = #tpu.dot_dimension_numbers<[1], [0], [0], [1], [0, 0, 1, 1], [], []>, transpose_lhs_hint = false} : vector<1024x512xf32>, vector<512x160xf32>, vector<1024x160xf32> -> vector<1024x160xf32>
    %concatenate3A_93 = tpu.concatenate %dot_general3A_92, %concatenate3A_87 in 1 : vector<1024x160xf32>, vector<1024x16xf32> -> vector<1024x176xf32>
    %swap3A = arith.constant 0 : index
    %swap3A_94 = arith.constant 0 : index
    %swap3A_95 = vector.load %arg13[%swap3A, %swap3A_94] : memref<1024x176xf32, #tpu.memory_space<vmem>>, vector<1024x176xf32>
    tpu.vector_store %arg13[%swap3A, %swap3A_94], %concatenate3A_93 {strides = array<i32>} : memref<1024x176xf32, #tpu.memory_space<vmem>>, vector<1024x176xf32>,
    %get3A_96 = arith.constant 0 : index
    %get3A_97 = arith.constant 0 : index
    %get3A_98 = vector.load %arg11[%get3A_96, %get3A_97] : memref<512x160xf32, #tpu.memory_space<vmem>>, vector<512x160xf32>
    %dot_general3A_99 = arith.constant dense<0.000000e+00> : vector<1024x160xf32>
    %dot_general3A_100 = tpu.matmul %get3A_1, %get3A_98, %dot_general3A_99 {dimension_numbers = #tpu.dot_dimension_numbers<[1], [0], [0], [1], [0, 0, 1, 1], [], []>, transpose_lhs_hint = false} : vector<1024x512xf32>, vector<512x160xf32>, vector<1024x160xf32> -> vector<1024x160xf32>
    %swap3A_101 = arith.constant 0 : index
    %swap3A_102 = arith.constant 0 : index
    %swap3A_103 = vector.load %arg14[%swap3A_101, %swap3A_102] : memref<1024x160xf32, #tpu.memory_space<vmem>>, vector<1024x160xf32>
    tpu.vector_store %arg14[%swap3A_101, %swap3A_102], %dot_general3A_100 {strides = array<i32>} : memref<1024x160xf32, #tpu.memory_space<vmem>>, vector<1024x160xf32>,
    %get3A_104 = arith.constant 0 : index
    %get3A_105 = arith.constant 0 : index
    %get3A_106 = vector.load %arg12[%get3A_104, %get3A_105] : memref<512x160xf32, #tpu.memory_space<vmem>>, vector<512x160xf32>
    %dot_general3A_107 = arith.constant dense<0.000000e+00> : vector<1024x160xf32>
    %dot_general3A_108 = tpu.matmul %get3A_4, %get3A_106, %dot_general3A_107 {dimension_numbers = #tpu.dot_dimension_numbers<[1], [0], [0], [1], [0, 0, 1, 1], [], []>, transpose_lhs_hint = false} : vector<1024x512xf32>, vector<512x160xf32>, vector<1024x160xf32> -> vector<1024x160xf32>
    %convert_element_type3A = arith.truncf %dot_general3A_108 : vector<1024x160xf32> to vector<1024x160xbf16>
    %swap3A_109 = arith.constant 0 : index
    %swap3A_110 = arith.constant 0 : index
    %swap3A_111 = vector.load %arg15[%swap3A_109, %swap3A_110] : memref<1024x160xbf16, #tpu.memory_space<vmem>>, vector<1024x160xbf16>
    tpu.vector_store %arg15[%swap3A_109, %swap3A_110], %convert_element_type3A {strides = array<i32>} : memref<1024x160xbf16, #tpu.memory_space<vmem>>, vector<1024x160xbf16>,
    return
  }
  func.func @transform_0(%arg0: i32) -> (i32, i32) {
    %c0_i32 = arith.constant 0 : i32
    %c0_i32_0 = arith.constant 0 : i32
    return %arg0, %c0_i32 : i32, i32
  }
  func.func @transform_1(%arg0: i32) -> (i32, i32) {
    %add3A = arith.constant 1 : i32
    %add3A_0 = arith.addi %arg0, %add3A : i32
    %min3A = arith.constant 7 : i32
    %min3A_1 = arith.minsi %add3A_0, %min3A : i32
    %c0_i32 = arith.constant 0 : i32
    %c0_i32_2 = arith.constant 0 : i32
    return %min3A_1, %c0_i32 : i32, i32
  }
  func.func @transform_2(%arg0: i32) -> (i32, i32) {
    %c0_i32 = arith.constant 0 : i32
    %c0_i32_0 = arith.constant 0 : i32
    return %arg0, %c0_i32 : i32, i32
  }
  func.func @transform_3(%arg0: i32) -> (i32, i32) {
    %c0_i32 = arith.constant 0 : i32
    %c0_i32_0 = arith.constant 0 : i32
    %c0_i32_1 = arith.constant 0 : i32
    return %c0_i32, %c0_i32_0 : i32, i32
  }
  func.func @transform_4(%arg0: i32) -> i32 {
    %c0_i32 = arith.constant 0 : i32
    %c0_i32_0 = arith.constant 0 : i32
    return %c0_i32 : i32
  }
  func.func @transform_5(%arg0: i32) -> (i32, i32) {
    %c0_i32 = arith.constant 0 : i32
    %c0_i32_0 = arith.constant 0 : i32
    %c0_i32_1 = arith.constant 0 : i32
    return %c0_i32, %c0_i32_0 : i32, i32
  }
  func.func @transform_6(%arg0: i32) -> i32 {
    %c0_i32 = arith.constant 0 : i32
    %c0_i32_0 = arith.constant 0 : i32
    return %c0_i32 : i32
  }
  func.func @transform_7(%arg0: i32) -> (i32, i32) {
    %c0_i32 = arith.constant 0 : i32
    %c0_i32_0 = arith.constant 0 : i32
    %c0_i32_1 = arith.constant 0 : i32
    return %c0_i32, %c0_i32_0 : i32, i32
  }
  func.func @transform_8(%arg0: i32) -> i32 {
    %c0_i32 = arith.constant 0 : i32
    %c0_i32_0 = arith.constant 0 : i32
    return %c0_i32 : i32
  }
  func.func @transform_9(%arg0: i32) -> (i32, i32) {
    %c0_i32 = arith.constant 0 : i32
    %c0_i32_0 = arith.constant 0 : i32
    %c0_i32_1 = arith.constant 0 : i32
    return %c0_i32, %c0_i32_0 : i32, i32
  }
  func.func @transform_10(%arg0: i32) -> (i32, i32) {
    %c0_i32 = arith.constant 0 : i32
    %c0_i32_0 = arith.constant 0 : i32
    %c0_i32_1 = arith.constant 0 : i32
    return %c0_i32, %c0_i32_0 : i32, i32
  }
  func.func @transform_11(%arg0: i32) -> (i32, i32) {
    %c0_i32 = arith.constant 0 : i32
    %c0_i32_0 = arith.constant 0 : i32
    %c0_i32_1 = arith.constant 0 : i32
    return %c0_i32, %c0_i32_0 : i32, i32
  }
  func.func @transform_12(%arg0: i32) -> (i32, i32) {
    %c0_i32 = arith.constant 0 : i32
    %c0_i32_0 = arith.constant 0 : i32
    return %arg0, %c0_i32 : i32, i32
  }
  func.func @transform_13(%arg0: i32) -> (i32, i32) {
    %c0_i32 = arith.constant 0 : i32
    %c0_i32_0 = arith.constant 0 : i32
    return %arg0, %c0_i32 : i32, i32
  }
  func.func @transform_14(%arg0: i32) -> (i32, i32) {
    %c0_i32 = arith.constant 0 : i32
    %c0_i32_0 = arith.constant 0 : i32
    return %arg0, %c0_i32 : i32, i32
  }
}

module attributes {stable_mosaic.version = 14 : i64} {
  func.func @_stage_c_body(%arg0: i32, %arg1: memref<1024x160xf32, #tpu.memory_space<vmem>>, %arg2: memref<1024xi32, #tpu.memory_space<vmem>>, %arg3: memref<9x20xf32, #tpu.memory_space<vmem>>, %arg4: memref<20x160xf32, #tpu.memory_space<vmem>>, %arg5: memref<160xf32, #tpu.memory_space<vmem>>, %arg6: memref<160x150xf32, #tpu.memory_space<vmem>>, %arg7: memref<150xf32, #tpu.memory_space<vmem>>, %arg8: memref<150x1xf32, #tpu.memory_space<vmem>>, %arg9: memref<1xf32, #tpu.memory_space<vmem>>, %arg10: memref<1024xf32, #tpu.memory_space<vmem>>) attributes {dimension_semantics = [#tpu.dimension_semantics<arbitrary>], iteration_bounds = array<i64: 16>, scalar_prefetch = 0 : i64, scratch_operands = 0 : i64, tpu.core_type = #tpu.core_type<tc>, window_params = [{transform_indices = @transform_0, window_bounds = array<i64: 1024, 160>}, {transform_indices = @transform_1, window_bounds = array<i64: 1024>}, {pipeline_mode = #tpu.pipeline_mode<synchronous>, transform_indices = @transform_2, window_bounds = array<i64: 9, 20>}, {pipeline_mode = #tpu.pipeline_mode<synchronous>, transform_indices = @transform_3, window_bounds = array<i64: 20, 160>}, {pipeline_mode = #tpu.pipeline_mode<synchronous>, transform_indices = @transform_4, window_bounds = array<i64: 160>}, {pipeline_mode = #tpu.pipeline_mode<synchronous>, transform_indices = @transform_5, window_bounds = array<i64: 160, 150>}, {pipeline_mode = #tpu.pipeline_mode<synchronous>, transform_indices = @transform_6, window_bounds = array<i64: 150>}, {pipeline_mode = #tpu.pipeline_mode<synchronous>, transform_indices = @transform_7, window_bounds = array<i64: 150, 1>}, {pipeline_mode = #tpu.pipeline_mode<synchronous>, transform_indices = @transform_8, window_bounds = array<i64: 1>}, {transform_indices = @transform_9, window_bounds = array<i64: 1024>}]} {
    %get3A = arith.constant 0 : index
    %get3A_0 = vector.load %arg2[%get3A] : memref<1024xi32, #tpu.memory_space<vmem>>, vector<1024xi32>
    %add3A = arith.constant 1 : i32
    %add3A_1 = vector.broadcast %add3A : i32 to vector<1024xi32>
    %add3A_2 = arith.addi %get3A_0, %add3A_1 : vector<1024xi32>
    %broadcast_in_dim3A = arith.constant 0 : i32
    %broadcast_in_dim3A_3 = vector.broadcast %broadcast_in_dim3A : i32 to vector<1024xi32>
    %ge3A = arith.constant 1 : i32
    %ge3A_4 = vector.broadcast %ge3A : i32 to vector<1024xi32>
    %ge3A_5 = arith.cmpi sge, %add3A_2, %ge3A_4 : vector<1024xi32>
    %convert_element_type3A = arith.extui %ge3A_5 : vector<1024xi1> to vector<1024xi32>
    %add3A_6 = arith.addi %broadcast_in_dim3A_3, %convert_element_type3A : vector<1024xi32>
    %ge3A_7 = arith.constant 2 : i32
    %ge3A_8 = vector.broadcast %ge3A_7 : i32 to vector<1024xi32>
    %ge3A_9 = arith.cmpi sge, %add3A_2, %ge3A_8 : vector<1024xi32>
    %convert_element_type3A_10 = arith.extui %ge3A_9 : vector<1024xi1> to vector<1024xi32>
    %add3A_11 = arith.addi %add3A_6, %convert_element_type3A_10 : vector<1024xi32>
    %ge3A_12 = arith.constant 3 : i32
    %ge3A_13 = vector.broadcast %ge3A_12 : i32 to vector<1024xi32>
    %ge3A_14 = arith.cmpi sge, %add3A_2, %ge3A_13 : vector<1024xi32>
    %convert_element_type3A_15 = arith.extui %ge3A_14 : vector<1024xi1> to vector<1024xi32>
    %add3A_16 = arith.addi %add3A_11, %convert_element_type3A_15 : vector<1024xi32>
    %ge3A_17 = arith.constant 4 : i32
    %ge3A_18 = vector.broadcast %ge3A_17 : i32 to vector<1024xi32>
    %ge3A_19 = arith.cmpi sge, %add3A_2, %ge3A_18 : vector<1024xi32>
    %convert_element_type3A_20 = arith.extui %ge3A_19 : vector<1024xi1> to vector<1024xi32>
    %add3A_21 = arith.addi %add3A_16, %convert_element_type3A_20 : vector<1024xi32>
    %ge3A_22 = arith.constant 8 : i32
    %ge3A_23 = vector.broadcast %ge3A_22 : i32 to vector<1024xi32>
    %ge3A_24 = arith.cmpi sge, %add3A_2, %ge3A_23 : vector<1024xi32>
    %convert_element_type3A_25 = arith.extui %ge3A_24 : vector<1024xi1> to vector<1024xi32>
    %add3A_26 = arith.addi %add3A_21, %convert_element_type3A_25 : vector<1024xi32>
    %ge3A_27 = arith.constant 16 : i32
    %ge3A_28 = vector.broadcast %ge3A_27 : i32 to vector<1024xi32>
    %ge3A_29 = arith.cmpi sge, %add3A_2, %ge3A_28 : vector<1024xi32>
    %convert_element_type3A_30 = arith.extui %ge3A_29 : vector<1024xi1> to vector<1024xi32>
    %add3A_31 = arith.addi %add3A_26, %convert_element_type3A_30 : vector<1024xi32>
    %ge3A_32 = arith.constant 32 : i32
    %ge3A_33 = vector.broadcast %ge3A_32 : i32 to vector<1024xi32>
    %ge3A_34 = arith.cmpi sge, %add3A_2, %ge3A_33 : vector<1024xi32>
    %convert_element_type3A_35 = arith.extui %ge3A_34 : vector<1024xi1> to vector<1024xi32>
    %add3A_36 = arith.addi %add3A_31, %convert_element_type3A_35 : vector<1024xi32>
    %ge3A_37 = arith.constant 64 : i32
    %ge3A_38 = vector.broadcast %ge3A_37 : i32 to vector<1024xi32>
    %ge3A_39 = arith.cmpi sge, %add3A_2, %ge3A_38 : vector<1024xi32>
    %convert_element_type3A_40 = arith.extui %ge3A_39 : vector<1024xi1> to vector<1024xi32>
    %add3A_41 = arith.addi %add3A_36, %convert_element_type3A_40 : vector<1024xi32>
    %broadcast_in_dim3A_42 = vector.shape_cast %add3A_41 : vector<1024xi32> to vector<1024x1xi32>
    %iota3A = tpu.iota {dimensions = array<i32: 1>} : vector<1024x9xi32>
    %eq3A = vector.broadcast %broadcast_in_dim3A_42 : vector<1024x1xi32> to vector<1024x9xi32>
    %eq3A_43 = arith.cmpi eq, %eq3A, %iota3A : vector<1024x9xi32>
    %convert_element_type3A_44 = arith.extui %eq3A_43 : vector<1024x9xi1> to vector<1024x9xi32>
    %convert_element_type3A_45 = arith.sitofp %convert_element_type3A_44 : vector<1024x9xi32> to vector<1024x9xf32>
    %get3A_46 = arith.constant 0 : index
    %get3A_47 = arith.constant 0 : index
    %get3A_48 = vector.load %arg3[%get3A_46, %get3A_47] : memref<9x20xf32, #tpu.memory_space<vmem>>, vector<9x20xf32>
    %get3A_49 = arith.constant 0 : index
    %get3A_50 = arith.constant 0 : index
    %get3A_51 = vector.load %arg4[%get3A_49, %get3A_50] : memref<20x160xf32, #tpu.memory_space<vmem>>, vector<20x160xf32>
    %dot_general3A = arith.constant dense<0.000000e+00> : vector<9x160xf32>
    %dot_general3A_52 = tpu.matmul %get3A_48, %get3A_51, %dot_general3A {dimension_numbers = #tpu.dot_dimension_numbers<[1], [0], [0], [1], [0, 0, 1, 1], [], []>, transpose_lhs_hint = false} : vector<9x20xf32>, vector<20x160xf32>, vector<9x160xf32> -> vector<9x160xf32>
    %get3A_53 = arith.constant 0 : index
    %get3A_54 = arith.constant 0 : index
    %get3A_55 = vector.load %arg1[%get3A_53, %get3A_54] : memref<1024x160xf32, #tpu.memory_space<vmem>>, vector<1024x160xf32>
    %dot_general3A_56 = arith.constant dense<0.000000e+00> : vector<1024x160xf32>
    %dot_general3A_57 = tpu.matmul %convert_element_type3A_45, %dot_general3A_52, %dot_general3A_56 {dimension_numbers = #tpu.dot_dimension_numbers<[1], [0], [0], [1], [0, 0, 1, 1], [], []>, transpose_lhs_hint = false} : vector<1024x9xf32>, vector<9x160xf32>, vector<1024x160xf32> -> vector<1024x160xf32>
    %add3A_58 = arith.addf %get3A_55, %dot_general3A_57 : vector<1024x160xf32>
    %get3A_59 = arith.constant 0 : index
    %get3A_60 = vector.load %arg5[%get3A_59] : memref<160xf32, #tpu.memory_space<vmem>>, vector<160xf32>
    %broadcast_in_dim3A_61 = vector.shape_cast %get3A_60 : vector<160xf32> to vector<1x160xf32>
    %add3A_62 = vector.broadcast %broadcast_in_dim3A_61 : vector<1x160xf32> to vector<1024x160xf32>
    %add3A_63 = arith.addf %add3A_58, %add3A_62 : vector<1024x160xf32>
    %max3A = arith.constant 0.000000e+00 : f32
    %max3A_64 = vector.broadcast %max3A : f32 to vector<1024x160xf32>
    %max3A_65 = arith.maximumf %add3A_63, %max3A_64 : vector<1024x160xf32>
    %get3A_66 = arith.constant 0 : index
    %get3A_67 = arith.constant 0 : index
    %get3A_68 = vector.load %arg6[%get3A_66, %get3A_67] : memref<160x150xf32, #tpu.memory_space<vmem>>, vector<160x150xf32>
    %dot_general3A_69 = arith.constant dense<0.000000e+00> : vector<1024x150xf32>
    %dot_general3A_70 = tpu.matmul %max3A_65, %get3A_68, %dot_general3A_69 {dimension_numbers = #tpu.dot_dimension_numbers<[1], [0], [0], [1], [0, 0, 1, 1], [], []>, transpose_lhs_hint = false} : vector<1024x160xf32>, vector<160x150xf32>, vector<1024x150xf32> -> vector<1024x150xf32>
    %get3A_71 = arith.constant 0 : index
    %get3A_72 = vector.load %arg7[%get3A_71] : memref<150xf32, #tpu.memory_space<vmem>>, vector<150xf32>
    %broadcast_in_dim3A_73 = vector.shape_cast %get3A_72 : vector<150xf32> to vector<1x150xf32>
    %add3A_74 = vector.broadcast %broadcast_in_dim3A_73 : vector<1x150xf32> to vector<1024x150xf32>
    %add3A_75 = arith.addf %dot_general3A_70, %add3A_74 : vector<1024x150xf32>
    %max3A_76 = arith.constant 0.000000e+00 : f32
    %max3A_77 = vector.broadcast %max3A_76 : f32 to vector<1024x150xf32>
    %max3A_78 = arith.maximumf %add3A_75, %max3A_77 : vector<1024x150xf32>
    %get3A_79 = arith.constant 0 : index
    %get3A_80 = arith.constant 0 : index
    %get3A_81 = vector.load %arg8[%get3A_79, %get3A_80] : memref<150x1xf32, #tpu.memory_space<vmem>>, vector<150x1xf32>
    %dot_general3A_82 = arith.constant dense<0.000000e+00> : vector<1024x1xf32>
    %dot_general3A_83 = tpu.matmul %max3A_78, %get3A_81, %dot_general3A_82 {dimension_numbers = #tpu.dot_dimension_numbers<[1], [0], [0], [1], [0, 0, 1, 1], [], []>, transpose_lhs_hint = false} : vector<1024x150xf32>, vector<150x1xf32>, vector<1024x1xf32> -> vector<1024x1xf32>
    %get3A_84 = arith.constant 0 : index
    %get3A_85 = vector.load %arg9[%get3A_84] : memref<1xf32, #tpu.memory_space<vmem>>, vector<1xf32>
    %broadcast_in_dim3A_86 = vector.shape_cast %get3A_85 : vector<1xf32> to vector<1x1xf32>
    %add3A_87 = vector.broadcast %broadcast_in_dim3A_86 : vector<1x1xf32> to vector<1024x1xf32>
    %add3A_88 = arith.addf %dot_general3A_83, %add3A_87 : vector<1024x1xf32>
    %squeeze3A = vector.shape_cast %add3A_88 : vector<1024x1xf32> to vector<1024xf32>
    %swap3A = arith.constant 0 : index
    %swap3A_89 = vector.load %arg10[%swap3A] : memref<1024xf32, #tpu.memory_space<vmem>>, vector<1024xf32>
    tpu.vector_store %arg10[%swap3A], %squeeze3A {strides = array<i32>} : memref<1024xf32, #tpu.memory_space<vmem>>, vector<1024xf32>,
    return
  }
  func.func @transform_0(%arg0: i32) -> (i32, i32) {
    %c0_i32 = arith.constant 0 : i32
    %c0_i32_0 = arith.constant 0 : i32
    return %arg0, %c0_i32 : i32, i32
  }
  func.func @transform_1(%arg0: i32) -> i32 {
    %c0_i32 = arith.constant 0 : i32
    return %arg0 : i32
  }
  func.func @transform_2(%arg0: i32) -> (i32, i32) {
    %c0_i32 = arith.constant 0 : i32
    %c0_i32_0 = arith.constant 0 : i32
    %c0_i32_1 = arith.constant 0 : i32
    return %c0_i32, %c0_i32_0 : i32, i32
  }
  func.func @transform_3(%arg0: i32) -> (i32, i32) {
    %c0_i32 = arith.constant 0 : i32
    %c0_i32_0 = arith.constant 0 : i32
    %c0_i32_1 = arith.constant 0 : i32
    return %c0_i32, %c0_i32_0 : i32, i32
  }
  func.func @transform_4(%arg0: i32) -> i32 {
    %c0_i32 = arith.constant 0 : i32
    %c0_i32_0 = arith.constant 0 : i32
    return %c0_i32 : i32
  }
  func.func @transform_5(%arg0: i32) -> (i32, i32) {
    %c0_i32 = arith.constant 0 : i32
    %c0_i32_0 = arith.constant 0 : i32
    %c0_i32_1 = arith.constant 0 : i32
    return %c0_i32, %c0_i32_0 : i32, i32
  }
  func.func @transform_6(%arg0: i32) -> i32 {
    %c0_i32 = arith.constant 0 : i32
    %c0_i32_0 = arith.constant 0 : i32
    return %c0_i32 : i32
  }
  func.func @transform_7(%arg0: i32) -> (i32, i32) {
    %c0_i32 = arith.constant 0 : i32
    %c0_i32_0 = arith.constant 0 : i32
    %c0_i32_1 = arith.constant 0 : i32
    return %c0_i32, %c0_i32_0 : i32, i32
  }
  func.func @transform_8(%arg0: i32) -> i32 {
    %c0_i32 = arith.constant 0 : i32
    %c0_i32_0 = arith.constant 0 : i32
    return %c0_i32 : i32
  }
  func.func @transform_9(%arg0: i32) -> i32 {
    %c0_i32 = arith.constant 0 : i32
    return %arg0 : i32
  }
}

</mosaic_0001>

<sc_bundles>
// kernel: kernel.5.cloned.1.call-start
scs
__scs_entry_jumppad:
0x0: {  	(pc) =	sbr.rel $0x88, $3  }
0x1: {  	(tag) =	ssettag $0x0;
	lr =	simm.s32 $0x1  }
0x2: {  	[smem:$0x3F90] =	sst lr;
	_ =	strace $0xD0000000  }
0x3: {  	_ = 	snop  }
0x4: {  	_ = 	snop  }
0x5: {  	_ = 	snop  }
0x6: {  	_ = 	snop  }
0x7: {  	_ = 	snop  }
__scs_overlays_trampoline_lowered:
0x8: {  	[smem:$0x3F9F] =	sst s0  }
0x9: {  	[smem:$0x3FA0] =	sst s1  }
0xa: {  	[smem:$0x3FA1] =	sst s2  }
0xb: {  	[smem:$0x3FA2] =	sst s3  }
0xc: {  	[smem:$0x3FA3] =	sst s4  }
0xd: {  	[smem:$0x3FA4] =	sst s5  }
0xe: {  	[smem:$0x3FA5] =	sst s6  }
0xf: {  	[smem:$0x3FA6] =	sst s7  }
0x10: {  	[smem:$0x3FA7] =	sst s8  }
0x11: {  	[smem:$0x3FA8] =	sst s9;
	s0 =	simm.s32 @!p0 $0x0  }
0x12: {  	s1 =	sld [smem:$0x3F8E];
	s0 =	simm.s32 @p0 $0x1  }
0x13: {  	[smem:$0x3FA9] =	sst s0;
	s0 =	simm.s32 @!p1 $0x0  }
0x14: {  	s2 =	sld [smem:$0x3F8D];
	s0 =	simm.s32 @p1 $0x1  }
0x15: {  	[smem:$0x3FAA] =	sst s0;
	s0 =	simm.s32 @!p2 $0x0  }
0x16: {  	s3 =	sld [smem:$0x3FDB];
	s0 =	simm.s32 @p2 $0x1  }
0x17: {  	s4 =	simm.s32 $0x1BF5;
	[smem:$0x3FAC] =	sst s0  }
0x18: {  	s0 =	sld [smem:$0x3F8F];
	_ =	swait.ge [sflag:s4], $0x0  }
0x19: {  	s7 =	sld [smem:$0x3F90]  }
0x1a: {  	s8 =	sadd.s32 $0xFFFFE003, lr  }
0x1b: {  	s9 =	sadd.s32 $0xFFFFFEF7, lr;
	s5 =	simm.s32 $0xFFFFFFFF;
	p2 =	slt.u32 s8, $0xFFFFF086  }
0x1c: {  	p1 =	slt.u32 s9, $0xF7A;
	s5 =	simm.s32 @!p2 $0x0  }
0x1d: {  	s5 =	simm.s32 @p1 $0x1;
	p0 =	seq.s32 s7, s2  }
0x1e: {  	s7 =	smul.u32 @!p0 $0xF7A, s2;
	p2 =	seq.s32 @!p0 s5, $0x0  }
0x1f: {  	s9 =	smul.u32 $0xF7A, s1;
	s8 =	simm.s32 @!p0 $0x1BF5;
	p2 =	por !p2, p0  }
0x20: {  	[sflag:s8] =	ssyncset.s32 @!p0 $0xFFFFF086;
	s6 =	sadd.s32 @!p0 s3, s7;
	s7 =	simm.s32 @!p0 $0x108  }
0x21: {  	s3 =	sadd.s32 s3, s9;
	s6 =	sadd.s32 @!p0 $0x88, s6;
	s7 =	simm.s32 @p2 $0x1082  }
0x22: {  	[simem:s7], [sflag:s8] =	dma.local @!p0 [hbm:s6], $0xF7A  }
0x23: {  	s9 =	sor.u32 $0xD0000000, s2;
	s6 =	simm.s32 $0x108;
	_ =	swait.ge @!p0 [sflag:s8], $0x0  }
0x24: {  	s3 =	sadd.s32 $0x88, s3;
	s6 =	simm.s32 @!p1 $0x1082;
	[sflag:s4] =	ssyncset.s32 $0xFFFFF086  }
0x25: {  	[simem:s6], [sflag:s4] =	dma.local [hbm:s3], $0xF7A  }
0x26: {  	[smem:$0x3F90] =	sst s1;
	(tag) =	ssettag s2;
	_ =	strace s9  }
0x27: {  	s1 =	sld [smem:$0x3FA0]  }
0x28: {  	s2 =	sld [smem:$0x3FA1]  }
0x29: {  	s4 =	sld [smem:$0x3FA3]  }
0x2a: {  	p0 =	seq.s32 s5, $0x0;
	s5 =	sld [smem:$0x3FA4]  }
0x2b: {  	s6 =	sld [smem:$0x3FA5]  }
0x2c: {  	s7 =	sld [smem:$0x3FA6]  }
0x2d: {  	s3 =	simm.s32 $0x108;
	s8 =	sld [smem:$0x3FA7]  }
0x2e: {  	s3 =	simm.s32 @!p0 $0x1082;
	s9 =	sld [smem:$0x3FA8]  }
0x2f: {  	lr =	sadd.s32 s0, s3;
	s0 =	sld [smem:$0x3F9F]  }
0x30: {  	s3 =	sld [smem:$0x3FA2]  }
0x31: {  	[smem:$0x3FAB] =	sst s10  }
0x32: {  	s10 =	sld [smem:$0x3FA9];
	_ =	sdelay $0x3  }
0x33: {  	p0 =	seq.s32 s10, $0x1;
	s10 =	sld [smem:$0x3FAB];
	_ =	sdelay $0x3  }
0x34: {  	[smem:$0x3FAB] =	sst s10  }
0x35: {  	s10 =	sld [smem:$0x3FAA];
	_ =	sdelay $0x3  }
0x36: {  	p1 =	seq.s32 s10, $0x1;
	s10 =	sld [smem:$0x3FAB];
	_ =	sdelay $0x3  }
0x37: {  	[smem:$0x3FAB] =	sst s10  }
0x38: {  	s10 =	sld [smem:$0x3FAC]  }
0x39: {  	_ = 	snop;
	(pc) =	sbr.ind lr, $3  }
0x3a: {  	_ = 	snop  }
0x3b: {  	_ = 	snop  }
0x3c: {  	p2 =	seq.s32 s10, $0x1;
	s10 =	sld [smem:$0x3FAB]  }
0x3d: {  	_ =	shalt  }
0x3e: {  	_ =	shalt  }
0x3f: {  	_ =	shalt  }
0x40: {  	_ =	shalt  }
0x41: {  	_ =	shalt  }
0x42: {  	_ =	shalt  }
0x43: {  	_ =	shalt  }
0x44: {  	_ =	shalt  }
0x45: {  	_ =	shalt  }
0x46: {  	_ =	shalt  }
0x47: {  	_ =	shalt  }
0x48: {  	_ =	shalt  }
0x49: {  	_ =	shalt  }
0x4a: {  	_ =	shalt  }
0x4b: {  	_ =	shalt  }
0x4c: {  	_ =	shalt  }
0x4d: {  	_ =	shalt  }
0x4e: {  	_ =	shalt  }
0x4f: {  	_ =	shalt  }
0x50: {  	_ =	shalt  }
0x51: {  	_ =	shalt  }
0x52: {  	_ =	shalt  }
0x53: {  	_ =	shalt  }
0x54: {  	_ =	shalt  }
0x55: {  	_ =	shalt  }
0x56: {  	_ =	shalt  }
0x57: {  	_ =	shalt  }
0x58: {  	_ =	shalt  }
0x59: {  	_ =	shalt  }
0x5a: {  	_ =	shalt  }
0x5b: {  	_ =	shalt  }
0x5c: {  	_ =	shalt  }
0x5d: {  	_ =	shalt  }
0x5e: {  	_ =	shalt  }
0x5f: {  	_ =	shalt  }
0x60: {  	_ =	shalt  }
0x61: {  	_ =	shalt  }
0x62: {  	_ =	shalt  }
0x63: {  	_ =	shalt  }
0x64: {  	_ =	shalt  }
0x65: {  	_ =	shalt  }
0x66: {  	_ =	shalt  }
0x67: {  	_ =	shalt  }
0x68: {  	_ =	shalt  }
0x69: {  	_ =	shalt  }
0x6a: {  	_ =	shalt  }
0x6b: {  	_ =	shalt  }
0x6c: {  	_ =	shalt  }
0x6d: {  	_ =	shalt  }
0x6e: {  	_ =	shalt  }
0x6f: {  	_ =	shalt  }
0x70: {  	_ =	shalt  }
0x71: {  	_ =	shalt  }
0x72: {  	_ =	shalt  }
0x73: {  	_ =	shalt  }
0x74: {  	_ =	shalt  }
0x75: {  	_ =	shalt  }
0x76: {  	_ =	shalt  }
0x77: {  	_ =	shalt  }
0x78: {  	_ =	shalt  }
0x79: {  	_ =	shalt  }
0x7a: {  	_ =	shalt  }
0x7b: {  	_ =	shalt  }
0x7c: {  	_ =	shalt  }
0x7d: {  	_ =	shalt  }
0x7e: {  	_ =	shalt  }
0x7f: {  	_ =	shalt  }
0x80: {  	_ =	shalt  }
0x81: {  	_ =	shalt  }
0x82: {  	_ =	shalt  }
0x83: {  	_ =	shalt  }
0x84: {  	_ =	shalt  }
0x85: {  	_ =	shalt  }
0x86: {  	_ =	shalt  }
0x87: {  	_ =	shalt  }
.Lfunc_end0:
.L_simem_size_0:
called_computation_lowered:
.L_overlay_start_0:
0x88: {  	s2 =	sld [smem:$0x3FD9]  }
0x89: {  	s3 =	sld [smem:$0x3FFE];
	_ =	sdelay $0x1  }
0x8a: {  	s1 =	srdreg.scid  }
0x8b: {  	s0 =	sand.u32 $0x1, s1  }
0x8c: {  	s17 =	sshll.u32 s0, $0xA;
	s2 =	sadd.s32 s3, s2  }
0x8d: {  	s2 =	sadd.s32 s2, s17  }
0x8e: {  	[smem:$0x3FB7] =	sst s2  }
0x8f: {  	_ = 	snop  }
0x90: {  	s2 =	sld [smem:$0x3FC7]  }
0x91: {  	s18 =	sld [smem:$0x3FC6];
	(tm) =	ssettm $0x1  }
0x92: {  	s4 =	sld [smem:$0x3FFB];
	_ =	sdelay $0x3  }
0x93: {  	_ =	strace s4  }
0x94: {  	s4 =	sld [smem:$0x3FFC];
	_ =	sdelay $0x3  }
0x95: {  	_ =	strace s4  }
0x96: {  	s4 =	sld [smem:$0x3FFD];
	_ =	sdelay $0x3  }
0x97: {  	_ =	strace s4  }
0x98: {  	_ =	strace $0x8FFFFFFF  }
0x99: {  	s19 =	sld [smem:$0x3FDB];
	_ =	sdelay $0x1  }
0x9a: {  	s5 =	simm.s32 $_scs_section_size  }
0x9b: {  	s6 =	simm.s32 $_size__tile_overlayer_lowered;
	s7 =	simm.s32 $_tile_overlayer_lowered  }
0x9c: {  	s22 =	simm.s32 $0x1BFF;
	s21 =	sshll.u32 s7, $0x1;
	s4 =	sadd.s32 s5, s19  }
0x9d: {  	s8 =	simm.s32 $0x0;
	s20 =	sshll.u32 s6, $0x1;
	s6 =	sadd.s32 s21, s4  }
0x9e: {  	[timem:s8], [sflag:s22] =	dma.local [hbm:s6], s20  }
0x9f: {  	_ =	swait.ge [sflag:s22], s20  }
0xa0: {  	s5 =	ssub.s32 $0x0, s20;
	[sflag:s22] =	ssyncset.done $0x0  }
0xa1: {  	[sflag:s22] =	ssyncadd.s32 s5;
	_ =	sdelay $0x1  }
0xa2: {  	s23 =	simm.s32 $0x1B8B  }
0xa3: {  	_ =	swait.ge [sflag:s23], $0x1  }
0xa4: {  	[sflag:s23] =	ssyncset.done $0x0  }
0xa5: {  	s25 =	simm.s32 $0x1B8E;
	s24 =	sld [smem:$0x3FFE];
	[sflag:s23] =	ssyncadd.s32 $0xFFFFFFFF  }
0xa6: {  	s26 =	simm.s32 $execute0_lowered;
	[smem:$0x3FD2] =	sst s25  }
0xa7: {  	s6 =	sshll.u32 s26, $0x1;
	_ =	strace $0x80000046;
	[dreg:$0x1] =	wrdreg $0xFFFFFFFF  }
0xa8: {  	s28 =	simm.s32 $_size_execute0_lowered;
	s4 =	sadd.s32 s4, s6;
	[dreg:$0x0] =	wrdreg $0x0  }
0xa9: {  	s6 =	sshll.u32 s28, $0x1;
	[dreg:$0x2] =	wrdreg s4  }
0xaa: {  	[dreg:$0x3] =	wrdreg s6  }
0xab: {  	[dreg:$0x4] =	wrdreg $0xC0  }
0xac: {  	_ =	task [dreg:s8], $0x5FFFF  }
0xad: {  	[dreg:$0x1] =	wrdreg $0xFFFFFFFF  }
0xae: {  	[dreg:$0x0] =	wrdreg $0x60  }
0xaf: {  	[dreg:$0x2] =	wrdreg s24  }
0xb0: {  	[dreg:$0x3] =	wrdreg s2  }
0xb1: {  	[dreg:$0x4] =	wrdreg s18  }
0xb2: {  	[dreg:$0x5] =	wrdreg $0x9  }
0xb3: {  	_ =	task.clear_ibuf [dreg:s8], $0x6FFFF;
	_ =	strace $0x90000046  }
0xb4: {  	s29 =	simm.s32 $0x9;
	_ =	strace $0x80000048  }
0xb5: {  	_ =	swait.ge [sflag:s29], $0x1  }
0xb6: {  	[sflag:s29] =	ssyncadd.s32 $0xFFFFFFFF  }
0xb7: {  	_ =	strace $0x90000048  }
0xb8: {  	_ =	sfence  }
0xb9: {  	s30 =	sld [smem:$0x0];
	_ =	sdelay $0x2  }
0xba: {  	s31 =	sshll.u32 s1, $0xD;
	s1 =	sshrl.u32 s1, $0x2  }
0xbb: {  	s3 =	sand.u32 $0x4000, s31;
	s1 =	sadd.s32 s1, s30  }
0xbc: {  	s0 =	sor.u32 s3, s0;
	s1 =	sshll.u32 s1, $0x11  }
0xbd: {  	s0 =	sor.u32 s1, s0  }
0xbe: {  	s0 =	sadd.s32 $0x8F2B, s0  }
0xbf: {  	[sflag:s0] =	ssyncadd.remote.s32 $0x1  }
0xc0: {  	_ =	sfence.sel $0xFFFF  }
0xc1: {  	[dreg:$0x0] =	wrdreg $0xFFFFFFFF;
	(pc) =	sbr.abs _section_cstart, $3  }
0xc2: {  	[dreg:$0x1] =	wrdreg $0xFFFFFFFF  }
0xc3: {  	_ =	task.clear_ibuf [dreg:s8], $0x2FFFF;
	_ =	strace $0x9FFFFFFF  }
0xc4: {  	(tm) =	ssettm $0x7FFFFFFF  }
0xc5: {  	_ =	shalt  }
tec
execute0_lowered:
.L_overlay_start_1:
0x0: {  	(tag) =	ssettag $0x1  }
0x1: {  	v0 =	vimm.s32 $0x76543210  }
0x2: {  	v1 =	vimm.s32 $0x54321098;
	vm0 =	vcmask $0x2700;
	v2 =	vimm.s32 $0x1  }
0x3: {  	v3 =	vimm.s32 $0x10987654;
	vm1 =	vcmask $0xF00;
	v4 =	vimm.s32 $0x3  }
0x4: {  	vm2 =	vcmask $0x3710;
	v12 =	vlaneseq.u32;
	vm3 =	vcmask $0x2F10  }
0x5: {  	vm4 =	vcmask $0x1700;
	v0 =	vunpack.c.l.s4.s8 v0;
	v1 =	vunpack.c.l.s4.s8 v1  }
0x6: {  	v14 =	vimm.s32 $0x9;
	v13 =	vshrl.u32 v12, $0x3;
	v24 =	vmul.u32 $0xB0, v12  }
0x7: {  	v12 =	vadd.s32 $0xB, v13;
	v5 =	vunpack.c.0.s8.s32 v0;
	v6 =	vunpack.c.0.s8.s32 v1  }
0x8: {  	s0 =	rddreg [dreg:$0x0];
	v1 =	vimm.s32 $0x32109876;
	v0 =	vsel vm0, $0x0, v2;
	v2 =	vunpack.c.l.s4.s8 v3  }
0x9: {  	s2 =	rddreg [dreg:$0x1];
	v17 =	vadd.s32 $0xA2, v24;
	v18 =	vadd.s32 $0xA3, v24;
	v1 =	vunpack.c.l.s4.s8 v1  }
0xa: {  	s8 =	rddreg [dreg:$0x2];
	s1 =	simm.s32 $0x0;
	v19 =	vadd.s32 $0xA4, v24;
	v20 =	vadd.s32 $0xA5, v24;
	v21 =	vadd.s32 $0xA6, v24  }
0xb: {  	s3 =	srdreg.scid;
	s4 =	stileid.u32;
	s13 =	simm.s32 $0x50;
	v3 =	vcombine.low v5, v6;
	v8 =	vunpack.c.0.s8.s32 v2;
	v7 =	vunpack.c.0.s8.s32 v1  }
0xc: {  	s18 =	simm.s32 $0x10;
	s20 =	simm.s32 $0x36C0;
	s23 =	simm.s32 $0x55C0;
	v22 =	vadd.s32 $0xA7, v24;
	v2 =	vsel vm1, $0x1, v4;
	v1 =	vimm.s32 $0x98765432  }
0xd: {  	s24 =	simm.s32 $0x5680;
	s28 =	simm.s32 $0x5660;
	s29 =	simm.s32 $0x8880;
	v4 =	vunpack.c.l.s4.s8 v1;
	v1 =	vand.u32 $0xF, v3;
	v3 =	vcombine.low v7, v8  }
0xe: {  	s30 =	simm.s32 $0x5670;
	s31 =	simm.s32 $0x9380;
	s12 =	simm.s32 $0x4BC0;
	v23 =	vadd.s32 $0xA8, v24;
	v2 =	vsel vm2, $0x2, v2;
	v7 =	vcombine.low v6, v7  }
0xf: {  	s14 =	simm.s32 $0x0;
	[smem:$0x7FF] =	sst s1;
	s5 =	sand.u32 $0x1, s3;
	v9 =	vunpack.c.0.s8.s32 v4;
	v4 =	vimm.s32 $0x5050404;
	v3 =	vand.u32 $0xF, v3  }
0x10: {  	s3 =	sadd.s32 $0x42A00, s0;
	s6 =	sshll.u32 s4, $0xA;
	s7 =	sshll.u32 s5, $0x9;
	v10 =	vunpack.c.0.s8.s32 v4;
	v4 =	vadd.s32 $0x3, v13;
	v7 =	vand.u32 $0xF, v7  }
0x11: {  	s4 =	sadd.s32 $0x56A00, s0;
	s9 =	ssub.s32 $0x2, s5;
	s5 =	sor.u32 s7, s6;
	v11 =	vand.u32 $0xF, v9;
	v8 =	vcombine.low v8, v9;
	v9 =	vimm.s32 $0x7  }
0x12: {  	_ =	strace $0x80000047;
	s6 =	sadd.s32 $0x2A00, s0;
	s11 =	sshrl.u32 s5, $0x3;
	v6 =	vnsel vm1, $0x6, v10;
	v5 =	vcombine.low v11, v5;
	v9 =	vsel vm4, $0x6, v9  }
0x13: {  	s10 =	sshrl.u32 s9, $0x1;
	s7 =	sadd.s32 $0x82A00, s0;
	s2 =	sadd.s32 s2, s11;
	v10 =	vimm.s32 $0xB;
	v11 =	vimm.s32 $0xD0D0C0C;
	v6 =	vsel vm3, $0x5, v6  }
0x14: {  	s25 =	ssub.s32 s9, s10;
	s26 =	sadd.s32 s8, s11;
	[dreg:$0x4] =	wrdreg s2;
	v8 =	vand.u32 $0xF, v8;
	v15 =	vsel vm1, $0x9, v10;
	v16 =	vunpack.c.0.s8.s32 v11  }
0x15: {  	s9 =	simm.s32 $0x9D80;
	s0 =	smax.u32 s25, $0x1;
	[dreg:$0x5] =	wrdreg s26;
	v10 =	vsel vm0, $0x8, v14;
	v14 =	vimm.s32 $0xF;
	v11 =	vsel vm2, $0xA, v15  }
0x16: {  	s25 =	simm.s32 $0x5610;
	s8 =	simm.s32 $0x2;
	[dreg:$0x6] =	wrdreg s0;
	v14 =	vsel vm4, $0xE, v14;
	v15 =	vadd.s32 $0xA0, v24;
	v13 =	vnsel vm1, $0xE, v16  }
0x17: {  	s26 =	simm.s32 $0x6F80;
	s0 =	simm.s32 $0x1;
	s2 =	simm.s32 $0xA780;
	v16 =	vadd.s32 $0xA1, v24;
	v24 =	vadd.s32 $0xA9, v24;
	v13 =	vsel vm3, $0xD, v13  }
.LBB2_1:
0x18: {  	[dreg:$0x7] =	wrdreg s14  }
0x19: {  	s10 =	rddreg [dreg:$0x4];
	s11 =	simm.s32 $0x5  }
0x1a: {  	[tilespmem:s1], [sflag:$0x5] =	stream.linear.gather [hbm4b:s10+s1], $0x200, $0x38;
	[tilespmem:$0xA820] =	vst v63  }
0x1b: {  	_ =	swait.ge [sflag:s11], $0x200  }
0x1c: {  	[sflag:s11] =	ssyncset.done $0x0  }
0x1d: {  	s22 =	simm.s32 $0x200;
	s21 =	rddreg [dreg:$0x5];
	[sflag:s11] =	ssyncadd.s32 $0xFFFFFE00  }
0x1e: {  	[tilespmem:s22], [sflag:$0x5] =	stream.linear.gather [hbm4b:s21+s1], $0x200, $0x38;
	[tilespmem:$0xA820] =	vst v63  }
0x1f: {  	_ =	swait.ge [sflag:s11], $0x200  }
0x20: {  	[sflag:s11] =	ssyncset.done $0x0  }
0x21: {  	[sflag:s11] =	ssyncadd.s32 $0xFFFFFE00  }
0x22: {  	v25 =	vld.idx.msk [tilespmem:v0+s1+$0x0], $0xffff;
	_ =	sdelay $0x4  }
0x23: {  	v25 =	vadd.s32 v1, v25  }
0x24: {  	[tilespmem:$0x400] =	vst v25  }
0x25: {  	v25 =	vld.idx.msk [tilespmem:v2+s1+$0x0], $0xffff;
	_ =	sdelay $0x4  }
0x26: {  	v25 =	vadd.s32 v3, v25  }
0x27: {  	[tilespmem:$0x410] =	vst v25  }
0x28: {  	v25 =	vld.idx.msk [tilespmem:v4+s1+$0x0], $0xffff;
	_ =	sdelay $0x4  }
0x29: {  	v25 =	vadd.s32 v5, v25  }
0x2a: {  	[tilespmem:$0x420] =	vst v25  }
0x2b: {  	v25 =	vld.idx.msk [tilespmem:v6+s1+$0x0], $0xffff;
	_ =	sdelay $0x4  }
0x2c: {  	v25 =	vadd.s32 v7, v25  }
0x2d: {  	[tilespmem:$0x430] =	vst v25  }
0x2e: {  	v25 =	vld.idx.msk [tilespmem:v9+s1+$0x0], $0xffff;
	_ =	sdelay $0x4  }
0x2f: {  	v25 =	vadd.s32 v8, v25  }
0x30: {  	[tilespmem:$0x440] =	vst v25  }
0x31: {  	v25 =	vld.idx.msk [tilespmem:v10+s1+$0x0], $0xffff;
	_ =	sdelay $0x4  }
0x32: {  	v25 =	vadd.s32 v1, v25  }
0x33: {  	[tilespmem:$0x450] =	vst v25  }
0x34: {  	v25 =	vld.idx.msk [tilespmem:v11+s1+$0x0], $0xffff;
	_ =	sdelay $0x4  }
0x35: {  	v25 =	vadd.s32 v3, v25  }
0x36: {  	[tilespmem:$0x460] =	vst v25  }
0x37: {  	v25 =	vld.idx.msk [tilespmem:v12+s1+$0x0], $0xffff;
	_ =	sdelay $0x4  }
0x38: {  	v25 =	vadd.s32 v5, v25  }
0x39: {  	[tilespmem:$0x470] =	vst v25  }
0x3a: {  	v25 =	vld.idx.msk [tilespmem:v13+s1+$0x0], $0xffff;
	_ =	sdelay $0x4  }
0x3b: {  	v25 =	vadd.s32 v7, v25  }
0x3c: {  	v26 =	vld [tilespmem:$0x0];
	[tilespmem:$0x480] =	vst v25  }
0x3d: {  	v25 =	vld.idx.msk [tilespmem:v14+s1+$0x0], $0xffff  }
0x3e: {  	v27 =	vld [tilespmem:$0x200];
	_ =	sdelay $0x3  }
0x3f: {  	[tilespmem:$0x4A0] =	vst v26;
	v25 =	vadd.s32 v8, v25  }
0x40: {  	[tilespmem:$0x490] =	vst v25;
	v25 =	vadd.s32 v26, v27  }
0x41: {  	s14 =	simm.s32 $0x400;
	s15 =	simm.s32 $0x4C0;
	[tilespmem:$0x4B0] =	vst v25  }
0x42: {  	[tilespmem:s15], [sflag:$0x1] =	stream.indirect.gather [hbm4b:s3+s13], $0x50, s14, s13, $0xb8;
	[tilespmem:$0xA820] =	vst v63  }
0x43: {  	s16 =	simm.s32 $0x450;
	s17 =	simm.s32 $0x1DC0  }
0x44: {  	[tilespmem:s17], [sflag:$0x1] =	stream.indirect.gather [hbm4b:s3+s13], $0x50, s16, s13, $0xb8;
	[tilespmem:$0xA820] =	vst v63  }
0x45: {  	s19 =	simm.s32 $0x4A0  }
0x46: {  	[tilespmem:s20], [sflag:$0x1] =	stream.indirect.gather [hbm4b:s4+s18], $0xB0, s19, s18, $0xb8;
	[tilespmem:$0xA820] =	vst v63  }
0x47: {  	s21 =	simm.s32 $0x4B0;
	s22 =	simm.s32 $0x41C0;
	s11 =	simm.s32 $0x0  }
0x48: {  	[tilespmem:s22], [sflag:$0x1] =	stream.indirect.gather [hbm4b:s6+s18], $0xA0, s21, s18, $0xb8;
	[tilespmem:$0xA820] =	vst v63  }
.LBB2_2:
0x49: {  	s14 =	sshll.u32 s11, $0x5  }
0x4a: {  	s10 =	sor.u32 $0x10, s14  }
0x4b: {  	v25 =	vor.u32 s10, v0;
	_ =	sdelay $0x4  }
0x4c: {  	v25 =	vld.idx.msk [tilespmem:v25+s1+$0x0], $0xffff;
	_ =	sdelay $0x1  }
0x4d: {  	v26 =	vor.u32 s10, v2;
	_ =	sdelay $0x2  }
0x4e: {  	v27 =	vld [tilespmem:s14+$0x10];
	v25 =	vadd.s32 v1, v25  }
0x4f: {  	v28 =	vld [tilespmem:s14+$0x210];
	[tilespmem:$0x55C0] =	vst v25  }
0x50: {  	v25 =	vld.idx.msk [tilespmem:v26+s1+$0x0], $0xffff;
	_ =	sdelay $0x1  }
0x51: {  	v26 =	vor.u32 s10, v4;
	_ =	sdelay $0x2  }
0x52: {  	v25 =	vadd.s32 v3, v25  }
0x53: {  	[tilespmem:$0x55D0] =	vst v25  }
0x54: {  	v25 =	vld.idx.msk [tilespmem:v26+s1+$0x0], $0xffff;
	_ =	sdelay $0x1  }
0x55: {  	v26 =	vor.u32 s10, v6;
	_ =	sdelay $0x2  }
0x56: {  	v25 =	vadd.s32 v5, v25  }
0x57: {  	[tilespmem:$0x55E0] =	vst v25  }
0x58: {  	v25 =	vld.idx.msk [tilespmem:v26+s1+$0x0], $0xffff;
	_ =	sdelay $0x1  }
0x59: {  	v26 =	vor.u32 s10, v9;
	_ =	sdelay $0x2  }
0x5a: {  	v25 =	vadd.s32 v7, v25  }
0x5b: {  	[tilespmem:$0x55F0] =	vst v25  }
0x5c: {  	v25 =	vld.idx.msk [tilespmem:v26+s1+$0x0], $0xffff;
	_ =	sdelay $0x1  }
0x5d: {  	v26 =	vor.u32 s10, v10;
	_ =	sdelay $0x2  }
0x5e: {  	v25 =	vadd.s32 v8, v25  }
0x5f: {  	[tilespmem:$0x5600] =	vst v25  }
0x60: {  	v25 =	vld.idx.msk [tilespmem:v26+s1+$0x0], $0xffff;
	_ =	sdelay $0x1  }
0x61: {  	v26 =	vor.u32 s10, v11;
	_ =	sdelay $0x2  }
0x62: {  	v25 =	vadd.s32 v1, v25  }
0x63: {  	[tilespmem:$0x5610] =	vst v25  }
0x64: {  	v25 =	vld.idx.msk [tilespmem:v26+s1+$0x0], $0xffff;
	_ =	sdelay $0x1  }
0x65: {  	v26 =	vor.u32 s10, v12;
	_ =	sdelay $0x2  }
0x66: {  	v25 =	vadd.s32 v3, v25  }
0x67: {  	[tilespmem:$0x5620] =	vst v25  }
0x68: {  	v25 =	vld.idx.msk [tilespmem:v26+s1+$0x0], $0xffff;
	_ =	sdelay $0x1  }
0x69: {  	v26 =	vor.u32 s10, v13;
	_ =	sdelay $0x2  }
0x6a: {  	v25 =	vadd.s32 v5, v25  }
0x6b: {  	[tilespmem:$0x5630] =	vst v25  }
0x6c: {  	v25 =	vld.idx.msk [tilespmem:v26+s1+$0x0], $0xffff;
	_ =	sdelay $0x1  }
0x6d: {  	v26 =	vor.u32 s10, v14;
	_ =	sdelay $0x2  }
0x6e: {  	v25 =	vadd.s32 v7, v25  }
0x6f: {  	[tilespmem:$0x5640] =	vst v25  }
0x70: {  	v25 =	vld.idx.msk [tilespmem:v26+s1+$0x0], $0xffff;
	_ =	sdelay $0x4  }
0x71: {  	[tilespmem:$0x5660] =	vst v27;
	v25 =	vadd.s32 v8, v25  }
0x72: {  	[tilespmem:$0x5650] =	vst v25;
	v25 =	vadd.s32 v27, v28  }
0x73: {  	[tilespmem:$0x5670] =	vst v25  }
0x74: {  	[tilespmem:s24], [sflag:$0x2] =	stream.indirect.gather [hbm4b:s3+s13], $0x50, s23, s13, $0xb8;
	[tilespmem:$0xA820] =	vst v63  }
0x75: {  	_ = 	snop  }
0x76: {  	[tilespmem:s26], [sflag:$0x2] =	stream.indirect.gather [hbm4b:s3+s13], $0x50, s25, s13, $0xb8;
	[tilespmem:$0xA820] =	vst v63  }
0x77: {  	_ = 	snop  }
0x78: {  	[tilespmem:s29], [sflag:$0x2] =	stream.indirect.gather [hbm4b:s4+s18], $0xB0, s28, s18, $0xb8;
	[tilespmem:$0xA820] =	vst v63  }
0x79: {  	_ = 	snop  }
0x7a: {  	[tilespmem:s31], [sflag:$0x2] =	stream.indirect.gather [hbm4b:s6+s18], $0xA0, s30, s18, $0xb8;
	[tilespmem:$0xA820] =	vst v63  }
0x7b: {  	_ =	swait.ge [sflag:s0], $0x1900  }
0x7c: {  	[sflag:s0] =	ssyncset.done $0x0  }
0x7d: {  	[sflag:s0] =	ssyncadd.s32 $0xFFFFE700  }
0x7e: {  	_ =	swait.ge [sflag:s0], $0x1900  }
0x7f: {  	[sflag:s0] =	ssyncset.done $0x0  }
0x80: {  	[sflag:s0] =	ssyncadd.s32 $0xFFFFE700  }
0x81: {  	_ =	swait.ge [sflag:s0], $0xB00  }
0x82: {  	[sflag:s0] =	ssyncset.done $0x0  }
0x83: {  	[sflag:s0] =	ssyncadd.s32 $0xFFFFF500  }
0x84: {  	_ =	swait.ge [sflag:s0], $0xA00  }
0x85: {  	p0 =	seq.s32 s11, $0x0;
	[sflag:s0] =	ssyncset.done $0x0  }
0x86: {  	s15 =	simm.s32 @!p0 $0x3;
	[sflag:s0] =	ssyncadd.s32 $0xFFFFF600  }
0x87: {  	_ =	swait.ge @!p0 [sflag:s15], $0xA00  }
0x88: {  	[sflag:s15] =	ssyncset.done @!p0 $0x0  }
0x89: {  	[sflag:s15] =	ssyncadd.s32 @!p0 $0xFFFFF600  }
0x8a: {  	v25 =	vld [tilespmem:s14+$0x200]  }
0x8b: {  	v26 =	vld.idx.msk [tilespmem:v15+s20+$0x0], $0xffff  }
0x8c: {  	v27 =	vld.idx.msk [tilespmem:v16+s20+$0x0], $0xffff  }
0x8d: {  	v45 =	vld.idx.msk [tilespmem:v17+s20+$0x0], $0xffff  }
0x8e: {  	v29 =	vld.idx.msk [tilespmem:v18+s20+$0x0], $0xffff  }
0x8f: {  	v30 =	vld.idx.msk [tilespmem:v19+s20+$0x0], $0xffff  }
0x90: {  	v32 =	vld.idx.msk [tilespmem:v20+s20+$0x0], $0xffff;
	vm9 =	vgt.s32 v25, $0xFFFFFFFF;
	v31 =	vmax.f32 v26, $-1.000000020e+30;
	vm8 =	vgt.s32 v25, $0x0  }
0x91: {  	v34 =	vld.idx.msk [tilespmem:v21+s20+$0x0], $0xffff;
	vm7 =	vgt.s32 v25, $0x1;
	v31 =	vnsel vm9, $0xF149F2CA, v31;
	v33 =	vnsel vm8, $0xF149F2CA, v27  }
0x92: {  	v35 =	vld.idx.msk [tilespmem:v22+s20+$0x0], $0xffff;
	vm3 =	vgt.s32 v25, $0x2;
	v46 =	vnsel vm7, $0xF149F2CA, v45;
	v31 =	vmax.f32 v31, v33  }
0x93: {  	v36 =	vld.idx.msk [tilespmem:v23+s20+$0x0], $0xffff;
	vm0 =	vgt.s32 v25, $0x3;
	v47 =	vnsel vm3, $0xF149F2CA, v29;
	v31 =	vmax.f32 v31, v46  }
0x94: {  	v37 =	vld.idx.msk [tilespmem:v24+s20+$0x0], $0xffff;
	vm1 =	vgt.s32 v25, $0x4;
	v48 =	vnsel vm0, $0xF149F2CA, v30;
	v31 =	vmax.f32 v31, v47  }
0x95: {  	vm4 =	vgt.s32 v25, $0x5;
	v49 =	vnsel vm1, $0xF149F2CA, v32;
	v31 =	vmax.f32 v31, v48  }
0x96: {  	vm5 =	vgt.s32 v25, $0x6;
	v50 =	vnsel vm4, $0xF149F2CA, v34;
	v31 =	vmax.f32 v31, v49  }
0x97: {  	vm6 =	vgt.s32 v25, $0x7;
	v51 =	vnsel vm5, $0xF149F2CA, v35;
	v31 =	vmax.f32 v31, v50  }
0x98: {  	vm2 =	vgt.s32 v25, $0x8;
	v25 =	vnsel vm6, $0xF149F2CA, v36;
	v31 =	vmax.f32 v31, v51  }
0x99: {  	v52 =	vnsel vm2, $0xF149F2CA, v37;
	v25 =	vmax.f32 v31, v25  }
0x9a: {  	v25 =	vmax.f32 v25, v52  }
0x9b: {  	v26 =	vsub.f32 v26, v25;
	_ =	sdelay $0x1  }
0x9c: {  	v27 =	vsub.f32 v27, v25;
	v26 =	vmul.f32 $1.442695020e+00, v26;
	_ =	sdelay $0x1  }
0x9d: {  	(erf) = vpow2.f32 v26;
	v26 =	vmul.f32 $1.442695020e+00, v27;
	v27 =	vsub.f32 v45, v25;
	_ =	sdelay $0x1  }
0x9e: {  	(erf) = vpow2.f32 v26;
	v26 =	vmul.f32 $1.442695020e+00, v27  }
0x9f: {  	v27 =	vsub.f32 v29, v25  }
0xa0: {  	(erf) = vpow2.f32 v26  }
0xa1: {  	v26 =	vmul.f32 $1.442695020e+00, v27;
	v27 =	vsub.f32 v30, v25;
	_ =	sdelay $0x1  }
0xa2: {  	(erf) = vpow2.f32 v26;
	v26 =	vmul.f32 $1.442695020e+00, v27;
	v27 =	vsub.f32 v32, v25;
	_ =	sdelay $0x1  }
0xa3: {  	v53 =	vpop (erf);
	(erf) = vpow2.f32 v26;
	v26 =	vmul.f32 $1.442695020e+00, v27;
	v27 =	vsub.f32 v34, v25;
	_ =	sdelay $0x1  }
0xa4: {  	v28 =	vnsel vm9, $0x0, v53;
	v54 =	vpop (erf);
	(erf) = vpow2.f32 v26;
	v26 =	vmul.f32 $1.442695020e+00, v27  }
0xa5: {  	v27 =	vsub.f32 v35, v25;
	v55 =	vadd.f32 $0.0e+00, v28  }
0xa6: {  	v29 =	vnsel vm8, $0x0, v54;
	v56 =	vpop (erf);
	(erf) = vpow2.f32 v26  }
0xa7: {  	v26 =	vmul.f32 $1.442695020e+00, v27;
	v27 =	vsub.f32 v36, v25;
	v30 =	vadd.f32 v55, v29  }
0xa8: {  	v25 =	vsub.f32 v37, v25;
	v31 =	vnsel vm7, $0x0, v56  }
0xa9: {  	(erf) = vpow2.f32 v26;
	v26 =	vmul.f32 $1.442695020e+00, v27;
	v27 =	vadd.f32 v30, v31;
	_ =	sdelay $0x1  }
0xaa: {  	v57 =	vpop (erf);
	v25 =	vmul.f32 $1.442695020e+00, v25  }
0xab: {  	v30 =	vnsel vm3, $0x0, v57;
	(erf) = vpow2.f32 v26  }
0xac: {  	v26 =	vadd.f32 v27, v30;
	v27 =	vpop (erf)  }
0xad: {  	(erf) = vpow2.f32 v25;
	v27 =	vnsel vm0, $0x0, v27  }
0xae: {  	v25 =	vpop (erf);
	v26 =	vadd.f32 v26, v27  }
0xaf: {  	v25 =	vnsel vm1, $0x0, v25  }
0xb0: {  	v58 =	vpop (erf);
	v26 =	vadd.f32 v26, v25  }
0xb1: {  	v32 =	vnsel vm4, $0x0, v58  }
0xb2: {  	v59 =	vpop (erf);
	v26 =	vadd.f32 v26, v32  }
0xb3: {  	v33 =	vnsel vm5, $0x0, v59  }
0xb4: {  	v60 =	vpop (erf);
	v26 =	vadd.f32 v26, v33  }
0xb5: {  	v34 =	vnsel vm6, $0x0, v60  }
0xb6: {  	v61 =	vpop (erf);
	v26 =	vadd.f32 v26, v34  }
0xb7: {  	v35 =	vnsel vm2, $0x0, v61  }
0xb8: {  	v26 =	vadd.f32 v26, v35;
	_ =	sdelay $0x1  }
0xb9: {  	(erf) = vrcp.f32 v26;
	_ =	sdelay $0x8  }
0xba: {  	v26 =	vpop (erf)  }
0xbb: {  	v28 =	vmul.f32 v26, v28  }
0xbc: {  	v29 =	vmul.f32 v26, v29  }
0xbd: {  	v62 =	vmul.f32 v26, v31;
	[tilespmem:$0xA780] =	vst v28  }
0xbe: {  	v63 =	vmul.f32 v26, v30;
	[tilespmem:$0xA790] =	vst v29  }
0xbf: {  	v27 =	vmul.f32 v26, v27;
	[tilespmem:$0xA7A0] =	vst v62  }
0xc0: {  	v25 =	vmul.f32 v26, v25;
	[tilespmem:$0xA7B0] =	vst v63  }
0xc1: {  	[tilespmem:$0xA7C0] =	vst v27;
	v27 =	vmul.f32 v26, v32  }
0xc2: {  	[tilespmem:$0xA7D0] =	vst v25;
	v25 =	vmul.f32 v26, v33  }
0xc3: {  	[tilespmem:$0xA7E0] =	vst v27;
	v27 =	vmul.f32 v26, v34  }
0xc4: {  	[tilespmem:$0xA7F0] =	vst v25;
	v25 =	vmul.f32 v26, v35  }
0xc5: {  	s16 =	simm.s32 $0x4260;
	s17 =	simm.s32 $0x4C60;
	[tilespmem:$0xA800] =	vst v27  }
0xc6: {  	s19 =	simm.s32 $0x3770;
	s21 =	simm.s32 $0x7E0;
	s15 =	simm.s32 $0x0;
	[tilespmem:$0xA810] =	vst v25  }
.LBB2_3:
0xc7: {  	v26 =	vmov s15;
	_ =	sdelay $0x2  }
0xc8: {  	v29 =	vld [tilespmem:s19+$0xFFFFFF50]  }
0xc9: {  	v30 =	vld [tilespmem:s16+$0xFFFFFF60];
	v28 =	vand.u32 $0xE, v26  }
0xca: {  	v25 =	vld.idx.msk [tilespmem:v26+s2+$0x0], $0xffff;
	v26 =	vor.u32 $0x10, v28  }
0xcb: {  	v31 =	vld [tilespmem:s19+$0xFFFFFF60]  }
0xcc: {  	v33 =	vld [tilespmem:s21+$0xFFFFFCE0];
	v32 =	vor.u32 $0x20, v28  }
0xcd: {  	v34 =	vld [tilespmem:s16+$0xFFFFFF70]  }
0xce: {  	v36 =	vld [tilespmem:s21+$0xFFFFFD30];
	v35 =	vor.u32 $0x30, v28  }
0xcf: {  	v37 =	vor.u32 $0x40, v28;
	v27 =	vld.idx.msk [tilespmem:v26+s2+$0x0], $0xffff  }
0xd0: {  	v41 =	vld [tilespmem:s21+$0xFFFFFD80];
	v38 =	vor.u32 $0x50, v28;
	v39 =	vor.u32 $0x60, v28;
	v40 =	vor.u32 $0x70, v28  }
0xd1: {  	v42 =	vor.u32 $0x80, v28;
	v43 =	vor.u32 $0x90, v28;
	v60 =	vunpack.i.l.bf16.f32 v33;
	v26 =	vld.idx.msk [tilespmem:v32+s2+$0x0], $0xffff  }
0xd2: {  	v63 =	vld [tilespmem:s21+$0xFFFFFDD0];
	v29 =	vadd.f32 v30, v29;
	v61 =	vunpack.i.u.bf16.f32 v33;
	v62 =	vmul.f32 v60, v25  }
0xd3: {  	v31 =	vadd.f32 v34, v31;
	v44 =	vunpack.i.l.bf16.f32 v36;
	v28 =	vld.idx.msk [tilespmem:v35+s2+$0x0], $0xffff;
	v30 =	vmul.f32 v61, v25  }
0xd4: {  	v46 =	vld [tilespmem:s21+$0xFFFFFE20];
	v45 =	vunpack.i.u.bf16.f32 v36;
	v32 =	vadd.f32 v62, v29;
	v34 =	vmul.f32 v44, v27  }
0xd5: {  	v47 =	vunpack.i.l.bf16.f32 v41;
	v29 =	vld.idx.msk [tilespmem:v37+s2+$0x0], $0xffff;
	v31 =	vadd.f32 v30, v31;
	v35 =	vmul.f32 v45, v27  }
0xd6: {  	v50 =	vld [tilespmem:s21+$0xFFFFFE70];
	v48 =	vunpack.i.u.bf16.f32 v41;
	v49 =	vmul.f32 v47, v26;
	v32 =	vadd.f32 v34, v32  }
0xd7: {  	v51 =	vunpack.i.l.bf16.f32 v63;
	v30 =	vld.idx.msk [tilespmem:v38+s2+$0x0], $0xffff;
	v35 =	vadd.f32 v35, v31;
	v34 =	vmul.f32 v48, v26  }
0xd8: {  	v53 =	vld [tilespmem:s21+$0xFFFFFEC0];
	v33 =	vunpack.i.u.bf16.f32 v63;
	v52 =	vmul.f32 v51, v28;
	v32 =	vadd.f32 v49, v32  }
0xd9: {  	v54 =	vunpack.i.l.bf16.f32 v46;
	v33 =	vmul.f32 v33, v28;
	v31 =	vld.idx.msk [tilespmem:v39+s2+$0x0], $0xffff;
	v34 =	vadd.f32 v34, v35  }
0xda: {  	v55 =	vld [tilespmem:s21+$0xFFFFFF10];
	v36 =	vunpack.i.u.bf16.f32 v46;
	v35 =	vmul.f32 v54, v29;
	v37 =	vadd.f32 v52, v32  }
0xdb: {  	v56 =	vunpack.i.l.bf16.f32 v50;
	v36 =	vmul.f32 v36, v29;
	v32 =	vld.idx.msk [tilespmem:v40+s2+$0x0], $0xffff;
	v34 =	vadd.f32 v33, v34  }
0xdc: {  	v59 =	vld [tilespmem:s21+$0xFFFFFF60];
	v57 =	vunpack.i.u.bf16.f32 v50;
	v58 =	vmul.f32 v56, v30;
	v35 =	vadd.f32 v35, v37  }
0xdd: {  	v60 =	vunpack.i.l.bf16.f32 v53;
	v33 =	vld.idx.msk [tilespmem:v42+s2+$0x0], $0xffff;
	v36 =	vadd.f32 v36, v34;
	v37 =	vmul.f32 v57, v30  }
0xde: {  	v38 =	vunpack.i.u.bf16.f32 v53;
	v62 =	vld [tilespmem:s21+$0xFFFFFFB0];
	v61 =	vmul.f32 v60, v31;
	v35 =	vadd.f32 v58, v35  }
0xdf: {  	v63 =	vmul.f32 v38, v31;
	v34 =	vld.idx.msk [tilespmem:v43+s2+$0x0], $0xffff;
	v43 =	vunpack.i.l.bf16.f32 v55;
	v36 =	vadd.f32 v37, v36  }
0xe0: {  	v39 =	vunpack.i.u.bf16.f32 v55;
	v38 =	vmul.f32 v43, v32;
	v35 =	vadd.f32 v61, v35  }
0xe1: {  	v45 =	vunpack.i.l.bf16.f32 v59;
	v44 =	vmul.f32 v39, v32;
	v36 =	vadd.f32 v63, v36  }
0xe2: {  	v46 =	vunpack.i.u.bf16.f32 v59;
	v39 =	vmul.f32 v45, v33;
	v35 =	vadd.f32 v38, v35  }
0xe3: {  	v48 =	vunpack.i.l.bf16.f32 v62;
	v47 =	vmul.f32 v46, v33;
	v36 =	vadd.f32 v44, v36  }
0xe4: {  	v49 =	vunpack.i.u.bf16.f32 v62;
	v38 =	vmul.f32 v48, v34;
	v35 =	vadd.f32 v39, v35  }
0xe5: {  	v50 =	vmul.f32 v49, v34;
	v36 =	vadd.f32 v47, v36  }
0xe6: {  	v35 =	vadd.f32 v38, v35  }
0xe7: {  	v36 =	vadd.f32 v50, v36  }
0xe8: {  	[tilespmem:s17+$0xFFFFFF60] =	vst v35  }
0xe9: {  	[tilespmem:s17+$0xFFFFFF70] =	vst v36  }
0xea: {  	v35 =	vld [tilespmem:s19+$0xFFFFFF70]  }
0xeb: {  	v36 =	vld [tilespmem:s16+$0xFFFFFF80]  }
0xec: {  	v51 =	vld [tilespmem:s19+$0xFFFFFF80]  }
0xed: {  	v52 =	vld [tilespmem:s21+$0xFFFFFCF0]  }
0xee: {  	v53 =	vld [tilespmem:s16+$0xFFFFFF90]  }
0xef: {  	v54 =	vld [tilespmem:s21+$0xFFFFFD40];
	_ =	sdelay $0x1  }
0xf0: {  	v55 =	vld [tilespmem:s21+$0xFFFFFD90]  }
0xf1: {  	v56 =	vunpack.i.l.bf16.f32 v52  }
0xf2: {  	v59 =	vld [tilespmem:s21+$0xFFFFFDE0];
	v35 =	vadd.f32 v36, v35;
	v57 =	vunpack.i.u.bf16.f32 v52;
	v58 =	vmul.f32 v56, v25  }
0xf3: {  	v37 =	vadd.f32 v53, v51;
	v60 =	vunpack.i.l.bf16.f32 v54;
	v36 =	vmul.f32 v57, v25  }
0xf4: {  	v62 =	vld [tilespmem:s21+$0xFFFFFE30];
	v61 =	vunpack.i.u.bf16.f32 v54;
	v39 =	vmul.f32 v60, v27;
	v35 =	vadd.f32 v58, v35  }
0xf5: {  	v44 =	vunpack.i.l.bf16.f32 v55;
	v63 =	vmul.f32 v61, v27;
	v36 =	vadd.f32 v36, v37  }
0xf6: {  	v46 =	vld [tilespmem:s21+$0xFFFFFE80];
	v45 =	vunpack.i.u.bf16.f32 v55;
	v38 =	vmul.f32 v44, v26;
	v35 =	vadd.f32 v39, v35  }
0xf7: {  	v48 =	vunpack.i.l.bf16.f32 v59;
	v47 =	vmul.f32 v45, v26;
	v36 =	vadd.f32 v63, v36  }
0xf8: {  	v50 =	vld [tilespmem:s21+$0xFFFFFED0];
	v49 =	vunpack.i.u.bf16.f32 v59;
	v39 =	vmul.f32 v48, v28;
	v35 =	vadd.f32 v38, v35  }
0xf9: {  	v52 =	vunpack.i.l.bf16.f32 v62;
	v51 =	vmul.f32 v49, v28;
	v36 =	vadd.f32 v47, v36  }
0xfa: {  	v53 =	vunpack.i.u.bf16.f32 v62;
	v54 =	vld [tilespmem:s21+$0xFFFFFF20];
	v38 =	vmul.f32 v52, v29;
	v35 =	vadd.f32 v39, v35  }
0xfb: {  	v55 =	vmul.f32 v53, v29;
	v56 =	vunpack.i.l.bf16.f32 v46;
	v36 =	vadd.f32 v51, v36  }
0xfc: {  	v57 =	vunpack.i.u.bf16.f32 v46;
	v58 =	vld [tilespmem:s21+$0xFFFFFF70];
	v39 =	vmul.f32 v56, v30;
	v35 =	vadd.f32 v38, v35  }
0xfd: {  	v60 =	vunpack.i.l.bf16.f32 v50;
	v59 =	vmul.f32 v57, v30;
	v36 =	vadd.f32 v55, v36  }
0xfe: {  	v62 =	vld [tilespmem:s21+$0xFFFFFFC0];
	v61 =	vunpack.i.u.bf16.f32 v50;
	v38 =	vmul.f32 v60, v31;
	v35 =	vadd.f32 v39, v35  }
0xff: {  	v63 =	vmul.f32 v61, v31;
	v43 =	vunpack.i.l.bf16.f32 v54;
	v36 =	vadd.f32 v59, v36  }
0x100: {  	v44 =	vunpack.i.u.bf16.f32 v54;
	v39 =	vmul.f32 v43, v32;
	v35 =	vadd.f32 v38, v35  }
0x101: {  	v45 =	vmul.f32 v44, v32;
	v46 =	vunpack.i.l.bf16.f32 v58;
	v36 =	vadd.f32 v63, v36  }
0x102: {  	v47 =	vunpack.i.u.bf16.f32 v58;
	v38 =	vmul.f32 v46, v33;
	v35 =	vadd.f32 v39, v35  }
0x103: {  	v49 =	vunpack.i.l.bf16.f32 v62;
	v48 =	vmul.f32 v47, v33;
	v36 =	vadd.f32 v45, v36  }
0x104: {  	v50 =	vunpack.i.u.bf16.f32 v62;
	v39 =	vmul.f32 v49, v34;
	v35 =	vadd.f32 v38, v35  }
0x105: {  	v51 =	vmul.f32 v50, v34;
	v36 =	vadd.f32 v48, v36  }
0x106: {  	v35 =	vadd.f32 v39, v35  }
0x107: {  	v36 =	vadd.f32 v51, v36  }
0x108: {  	[tilespmem:s17+$0xFFFFFF80] =	vst v35  }
0x109: {  	[tilespmem:s17+$0xFFFFFF90] =	vst v36  }
0x10a: {  	v35 =	vld [tilespmem:s19+$0xFFFFFF90]  }
0x10b: {  	v36 =	vld [tilespmem:s16+$0xFFFFFFA0]  }
0x10c: {  	v52 =	vld [tilespmem:s19+$0xFFFFFFA0]  }
0x10d: {  	v53 =	vld [tilespmem:s21+$0xFFFFFD00]  }
0x10e: {  	v54 =	vld [tilespmem:s16+$0xFFFFFFB0]  }
0x10f: {  	v55 =	vld [tilespmem:s21+$0xFFFFFD50];
	_ =	sdelay $0x1  }
0x110: {  	v56 =	vld [tilespmem:s21+$0xFFFFFDA0]  }
0x111: {  	v57 =	vunpack.i.l.bf16.f32 v53  }
0x112: {  	v60 =	vld [tilespmem:s21+$0xFFFFFDF0];
	v35 =	vadd.f32 v36, v35;
	v58 =	vunpack.i.u.bf16.f32 v53;
	v59 =	vmul.f32 v57, v25  }
0x113: {  	v37 =	vadd.f32 v54, v52;
	v61 =	vunpack.i.l.bf16.f32 v55;
	v36 =	vmul.f32 v58, v25  }
0x114: {  	v63 =	vld [tilespmem:s21+$0xFFFFFE40];
	v62 =	vunpack.i.u.bf16.f32 v55;
	v39 =	vmul.f32 v61, v27;
	v35 =	vadd.f32 v59, v35  }
0x115: {  	v45 =	vunpack.i.l.bf16.f32 v56;
	v44 =	vmul.f32 v62, v27;
	v36 =	vadd.f32 v36, v37  }
0x116: {  	v47 =	vld [tilespmem:s21+$0xFFFFFE90];
	v46 =	vunpack.i.u.bf16.f32 v56;
	v38 =	vmul.f32 v45, v26;
	v35 =	vadd.f32 v39, v35  }
0x117: {  	v49 =	vunpack.i.l.bf16.f32 v60;
	v48 =	vmul.f32 v46, v26;
	v36 =	vadd.f32 v44, v36  }
0x118: {  	v51 =	vld [tilespmem:s21+$0xFFFFFEE0];
	v50 =	vunpack.i.u.bf16.f32 v60;
	v39 =	vmul.f32 v49, v28;
	v35 =	vadd.f32 v38, v35  }
0x119: {  	v53 =	vunpack.i.l.bf16.f32 v63;
	v52 =	vmul.f32 v50, v28;
	v36 =	vadd.f32 v48, v36  }
0x11a: {  	v54 =	vunpack.i.u.bf16.f32 v63;
	v55 =	vld [tilespmem:s21+$0xFFFFFF30];
	v38 =	vmul.f32 v53, v29;
	v35 =	vadd.f32 v39, v35  }
0x11b: {  	v56 =	vmul.f32 v54, v29;
	v57 =	vunpack.i.l.bf16.f32 v47;
	v36 =	vadd.f32 v52, v36  }
0x11c: {  	v58 =	vunpack.i.u.bf16.f32 v47;
	v59 =	vld [tilespmem:s21+$0xFFFFFF80];
	v39 =	vmul.f32 v57, v30;
	v35 =	vadd.f32 v38, v35  }
0x11d: {  	v61 =	vunpack.i.l.bf16.f32 v51;
	v60 =	vmul.f32 v58, v30;
	v36 =	vadd.f32 v56, v36  }
0x11e: {  	v63 =	vld [tilespmem:s21+$0xFFFFFFD0];
	v62 =	vunpack.i.u.bf16.f32 v51;
	v38 =	vmul.f32 v61, v31;
	v35 =	vadd.f32 v39, v35  }
0x11f: {  	v45 =	vmul.f32 v62, v31;
	v46 =	vunpack.i.l.bf16.f32 v55;
	v36 =	vadd.f32 v60, v36  }
0x120: {  	v47 =	vunpack.i.u.bf16.f32 v55;
	v39 =	vmul.f32 v46, v32;
	v35 =	vadd.f32 v38, v35  }
0x121: {  	v48 =	vmul.f32 v47, v32;
	v49 =	vunpack.i.l.bf16.f32 v59;
	v36 =	vadd.f32 v45, v36  }
0x122: {  	v50 =	vunpack.i.u.bf16.f32 v59;
	v38 =	vmul.f32 v49, v33;
	v35 =	vadd.f32 v39, v35  }
0x123: {  	v51 =	vmul.f32 v50, v33;
	v52 =	vunpack.i.l.bf16.f32 v63;
	v36 =	vadd.f32 v48, v36  }
0x124: {  	v53 =	vunpack.i.u.bf16.f32 v63;
	v39 =	vmul.f32 v52, v34;
	v35 =	vadd.f32 v38, v35  }
0x125: {  	v54 =	vmul.f32 v53, v34;
	v36 =	vadd.f32 v51, v36  }
0x126: {  	v35 =	vadd.f32 v39, v35  }
0x127: {  	v36 =	vadd.f32 v54, v36  }
0x128: {  	[tilespmem:s17+$0xFFFFFFA0] =	vst v35  }
0x129: {  	[tilespmem:s17+$0xFFFFFFB0] =	vst v36  }
0x12a: {  	v35 =	vld [tilespmem:s19+$0xFFFFFFB0]  }
0x12b: {  	v36 =	vld [tilespmem:s16+$0xFFFFFFC0]  }
0x12c: {  	v55 =	vld [tilespmem:s19+$0xFFFFFFC0]  }
0x12d: {  	v56 =	vld [tilespmem:s21+$0xFFFFFD10]  }
0x12e: {  	v57 =	vld [tilespmem:s16+$0xFFFFFFD0]  }
0x12f: {  	v58 =	vld [tilespmem:s21+$0xFFFFFD60];
	_ =	sdelay $0x1  }
0x130: {  	v59 =	vld [tilespmem:s21+$0xFFFFFDB0]  }
0x131: {  	v60 =	vunpack.i.l.bf16.f32 v56  }
0x132: {  	v63 =	vld [tilespmem:s21+$0xFFFFFE00];
	v35 =	vadd.f32 v36, v35;
	v61 =	vunpack.i.u.bf16.f32 v56;
	v62 =	vmul.f32 v60, v25  }
0x133: {  	v37 =	vadd.f32 v57, v55;
	v45 =	vunpack.i.l.bf16.f32 v58;
	v36 =	vmul.f32 v61, v25  }
0x134: {  	v47 =	vld [tilespmem:s21+$0xFFFFFE50];
	v46 =	vunpack.i.u.bf16.f32 v58;
	v39 =	vmul.f32 v45, v27;
	v35 =	vadd.f32 v62, v35  }
0x135: {  	v49 =	vunpack.i.l.bf16.f32 v59;
	v48 =	vmul.f32 v46, v27;
	v36 =	vadd.f32 v36, v37  }
0x136: {  	v51 =	vld [tilespmem:s21+$0xFFFFFEA0];
	v50 =	vunpack.i.u.bf16.f32 v59;
	v38 =	vmul.f32 v49, v26;
	v35 =	vadd.f32 v39, v35  }
0x137: {  	v53 =	vunpack.i.l.bf16.f32 v63;
	v52 =	vmul.f32 v50, v26;
	v36 =	vadd.f32 v48, v36  }
0x138: {  	v54 =	vunpack.i.u.bf16.f32 v63;
	v55 =	vld [tilespmem:s21+$0xFFFFFEF0];
	v39 =	vmul.f32 v53, v28;
	v35 =	vadd.f32 v38, v35  }
0x139: {  	v57 =	vunpack.i.l.bf16.f32 v47;
	v56 =	vmul.f32 v54, v28;
	v36 =	vadd.f32 v52, v36  }
0x13a: {  	v58 =	vunpack.i.u.bf16.f32 v47;
	v59 =	vld [tilespmem:s21+$0xFFFFFF40];
	v38 =	vmul.f32 v57, v29;
	v35 =	vadd.f32 v39, v35  }
0x13b: {  	v60 =	vmul.f32 v58, v29;
	v61 =	vunpack.i.l.bf16.f32 v51;
	v36 =	vadd.f32 v56, v36  }
0x13c: {  	v63 =	vld [tilespmem:s21+$0xFFFFFF90];
	v62 =	vunpack.i.u.bf16.f32 v51;
	v39 =	vmul.f32 v61, v30;
	v35 =	vadd.f32 v38, v35  }
0x13d: {  	v45 =	vmul.f32 v62, v30;
	v46 =	vunpack.i.l.bf16.f32 v55;
	v36 =	vadd.f32 v60, v36  }
0x13e: {  	v47 =	vunpack.i.u.bf16.f32 v55;
	v48 =	vld [tilespmem:s21+$0xFFFFFFE0];
	v38 =	vmul.f32 v46, v31;
	v35 =	vadd.f32 v39, v35  }
0x13f: {  	v50 =	vunpack.i.l.bf16.f32 v59;
	v49 =	vmul.f32 v47, v31;
	v36 =	vadd.f32 v45, v36  }
0x140: {  	v51 =	vunpack.i.u.bf16.f32 v59;
	v39 =	vmul.f32 v50, v32;
	v35 =	vadd.f32 v38, v35  }
0x141: {  	v53 =	vunpack.i.l.bf16.f32 v63;
	v52 =	vmul.f32 v51, v32;
	v36 =	vadd.f32 v49, v36  }
0x142: {  	v54 =	vunpack.i.u.bf16.f32 v63;
	v38 =	vmul.f32 v53, v33;
	v35 =	vadd.f32 v39, v35  }
0x143: {  	v55 =	vmul.f32 v54, v33;
	v56 =	vunpack.i.l.bf16.f32 v48;
	v36 =	vadd.f32 v52, v36  }
0x144: {  	v57 =	vunpack.i.u.bf16.f32 v48;
	v39 =	vmul.f32 v56, v34;
	v35 =	vadd.f32 v38, v35  }
0x145: {  	v58 =	vmul.f32 v57, v34;
	v36 =	vadd.f32 v55, v36  }
0x146: {  	v35 =	vadd.f32 v39, v35  }
0x147: {  	v36 =	vadd.f32 v58, v36  }
0x148: {  	[tilespmem:s17+$0xFFFFFFC0] =	vst v35  }
0x149: {  	[tilespmem:s17+$0xFFFFFFD0] =	vst v36  }
0x14a: {  	v35 =	vld [tilespmem:s19+$0xFFFFFFD0]  }
0x14b: {  	v36 =	vld [tilespmem:s16+$0xFFFFFFE0]  }
0x14c: {  	v59 =	vld [tilespmem:s19+$0xFFFFFFE0]  }
0x14d: {  	v60 =	vld [tilespmem:s21+$0xFFFFFD20]  }
0x14e: {  	v61 =	vld [tilespmem:s16+$0xFFFFFFF0]  }
0x14f: {  	v62 =	vld [tilespmem:s21+$0xFFFFFD70];
	_ =	sdelay $0x1  }
0x150: {  	v63 =	vld [tilespmem:s21+$0xFFFFFDC0]  }
0x151: {  	v45 =	vunpack.i.l.bf16.f32 v60  }
0x152: {  	v48 =	vld [tilespmem:s21+$0xFFFFFE10];
	v35 =	vadd.f32 v36, v35;
	v46 =	vunpack.i.u.bf16.f32 v60;
	v47 =	vmul.f32 v45, v25  }
0x153: {  	v37 =	vadd.f32 v61, v59;
	v49 =	vunpack.i.l.bf16.f32 v62;
	v25 =	vmul.f32 v46, v25  }
0x154: {  	v51 =	vld [tilespmem:s21+$0xFFFFFE60];
	v50 =	vunpack.i.u.bf16.f32 v62;
	v36 =	vmul.f32 v49, v27;
	v35 =	vadd.f32 v47, v35  }
0x155: {  	v52 =	vunpack.i.l.bf16.f32 v63;
	v27 =	vmul.f32 v50, v27;
	v25 =	vadd.f32 v25, v37  }
0x156: {  	v54 =	vld [tilespmem:s21+$0xFFFFFEB0];
	v53 =	vunpack.i.u.bf16.f32 v63;
	v37 =	vmul.f32 v52, v26;
	v35 =	vadd.f32 v36, v35  }
0x157: {  	v26 =	vmul.f32 v53, v26;
	v25 =	vadd.f32 v27, v25;
	v27 =	vunpack.i.l.bf16.f32 v48  }
0x158: {  	v56 =	vld [tilespmem:s21+$0xFFFFFF00];
	v55 =	vunpack.i.u.bf16.f32 v48;
	v27 =	vmul.f32 v27, v28;
	v35 =	vadd.f32 v37, v35  }
0x159: {  	v57 =	vunpack.i.l.bf16.f32 v51;
	v25 =	vadd.f32 v26, v25;
	v26 =	vmul.f32 v55, v28  }
0x15a: {  	v58 =	vunpack.i.u.bf16.f32 v51;
	v59 =	vld [tilespmem:s21+$0xFFFFFF50];
	v28 =	vmul.f32 v57, v29;
	v27 =	vadd.f32 v27, v35  }
0x15b: {  	v60 =	vunpack.i.l.bf16.f32 v54;
	v25 =	vadd.f32 v26, v25;
	v26 =	vmul.f32 v58, v29  }
0x15c: {  	v61 =	vunpack.i.u.bf16.f32 v54;
	v62 =	vld [tilespmem:s21+$0xFFFFFFA0];
	v29 =	vmul.f32 v60, v30;
	v27 =	vadd.f32 v28, v27  }
0x15d: {  	v63 =	vunpack.i.l.bf16.f32 v56;
	v25 =	vadd.f32 v26, v25;
	v26 =	vmul.f32 v61, v30  }
0x15e: {  	v39 =	vld [tilespmem:s21+$0xFFFFFFF0];
	v38 =	vunpack.i.u.bf16.f32 v56;
	v28 =	vmul.f32 v63, v31;
	v27 =	vadd.f32 v29, v27  }
0x15f: {  	v40 =	vunpack.i.l.bf16.f32 v59;
	v25 =	vadd.f32 v26, v25;
	v26 =	vmul.f32 v38, v31  }
0x160: {  	v41 =	vunpack.i.u.bf16.f32 v59;
	v29 =	vmul.f32 v40, v32;
	v27 =	vadd.f32 v28, v27  }
0x161: {  	v42 =	vunpack.i.l.bf16.f32 v62;
	v25 =	vadd.f32 v26, v25;
	v26 =	vmul.f32 v41, v32  }
0x162: {  	v43 =	vunpack.i.u.bf16.f32 v62;
	v28 =	vmul.f32 v42, v33;
	v27 =	vadd.f32 v29, v27  }
0x163: {  	v44 =	vunpack.i.l.bf16.f32 v39;
	v25 =	vadd.f32 v26, v25;
	v26 =	vmul.f32 v43, v33  }
0x164: {  	s22 =	sadd.s32 $0x1, s15;
	v45 =	vunpack.i.u.bf16.f32 v39;
	v29 =	vmul.f32 v44, v34;
	v27 =	vadd.f32 v28, v27  }
0x165: {  	v46 =	vmov s22;
	v25 =	vadd.f32 v26, v25;
	v26 =	vmul.f32 v45, v34  }
0x166: {  	v27 =	vadd.f32 v29, v27  }
0x167: {  	v25 =	vadd.f32 v26, v25  }
0x168: {  	[tilespmem:s17+$0xFFFFFFE0] =	vst v27  }
0x169: {  	[tilespmem:s17+$0xFFFFFFF0] =	vst v25  }
0x16a: {  	v25 =	vld.idx.msk [tilespmem:v46+s2+$0x0], $0xffff  }
0x16b: {  	v28 =	vand.u32 $0xF, v46;
	v47 =	vld [tilespmem:s19+$0x0]  }
0x16c: {  	v26 =	vor.u32 $0x10, v28;
	v48 =	vld [tilespmem:s16+$0x0]  }
0x16d: {  	v49 =	vld [tilespmem:s19+$0x10]  }
0x16e: {  	v50 =	vor.u32 $0x20, v28;
	v51 =	vld [tilespmem:s21+$0x0]  }
0x16f: {  	v52 =	vld [tilespmem:s16+$0x10]  }
0x170: {  	v53 =	vor.u32 $0x30, v28;
	v54 =	vld [tilespmem:s21+$0x50]  }
0x171: {  	v55 =	vor.u32 $0x40, v28;
	v27 =	vld.idx.msk [tilespmem:v26+s2+$0x0], $0xffff  }
0x172: {  	v56 =	vor.u32 $0x50, v28;
	v57 =	vor.u32 $0x60, v28;
	v58 =	vor.u32 $0x70, v28;
	v59 =	vld [tilespmem:s21+$0xA0]  }
0x173: {  	v42 =	vor.u32 $0x80, v28;
	v43 =	vor.u32 $0x90, v28;
	v26 =	vld.idx.msk [tilespmem:v50+s2+$0x0], $0xffff;
	v60 =	vunpack.i.l.bf16.f32 v51  }
0x174: {  	v63 =	vld [tilespmem:s21+$0xF0];
	v29 =	vadd.f32 v48, v47;
	v61 =	vunpack.i.u.bf16.f32 v51;
	v62 =	vmul.f32 v60, v25  }
0x175: {  	v28 =	vld.idx.msk [tilespmem:v53+s2+$0x0], $0xffff;
	v31 =	vadd.f32 v52, v49;
	v44 =	vunpack.i.l.bf16.f32 v54;
	v30 =	vmul.f32 v61, v25  }
0x176: {  	v46 =	vld [tilespmem:s21+$0x140];
	v45 =	vunpack.i.u.bf16.f32 v54;
	v34 =	vmul.f32 v44, v27;
	v32 =	vadd.f32 v62, v29  }
0x177: {  	v47 =	vunpack.i.l.bf16.f32 v59;
	v35 =	vmul.f32 v45, v27;
	v29 =	vld.idx.msk [tilespmem:v55+s2+$0x0], $0xffff;
	v31 =	vadd.f32 v30, v31  }
0x178: {  	v50 =	vld [tilespmem:s21+$0x190];
	v48 =	vunpack.i.u.bf16.f32 v59;
	v49 =	vmul.f32 v47, v26;
	v32 =	vadd.f32 v34, v32  }
0x179: {  	v51 =	vunpack.i.l.bf16.f32 v63;
	v30 =	vld.idx.msk [tilespmem:v56+s2+$0x0], $0xffff;
	v35 =	vadd.f32 v35, v31;
	v34 =	vmul.f32 v48, v26  }
0x17a: {  	v53 =	vld [tilespmem:s21+$0x1E0];
	v33 =	vunpack.i.u.bf16.f32 v63;
	v52 =	vmul.f32 v51, v28;
	v32 =	vadd.f32 v49, v32  }
0x17b: {  	v54 =	vunpack.i.l.bf16.f32 v46;
	v33 =	vmul.f32 v33, v28;
	v31 =	vld.idx.msk [tilespmem:v57+s2+$0x0], $0xffff;
	v34 =	vadd.f32 v34, v35  }
0x17c: {  	v36 =	vunpack.i.u.bf16.f32 v46;
	v55 =	vld [tilespmem:s21+$0x230];
	v35 =	vmul.f32 v54, v29;
	v37 =	vadd.f32 v52, v32  }
0x17d: {  	v56 =	vunpack.i.l.bf16.f32 v50;
	v36 =	vmul.f32 v36, v29;
	v32 =	vld.idx.msk [tilespmem:v58+s2+$0x0], $0xffff;
	v34 =	vadd.f32 v33, v34  }
0x17e: {  	v59 =	vld [tilespmem:s21+$0x280];
	v57 =	vunpack.i.u.bf16.f32 v50;
	v58 =	vmul.f32 v56, v30;
	v35 =	vadd.f32 v35, v37  }
0x17f: {  	v60 =	vunpack.i.l.bf16.f32 v53;
	v33 =	vld.idx.msk [tilespmem:v42+s2+$0x0], $0xffff;
	v36 =	vadd.f32 v36, v34;
	v37 =	vmul.f32 v57, v30  }
0x180: {  	v38 =	vunpack.i.u.bf16.f32 v53;
	v62 =	vld [tilespmem:s21+$0x2D0];
	v61 =	vmul.f32 v60, v31;
	v35 =	vadd.f32 v58, v35  }
0x181: {  	v63 =	vmul.f32 v38, v31;
	v34 =	vld.idx.msk [tilespmem:v43+s2+$0x0], $0xffff;
	v43 =	vunpack.i.l.bf16.f32 v55;
	v36 =	vadd.f32 v37, v36  }
0x182: {  	v39 =	vunpack.i.u.bf16.f32 v55;
	v38 =	vmul.f32 v43, v32;
	v35 =	vadd.f32 v61, v35  }
0x183: {  	v45 =	vunpack.i.l.bf16.f32 v59;
	v44 =	vmul.f32 v39, v32;
	v36 =	vadd.f32 v63, v36  }
0x184: {  	v46 =	vunpack.i.u.bf16.f32 v59;
	v39 =	vmul.f32 v45, v33;
	v35 =	vadd.f32 v38, v35  }
0x185: {  	v48 =	vunpack.i.l.bf16.f32 v62;
	v47 =	vmul.f32 v46, v33;
	v36 =	vadd.f32 v44, v36  }
0x186: {  	v49 =	vunpack.i.u.bf16.f32 v62;
	v38 =	vmul.f32 v48, v34;
	v35 =	vadd.f32 v39, v35  }
0x187: {  	v50 =	vmul.f32 v49, v34;
	v36 =	vadd.f32 v47, v36  }
0x188: {  	v35 =	vadd.f32 v38, v35  }
0x189: {  	v36 =	vadd.f32 v50, v36  }
0x18a: {  	[tilespmem:s17+$0x0] =	vst v35  }
0x18b: {  	[tilespmem:s17+$0x10] =	vst v36  }
0x18c: {  	v35 =	vld [tilespmem:s19+$0x20]  }
0x18d: {  	v36 =	vld [tilespmem:s16+$0x20]  }
0x18e: {  	v51 =	vld [tilespmem:s19+$0x30]  }
0x18f: {  	v52 =	vld [tilespmem:s21+$0x10]  }
0x190: {  	v53 =	vld [tilespmem:s16+$0x30]  }
0x191: {  	v54 =	vld [tilespmem:s21+$0x60];
	_ =	sdelay $0x1  }
0x192: {  	v55 =	vld [tilespmem:s21+$0xB0]  }
0x193: {  	v56 =	vunpack.i.l.bf16.f32 v52  }
0x194: {  	v59 =	vld [tilespmem:s21+$0x100];
	v35 =	vadd.f32 v36, v35;
	v57 =	vunpack.i.u.bf16.f32 v52;
	v58 =	vmul.f32 v56, v25  }
0x195: {  	v37 =	vadd.f32 v53, v51;
	v60 =	vunpack.i.l.bf16.f32 v54;
	v36 =	vmul.f32 v57, v25  }
0x196: {  	v62 =	vld [tilespmem:s21+$0x150];
	v61 =	vunpack.i.u.bf16.f32 v54;
	v39 =	vmul.f32 v60, v27;
	v35 =	vadd.f32 v58, v35  }
0x197: {  	v43 =	vunpack.i.l.bf16.f32 v55;
	v63 =	vmul.f32 v61, v27;
	v36 =	vadd.f32 v36, v37  }
0x198: {  	v45 =	vld [tilespmem:s21+$0x1A0];
	v44 =	vunpack.i.u.bf16.f32 v55;
	v38 =	vmul.f32 v43, v26;
	v35 =	vadd.f32 v39, v35  }
0x199: {  	v47 =	vunpack.i.l.bf16.f32 v59;
	v46 =	vmul.f32 v44, v26;
	v36 =	vadd.f32 v63, v36  }
0x19a: {  	v49 =	vld [tilespmem:s21+$0x1F0];
	v48 =	vunpack.i.u.bf16.f32 v59;
	v39 =	vmul.f32 v47, v28;
	v35 =	vadd.f32 v38, v35  }
0x19b: {  	v51 =	vunpack.i.l.bf16.f32 v62;
	v50 =	vmul.f32 v48, v28;
	v36 =	vadd.f32 v46, v36  }
0x19c: {  	v52 =	vunpack.i.u.bf16.f32 v62;
	v53 =	vld [tilespmem:s21+$0x240];
	v38 =	vmul.f32 v51, v29;
	v35 =	vadd.f32 v39, v35  }
0x19d: {  	v55 =	vunpack.i.l.bf16.f32 v45;
	v54 =	vmul.f32 v52, v29;
	v36 =	vadd.f32 v50, v36  }
0x19e: {  	v56 =	vunpack.i.u.bf16.f32 v45;
	v57 =	vld [tilespmem:s21+$0x290];
	v39 =	vmul.f32 v55, v30;
	v35 =	vadd.f32 v38, v35  }
0x19f: {  	v59 =	vunpack.i.l.bf16.f32 v49;
	v58 =	vmul.f32 v56, v30;
	v36 =	vadd.f32 v54, v36  }
0x1a0: {  	v60 =	vunpack.i.u.bf16.f32 v49;
	v61 =	vld [tilespmem:s21+$0x2E0];
	v38 =	vmul.f32 v59, v31;
	v35 =	vadd.f32 v39, v35  }
0x1a1: {  	v62 =	vmul.f32 v60, v31;
	v63 =	vunpack.i.l.bf16.f32 v53;
	v36 =	vadd.f32 v58, v36  }
0x1a2: {  	v43 =	vunpack.i.u.bf16.f32 v53;
	v39 =	vmul.f32 v63, v32;
	v35 =	vadd.f32 v38, v35  }
0x1a3: {  	v44 =	vmul.f32 v43, v32;
	v45 =	vunpack.i.l.bf16.f32 v57;
	v36 =	vadd.f32 v62, v36  }
0x1a4: {  	v46 =	vunpack.i.u.bf16.f32 v57;
	v38 =	vmul.f32 v45, v33;
	v35 =	vadd.f32 v39, v35  }
0x1a5: {  	v48 =	vunpack.i.l.bf16.f32 v61;
	v47 =	vmul.f32 v46, v33;
	v36 =	vadd.f32 v44, v36  }
0x1a6: {  	v49 =	vunpack.i.u.bf16.f32 v61;
	v39 =	vmul.f32 v48, v34;
	v35 =	vadd.f32 v38, v35  }
0x1a7: {  	v50 =	vmul.f32 v49, v34;
	v36 =	vadd.f32 v47, v36  }
0x1a8: {  	v35 =	vadd.f32 v39, v35  }
0x1a9: {  	v36 =	vadd.f32 v50, v36  }
0x1aa: {  	[tilespmem:s17+$0x20] =	vst v35  }
0x1ab: {  	[tilespmem:s17+$0x30] =	vst v36  }
0x1ac: {  	v35 =	vld [tilespmem:s19+$0x40]  }
0x1ad: {  	v36 =	vld [tilespmem:s16+$0x40]  }
0x1ae: {  	v51 =	vld [tilespmem:s19+$0x50]  }
0x1af: {  	v52 =	vld [tilespmem:s21+$0x20]  }
0x1b0: {  	v53 =	vld [tilespmem:s16+$0x50]  }
0x1b1: {  	v54 =	vld [tilespmem:s21+$0x70];
	_ =	sdelay $0x1  }
0x1b2: {  	v55 =	vld [tilespmem:s21+$0xC0]  }
0x1b3: {  	v56 =	vunpack.i.l.bf16.f32 v52  }
0x1b4: {  	v59 =	vld [tilespmem:s21+$0x110];
	v35 =	vadd.f32 v36, v35;
	v57 =	vunpack.i.u.bf16.f32 v52;
	v58 =	vmul.f32 v56, v25  }
0x1b5: {  	v37 =	vadd.f32 v53, v51;
	v60 =	vunpack.i.l.bf16.f32 v54;
	v36 =	vmul.f32 v57, v25  }
0x1b6: {  	v62 =	vld [tilespmem:s21+$0x160];
	v61 =	vunpack.i.u.bf16.f32 v54;
	v39 =	vmul.f32 v60, v27;
	v35 =	vadd.f32 v58, v35  }
0x1b7: {  	v44 =	vunpack.i.l.bf16.f32 v55;
	v63 =	vmul.f32 v61, v27;
	v36 =	vadd.f32 v36, v37  }
0x1b8: {  	v46 =	vld [tilespmem:s21+$0x1B0];
	v45 =	vunpack.i.u.bf16.f32 v55;
	v38 =	vmul.f32 v44, v26;
	v35 =	vadd.f32 v39, v35  }
0x1b9: {  	v48 =	vunpack.i.l.bf16.f32 v59;
	v47 =	vmul.f32 v45, v26;
	v36 =	vadd.f32 v63, v36  }
0x1ba: {  	v50 =	vld [tilespmem:s21+$0x200];
	v49 =	vunpack.i.u.bf16.f32 v59;
	v39 =	vmul.f32 v48, v28;
	v35 =	vadd.f32 v38, v35  }
0x1bb: {  	v52 =	vunpack.i.l.bf16.f32 v62;
	v51 =	vmul.f32 v49, v28;
	v36 =	vadd.f32 v47, v36  }
0x1bc: {  	v53 =	vunpack.i.u.bf16.f32 v62;
	v54 =	vld [tilespmem:s21+$0x250];
	v38 =	vmul.f32 v52, v29;
	v35 =	vadd.f32 v39, v35  }
0x1bd: {  	v55 =	vmul.f32 v53, v29;
	v56 =	vunpack.i.l.bf16.f32 v46;
	v36 =	vadd.f32 v51, v36  }
0x1be: {  	v57 =	vunpack.i.u.bf16.f32 v46;
	v58 =	vld [tilespmem:s21+$0x2A0];
	v39 =	vmul.f32 v56, v30;
	v35 =	vadd.f32 v38, v35  }
0x1bf: {  	v60 =	vunpack.i.l.bf16.f32 v50;
	v59 =	vmul.f32 v57, v30;
	v36 =	vadd.f32 v55, v36  }
0x1c0: {  	v62 =	vld [tilespmem:s21+$0x2F0];
	v61 =	vunpack.i.u.bf16.f32 v50;
	v38 =	vmul.f32 v60, v31;
	v35 =	vadd.f32 v39, v35  }
0x1c1: {  	v63 =	vmul.f32 v61, v31;
	v43 =	vunpack.i.l.bf16.f32 v54;
	v36 =	vadd.f32 v59, v36  }
0x1c2: {  	v44 =	vunpack.i.u.bf16.f32 v54;
	v39 =	vmul.f32 v43, v32;
	v35 =	vadd.f32 v38, v35  }
0x1c3: {  	v45 =	vmul.f32 v44, v32;
	v46 =	vunpack.i.l.bf16.f32 v58;
	v36 =	vadd.f32 v63, v36  }
0x1c4: {  	v47 =	vunpack.i.u.bf16.f32 v58;
	v38 =	vmul.f32 v46, v33;
	v35 =	vadd.f32 v39, v35  }
0x1c5: {  	v49 =	vunpack.i.l.bf16.f32 v62;
	v48 =	vmul.f32 v47, v33;
	v36 =	vadd.f32 v45, v36  }
0x1c6: {  	v50 =	vunpack.i.u.bf16.f32 v62;
	v39 =	vmul.f32 v49, v34;
	v35 =	vadd.f32 v38, v35  }
0x1c7: {  	v51 =	vmul.f32 v50, v34;
	v36 =	vadd.f32 v48, v36  }
0x1c8: {  	v35 =	vadd.f32 v39, v35  }
0x1c9: {  	v36 =	vadd.f32 v51, v36  }
0x1ca: {  	[tilespmem:s17+$0x40] =	vst v35  }
0x1cb: {  	[tilespmem:s17+$0x50] =	vst v36  }
0x1cc: {  	v35 =	vld [tilespmem:s19+$0x60]  }
0x1cd: {  	v36 =	vld [tilespmem:s16+$0x60]  }
0x1ce: {  	v52 =	vld [tilespmem:s19+$0x70]  }
0x1cf: {  	v53 =	vld [tilespmem:s21+$0x30]  }
0x1d0: {  	v54 =	vld [tilespmem:s16+$0x70]  }
0x1d1: {  	v55 =	vld [tilespmem:s21+$0x80];
	_ =	sdelay $0x1  }
0x1d2: {  	v56 =	vld [tilespmem:s21+$0xD0]  }
0x1d3: {  	v57 =	vunpack.i.l.bf16.f32 v53  }
0x1d4: {  	v60 =	vld [tilespmem:s21+$0x120];
	v35 =	vadd.f32 v36, v35;
	v58 =	vunpack.i.u.bf16.f32 v53;
	v59 =	vmul.f32 v57, v25  }
0x1d5: {  	v37 =	vadd.f32 v54, v52;
	v61 =	vunpack.i.l.bf16.f32 v55;
	v36 =	vmul.f32 v58, v25  }
0x1d6: {  	v63 =	vld [tilespmem:s21+$0x170];
	v62 =	vunpack.i.u.bf16.f32 v55;
	v39 =	vmul.f32 v61, v27;
	v35 =	vadd.f32 v59, v35  }
0x1d7: {  	v45 =	vunpack.i.l.bf16.f32 v56;
	v44 =	vmul.f32 v62, v27;
	v36 =	vadd.f32 v36, v37  }
0x1d8: {  	v47 =	vld [tilespmem:s21+$0x1C0];
	v46 =	vunpack.i.u.bf16.f32 v56;
	v38 =	vmul.f32 v45, v26;
	v35 =	vadd.f32 v39, v35  }
0x1d9: {  	v49 =	vunpack.i.l.bf16.f32 v60;
	v48 =	vmul.f32 v46, v26;
	v36 =	vadd.f32 v44, v36  }
0x1da: {  	v51 =	vld [tilespmem:s21+$0x210];
	v50 =	vunpack.i.u.bf16.f32 v60;
	v39 =	vmul.f32 v49, v28;
	v35 =	vadd.f32 v38, v35  }
0x1db: {  	v53 =	vunpack.i.l.bf16.f32 v63;
	v52 =	vmul.f32 v50, v28;
	v36 =	vadd.f32 v48, v36  }
0x1dc: {  	v54 =	vunpack.i.u.bf16.f32 v63;
	v55 =	vld [tilespmem:s21+$0x260];
	v38 =	vmul.f32 v53, v29;
	v35 =	vadd.f32 v39, v35  }
0x1dd: {  	v56 =	vmul.f32 v54, v29;
	v57 =	vunpack.i.l.bf16.f32 v47;
	v36 =	vadd.f32 v52, v36  }
0x1de: {  	v58 =	vunpack.i.u.bf16.f32 v47;
	v59 =	vld [tilespmem:s21+$0x2B0];
	v39 =	vmul.f32 v57, v30;
	v35 =	vadd.f32 v38, v35  }
0x1df: {  	v61 =	vunpack.i.l.bf16.f32 v51;
	v60 =	vmul.f32 v58, v30;
	v36 =	vadd.f32 v56, v36  }
0x1e0: {  	v63 =	vld [tilespmem:s21+$0x300];
	v62 =	vunpack.i.u.bf16.f32 v51;
	v38 =	vmul.f32 v61, v31;
	v35 =	vadd.f32 v39, v35  }
0x1e1: {  	v43 =	vmul.f32 v62, v31;
	v44 =	vunpack.i.l.bf16.f32 v55;
	v36 =	vadd.f32 v60, v36  }
0x1e2: {  	v45 =	vunpack.i.u.bf16.f32 v55;
	v39 =	vmul.f32 v44, v32;
	v35 =	vadd.f32 v38, v35  }
0x1e3: {  	v46 =	vmul.f32 v45, v32;
	v47 =	vunpack.i.l.bf16.f32 v59;
	v36 =	vadd.f32 v43, v36  }
0x1e4: {  	v48 =	vunpack.i.u.bf16.f32 v59;
	v38 =	vmul.f32 v47, v33;
	v35 =	vadd.f32 v39, v35  }
0x1e5: {  	v50 =	vunpack.i.l.bf16.f32 v63;
	v49 =	vmul.f32 v48, v33;
	v36 =	vadd.f32 v46, v36  }
0x1e6: {  	v51 =	vunpack.i.u.bf16.f32 v63;
	v39 =	vmul.f32 v50, v34;
	v35 =	vadd.f32 v38, v35  }
0x1e7: {  	v52 =	vmul.f32 v51, v34;
	v36 =	vadd.f32 v49, v36  }
0x1e8: {  	v35 =	vadd.f32 v39, v35  }
0x1e9: {  	v36 =	vadd.f32 v52, v36  }
0x1ea: {  	[tilespmem:s17+$0x60] =	vst v35  }
0x1eb: {  	[tilespmem:s17+$0x70] =	vst v36  }
0x1ec: {  	v35 =	vld [tilespmem:s19+$0x80]  }
0x1ed: {  	v36 =	vld [tilespmem:s16+$0x80]  }
0x1ee: {  	v53 =	vld [tilespmem:s19+$0x90]  }
0x1ef: {  	v54 =	vld [tilespmem:s21+$0x40]  }
0x1f0: {  	v55 =	vld [tilespmem:s16+$0x90]  }
0x1f1: {  	v56 =	vld [tilespmem:s21+$0x90];
	_ =	sdelay $0x1  }
0x1f2: {  	v57 =	vld [tilespmem:s21+$0xE0]  }
0x1f3: {  	v58 =	vunpack.i.l.bf16.f32 v54  }
0x1f4: {  	v61 =	vld [tilespmem:s21+$0x130];
	v35 =	vadd.f32 v36, v35;
	v59 =	vunpack.i.u.bf16.f32 v54;
	v60 =	vmul.f32 v58, v25  }
0x1f5: {  	v37 =	vadd.f32 v55, v53;
	v62 =	vunpack.i.l.bf16.f32 v56;
	v25 =	vmul.f32 v59, v25  }
0x1f6: {  	v43 =	vld [tilespmem:s21+$0x180];
	v63 =	vunpack.i.u.bf16.f32 v56;
	v36 =	vmul.f32 v62, v27;
	v35 =	vadd.f32 v60, v35  }
0x1f7: {  	v44 =	vunpack.i.l.bf16.f32 v57;
	v27 =	vmul.f32 v63, v27;
	v25 =	vadd.f32 v25, v37  }
0x1f8: {  	v46 =	vld [tilespmem:s21+$0x1D0];
	v45 =	vunpack.i.u.bf16.f32 v57;
	v37 =	vmul.f32 v44, v26;
	v35 =	vadd.f32 v36, v35  }
0x1f9: {  	v26 =	vmul.f32 v45, v26;
	v25 =	vadd.f32 v27, v25;
	v27 =	vunpack.i.l.bf16.f32 v61  }
0x1fa: {  	v48 =	vld [tilespmem:s21+$0x220];
	v47 =	vunpack.i.u.bf16.f32 v61;
	v27 =	vmul.f32 v27, v28;
	v35 =	vadd.f32 v37, v35  }
0x1fb: {  	v49 =	vunpack.i.l.bf16.f32 v43;
	v25 =	vadd.f32 v26, v25;
	v26 =	vmul.f32 v47, v28  }
0x1fc: {  	v51 =	vld [tilespmem:s21+$0x270];
	v50 =	vunpack.i.u.bf16.f32 v43;
	v28 =	vmul.f32 v49, v29;
	v27 =	vadd.f32 v27, v35  }
0x1fd: {  	v52 =	vunpack.i.l.bf16.f32 v46;
	v25 =	vadd.f32 v26, v25;
	v26 =	vmul.f32 v50, v29  }
0x1fe: {  	v53 =	vunpack.i.u.bf16.f32 v46;
	v54 =	vld [tilespmem:s21+$0x2C0];
	v29 =	vmul.f32 v52, v30;
	v27 =	vadd.f32 v28, v27  }
0x1ff: {  	v55 =	vunpack.i.l.bf16.f32 v48;
	v25 =	vadd.f32 v26, v25;
	v26 =	vmul.f32 v53, v30  }
0x200: {  	v56 =	vunpack.i.u.bf16.f32 v48;
	v57 =	vld [tilespmem:s21+$0x310];
	v28 =	vmul.f32 v55, v31;
	v27 =	vadd.f32 v29, v27  }
0x201: {  	v58 =	vunpack.i.l.bf16.f32 v51;
	v25 =	vadd.f32 v26, v25;
	v26 =	vmul.f32 v56, v31  }
0x202: {  	v59 =	vunpack.i.u.bf16.f32 v51;
	v29 =	vmul.f32 v58, v32;
	v27 =	vadd.f32 v28, v27  }
0x203: {  	v60 =	vunpack.i.l.bf16.f32 v54;
	v25 =	vadd.f32 v26, v25;
	v26 =	vmul.f32 v59, v32  }
0x204: {  	v61 =	vunpack.i.u.bf16.f32 v54;
	v28 =	vmul.f32 v60, v33;
	v27 =	vadd.f32 v29, v27  }
0x205: {  	v62 =	vunpack.i.l.bf16.f32 v57;
	v25 =	vadd.f32 v26, v25;
	v26 =	vmul.f32 v61, v33  }
0x206: {  	p1 =	slt.u32 s15, $0xE;
	v63 =	vunpack.i.u.bf16.f32 v57;
	v29 =	vmul.f32 v62, v34;
	v27 =	vadd.f32 v28, v27  }
.Ltmp0:
0x207: {  	v25 =	vadd.f32 v26, v25;
	v26 =	vmul.f32 v63, v34;
	(pc) =	sbr.rel @p1 .LBB2_3-.Ltmp0, $4  }
0x208: {  	v27 =	vadd.f32 v29, v27  }
0x209: {  	v25 =	vadd.f32 v26, v25  }
0x20a: {  	s15 =	sadd.s32 $0x2, s15;
	s16 =	sadd.s32 $0x140, s16;
	[tilespmem:s17+$0x80] =	vst v27  }
0x20b: {  	s19 =	sadd.s32 $0x160, s19;
	s21 =	sadd.s32 $0x640, s21;
	[tilespmem:s17+$0x90] =	vst v25;
	s17 =	sadd.s32 $0x140, s17  }
0x20c: {  	p1 =	seq.s32 s11, $0xF  }
.Ltmp1:
0x20d: {  	s15 =	sadd.s32 s5, s14;
	(pc) =	sbr.rel @p1 .LBB2_6-.Ltmp1, $3  }
0x20e: {  	s15 =	smul.u32 $0x14, s15;
	_ =	sdelay $0x1  }
0x20f: {  	s15 =	sadd.s32 s7, s15  }
0x210: {  	[hbm4b:s15+s1] =	stream.linear.scatter [tilespmem:s12], [sflag:$0x3], $0xA00, $0x38;
	[tilespmem:$0xA820] =	vst v63  }
0x211: {  	s15 =	sadd.s32 $0x20, s14  }
0x212: {  	v25 =	vor.u32 s15, v0;
	_ =	sdelay $0x4  }
0x213: {  	v25 =	vld.idx.msk [tilespmem:v25+s1+$0x0], $0xffff;
	_ =	sdelay $0x1  }
0x214: {  	v26 =	vor.u32 s15, v2;
	_ =	sdelay $0x2  }
0x215: {  	v27 =	vld [tilespmem:s14+$0x20];
	v25 =	vadd.s32 v1, v25  }
0x216: {  	v28 =	vld [tilespmem:s14+$0x220];
	[tilespmem:$0x400] =	vst v25  }
0x217: {  	v25 =	vld.idx.msk [tilespmem:v26+s1+$0x0], $0xffff;
	_ =	sdelay $0x1  }
0x218: {  	v26 =	vor.u32 s15, v4;
	_ =	sdelay $0x2  }
0x219: {  	v25 =	vadd.s32 v3, v25  }
0x21a: {  	[tilespmem:$0x410] =	vst v25  }
0x21b: {  	v25 =	vld.idx.msk [tilespmem:v26+s1+$0x0], $0xffff;
	_ =	sdelay $0x1  }
0x21c: {  	v26 =	vor.u32 s15, v6;
	_ =	sdelay $0x2  }
0x21d: {  	v25 =	vadd.s32 v5, v25  }
0x21e: {  	[tilespmem:$0x420] =	vst v25  }
0x21f: {  	v25 =	vld.idx.msk [tilespmem:v26+s1+$0x0], $0xffff;
	_ =	sdelay $0x1  }
0x220: {  	v26 =	vor.u32 s15, v9;
	_ =	sdelay $0x2  }
0x221: {  	v25 =	vadd.s32 v7, v25  }
0x222: {  	[tilespmem:$0x430] =	vst v25  }
0x223: {  	v25 =	vld.idx.msk [tilespmem:v26+s1+$0x0], $0xffff;
	_ =	sdelay $0x1  }
0x224: {  	v26 =	vor.u32 s15, v10;
	_ =	sdelay $0x2  }
0x225: {  	v25 =	vadd.s32 v8, v25  }
0x226: {  	[tilespmem:$0x440] =	vst v25  }
0x227: {  	v25 =	vld.idx.msk [tilespmem:v26+s1+$0x0], $0xffff;
	_ =	sdelay $0x1  }
0x228: {  	v26 =	vor.u32 s15, v11;
	_ =	sdelay $0x2  }
0x229: {  	v25 =	vadd.s32 v1, v25  }
0x22a: {  	[tilespmem:$0x450] =	vst v25  }
0x22b: {  	v25 =	vld.idx.msk [tilespmem:v26+s1+$0x0], $0xffff;
	_ =	sdelay $0x1  }
0x22c: {  	v26 =	vor.u32 s15, v12;
	_ =	sdelay $0x2  }
0x22d: {  	v25 =	vadd.s32 v3, v25  }
0x22e: {  	[tilespmem:$0x460] =	vst v25  }
0x22f: {  	v25 =	vld.idx.msk [tilespmem:v26+s1+$0x0], $0xffff;
	_ =	sdelay $0x1  }
0x230: {  	v26 =	vor.u32 s15, v13;
	_ =	sdelay $0x2  }
0x231: {  	v25 =	vadd.s32 v5, v25  }
0x232: {  	[tilespmem:$0x470] =	vst v25  }
0x233: {  	v25 =	vld.idx.msk [tilespmem:v26+s1+$0x0], $0xffff;
	_ =	sdelay $0x1  }
0x234: {  	v26 =	vor.u32 s15, v14;
	_ =	sdelay $0x2  }
0x235: {  	v25 =	vadd.s32 v7, v25  }
0x236: {  	[tilespmem:$0x480] =	vst v25  }
0x237: {  	v25 =	vld.idx.msk [tilespmem:v26+s1+$0x0], $0xffff;
	_ =	sdelay $0x4  }
0x238: {  	[tilespmem:$0x4A0] =	vst v27;
	v25 =	vadd.s32 v8, v25  }
0x239: {  	[tilespmem:$0x490] =	vst v25;
	v25 =	vadd.s32 v27, v28  }
0x23a: {  	s21 =	simm.s32 $0x400;
	s22 =	simm.s32 $0x4C0;
	[tilespmem:$0x4B0] =	vst v25  }
0x23b: {  	[tilespmem:s22], [sflag:$0x1] =	stream.indirect.gather [hbm4b:s3+s13], $0x50, s21, s13, $0xb8;
	[tilespmem:$0xA820] =	vst v63  }
0x23c: {  	s16 =	simm.s32 $0x450;
	s17 =	simm.s32 $0x1DC0  }
0x23d: {  	[tilespmem:s17], [sflag:$0x1] =	stream.indirect.gather [hbm4b:s3+s13], $0x50, s16, s13, $0xb8;
	[tilespmem:$0xA820] =	vst v63  }
0x23e: {  	s19 =	simm.s32 $0x4A0  }
0x23f: {  	[tilespmem:s20], [sflag:$0x1] =	stream.indirect.gather [hbm4b:s4+s18], $0xB0, s19, s18, $0xb8;
	[tilespmem:$0xA820] =	vst v63  }
0x240: {  	s21 =	simm.s32 $0x4B0;
	s22 =	simm.s32 $0x41C0  }
0x241: {  	[tilespmem:s22], [sflag:$0x1] =	stream.indirect.gather [hbm4b:s6+s18], $0xA0, s21, s18, $0xb8;
	[tilespmem:$0xA820] =	vst v63  }
.LBB2_6:
0x242: {  	_ =	swait.ge [sflag:s8], $0x1900  }
0x243: {  	[sflag:s8] =	ssyncset.done $0x0  }
0x244: {  	[sflag:s8] =	ssyncadd.s32 $0xFFFFE700  }
0x245: {  	_ =	swait.ge [sflag:s8], $0x1900  }
0x246: {  	[sflag:s8] =	ssyncset.done $0x0  }
0x247: {  	[sflag:s8] =	ssyncadd.s32 $0xFFFFE700  }
0x248: {  	_ =	swait.ge [sflag:s8], $0xB00  }
0x249: {  	[sflag:s8] =	ssyncset.done $0x0  }
0x24a: {  	[sflag:s8] =	ssyncadd.s32 $0xFFFFF500  }
0x24b: {  	_ =	swait.ge [sflag:s8], $0xA00  }
0x24c: {  	[sflag:s8] =	ssyncset.done $0x0  }
0x24d: {  	s14 =	simm.s32 @!p0 $0x4;
	[sflag:s8] =	ssyncadd.s32 $0xFFFFF600  }
0x24e: {  	_ =	swait.ge @!p0 [sflag:s14], $0xA00  }
0x24f: {  	[sflag:s14] =	ssyncset.done @!p0 $0x0  }
0x250: {  	[sflag:s14] =	ssyncadd.s32 @!p0 $0xFFFFF600  }
0x251: {  	v25 =	vld [tilespmem:s10+$0x200]  }
0x252: {  	v26 =	vld.idx.msk [tilespmem:v15+s29+$0x0], $0xffff  }
0x253: {  	v27 =	vld.idx.msk [tilespmem:v16+s29+$0x0], $0xffff  }
0x254: {  	v28 =	vld.idx.msk [tilespmem:v17+s29+$0x0], $0xffff  }
0x255: {  	v29 =	vld.idx.msk [tilespmem:v18+s29+$0x0], $0xffff  }
0x256: {  	v30 =	vld.idx.msk [tilespmem:v19+s29+$0x0], $0xffff  }
0x257: {  	v32 =	vld.idx.msk [tilespmem:v20+s29+$0x0], $0xffff;
	vm9 =	vgt.s32 v25, $0xFFFFFFFF;
	v31 =	vmax.f32 v26, $-1.000000020e+30;
	vm8 =	vgt.s32 v25, $0x0  }
0x258: {  	v34 =	vld.idx.msk [tilespmem:v21+s29+$0x0], $0xffff;
	vm7 =	vgt.s32 v25, $0x1;
	v31 =	vnsel vm9, $0xF149F2CA, v31;
	v33 =	vnsel vm8, $0xF149F2CA, v27  }
0x259: {  	v35 =	vld.idx.msk [tilespmem:v22+s29+$0x0], $0xffff;
	vm3 =	vgt.s32 v25, $0x2;
	v46 =	vnsel vm7, $0xF149F2CA, v28;
	v31 =	vmax.f32 v31, v33  }
0x25a: {  	v36 =	vld.idx.msk [tilespmem:v23+s29+$0x0], $0xffff;
	vm0 =	vgt.s32 v25, $0x3;
	v47 =	vnsel vm3, $0xF149F2CA, v29;
	v31 =	vmax.f32 v31, v46  }
0x25b: {  	v37 =	vld.idx.msk [tilespmem:v24+s29+$0x0], $0xffff;
	vm1 =	vgt.s32 v25, $0x4;
	v48 =	vnsel vm0, $0xF149F2CA, v30;
	v31 =	vmax.f32 v31, v47  }
0x25c: {  	vm4 =	vgt.s32 v25, $0x5;
	v49 =	vnsel vm1, $0xF149F2CA, v32;
	v31 =	vmax.f32 v31, v48  }
0x25d: {  	vm5 =	vgt.s32 v25, $0x6;
	v50 =	vnsel vm4, $0xF149F2CA, v34;
	v31 =	vmax.f32 v31, v49  }
0x25e: {  	vm6 =	vgt.s32 v25, $0x7;
	v51 =	vnsel vm5, $0xF149F2CA, v35;
	v31 =	vmax.f32 v31, v50  }
0x25f: {  	vm2 =	vgt.s32 v25, $0x8;
	v25 =	vnsel vm6, $0xF149F2CA, v36;
	v31 =	vmax.f32 v31, v51  }
0x260: {  	v52 =	vnsel vm2, $0xF149F2CA, v37;
	v25 =	vmax.f32 v31, v25  }
0x261: {  	v25 =	vmax.f32 v25, v52  }
0x262: {  	v26 =	vsub.f32 v26, v25;
	_ =	sdelay $0x1  }
0x263: {  	v27 =	vsub.f32 v27, v25;
	v26 =	vmul.f32 $1.442695020e+00, v26;
	_ =	sdelay $0x1  }
0x264: {  	(erf) = vpow2.f32 v26;
	v26 =	vmul.f32 $1.442695020e+00, v27;
	v27 =	vsub.f32 v28, v25;
	_ =	sdelay $0x1  }
0x265: {  	(erf) = vpow2.f32 v26;
	v26 =	vmul.f32 $1.442695020e+00, v27  }
0x266: {  	v27 =	vsub.f32 v29, v25  }
0x267: {  	(erf) = vpow2.f32 v26  }
0x268: {  	v26 =	vmul.f32 $1.442695020e+00, v27;
	v27 =	vsub.f32 v30, v25;
	_ =	sdelay $0x1  }
0x269: {  	(erf) = vpow2.f32 v26;
	v26 =	vmul.f32 $1.442695020e+00, v27;
	v27 =	vsub.f32 v32, v25;
	_ =	sdelay $0x1  }
0x26a: {  	v53 =	vpop (erf);
	(erf) = vpow2.f32 v26;
	v26 =	vmul.f32 $1.442695020e+00, v27;
	v27 =	vsub.f32 v34, v25;
	_ =	sdelay $0x1  }
0x26b: {  	v28 =	vnsel vm9, $0x0, v53;
	v54 =	vpop (erf);
	(erf) = vpow2.f32 v26;
	v26 =	vmul.f32 $1.442695020e+00, v27  }
0x26c: {  	v27 =	vsub.f32 v35, v25;
	v55 =	vadd.f32 $0.0e+00, v28  }
0x26d: {  	v29 =	vnsel vm8, $0x0, v54;
	v56 =	vpop (erf);
	(erf) = vpow2.f32 v26  }
0x26e: {  	v26 =	vmul.f32 $1.442695020e+00, v27;
	v27 =	vsub.f32 v36, v25;
	v30 =	vadd.f32 v55, v29  }
0x26f: {  	v25 =	vsub.f32 v37, v25;
	v31 =	vnsel vm7, $0x0, v56  }
0x270: {  	(erf) = vpow2.f32 v26;
	v26 =	vmul.f32 $1.442695020e+00, v27;
	v27 =	vadd.f32 v30, v31;
	_ =	sdelay $0x1  }
0x271: {  	v57 =	vpop (erf);
	v25 =	vmul.f32 $1.442695020e+00, v25  }
0x272: {  	v30 =	vnsel vm3, $0x0, v57;
	(erf) = vpow2.f32 v26  }
0x273: {  	v26 =	vadd.f32 v27, v30;
	v27 =	vpop (erf)  }
0x274: {  	(erf) = vpow2.f32 v25;
	v27 =	vnsel vm0, $0x0, v27  }
0x275: {  	v25 =	vpop (erf);
	v26 =	vadd.f32 v26, v27  }
0x276: {  	v25 =	vnsel vm1, $0x0, v25  }
0x277: {  	v58 =	vpop (erf);
	v26 =	vadd.f32 v26, v25  }
0x278: {  	v32 =	vnsel vm4, $0x0, v58  }
0x279: {  	v59 =	vpop (erf);
	v26 =	vadd.f32 v26, v32  }
0x27a: {  	v33 =	vnsel vm5, $0x0, v59  }
0x27b: {  	v60 =	vpop (erf);
	v26 =	vadd.f32 v26, v33  }
0x27c: {  	v34 =	vnsel vm6, $0x0, v60  }
0x27d: {  	v61 =	vpop (erf);
	v26 =	vadd.f32 v26, v34  }
0x27e: {  	v35 =	vnsel vm2, $0x0, v61  }
0x27f: {  	v26 =	vadd.f32 v26, v35;
	_ =	sdelay $0x1  }
0x280: {  	(erf) = vrcp.f32 v26;
	_ =	sdelay $0x8  }
0x281: {  	v26 =	vpop (erf)  }
0x282: {  	v28 =	vmul.f32 v26, v28  }
0x283: {  	v29 =	vmul.f32 v26, v29  }
0x284: {  	v62 =	vmul.f32 v26, v31;
	[tilespmem:$0xA780] =	vst v28  }
0x285: {  	v63 =	vmul.f32 v26, v30;
	[tilespmem:$0xA790] =	vst v29  }
0x286: {  	v27 =	vmul.f32 v26, v27;
	[tilespmem:$0xA7A0] =	vst v62  }
0x287: {  	v25 =	vmul.f32 v26, v25;
	[tilespmem:$0xA7B0] =	vst v63  }
0x288: {  	[tilespmem:$0xA7C0] =	vst v27;
	v27 =	vmul.f32 v26, v32  }
0x289: {  	[tilespmem:$0xA7D0] =	vst v25;
	v25 =	vmul.f32 v26, v33  }
0x28a: {  	[tilespmem:$0xA7E0] =	vst v27;
	v27 =	vmul.f32 v26, v34  }
0x28b: {  	[tilespmem:$0xA7F0] =	vst v25;
	v25 =	vmul.f32 v26, v35  }
0x28c: {  	s15 =	simm.s32 $0x9420;
	s16 =	simm.s32 $0x9E20;
	[tilespmem:$0xA800] =	vst v27  }
0x28d: {  	s17 =	simm.s32 $0x8930;
	s19 =	simm.s32 $0x59A0;
	s14 =	simm.s32 $0x0;
	[tilespmem:$0xA810] =	vst v25  }
.LBB2_7:
0x28e: {  	v26 =	vmov s14;
	_ =	sdelay $0x2  }
0x28f: {  	v29 =	vld [tilespmem:s17+$0xFFFFFF50]  }
0x290: {  	v30 =	vld [tilespmem:s15+$0xFFFFFF60];
	v28 =	vand.u32 $0xE, v26  }
0x291: {  	v25 =	vld.idx.msk [tilespmem:v26+s2+$0x0], $0xffff;
	v26 =	vor.u32 $0x10, v28  }
0x292: {  	v31 =	vld [tilespmem:s17+$0xFFFFFF60]  }
0x293: {  	v33 =	vld [tilespmem:s19+$0xFFFFFCE0];
	v32 =	vor.u32 $0x20, v28  }
0x294: {  	v34 =	vld [tilespmem:s15+$0xFFFFFF70]  }
0x295: {  	v36 =	vld [tilespmem:s19+$0xFFFFFD30];
	v35 =	vor.u32 $0x30, v28  }
0x296: {  	v37 =	vor.u32 $0x40, v28;
	v27 =	vld.idx.msk [tilespmem:v26+s2+$0x0], $0xffff  }
0x297: {  	v41 =	vld [tilespmem:s19+$0xFFFFFD80];
	v38 =	vor.u32 $0x50, v28;
	v39 =	vor.u32 $0x60, v28;
	v40 =	vor.u32 $0x70, v28  }
0x298: {  	v42 =	vor.u32 $0x80, v28;
	v43 =	vor.u32 $0x90, v28;
	v60 =	vunpack.i.l.bf16.f32 v33;
	v26 =	vld.idx.msk [tilespmem:v32+s2+$0x0], $0xffff  }
0x299: {  	v63 =	vld [tilespmem:s19+$0xFFFFFDD0];
	v29 =	vadd.f32 v30, v29;
	v61 =	vunpack.i.u.bf16.f32 v33;
	v62 =	vmul.f32 v60, v25  }
0x29a: {  	v31 =	vadd.f32 v34, v31;
	v44 =	vunpack.i.l.bf16.f32 v36;
	v28 =	vld.idx.msk [tilespmem:v35+s2+$0x0], $0xffff;
	v30 =	vmul.f32 v61, v25  }
0x29b: {  	v46 =	vld [tilespmem:s19+$0xFFFFFE20];
	v45 =	vunpack.i.u.bf16.f32 v36;
	v32 =	vadd.f32 v62, v29;
	v34 =	vmul.f32 v44, v27  }
0x29c: {  	v47 =	vunpack.i.l.bf16.f32 v41;
	v29 =	vld.idx.msk [tilespmem:v37+s2+$0x0], $0xffff;
	v31 =	vadd.f32 v30, v31;
	v35 =	vmul.f32 v45, v27  }
0x29d: {  	v50 =	vld [tilespmem:s19+$0xFFFFFE70];
	v48 =	vunpack.i.u.bf16.f32 v41;
	v49 =	vmul.f32 v47, v26;
	v32 =	vadd.f32 v34, v32  }
0x29e: {  	v51 =	vunpack.i.l.bf16.f32 v63;
	v30 =	vld.idx.msk [tilespmem:v38+s2+$0x0], $0xffff;
	v35 =	vadd.f32 v35, v31;
	v34 =	vmul.f32 v48, v26  }
0x29f: {  	v53 =	vld [tilespmem:s19+$0xFFFFFEC0];
	v33 =	vunpack.i.u.bf16.f32 v63;
	v52 =	vmul.f32 v51, v28;
	v32 =	vadd.f32 v49, v32  }
0x2a0: {  	v54 =	vunpack.i.l.bf16.f32 v46;
	v33 =	vmul.f32 v33, v28;
	v31 =	vld.idx.msk [tilespmem:v39+s2+$0x0], $0xffff;
	v34 =	vadd.f32 v34, v35  }
0x2a1: {  	v55 =	vld [tilespmem:s19+$0xFFFFFF10];
	v36 =	vunpack.i.u.bf16.f32 v46;
	v35 =	vmul.f32 v54, v29;
	v37 =	vadd.f32 v52, v32  }
0x2a2: {  	v56 =	vunpack.i.l.bf16.f32 v50;
	v36 =	vmul.f32 v36, v29;
	v32 =	vld.idx.msk [tilespmem:v40+s2+$0x0], $0xffff;
	v34 =	vadd.f32 v33, v34  }
0x2a3: {  	v59 =	vld [tilespmem:s19+$0xFFFFFF60];
	v57 =	vunpack.i.u.bf16.f32 v50;
	v58 =	vmul.f32 v56, v30;
	v35 =	vadd.f32 v35, v37  }
0x2a4: {  	v60 =	vunpack.i.l.bf16.f32 v53;
	v33 =	vld.idx.msk [tilespmem:v42+s2+$0x0], $0xffff;
	v36 =	vadd.f32 v36, v34;
	v37 =	vmul.f32 v57, v30  }
0x2a5: {  	v38 =	vunpack.i.u.bf16.f32 v53;
	v62 =	vld [tilespmem:s19+$0xFFFFFFB0];
	v61 =	vmul.f32 v60, v31;
	v35 =	vadd.f32 v58, v35  }
0x2a6: {  	v63 =	vmul.f32 v38, v31;
	v34 =	vld.idx.msk [tilespmem:v43+s2+$0x0], $0xffff;
	v43 =	vunpack.i.l.bf16.f32 v55;
	v36 =	vadd.f32 v37, v36  }
0x2a7: {  	v39 =	vunpack.i.u.bf16.f32 v55;
	v38 =	vmul.f32 v43, v32;
	v35 =	vadd.f32 v61, v35  }
0x2a8: {  	v45 =	vunpack.i.l.bf16.f32 v59;
	v44 =	vmul.f32 v39, v32;
	v36 =	vadd.f32 v63, v36  }
0x2a9: {  	v46 =	vunpack.i.u.bf16.f32 v59;
	v39 =	vmul.f32 v45, v33;
	v35 =	vadd.f32 v38, v35  }
0x2aa: {  	v48 =	vunpack.i.l.bf16.f32 v62;
	v47 =	vmul.f32 v46, v33;
	v36 =	vadd.f32 v44, v36  }
0x2ab: {  	v49 =	vunpack.i.u.bf16.f32 v62;
	v38 =	vmul.f32 v48, v34;
	v35 =	vadd.f32 v39, v35  }
0x2ac: {  	v50 =	vmul.f32 v49, v34;
	v36 =	vadd.f32 v47, v36  }
0x2ad: {  	v35 =	vadd.f32 v38, v35  }
0x2ae: {  	v36 =	vadd.f32 v50, v36  }
0x2af: {  	[tilespmem:s16+$0xFFFFFF60] =	vst v35  }
0x2b0: {  	[tilespmem:s16+$0xFFFFFF70] =	vst v36  }
0x2b1: {  	v35 =	vld [tilespmem:s17+$0xFFFFFF70]  }
0x2b2: {  	v36 =	vld [tilespmem:s15+$0xFFFFFF80]  }
0x2b3: {  	v51 =	vld [tilespmem:s17+$0xFFFFFF80]  }
0x2b4: {  	v52 =	vld [tilespmem:s19+$0xFFFFFCF0]  }
0x2b5: {  	v53 =	vld [tilespmem:s15+$0xFFFFFF90]  }
0x2b6: {  	v54 =	vld [tilespmem:s19+$0xFFFFFD40];
	_ =	sdelay $0x1  }
0x2b7: {  	v55 =	vld [tilespmem:s19+$0xFFFFFD90]  }
0x2b8: {  	v56 =	vunpack.i.l.bf16.f32 v52  }
0x2b9: {  	v59 =	vld [tilespmem:s19+$0xFFFFFDE0];
	v35 =	vadd.f32 v36, v35;
	v57 =	vunpack.i.u.bf16.f32 v52;
	v58 =	vmul.f32 v56, v25  }
0x2ba: {  	v37 =	vadd.f32 v53, v51;
	v60 =	vunpack.i.l.bf16.f32 v54;
	v36 =	vmul.f32 v57, v25  }
0x2bb: {  	v62 =	vld [tilespmem:s19+$0xFFFFFE30];
	v61 =	vunpack.i.u.bf16.f32 v54;
	v39 =	vmul.f32 v60, v27;
	v35 =	vadd.f32 v58, v35  }
0x2bc: {  	v44 =	vunpack.i.l.bf16.f32 v55;
	v63 =	vmul.f32 v61, v27;
	v36 =	vadd.f32 v36, v37  }
0x2bd: {  	v46 =	vld [tilespmem:s19+$0xFFFFFE80];
	v45 =	vunpack.i.u.bf16.f32 v55;
	v38 =	vmul.f32 v44, v26;
	v35 =	vadd.f32 v39, v35  }
0x2be: {  	v48 =	vunpack.i.l.bf16.f32 v59;
	v47 =	vmul.f32 v45, v26;
	v36 =	vadd.f32 v63, v36  }
0x2bf: {  	v50 =	vld [tilespmem:s19+$0xFFFFFED0];
	v49 =	vunpack.i.u.bf16.f32 v59;
	v39 =	vmul.f32 v48, v28;
	v35 =	vadd.f32 v38, v35  }
0x2c0: {  	v52 =	vunpack.i.l.bf16.f32 v62;
	v51 =	vmul.f32 v49, v28;
	v36 =	vadd.f32 v47, v36  }
0x2c1: {  	v53 =	vunpack.i.u.bf16.f32 v62;
	v54 =	vld [tilespmem:s19+$0xFFFFFF20];
	v38 =	vmul.f32 v52, v29;
	v35 =	vadd.f32 v39, v35  }
0x2c2: {  	v55 =	vmul.f32 v53, v29;
	v56 =	vunpack.i.l.bf16.f32 v46;
	v36 =	vadd.f32 v51, v36  }
0x2c3: {  	v57 =	vunpack.i.u.bf16.f32 v46;
	v58 =	vld [tilespmem:s19+$0xFFFFFF70];
	v39 =	vmul.f32 v56, v30;
	v35 =	vadd.f32 v38, v35  }
0x2c4: {  	v60 =	vunpack.i.l.bf16.f32 v50;
	v59 =	vmul.f32 v57, v30;
	v36 =	vadd.f32 v55, v36  }
0x2c5: {  	v62 =	vld [tilespmem:s19+$0xFFFFFFC0];
	v61 =	vunpack.i.u.bf16.f32 v50;
	v38 =	vmul.f32 v60, v31;
	v35 =	vadd.f32 v39, v35  }
0x2c6: {  	v63 =	vmul.f32 v61, v31;
	v43 =	vunpack.i.l.bf16.f32 v54;
	v36 =	vadd.f32 v59, v36  }
0x2c7: {  	v44 =	vunpack.i.u.bf16.f32 v54;
	v39 =	vmul.f32 v43, v32;
	v35 =	vadd.f32 v38, v35  }
0x2c8: {  	v45 =	vmul.f32 v44, v32;
	v46 =	vunpack.i.l.bf16.f32 v58;
	v36 =	vadd.f32 v63, v36  }
0x2c9: {  	v47 =	vunpack.i.u.bf16.f32 v58;
	v38 =	vmul.f32 v46, v33;
	v35 =	vadd.f32 v39, v35  }
0x2ca: {  	v49 =	vunpack.i.l.bf16.f32 v62;
	v48 =	vmul.f32 v47, v33;
	v36 =	vadd.f32 v45, v36  }
0x2cb: {  	v50 =	vunpack.i.u.bf16.f32 v62;
	v39 =	vmul.f32 v49, v34;
	v35 =	vadd.f32 v38, v35  }
0x2cc: {  	v51 =	vmul.f32 v50, v34;
	v36 =	vadd.f32 v48, v36  }
0x2cd: {  	v35 =	vadd.f32 v39, v35  }
0x2ce: {  	v36 =	vadd.f32 v51, v36  }
0x2cf: {  	[tilespmem:s16+$0xFFFFFF80] =	vst v35  }
0x2d0: {  	[tilespmem:s16+$0xFFFFFF90] =	vst v36  }
0x2d1: {  	v35 =	vld [tilespmem:s17+$0xFFFFFF90]  }
0x2d2: {  	v36 =	vld [tilespmem:s15+$0xFFFFFFA0]  }
0x2d3: {  	v52 =	vld [tilespmem:s17+$0xFFFFFFA0]  }
0x2d4: {  	v53 =	vld [tilespmem:s19+$0xFFFFFD00]  }
0x2d5: {  	v54 =	vld [tilespmem:s15+$0xFFFFFFB0]  }
0x2d6: {  	v55 =	vld [tilespmem:s19+$0xFFFFFD50];
	_ =	sdelay $0x1  }
0x2d7: {  	v56 =	vld [tilespmem:s19+$0xFFFFFDA0]  }
0x2d8: {  	v57 =	vunpack.i.l.bf16.f32 v53  }
0x2d9: {  	v60 =	vld [tilespmem:s19+$0xFFFFFDF0];
	v35 =	vadd.f32 v36, v35;
	v58 =	vunpack.i.u.bf16.f32 v53;
	v59 =	vmul.f32 v57, v25  }
0x2da: {  	v37 =	vadd.f32 v54, v52;
	v61 =	vunpack.i.l.bf16.f32 v55;
	v36 =	vmul.f32 v58, v25  }
0x2db: {  	v63 =	vld [tilespmem:s19+$0xFFFFFE40];
	v62 =	vunpack.i.u.bf16.f32 v55;
	v39 =	vmul.f32 v61, v27;
	v35 =	vadd.f32 v59, v35  }
0x2dc: {  	v45 =	vunpack.i.l.bf16.f32 v56;
	v44 =	vmul.f32 v62, v27;
	v36 =	vadd.f32 v36, v37  }
0x2dd: {  	v47 =	vld [tilespmem:s19+$0xFFFFFE90];
	v46 =	vunpack.i.u.bf16.f32 v56;
	v38 =	vmul.f32 v45, v26;
	v35 =	vadd.f32 v39, v35  }
0x2de: {  	v49 =	vunpack.i.l.bf16.f32 v60;
	v48 =	vmul.f32 v46, v26;
	v36 =	vadd.f32 v44, v36  }
0x2df: {  	v51 =	vld [tilespmem:s19+$0xFFFFFEE0];
	v50 =	vunpack.i.u.bf16.f32 v60;
	v39 =	vmul.f32 v49, v28;
	v35 =	vadd.f32 v38, v35  }
0x2e0: {  	v53 =	vunpack.i.l.bf16.f32 v63;
	v52 =	vmul.f32 v50, v28;
	v36 =	vadd.f32 v48, v36  }
0x2e1: {  	v54 =	vunpack.i.u.bf16.f32 v63;
	v55 =	vld [tilespmem:s19+$0xFFFFFF30];
	v38 =	vmul.f32 v53, v29;
	v35 =	vadd.f32 v39, v35  }
0x2e2: {  	v56 =	vmul.f32 v54, v29;
	v57 =	vunpack.i.l.bf16.f32 v47;
	v36 =	vadd.f32 v52, v36  }
0x2e3: {  	v58 =	vunpack.i.u.bf16.f32 v47;
	v59 =	vld [tilespmem:s19+$0xFFFFFF80];
	v39 =	vmul.f32 v57, v30;
	v35 =	vadd.f32 v38, v35  }
0x2e4: {  	v61 =	vunpack.i.l.bf16.f32 v51;
	v60 =	vmul.f32 v58, v30;
	v36 =	vadd.f32 v56, v36  }
0x2e5: {  	v63 =	vld [tilespmem:s19+$0xFFFFFFD0];
	v62 =	vunpack.i.u.bf16.f32 v51;
	v38 =	vmul.f32 v61, v31;
	v35 =	vadd.f32 v39, v35  }
0x2e6: {  	v45 =	vmul.f32 v62, v31;
	v46 =	vunpack.i.l.bf16.f32 v55;
	v36 =	vadd.f32 v60, v36  }
0x2e7: {  	v47 =	vunpack.i.u.bf16.f32 v55;
	v39 =	vmul.f32 v46, v32;
	v35 =	vadd.f32 v38, v35  }
0x2e8: {  	v48 =	vmul.f32 v47, v32;
	v49 =	vunpack.i.l.bf16.f32 v59;
	v36 =	vadd.f32 v45, v36  }
0x2e9: {  	v50 =	vunpack.i.u.bf16.f32 v59;
	v38 =	vmul.f32 v49, v33;
	v35 =	vadd.f32 v39, v35  }
0x2ea: {  	v51 =	vmul.f32 v50, v33;
	v52 =	vunpack.i.l.bf16.f32 v63;
	v36 =	vadd.f32 v48, v36  }
0x2eb: {  	v53 =	vunpack.i.u.bf16.f32 v63;
	v39 =	vmul.f32 v52, v34;
	v35 =	vadd.f32 v38, v35  }
0x2ec: {  	v54 =	vmul.f32 v53, v34;
	v36 =	vadd.f32 v51, v36  }
0x2ed: {  	v35 =	vadd.f32 v39, v35  }
0x2ee: {  	v36 =	vadd.f32 v54, v36  }
0x2ef: {  	[tilespmem:s16+$0xFFFFFFA0] =	vst v35  }
0x2f0: {  	[tilespmem:s16+$0xFFFFFFB0] =	vst v36  }
0x2f1: {  	v35 =	vld [tilespmem:s17+$0xFFFFFFB0]  }
0x2f2: {  	v36 =	vld [tilespmem:s15+$0xFFFFFFC0]  }
0x2f3: {  	v55 =	vld [tilespmem:s17+$0xFFFFFFC0]  }
0x2f4: {  	v56 =	vld [tilespmem:s19+$0xFFFFFD10]  }
0x2f5: {  	v57 =	vld [tilespmem:s15+$0xFFFFFFD0]  }
0x2f6: {  	v58 =	vld [tilespmem:s19+$0xFFFFFD60];
	_ =	sdelay $0x1  }
0x2f7: {  	v59 =	vld [tilespmem:s19+$0xFFFFFDB0]  }
0x2f8: {  	v60 =	vunpack.i.l.bf16.f32 v56  }
0x2f9: {  	v63 =	vld [tilespmem:s19+$0xFFFFFE00];
	v35 =	vadd.f32 v36, v35;
	v61 =	vunpack.i.u.bf16.f32 v56;
	v62 =	vmul.f32 v60, v25  }
0x2fa: {  	v37 =	vadd.f32 v57, v55;
	v45 =	vunpack.i.l.bf16.f32 v58;
	v36 =	vmul.f32 v61, v25  }
0x2fb: {  	v47 =	vld [tilespmem:s19+$0xFFFFFE50];
	v46 =	vunpack.i.u.bf16.f32 v58;
	v39 =	vmul.f32 v45, v27;
	v35 =	vadd.f32 v62, v35  }
0x2fc: {  	v49 =	vunpack.i.l.bf16.f32 v59;
	v48 =	vmul.f32 v46, v27;
	v36 =	vadd.f32 v36, v37  }
0x2fd: {  	v51 =	vld [tilespmem:s19+$0xFFFFFEA0];
	v50 =	vunpack.i.u.bf16.f32 v59;
	v38 =	vmul.f32 v49, v26;
	v35 =	vadd.f32 v39, v35  }
0x2fe: {  	v53 =	vunpack.i.l.bf16.f32 v63;
	v52 =	vmul.f32 v50, v26;
	v36 =	vadd.f32 v48, v36  }
0x2ff: {  	v54 =	vunpack.i.u.bf16.f32 v63;
	v55 =	vld [tilespmem:s19+$0xFFFFFEF0];
	v39 =	vmul.f32 v53, v28;
	v35 =	vadd.f32 v38, v35  }
0x300: {  	v57 =	vunpack.i.l.bf16.f32 v47;
	v56 =	vmul.f32 v54, v28;
	v36 =	vadd.f32 v52, v36  }
0x301: {  	v58 =	vunpack.i.u.bf16.f32 v47;
	v59 =	vld [tilespmem:s19+$0xFFFFFF40];
	v38 =	vmul.f32 v57, v29;
	v35 =	vadd.f32 v39, v35  }
0x302: {  	v60 =	vmul.f32 v58, v29;
	v61 =	vunpack.i.l.bf16.f32 v51;
	v36 =	vadd.f32 v56, v36  }
0x303: {  	v63 =	vld [tilespmem:s19+$0xFFFFFF90];
	v62 =	vunpack.i.u.bf16.f32 v51;
	v39 =	vmul.f32 v61, v30;
	v35 =	vadd.f32 v38, v35  }
0x304: {  	v45 =	vmul.f32 v62, v30;
	v46 =	vunpack.i.l.bf16.f32 v55;
	v36 =	vadd.f32 v60, v36  }
0x305: {  	v47 =	vunpack.i.u.bf16.f32 v55;
	v48 =	vld [tilespmem:s19+$0xFFFFFFE0];
	v38 =	vmul.f32 v46, v31;
	v35 =	vadd.f32 v39, v35  }
0x306: {  	v50 =	vunpack.i.l.bf16.f32 v59;
	v49 =	vmul.f32 v47, v31;
	v36 =	vadd.f32 v45, v36  }
0x307: {  	v51 =	vunpack.i.u.bf16.f32 v59;
	v39 =	vmul.f32 v50, v32;
	v35 =	vadd.f32 v38, v35  }
0x308: {  	v53 =	vunpack.i.l.bf16.f32 v63;
	v52 =	vmul.f32 v51, v32;
	v36 =	vadd.f32 v49, v36  }
0x309: {  	v54 =	vunpack.i.u.bf16.f32 v63;
	v38 =	vmul.f32 v53, v33;
	v35 =	vadd.f32 v39, v35  }
0x30a: {  	v55 =	vmul.f32 v54, v33;
	v56 =	vunpack.i.l.bf16.f32 v48;
	v36 =	vadd.f32 v52, v36  }
0x30b: {  	v57 =	vunpack.i.u.bf16.f32 v48;
	v39 =	vmul.f32 v56, v34;
	v35 =	vadd.f32 v38, v35  }
0x30c: {  	v58 =	vmul.f32 v57, v34;
	v36 =	vadd.f32 v55, v36  }
0x30d: {  	v35 =	vadd.f32 v39, v35  }
0x30e: {  	v36 =	vadd.f32 v58, v36  }
0x30f: {  	[tilespmem:s16+$0xFFFFFFC0] =	vst v35  }
0x310: {  	[tilespmem:s16+$0xFFFFFFD0] =	vst v36  }
0x311: {  	v35 =	vld [tilespmem:s17+$0xFFFFFFD0]  }
0x312: {  	v36 =	vld [tilespmem:s15+$0xFFFFFFE0]  }
0x313: {  	v59 =	vld [tilespmem:s17+$0xFFFFFFE0]  }
0x314: {  	v60 =	vld [tilespmem:s19+$0xFFFFFD20]  }
0x315: {  	v61 =	vld [tilespmem:s15+$0xFFFFFFF0]  }
0x316: {  	v62 =	vld [tilespmem:s19+$0xFFFFFD70];
	_ =	sdelay $0x1  }
0x317: {  	v63 =	vld [tilespmem:s19+$0xFFFFFDC0]  }
0x318: {  	v45 =	vunpack.i.l.bf16.f32 v60  }
0x319: {  	v48 =	vld [tilespmem:s19+$0xFFFFFE10];
	v35 =	vadd.f32 v36, v35;
	v46 =	vunpack.i.u.bf16.f32 v60;
	v47 =	vmul.f32 v45, v25  }
0x31a: {  	v37 =	vadd.f32 v61, v59;
	v49 =	vunpack.i.l.bf16.f32 v62;
	v25 =	vmul.f32 v46, v25  }
0x31b: {  	v51 =	vld [tilespmem:s19+$0xFFFFFE60];
	v50 =	vunpack.i.u.bf16.f32 v62;
	v36 =	vmul.f32 v49, v27;
	v35 =	vadd.f32 v47, v35  }
0x31c: {  	v52 =	vunpack.i.l.bf16.f32 v63;
	v27 =	vmul.f32 v50, v27;
	v25 =	vadd.f32 v25, v37  }
0x31d: {  	v54 =	vld [tilespmem:s19+$0xFFFFFEB0];
	v53 =	vunpack.i.u.bf16.f32 v63;
	v37 =	vmul.f32 v52, v26;
	v35 =	vadd.f32 v36, v35  }
0x31e: {  	v26 =	vmul.f32 v53, v26;
	v25 =	vadd.f32 v27, v25;
	v27 =	vunpack.i.l.bf16.f32 v48  }
0x31f: {  	v56 =	vld [tilespmem:s19+$0xFFFFFF00];
	v55 =	vunpack.i.u.bf16.f32 v48;
	v27 =	vmul.f32 v27, v28;
	v35 =	vadd.f32 v37, v35  }
0x320: {  	v57 =	vunpack.i.l.bf16.f32 v51;
	v25 =	vadd.f32 v26, v25;
	v26 =	vmul.f32 v55, v28  }
0x321: {  	v58 =	vunpack.i.u.bf16.f32 v51;
	v59 =	vld [tilespmem:s19+$0xFFFFFF50];
	v28 =	vmul.f32 v57, v29;
	v27 =	vadd.f32 v27, v35  }
0x322: {  	v60 =	vunpack.i.l.bf16.f32 v54;
	v25 =	vadd.f32 v26, v25;
	v26 =	vmul.f32 v58, v29  }
0x323: {  	v61 =	vunpack.i.u.bf16.f32 v54;
	v62 =	vld [tilespmem:s19+$0xFFFFFFA0];
	v29 =	vmul.f32 v60, v30;
	v27 =	vadd.f32 v28, v27  }
0x324: {  	v63 =	vunpack.i.l.bf16.f32 v56;
	v25 =	vadd.f32 v26, v25;
	v26 =	vmul.f32 v61, v30  }
0x325: {  	v39 =	vld [tilespmem:s19+$0xFFFFFFF0];
	v38 =	vunpack.i.u.bf16.f32 v56;
	v28 =	vmul.f32 v63, v31;
	v27 =	vadd.f32 v29, v27  }
0x326: {  	v40 =	vunpack.i.l.bf16.f32 v59;
	v25 =	vadd.f32 v26, v25;
	v26 =	vmul.f32 v38, v31  }
0x327: {  	v41 =	vunpack.i.u.bf16.f32 v59;
	v29 =	vmul.f32 v40, v32;
	v27 =	vadd.f32 v28, v27  }
0x328: {  	v42 =	vunpack.i.l.bf16.f32 v62;
	v25 =	vadd.f32 v26, v25;
	v26 =	vmul.f32 v41, v32  }
0x329: {  	v43 =	vunpack.i.u.bf16.f32 v62;
	v28 =	vmul.f32 v42, v33;
	v27 =	vadd.f32 v29, v27  }
0x32a: {  	v44 =	vunpack.i.l.bf16.f32 v39;
	v25 =	vadd.f32 v26, v25;
	v26 =	vmul.f32 v43, v33  }
0x32b: {  	s21 =	sadd.s32 $0x1, s14;
	v45 =	vunpack.i.u.bf16.f32 v39;
	v29 =	vmul.f32 v44, v34;
	v27 =	vadd.f32 v28, v27  }
0x32c: {  	v46 =	vmov s21;
	v25 =	vadd.f32 v26, v25;
	v26 =	vmul.f32 v45, v34  }
0x32d: {  	v27 =	vadd.f32 v29, v27  }
0x32e: {  	v25 =	vadd.f32 v26, v25  }
0x32f: {  	[tilespmem:s16+$0xFFFFFFE0] =	vst v27  }
0x330: {  	[tilespmem:s16+$0xFFFFFFF0] =	vst v25  }
0x331: {  	v25 =	vld.idx.msk [tilespmem:v46+s2+$0x0], $0xffff  }
0x332: {  	v28 =	vand.u32 $0xF, v46;
	v47 =	vld [tilespmem:s17+$0x0]  }
0x333: {  	v26 =	vor.u32 $0x10, v28;
	v48 =	vld [tilespmem:s15+$0x0]  }
0x334: {  	v49 =	vld [tilespmem:s17+$0x10]  }
0x335: {  	v50 =	vor.u32 $0x20, v28;
	v51 =	vld [tilespmem:s19+$0x0]  }
0x336: {  	v52 =	vld [tilespmem:s15+$0x10]  }
0x337: {  	v53 =	vor.u32 $0x30, v28;
	v54 =	vld [tilespmem:s19+$0x50]  }
0x338: {  	v55 =	vor.u32 $0x40, v28;
	v27 =	vld.idx.msk [tilespmem:v26+s2+$0x0], $0xffff  }
0x339: {  	v56 =	vor.u32 $0x50, v28;
	v57 =	vor.u32 $0x60, v28;
	v58 =	vor.u32 $0x70, v28;
	v59 =	vld [tilespmem:s19+$0xA0]  }
0x33a: {  	v42 =	vor.u32 $0x80, v28;
	v43 =	vor.u32 $0x90, v28;
	v26 =	vld.idx.msk [tilespmem:v50+s2+$0x0], $0xffff;
	v60 =	vunpack.i.l.bf16.f32 v51  }
0x33b: {  	v63 =	vld [tilespmem:s19+$0xF0];
	v29 =	vadd.f32 v48, v47;
	v61 =	vunpack.i.u.bf16.f32 v51;
	v62 =	vmul.f32 v60, v25  }
0x33c: {  	v28 =	vld.idx.msk [tilespmem:v53+s2+$0x0], $0xffff;
	v31 =	vadd.f32 v52, v49;
	v44 =	vunpack.i.l.bf16.f32 v54;
	v30 =	vmul.f32 v61, v25  }
0x33d: {  	v46 =	vld [tilespmem:s19+$0x140];
	v45 =	vunpack.i.u.bf16.f32 v54;
	v34 =	vmul.f32 v44, v27;
	v32 =	vadd.f32 v62, v29  }
0x33e: {  	v47 =	vunpack.i.l.bf16.f32 v59;
	v35 =	vmul.f32 v45, v27;
	v29 =	vld.idx.msk [tilespmem:v55+s2+$0x0], $0xffff;
	v31 =	vadd.f32 v30, v31  }
0x33f: {  	v50 =	vld [tilespmem:s19+$0x190];
	v48 =	vunpack.i.u.bf16.f32 v59;
	v49 =	vmul.f32 v47, v26;
	v32 =	vadd.f32 v34, v32  }
0x340: {  	v51 =	vunpack.i.l.bf16.f32 v63;
	v30 =	vld.idx.msk [tilespmem:v56+s2+$0x0], $0xffff;
	v35 =	vadd.f32 v35, v31;
	v34 =	vmul.f32 v48, v26  }
0x341: {  	v53 =	vld [tilespmem:s19+$0x1E0];
	v33 =	vunpack.i.u.bf16.f32 v63;
	v52 =	vmul.f32 v51, v28;
	v32 =	vadd.f32 v49, v32  }
0x342: {  	v54 =	vunpack.i.l.bf16.f32 v46;
	v33 =	vmul.f32 v33, v28;
	v31 =	vld.idx.msk [tilespmem:v57+s2+$0x0], $0xffff;
	v34 =	vadd.f32 v34, v35  }
0x343: {  	v36 =	vunpack.i.u.bf16.f32 v46;
	v55 =	vld [tilespmem:s19+$0x230];
	v35 =	vmul.f32 v54, v29;
	v37 =	vadd.f32 v52, v32  }
0x344: {  	v56 =	vunpack.i.l.bf16.f32 v50;
	v36 =	vmul.f32 v36, v29;
	v32 =	vld.idx.msk [tilespmem:v58+s2+$0x0], $0xffff;
	v34 =	vadd.f32 v33, v34  }
0x345: {  	v59 =	vld [tilespmem:s19+$0x280];
	v57 =	vunpack.i.u.bf16.f32 v50;
	v58 =	vmul.f32 v56, v30;
	v35 =	vadd.f32 v35, v37  }
0x346: {  	v60 =	vunpack.i.l.bf16.f32 v53;
	v33 =	vld.idx.msk [tilespmem:v42+s2+$0x0], $0xffff;
	v36 =	vadd.f32 v36, v34;
	v37 =	vmul.f32 v57, v30  }
0x347: {  	v38 =	vunpack.i.u.bf16.f32 v53;
	v62 =	vld [tilespmem:s19+$0x2D0];
	v61 =	vmul.f32 v60, v31;
	v35 =	vadd.f32 v58, v35  }
0x348: {  	v63 =	vmul.f32 v38, v31;
	v34 =	vld.idx.msk [tilespmem:v43+s2+$0x0], $0xffff;
	v43 =	vunpack.i.l.bf16.f32 v55;
	v36 =	vadd.f32 v37, v36  }
0x349: {  	v39 =	vunpack.i.u.bf16.f32 v55;
	v38 =	vmul.f32 v43, v32;
	v35 =	vadd.f32 v61, v35  }
0x34a: {  	v45 =	vunpack.i.l.bf16.f32 v59;
	v44 =	vmul.f32 v39, v32;
	v36 =	vadd.f32 v63, v36  }
0x34b: {  	v46 =	vunpack.i.u.bf16.f32 v59;
	v39 =	vmul.f32 v45, v33;
	v35 =	vadd.f32 v38, v35  }
0x34c: {  	v48 =	vunpack.i.l.bf16.f32 v62;
	v47 =	vmul.f32 v46, v33;
	v36 =	vadd.f32 v44, v36  }
0x34d: {  	v49 =	vunpack.i.u.bf16.f32 v62;
	v38 =	vmul.f32 v48, v34;
	v35 =	vadd.f32 v39, v35  }
0x34e: {  	v50 =	vmul.f32 v49, v34;
	v36 =	vadd.f32 v47, v36  }
0x34f: {  	v35 =	vadd.f32 v38, v35  }
0x350: {  	v36 =	vadd.f32 v50, v36  }
0x351: {  	[tilespmem:s16+$0x0] =	vst v35  }
0x352: {  	[tilespmem:s16+$0x10] =	vst v36  }
0x353: {  	v35 =	vld [tilespmem:s17+$0x20]  }
0x354: {  	v36 =	vld [tilespmem:s15+$0x20]  }
0x355: {  	v51 =	vld [tilespmem:s17+$0x30]  }
0x356: {  	v52 =	vld [tilespmem:s19+$0x10]  }
0x357: {  	v53 =	vld [tilespmem:s15+$0x30]  }
0x358: {  	v54 =	vld [tilespmem:s19+$0x60];
	_ =	sdelay $0x1  }
0x359: {  	v55 =	vld [tilespmem:s19+$0xB0]  }
0x35a: {  	v56 =	vunpack.i.l.bf16.f32 v52  }
0x35b: {  	v59 =	vld [tilespmem:s19+$0x100];
	v35 =	vadd.f32 v36, v35;
	v57 =	vunpack.i.u.bf16.f32 v52;
	v58 =	vmul.f32 v56, v25  }
0x35c: {  	v37 =	vadd.f32 v53, v51;
	v60 =	vunpack.i.l.bf16.f32 v54;
	v36 =	vmul.f32 v57, v25  }
0x35d: {  	v62 =	vld [tilespmem:s19+$0x150];
	v61 =	vunpack.i.u.bf16.f32 v54;
	v39 =	vmul.f32 v60, v27;
	v35 =	vadd.f32 v58, v35  }
0x35e: {  	v43 =	vunpack.i.l.bf16.f32 v55;
	v63 =	vmul.f32 v61, v27;
	v36 =	vadd.f32 v36, v37  }
0x35f: {  	v45 =	vld [tilespmem:s19+$0x1A0];
	v44 =	vunpack.i.u.bf16.f32 v55;
	v38 =	vmul.f32 v43, v26;
	v35 =	vadd.f32 v39, v35  }
0x360: {  	v47 =	vunpack.i.l.bf16.f32 v59;
	v46 =	vmul.f32 v44, v26;
	v36 =	vadd.f32 v63, v36  }
0x361: {  	v49 =	vld [tilespmem:s19+$0x1F0];
	v48 =	vunpack.i.u.bf16.f32 v59;
	v39 =	vmul.f32 v47, v28;
	v35 =	vadd.f32 v38, v35  }
0x362: {  	v51 =	vunpack.i.l.bf16.f32 v62;
	v50 =	vmul.f32 v48, v28;
	v36 =	vadd.f32 v46, v36  }
0x363: {  	v52 =	vunpack.i.u.bf16.f32 v62;
	v53 =	vld [tilespmem:s19+$0x240];
	v38 =	vmul.f32 v51, v29;
	v35 =	vadd.f32 v39, v35  }
0x364: {  	v55 =	vunpack.i.l.bf16.f32 v45;
	v54 =	vmul.f32 v52, v29;
	v36 =	vadd.f32 v50, v36  }
0x365: {  	v56 =	vunpack.i.u.bf16.f32 v45;
	v57 =	vld [tilespmem:s19+$0x290];
	v39 =	vmul.f32 v55, v30;
	v35 =	vadd.f32 v38, v35  }
0x366: {  	v59 =	vunpack.i.l.bf16.f32 v49;
	v58 =	vmul.f32 v56, v30;
	v36 =	vadd.f32 v54, v36  }
0x367: {  	v60 =	vunpack.i.u.bf16.f32 v49;
	v61 =	vld [tilespmem:s19+$0x2E0];
	v38 =	vmul.f32 v59, v31;
	v35 =	vadd.f32 v39, v35  }
0x368: {  	v62 =	vmul.f32 v60, v31;
	v63 =	vunpack.i.l.bf16.f32 v53;
	v36 =	vadd.f32 v58, v36  }
0x369: {  	v43 =	vunpack.i.u.bf16.f32 v53;
	v39 =	vmul.f32 v63, v32;
	v35 =	vadd.f32 v38, v35  }
0x36a: {  	v44 =	vmul.f32 v43, v32;
	v45 =	vunpack.i.l.bf16.f32 v57;
	v36 =	vadd.f32 v62, v36  }
0x36b: {  	v46 =	vunpack.i.u.bf16.f32 v57;
	v38 =	vmul.f32 v45, v33;
	v35 =	vadd.f32 v39, v35  }
0x36c: {  	v48 =	vunpack.i.l.bf16.f32 v61;
	v47 =	vmul.f32 v46, v33;
	v36 =	vadd.f32 v44, v36  }
0x36d: {  	v49 =	vunpack.i.u.bf16.f32 v61;
	v39 =	vmul.f32 v48, v34;
	v35 =	vadd.f32 v38, v35  }
0x36e: {  	v50 =	vmul.f32 v49, v34;
	v36 =	vadd.f32 v47, v36  }
0x36f: {  	v35 =	vadd.f32 v39, v35  }
0x370: {  	v36 =	vadd.f32 v50, v36  }
0x371: {  	[tilespmem:s16+$0x20] =	vst v35  }
0x372: {  	[tilespmem:s16+$0x30] =	vst v36  }
0x373: {  	v35 =	vld [tilespmem:s17+$0x40]  }
0x374: {  	v36 =	vld [tilespmem:s15+$0x40]  }
0x375: {  	v51 =	vld [tilespmem:s17+$0x50]  }
0x376: {  	v52 =	vld [tilespmem:s19+$0x20]  }
0x377: {  	v53 =	vld [tilespmem:s15+$0x50]  }
0x378: {  	v54 =	vld [tilespmem:s19+$0x70];
	_ =	sdelay $0x1  }
0x379: {  	v55 =	vld [tilespmem:s19+$0xC0]  }
0x37a: {  	v56 =	vunpack.i.l.bf16.f32 v52  }
0x37b: {  	v59 =	vld [tilespmem:s19+$0x110];
	v35 =	vadd.f32 v36, v35;
	v57 =	vunpack.i.u.bf16.f32 v52;
	v58 =	vmul.f32 v56, v25  }
0x37c: {  	v37 =	vadd.f32 v53, v51;
	v60 =	vunpack.i.l.bf16.f32 v54;
	v36 =	vmul.f32 v57, v25  }
0x37d: {  	v62 =	vld [tilespmem:s19+$0x160];
	v61 =	vunpack.i.u.bf16.f32 v54;
	v39 =	vmul.f32 v60, v27;
	v35 =	vadd.f32 v58, v35  }
0x37e: {  	v44 =	vunpack.i.l.bf16.f32 v55;
	v63 =	vmul.f32 v61, v27;
	v36 =	vadd.f32 v36, v37  }
0x37f: {  	v46 =	vld [tilespmem:s19+$0x1B0];
	v45 =	vunpack.i.u.bf16.f32 v55;
	v38 =	vmul.f32 v44, v26;
	v35 =	vadd.f32 v39, v35  }
0x380: {  	v48 =	vunpack.i.l.bf16.f32 v59;
	v47 =	vmul.f32 v45, v26;
	v36 =	vadd.f32 v63, v36  }
0x381: {  	v50 =	vld [tilespmem:s19+$0x200];
	v49 =	vunpack.i.u.bf16.f32 v59;
	v39 =	vmul.f32 v48, v28;
	v35 =	vadd.f32 v38, v35  }
0x382: {  	v52 =	vunpack.i.l.bf16.f32 v62;
	v51 =	vmul.f32 v49, v28;
	v36 =	vadd.f32 v47, v36  }
0x383: {  	v53 =	vunpack.i.u.bf16.f32 v62;
	v54 =	vld [tilespmem:s19+$0x250];
	v38 =	vmul.f32 v52, v29;
	v35 =	vadd.f32 v39, v35  }
0x384: {  	v55 =	vmul.f32 v53, v29;
	v56 =	vunpack.i.l.bf16.f32 v46;
	v36 =	vadd.f32 v51, v36  }
0x385: {  	v57 =	vunpack.i.u.bf16.f32 v46;
	v58 =	vld [tilespmem:s19+$0x2A0];
	v39 =	vmul.f32 v56, v30;
	v35 =	vadd.f32 v38, v35  }
0x386: {  	v60 =	vunpack.i.l.bf16.f32 v50;
	v59 =	vmul.f32 v57, v30;
	v36 =	vadd.f32 v55, v36  }
0x387: {  	v62 =	vld [tilespmem:s19+$0x2F0];
	v61 =	vunpack.i.u.bf16.f32 v50;
	v38 =	vmul.f32 v60, v31;
	v35 =	vadd.f32 v39, v35  }
0x388: {  	v63 =	vmul.f32 v61, v31;
	v43 =	vunpack.i.l.bf16.f32 v54;
	v36 =	vadd.f32 v59, v36  }
0x389: {  	v44 =	vunpack.i.u.bf16.f32 v54;
	v39 =	vmul.f32 v43, v32;
	v35 =	vadd.f32 v38, v35  }
0x38a: {  	v45 =	vmul.f32 v44, v32;
	v46 =	vunpack.i.l.bf16.f32 v58;
	v36 =	vadd.f32 v63, v36  }
0x38b: {  	v47 =	vunpack.i.u.bf16.f32 v58;
	v38 =	vmul.f32 v46, v33;
	v35 =	vadd.f32 v39, v35  }
0x38c: {  	v49 =	vunpack.i.l.bf16.f32 v62;
	v48 =	vmul.f32 v47, v33;
	v36 =	vadd.f32 v45, v36  }
0x38d: {  	v50 =	vunpack.i.u.bf16.f32 v62;
	v39 =	vmul.f32 v49, v34;
	v35 =	vadd.f32 v38, v35  }
0x38e: {  	v51 =	vmul.f32 v50, v34;
	v36 =	vadd.f32 v48, v36  }
0x38f: {  	v35 =	vadd.f32 v39, v35  }
0x390: {  	v36 =	vadd.f32 v51, v36  }
0x391: {  	[tilespmem:s16+$0x40] =	vst v35  }
0x392: {  	[tilespmem:s16+$0x50] =	vst v36  }
0x393: {  	v35 =	vld [tilespmem:s17+$0x60]  }
0x394: {  	v36 =	vld [tilespmem:s15+$0x60]  }
0x395: {  	v52 =	vld [tilespmem:s17+$0x70]  }
0x396: {  	v53 =	vld [tilespmem:s19+$0x30]  }
0x397: {  	v54 =	vld [tilespmem:s15+$0x70]  }
0x398: {  	v55 =	vld [tilespmem:s19+$0x80];
	_ =	sdelay $0x1  }
0x399: {  	v56 =	vld [tilespmem:s19+$0xD0]  }
0x39a: {  	v57 =	vunpack.i.l.bf16.f32 v53  }
0x39b: {  	v60 =	vld [tilespmem:s19+$0x120];
	v35 =	vadd.f32 v36, v35;
	v58 =	vunpack.i.u.bf16.f32 v53;
	v59 =	vmul.f32 v57, v25  }
0x39c: {  	v37 =	vadd.f32 v54, v52;
	v61 =	vunpack.i.l.bf16.f32 v55;
	v36 =	vmul.f32 v58, v25  }
0x39d: {  	v63 =	vld [tilespmem:s19+$0x170];
	v62 =	vunpack.i.u.bf16.f32 v55;
	v39 =	vmul.f32 v61, v27;
	v35 =	vadd.f32 v59, v35  }
0x39e: {  	v45 =	vunpack.i.l.bf16.f32 v56;
	v44 =	vmul.f32 v62, v27;
	v36 =	vadd.f32 v36, v37  }
0x39f: {  	v47 =	vld [tilespmem:s19+$0x1C0];
	v46 =	vunpack.i.u.bf16.f32 v56;
	v38 =	vmul.f32 v45, v26;
	v35 =	vadd.f32 v39, v35  }
0x3a0: {  	v49 =	vunpack.i.l.bf16.f32 v60;
	v48 =	vmul.f32 v46, v26;
	v36 =	vadd.f32 v44, v36  }
0x3a1: {  	v51 =	vld [tilespmem:s19+$0x210];
	v50 =	vunpack.i.u.bf16.f32 v60;
	v39 =	vmul.f32 v49, v28;
	v35 =	vadd.f32 v38, v35  }
0x3a2: {  	v53 =	vunpack.i.l.bf16.f32 v63;
	v52 =	vmul.f32 v50, v28;
	v36 =	vadd.f32 v48, v36  }
0x3a3: {  	v54 =	vunpack.i.u.bf16.f32 v63;
	v55 =	vld [tilespmem:s19+$0x260];
	v38 =	vmul.f32 v53, v29;
	v35 =	vadd.f32 v39, v35  }
0x3a4: {  	v56 =	vmul.f32 v54, v29;
	v57 =	vunpack.i.l.bf16.f32 v47;
	v36 =	vadd.f32 v52, v36  }
0x3a5: {  	v58 =	vunpack.i.u.bf16.f32 v47;
	v59 =	vld [tilespmem:s19+$0x2B0];
	v39 =	vmul.f32 v57, v30;
	v35 =	vadd.f32 v38, v35  }
0x3a6: {  	v61 =	vunpack.i.l.bf16.f32 v51;
	v60 =	vmul.f32 v58, v30;
	v36 =	vadd.f32 v56, v36  }
0x3a7: {  	v63 =	vld [tilespmem:s19+$0x300];
	v62 =	vunpack.i.u.bf16.f32 v51;
	v38 =	vmul.f32 v61, v31;
	v35 =	vadd.f32 v39, v35  }
0x3a8: {  	v43 =	vmul.f32 v62, v31;
	v44 =	vunpack.i.l.bf16.f32 v55;
	v36 =	vadd.f32 v60, v36  }
0x3a9: {  	v45 =	vunpack.i.u.bf16.f32 v55;
	v39 =	vmul.f32 v44, v32;
	v35 =	vadd.f32 v38, v35  }
0x3aa: {  	v46 =	vmul.f32 v45, v32;
	v47 =	vunpack.i.l.bf16.f32 v59;
	v36 =	vadd.f32 v43, v36  }
0x3ab: {  	v48 =	vunpack.i.u.bf16.f32 v59;
	v38 =	vmul.f32 v47, v33;
	v35 =	vadd.f32 v39, v35  }
0x3ac: {  	v50 =	vunpack.i.l.bf16.f32 v63;
	v49 =	vmul.f32 v48, v33;
	v36 =	vadd.f32 v46, v36  }
0x3ad: {  	v51 =	vunpack.i.u.bf16.f32 v63;
	v39 =	vmul.f32 v50, v34;
	v35 =	vadd.f32 v38, v35  }
0x3ae: {  	v52 =	vmul.f32 v51, v34;
	v36 =	vadd.f32 v49, v36  }
0x3af: {  	v35 =	vadd.f32 v39, v35  }
0x3b0: {  	v36 =	vadd.f32 v52, v36  }
0x3b1: {  	[tilespmem:s16+$0x60] =	vst v35  }
0x3b2: {  	[tilespmem:s16+$0x70] =	vst v36  }
0x3b3: {  	v35 =	vld [tilespmem:s17+$0x80]  }
0x3b4: {  	v36 =	vld [tilespmem:s15+$0x80]  }
0x3b5: {  	v53 =	vld [tilespmem:s17+$0x90]  }
0x3b6: {  	v54 =	vld [tilespmem:s19+$0x40]  }
0x3b7: {  	v55 =	vld [tilespmem:s15+$0x90]  }
0x3b8: {  	v56 =	vld [tilespmem:s19+$0x90];
	_ =	sdelay $0x1  }
0x3b9: {  	v57 =	vld [tilespmem:s19+$0xE0]  }
0x3ba: {  	v58 =	vunpack.i.l.bf16.f32 v54  }
0x3bb: {  	v61 =	vld [tilespmem:s19+$0x130];
	v35 =	vadd.f32 v36, v35;
	v59 =	vunpack.i.u.bf16.f32 v54;
	v60 =	vmul.f32 v58, v25  }
0x3bc: {  	v37 =	vadd.f32 v55, v53;
	v62 =	vunpack.i.l.bf16.f32 v56;
	v25 =	vmul.f32 v59, v25  }
0x3bd: {  	v43 =	vld [tilespmem:s19+$0x180];
	v63 =	vunpack.i.u.bf16.f32 v56;
	v36 =	vmul.f32 v62, v27;
	v35 =	vadd.f32 v60, v35  }
0x3be: {  	v44 =	vunpack.i.l.bf16.f32 v57;
	v27 =	vmul.f32 v63, v27;
	v25 =	vadd.f32 v25, v37  }
0x3bf: {  	v46 =	vld [tilespmem:s19+$0x1D0];
	v45 =	vunpack.i.u.bf16.f32 v57;
	v37 =	vmul.f32 v44, v26;
	v35 =	vadd.f32 v36, v35  }
0x3c0: {  	v26 =	vmul.f32 v45, v26;
	v25 =	vadd.f32 v27, v25;
	v27 =	vunpack.i.l.bf16.f32 v61  }
0x3c1: {  	v48 =	vld [tilespmem:s19+$0x220];
	v47 =	vunpack.i.u.bf16.f32 v61;
	v27 =	vmul.f32 v27, v28;
	v35 =	vadd.f32 v37, v35  }
0x3c2: {  	v49 =	vunpack.i.l.bf16.f32 v43;
	v25 =	vadd.f32 v26, v25;
	v26 =	vmul.f32 v47, v28  }
0x3c3: {  	v51 =	vld [tilespmem:s19+$0x270];
	v50 =	vunpack.i.u.bf16.f32 v43;
	v28 =	vmul.f32 v49, v29;
	v27 =	vadd.f32 v27, v35  }
0x3c4: {  	v52 =	vunpack.i.l.bf16.f32 v46;
	v25 =	vadd.f32 v26, v25;
	v26 =	vmul.f32 v50, v29  }
0x3c5: {  	v53 =	vunpack.i.u.bf16.f32 v46;
	v54 =	vld [tilespmem:s19+$0x2C0];
	v29 =	vmul.f32 v52, v30;
	v27 =	vadd.f32 v28, v27  }
0x3c6: {  	v55 =	vunpack.i.l.bf16.f32 v48;
	v25 =	vadd.f32 v26, v25;
	v26 =	vmul.f32 v53, v30  }
0x3c7: {  	v56 =	vunpack.i.u.bf16.f32 v48;
	v57 =	vld [tilespmem:s19+$0x310];
	v28 =	vmul.f32 v55, v31;
	v27 =	vadd.f32 v29, v27  }
0x3c8: {  	v58 =	vunpack.i.l.bf16.f32 v51;
	v25 =	vadd.f32 v26, v25;
	v26 =	vmul.f32 v56, v31  }
0x3c9: {  	v59 =	vunpack.i.u.bf16.f32 v51;
	v29 =	vmul.f32 v58, v32;
	v27 =	vadd.f32 v28, v27  }
0x3ca: {  	v60 =	vunpack.i.l.bf16.f32 v54;
	v25 =	vadd.f32 v26, v25;
	v26 =	vmul.f32 v59, v32  }
0x3cb: {  	v61 =	vunpack.i.u.bf16.f32 v54;
	v28 =	vmul.f32 v60, v33;
	v27 =	vadd.f32 v29, v27  }
0x3cc: {  	v62 =	vunpack.i.l.bf16.f32 v57;
	v25 =	vadd.f32 v26, v25;
	v26 =	vmul.f32 v61, v33  }
0x3cd: {  	p0 =	slt.u32 s14, $0xE;
	v63 =	vunpack.i.u.bf16.f32 v57;
	v29 =	vmul.f32 v62, v34;
	v27 =	vadd.f32 v28, v27  }
.Ltmp2:
0x3ce: {  	v25 =	vadd.f32 v26, v25;
	v26 =	vmul.f32 v63, v34;
	(pc) =	sbr.rel @p0 .LBB2_7-.Ltmp2, $4  }
0x3cf: {  	v27 =	vadd.f32 v29, v27  }
0x3d0: {  	v25 =	vadd.f32 v26, v25  }
0x3d1: {  	s14 =	sadd.s32 $0x2, s14;
	s15 =	sadd.s32 $0x140, s15;
	[tilespmem:s16+$0x80] =	vst v27  }
0x3d2: {  	s17 =	sadd.s32 $0x160, s17;
	s19 =	sadd.s32 $0x640, s19;
	[tilespmem:s16+$0x90] =	vst v25;
	s16 =	sadd.s32 $0x140, s16  }
0x3d3: {  	s11 =	sadd.s32 $0x1, s11  }
0x3d4: {  	p0 =	sne.s32 s11, $0x10  }
.Ltmp3:
0x3d5: {  	s10 =	sadd.s32 s5, s10;
	(pc) =	sbr.rel @p0 .LBB2_2-.Ltmp3, $3  }
0x3d6: {  	s10 =	smul.u32 $0x14, s10;
	_ =	sdelay $0x1  }
0x3d7: {  	s10 =	sadd.s32 s7, s10  }
0x3d8: {  	[hbm4b:s10+s1] =	stream.linear.scatter [tilespmem:s9], [sflag:$0x4], $0xA00, $0x38;
	[tilespmem:$0xA820] =	vst v63  }
0x3d9: {  	s10 =	simm.s32 $0x3  }
0x3da: {  	_ =	swait.ge [sflag:s10], $0xA00  }
0x3db: {  	[sflag:s10] =	ssyncset.done $0x0  }
0x3dc: {  	s11 =	simm.s32 $0x4;
	[sflag:s10] =	ssyncadd.s32 $0xFFFFF600  }
0x3dd: {  	_ =	swait.ge [sflag:s11], $0xA00  }
0x3de: {  	s14 =	rddreg [dreg:$0x7]  }
0x3df: {  	s22 =	rddreg [dreg:$0x6];
	s14 =	sadd.s32 $0x1, s14  }
0x3e0: {  	p0 =	sne.s32 s14, s22  }
.Ltmp4:
0x3e1: {  	_ = 	snop;
	(pc) =	sbr.rel @p0 .LBB2_1-.Ltmp4, $3  }
0x3e2: {  	_ =	sdelay $0x1  }
0x3e3: {  	[sflag:s11] =	ssyncset.done $0x0  }
0x3e4: {  	[sflag:s11] =	ssyncadd.s32 $0xFFFFF600  }
0x3e5: {  	_ =	sfence.sel $0x180000  }
0x3e6: {  	[bflag:$0x0] =	sbarrier.arrive $0xFFFF  }
0x3e7: {  	_ =	strace $0x90000047  }
0x3e8: {  	s0 =	stileid.u32;
	[bflag:$0x2] =	sbarrier.arrive $0xFFFF  }
0x3e9: {  	p0 =	sne.s32 s0, $0x0;
	s0 =	rddreg [dreg:$0x3]  }
0x3ea: {  	s0 =	sadd.s32 @!p0 $0x100000, s0  }
0x3eb: {  	[sflag:s0] =	ssyncadd.tile.s32 @!p0 $0x1;
	_ =	shalt  }
.Lfunc_end2:
_tile_overlayer_lowered:
.L_overlay_start_2:
0x3ec: {  	(tag) =	ssettag $0x2  }
0x3ed: {  	s0 =	rddreg [dreg:$0x0];
	s2 =	stileid.u32  }
0x3ee: {  	s1 =	rddreg [dreg:$0x1];
	p0 =	sne.s32 s2, $0x0  }
0x3ef: {  	s3 =	rddreg [dreg:$0x2];
	[bflag:$0x3] =	sbarrier.arrive $0xFFFF;
	s2 =	simm.s32 @!p0 $0x1C05  }
0x3f0: {  	[timem:s3], [sflag:s2] =	dma.local @!p0 [hbm:s0], s1  }
0x3f1: {  	s0 =	simm.s32 @!p0 $0x5  }
0x3f2: {  	_ =	swait.ge @!p0 [sflag:s0], s1  }
0x3f3: {  	s1 =	ssub.s32 @!p0 $0x0, s1;
	[sflag:s0] =	ssyncset.done @!p0 $0x0  }
0x3f4: {  	[sflag:s0] =	ssyncadd.s32 @!p0 s1  }
0x3f5: {  	[bflag:$0x3] =	sbarrier.arrive $0xFFFF  }
0x3f6: {  	_ =	shalt  }

</sc_bundles>
